<compile_context>
chip_gen: v7x
topology: tpu7x:2x2x1
jax: 0.10.2.dev20260603
libtpu: 0.0.44.dev20260713+nightly
codegen_flags: <defaults>
</compile_context>

<pallas_src>
import functools

import jax
import jax.numpy as jnp
from jax import lax
from jax.experimental import pallas as pl
from jax.experimental.pallas import tpu as pltpu
from jax.experimental.pallas import tpu_sc as plsc

_NUM_CORES = 2
_NUM_SUBCORES = 16
_NUM_WORKERS = _NUM_CORES * _NUM_SUBCORES
_LANES = 16
_SLAB = 128
_NBUF = 4


def _gather_slabs(off_col, table_t):
    b_per_w = off_col.shape[2]
    batch = _NUM_WORKERS * b_per_w
    dim = table_t.shape[0]

    mesh = plsc.VectorSubcoreMesh(core_axis_name="c", subcore_axis_name="s")

    @functools.partial(
        pl.kernel,
        mesh=mesh,
        out_type=jax.ShapeDtypeStruct((batch, dim), jnp.float32),
        scratch_types=[
            pltpu.VMEM((b_per_w,), jnp.int32),
            pltpu.VMEM((b_per_w,), jnp.int32),
            pltpu.VMEM((2 * _NBUF, dim, _SLAB), jnp.float32),
            pltpu.VMEM((b_per_w // 2, dim), jnp.float32),
            pltpu.SemaphoreType.DMA,
        ],
        compiler_params=pltpu.CompilerParams(
            use_tc_tiling_on_sc=True, needs_layout_passes=False
        ),
    )
    def k(oc_hbm, table_hbm, out_hbm, off_v, col_v, bufs, rows_v, sem):
        wid = lax.axis_index("s") * _NUM_CORES + lax.axis_index("c")
        base = wid * b_per_w
        pltpu.sync_copy(oc_hbm.at[wid, 0], off_v)
        pltpu.sync_copy(oc_hbm.at[wid, 1], col_v)
        lanes = jax.lax.broadcasted_iota(jnp.int32, (_LANES,), 0)

        n_batches = _LANES // _NBUF

        def fire(voff, h, p):
            handles = []
            for r in range(_NBUF):
                off = pl.multiple_of(voff[h * _NBUF + r], _SLAB)
                handles.append(
                    pltpu.async_copy(
                        table_hbm.at[:, pl.ds(off, _SLAB)],
                        bufs.at[p * _NBUF + r],
                        sem,
                    )
                )
            return handles

        def select(vcol, g_local, h, p):
            for r in range(_NBUF):
                t = h * _NBUF + r
                colv = jnp.zeros((_LANES,), jnp.int32) + vcol[t]
                bv = jnp.zeros((_LANES,), jnp.int32) + (g_local * _LANES + t)
                for c0 in range(0, dim, _LANES):
                    cv = lanes + c0
                    vals = plsc.load_gather(bufs.at[p * _NBUF + r], [cv, colv])
                    plsc.store_scatter(rows_v, [bv, cv], vals)

        half_groups = b_per_w // (2 * _LANES)
        for half in range(2):

            def body(g, _, half=half):
                voff = off_v[pl.ds(g * _LANES, _LANES)]
                vcol = col_v[pl.ds(g * _LANES, _LANES)]
                pending = fire(voff, 0, 0)
                for h in range(n_batches):
                    nxt = None
                    if h + 1 < n_batches:
                        nxt = fire(voff, h + 1, (h + 1) % 2)
                    for cp in pending:
                        cp.wait()
                    select(vcol, g - half * half_groups, h, h % 2)
                    pending = nxt
                return 0

            lax.fori_loop(half * half_groups, (half + 1) * half_groups, body, 0)
            pltpu.sync_copy(
                rows_v,
                out_hbm.at[pl.ds(base + half * (b_per_w // 2), b_per_w // 2)],
            )

    return k(off_col, table_t)


def kernel(preprocessed_states, table):
    idx = jnp.reshape(preprocessed_states.astype(jnp.int32), (-1,))
    off = (idx // _SLAB) * _SLAB
    col = idx - off
    off_col = jnp.stack(
        [
            jnp.reshape(off, (_NUM_WORKERS, -1)),
            jnp.reshape(col, (_NUM_WORKERS, -1)),
        ],
        axis=1,
    )
    table_t = jnp.transpose(table)
    return _gather_slabs(off_col, table_t)

# --- scband reference (transcript-rebuilt; emitter-appended) ---
"""Pipeline reference for scband-tabular-52312701666185 (READ-ONLY COPY).

The authoritative reference and input builder live on the scoring server;
editing this copy changes nothing except your own understanding.
"""

import jax, jax.numpy as jnp
import numpy as np

N_STATES = 1000000
OUTPUT_DIM = 64
BATCH = 16384

def setup_inputs(seed: int = 0) -> dict:
    key = jax.random.key(seed)
    k_idx, k_tab = jax.random.split(key)
    preprocessed_states = jax.random.randint(k_idx, (BATCH, 1), 0, N_STATES, dtype=jnp.int64 if jax.config.jax_enable_x64 else jnp.int32)
    # Learned parameter: the tabular policy table. (Module inits to zeros; we use
    # small random values so the lookup output is non-trivial.)
    table = jax.random.normal(k_tab, (N_STATES, OUTPUT_DIM), dtype=jnp.float32) * 0.02
    return {"preprocessed_states": preprocessed_states, "table": table}

def reference(preprocessed_states, table):
    # forward: outputs = self.table[preprocessed_states.squeeze(-1)]
    idx = jnp.squeeze(preprocessed_states, axis=-1)
    outputs = jnp.take(table, idx, axis=0)
    return outputs

if __name__ == "__main__":
    import jax
    _d = setup_inputs()
    print(jax.jit(kernel)(*tuple(_d.values())))

</pallas_src>

<mosaic_0001>
#map = affine_map<(d0, d1) -> (0, 0, 0)>
#map1 = affine_map<(d0, d1) -> (0, 0)>
module attributes {stable_mosaic.version = 14 : i64} {
  func.func @k(%arg0: i32, %arg1: i32, %arg2: memref<32x2x512xi32, #tpu.memory_space<hbm>>, %arg3: memref<64x1000000xf32, #tpu.memory_space<hbm>>, %arg4: memref<16384x64xf32, #tpu.memory_space<hbm>>, %arg5: memref<512xi32, #tpu.memory_space<vmem>>, %arg6: memref<512xi32, #tpu.memory_space<vmem>>, %arg7: memref<8x64x128xf32, #tpu.memory_space<vmem>>, %arg8: memref<256x64xf32, #tpu.memory_space<vmem>>, %arg9: memref<!tpu.dma_semaphore, #tpu.memory_space<semaphore_mem>>) attributes {dimension_semantics = [#tpu.dimension_semantics<core_parallel>, #tpu.dimension_semantics<subcore_parallel>], iteration_bounds = array<i64: 2, 16>, scalar_prefetch = 0 : i64, scratch_operands = 5 : i64, tpu.core_type = #tpu.core_type<sc_vector_subcore>, window_params = [{transform_indices = #map}, {transform_indices = #map1}, {transform_indices = #map1}]} {
    %mul3A = arith.constant 2 : i32
    %mul3A_0 = arith.muli %arg1, %mul3A : i32
    %add3A = arith.addi %mul3A_0, %arg0 : i32
    %mul3A_1 = arith.constant 512 : i32
    %mul3A_2 = arith.muli %add3A, %mul3A_1 : i32
    %run_scoped3A = arith.constant 0 : i32
    "tpu.region"() ({
      %run_scoped3A_21 = tpu.sem_alloc : memref<!tpu.dma_semaphore, #tpu.memory_space<semaphore_mem>>
      %dma_start3A = arith.constant 0 : i32
      %dma_start3A_22 = tpu.memref_slice %arg2[%add3A, %run_scoped3A, %dma_start3A] : memref<32x2x512xi32, #tpu.memory_space<hbm>> -> memref<1x1x512xi32, #tpu.memory_space<hbm>>
      %dma_start3A_23 = tpu.memref_squeeze %dma_start3A_22 : memref<1x1x512xi32, #tpu.memory_space<hbm>> -> memref<512xi32, #tpu.memory_space<hbm>>
      %dma_start3A_24 = arith.constant 0 : i32
      %dma_start3A_25 = tpu.memref_slice %arg2[%add3A, %run_scoped3A, %dma_start3A_24] : memref<32x2x512xi32, #tpu.memory_space<hbm>> -> memref<1x1x512xi32, #tpu.memory_space<hbm>>
      %dma_start3A_26 = tpu.memref_squeeze %dma_start3A_25 : memref<1x1x512xi32, #tpu.memory_space<hbm>> -> memref<512xi32, #tpu.memory_space<hbm>>
      tpu.enqueue_dma source(%dma_start3A_26 : memref<512xi32, #tpu.memory_space<hbm>>) target(%arg5 : memref<512xi32, #tpu.memory_space<vmem>>) target_semaphore(%run_scoped3A_21 : memref<!tpu.dma_semaphore, #tpu.memory_space<semaphore_mem>>)
      %dma_wait3A = arith.constant 0 : i32
      %dma_wait3A_27 = tpu.memref_slice %arg2[%add3A, %run_scoped3A, %dma_wait3A] : memref<32x2x512xi32, #tpu.memory_space<hbm>> -> memref<1x1x512xi32, #tpu.memory_space<hbm>>
      %dma_wait3A_28 = tpu.memref_squeeze %dma_wait3A_27 : memref<1x1x512xi32, #tpu.memory_space<hbm>> -> memref<512xi32, #tpu.memory_space<hbm>>
      %dma_wait3A_29 = arith.constant 0 : i32
      %dma_wait3A_30 = tpu.memref_slice %arg2[%add3A, %run_scoped3A, %dma_wait3A_29] : memref<32x2x512xi32, #tpu.memory_space<hbm>> -> memref<1x1x512xi32, #tpu.memory_space<hbm>>
      %dma_wait3A_31 = tpu.memref_squeeze %dma_wait3A_30 : memref<1x1x512xi32, #tpu.memory_space<hbm>> -> memref<512xi32, #tpu.memory_space<hbm>>
      tpu.wait_dma2 semaphore(%run_scoped3A_21 : memref<!tpu.dma_semaphore, #tpu.memory_space<semaphore_mem>>) src(%dma_wait3A_31 : memref<512xi32, #tpu.memory_space<hbm>>) dst(%arg5 : memref<512xi32, #tpu.memory_space<vmem>>)
      tpu.yield
    }) : () -> ()
    %run_scoped3A_3 = arith.constant 1 : i32
    "tpu.region"() ({
      %run_scoped3A_21 = tpu.sem_alloc : memref<!tpu.dma_semaphore, #tpu.memory_space<semaphore_mem>>
      %dma_start3A = arith.constant 0 : i32
      %dma_start3A_22 = tpu.memref_slice %arg2[%add3A, %run_scoped3A_3, %dma_start3A] : memref<32x2x512xi32, #tpu.memory_space<hbm>> -> memref<1x1x512xi32, #tpu.memory_space<hbm>>
      %dma_start3A_23 = tpu.memref_squeeze %dma_start3A_22 : memref<1x1x512xi32, #tpu.memory_space<hbm>> -> memref<512xi32, #tpu.memory_space<hbm>>
      %dma_start3A_24 = arith.constant 0 : i32
      %dma_start3A_25 = tpu.memref_slice %arg2[%add3A, %run_scoped3A_3, %dma_start3A_24] : memref<32x2x512xi32, #tpu.memory_space<hbm>> -> memref<1x1x512xi32, #tpu.memory_space<hbm>>
      %dma_start3A_26 = tpu.memref_squeeze %dma_start3A_25 : memref<1x1x512xi32, #tpu.memory_space<hbm>> -> memref<512xi32, #tpu.memory_space<hbm>>
      tpu.enqueue_dma source(%dma_start3A_26 : memref<512xi32, #tpu.memory_space<hbm>>) target(%arg6 : memref<512xi32, #tpu.memory_space<vmem>>) target_semaphore(%run_scoped3A_21 : memref<!tpu.dma_semaphore, #tpu.memory_space<semaphore_mem>>)
      %dma_wait3A = arith.constant 0 : i32
      %dma_wait3A_27 = tpu.memref_slice %arg2[%add3A, %run_scoped3A_3, %dma_wait3A] : memref<32x2x512xi32, #tpu.memory_space<hbm>> -> memref<1x1x512xi32, #tpu.memory_space<hbm>>
      %dma_wait3A_28 = tpu.memref_squeeze %dma_wait3A_27 : memref<1x1x512xi32, #tpu.memory_space<hbm>> -> memref<512xi32, #tpu.memory_space<hbm>>
      %dma_wait3A_29 = arith.constant 0 : i32
      %dma_wait3A_30 = tpu.memref_slice %arg2[%add3A, %run_scoped3A_3, %dma_wait3A_29] : memref<32x2x512xi32, #tpu.memory_space<hbm>> -> memref<1x1x512xi32, #tpu.memory_space<hbm>>
      %dma_wait3A_31 = tpu.memref_squeeze %dma_wait3A_30 : memref<1x1x512xi32, #tpu.memory_space<hbm>> -> memref<512xi32, #tpu.memory_space<hbm>>
      tpu.wait_dma2 semaphore(%run_scoped3A_21 : memref<!tpu.dma_semaphore, #tpu.memory_space<semaphore_mem>>) src(%dma_wait3A_31 : memref<512xi32, #tpu.memory_space<hbm>>) dst(%arg6 : memref<512xi32, #tpu.memory_space<vmem>>)
      tpu.yield
    }) : () -> ()
    %iota3A = tpu.iota {dimensions = array<i32: 0>} : vector<16xi32>
    %scan3A = arith.constant 0 : i32
    %scan3A_4 = arith.constant 0 : i32
    %scan3A_5 = arith.constant 16 : i32
    %scan3A_6 = arith.addi %scan3A_4, %scan3A_5 : i32
    %scan3A_7 = arith.constant 1 : i32
    %scan3A_8 = scf.for %scan3A_21 = %scan3A_4 to %scan3A_6 step %scan3A_7 iter_args(%scan3A_22 = %scan3A) -> (i32)  : i32 {
      %mul3A_23 = arith.constant 16 : i32
      %mul3A_24 = arith.muli %scan3A_21, %mul3A_23 : i32
      %get3A = arith.index_cast %mul3A_24 : i32 to index
      %get3A_25 = tpu.vector_load %arg5[%get3A] {strides = array<i32>} : memref<512xi32, #tpu.memory_space<vmem>>, vector<16xi32>,
      %mul3A_26 = arith.constant 16 : i32
      %mul3A_27 = arith.muli %scan3A_21, %mul3A_26 : i32
      %get3A_28 = arith.index_cast %mul3A_27 : i32 to index
      %get3A_29 = tpu.vector_load %arg6[%get3A_28] {strides = array<i32>} : memref<512xi32, #tpu.memory_space<vmem>>, vector<16xi32>,
      %slice3A = vector.extract_strided_slice %get3A_25 {offsets = [0], sizes = [1], strides = [1]} : vector<16xi32> to vector<1xi32>
      %squeeze3A = vector.extract %slice3A[0] : i32 from vector<1xi32>
      %multiple_of3A = tpu.assume_multiple %squeeze3A, 128 : i32
      %dma_start3A = arith.constant 0 : i32
      %dma_start3A_30 = arith.constant 0 : i32
      %dma_start3A_31 = arith.constant 0 : i32
      %dma_start3A_32 = tpu.memref_slice %arg7[%dma_start3A, %dma_start3A_30, %dma_start3A_31] : memref<8x64x128xf32, #tpu.memory_space<vmem>> -> memref<1x64x128xf32, #tpu.memory_space<vmem>>
      %dma_start3A_33 = tpu.memref_squeeze %dma_start3A_32 : memref<1x64x128xf32, #tpu.memory_space<vmem>> -> memref<64x128xf32, #tpu.memory_space<vmem>>
      %dma_start3A_34 = arith.constant 0 : i32
      %dma_start3A_35 = tpu.memref_slice %arg3[%dma_start3A_34, %multiple_of3A] : memref<64x1000000xf32, #tpu.memory_space<hbm>> -> memref<64x128xf32, #tpu.memory_space<hbm>>
      %dma_start3A_36 = arith.constant 0 : i32
      %dma_start3A_37 = arith.constant 0 : i32
      %dma_start3A_38 = tpu.memref_slice %arg7[%dma_start3A, %dma_start3A_36, %dma_start3A_37] : memref<8x64x128xf32, #tpu.memory_space<vmem>> -> memref<1x64x128xf32, #tpu.memory_space<vmem>>
      %dma_start3A_39 = tpu.memref_squeeze %dma_start3A_38 : memref<1x64x128xf32, #tpu.memory_space<vmem>> -> memref<64x128xf32, #tpu.memory_space<vmem>>
      %dma_start3A_40 = arith.constant 0 : i32
      %dma_start3A_41 = tpu.memref_slice %arg3[%dma_start3A_40, %multiple_of3A] : memref<64x1000000xf32, #tpu.memory_space<hbm>> -> memref<64x128xf32, #tpu.memory_space<hbm>>
      tpu.enqueue_dma source(%dma_start3A_41 : memref<64x128xf32, #tpu.memory_space<hbm>>) target(%dma_start3A_39 : memref<64x128xf32, #tpu.memory_space<vmem>>) target_semaphore(%arg9 : memref<!tpu.dma_semaphore, #tpu.memory_space<semaphore_mem>>)
      %slice3A_42 = vector.extract_strided_slice %get3A_25 {offsets = [1], sizes = [1], strides = [1]} : vector<16xi32> to vector<1xi32>
      %squeeze3A_43 = vector.extract %slice3A_42[0] : i32 from vector<1xi32>
      %multiple_of3A_44 = tpu.assume_multiple %squeeze3A_43, 128 : i32
      %dma_start3A_45 = arith.constant 1 : i32
      %dma_start3A_46 = arith.constant 0 : i32
      %dma_start3A_47 = arith.constant 0 : i32
      %dma_start3A_48 = tpu.memref_slice %arg7[%dma_start3A_45, %dma_start3A_46, %dma_start3A_47] : memref<8x64x128xf32, #tpu.memory_space<vmem>> -> memref<1x64x128xf32, #tpu.memory_space<vmem>>
      %dma_start3A_49 = tpu.memref_squeeze %dma_start3A_48 : memref<1x64x128xf32, #tpu.memory_space<vmem>> -> memref<64x128xf32, #tpu.memory_space<vmem>>
      %dma_start3A_50 = arith.constant 0 : i32
      %dma_start3A_51 = tpu.memref_slice %arg3[%dma_start3A_50, %multiple_of3A_44] : memref<64x1000000xf32, #tpu.memory_space<hbm>> -> memref<64x128xf32, #tpu.memory_space<hbm>>
      %dma_start3A_52 = arith.constant 0 : i32
      %dma_start3A_53 = arith.constant 0 : i32
      %dma_start3A_54 = tpu.memref_slice %arg7[%dma_start3A_45, %dma_start3A_52, %dma_start3A_53] : memref<8x64x128xf32, #tpu.memory_space<vmem>> -> memref<1x64x128xf32, #tpu.memory_space<vmem>>
      %dma_start3A_55 = tpu.memref_squeeze %dma_start3A_54 : memref<1x64x128xf32, #tpu.memory_space<vmem>> -> memref<64x128xf32, #tpu.memory_space<vmem>>
      %dma_start3A_56 = arith.constant 0 : i32
      %dma_start3A_57 = tpu.memref_slice %arg3[%dma_start3A_56, %multiple_of3A_44] : memref<64x1000000xf32, #tpu.memory_space<hbm>> -> memref<64x128xf32, #tpu.memory_space<hbm>>
      tpu.enqueue_dma source(%dma_start3A_57 : memref<64x128xf32, #tpu.memory_space<hbm>>) target(%dma_start3A_55 : memref<64x128xf32, #tpu.memory_space<vmem>>) target_semaphore(%arg9 : memref<!tpu.dma_semaphore, #tpu.memory_space<semaphore_mem>>)
      %slice3A_58 = vector.extract_strided_slice %get3A_25 {offsets = [2], sizes = [1], strides = [1]} : vector<16xi32> to vector<1xi32>
      %squeeze3A_59 = vector.extract %slice3A_58[0] : i32 from vector<1xi32>
      %multiple_of3A_60 = tpu.assume_multiple %squeeze3A_59, 128 : i32
      %dma_start3A_61 = arith.constant 2 : i32
      %dma_start3A_62 = arith.constant 0 : i32
      %dma_start3A_63 = arith.constant 0 : i32
      %dma_start3A_64 = tpu.memref_slice %arg7[%dma_start3A_61, %dma_start3A_62, %dma_start3A_63] : memref<8x64x128xf32, #tpu.memory_space<vmem>> -> memref<1x64x128xf32, #tpu.memory_space<vmem>>
      %dma_start3A_65 = tpu.memref_squeeze %dma_start3A_64 : memref<1x64x128xf32, #tpu.memory_space<vmem>> -> memref<64x128xf32, #tpu.memory_space<vmem>>
      %dma_start3A_66 = arith.constant 0 : i32
      %dma_start3A_67 = tpu.memref_slice %arg3[%dma_start3A_66, %multiple_of3A_60] : memref<64x1000000xf32, #tpu.memory_space<hbm>> -> memref<64x128xf32, #tpu.memory_space<hbm>>
      %dma_start3A_68 = arith.constant 0 : i32
      %dma_start3A_69 = arith.constant 0 : i32
      %dma_start3A_70 = tpu.memref_slice %arg7[%dma_start3A_61, %dma_start3A_68, %dma_start3A_69] : memref<8x64x128xf32, #tpu.memory_space<vmem>> -> memref<1x64x128xf32, #tpu.memory_space<vmem>>
      %dma_start3A_71 = tpu.memref_squeeze %dma_start3A_70 : memref<1x64x128xf32, #tpu.memory_space<vmem>> -> memref<64x128xf32, #tpu.memory_space<vmem>>
      %dma_start3A_72 = arith.constant 0 : i32
      %dma_start3A_73 = tpu.memref_slice %arg3[%dma_start3A_72, %multiple_of3A_60] : memref<64x1000000xf32, #tpu.memory_space<hbm>> -> memref<64x128xf32, #tpu.memory_space<hbm>>
      tpu.enqueue_dma source(%dma_start3A_73 : memref<64x128xf32, #tpu.memory_space<hbm>>) target(%dma_start3A_71 : memref<64x128xf32, #tpu.memory_space<vmem>>) target_semaphore(%arg9 : memref<!tpu.dma_semaphore, #tpu.memory_space<semaphore_mem>>)
      %slice3A_74 = vector.extract_strided_slice %get3A_25 {offsets = [3], sizes = [1], strides = [1]} : vector<16xi32> to vector<1xi32>
      %squeeze3A_75 = vector.extract %slice3A_74[0] : i32 from vector<1xi32>
      %multiple_of3A_76 = tpu.assume_multiple %squeeze3A_75, 128 : i32
      %dma_start3A_77 = arith.constant 3 : i32
      %dma_start3A_78 = arith.constant 0 : i32
      %dma_start3A_79 = arith.constant 0 : i32
      %dma_start3A_80 = tpu.memref_slice %arg7[%dma_start3A_77, %dma_start3A_78, %dma_start3A_79] : memref<8x64x128xf32, #tpu.memory_space<vmem>> -> memref<1x64x128xf32, #tpu.memory_space<vmem>>
      %dma_start3A_81 = tpu.memref_squeeze %dma_start3A_80 : memref<1x64x128xf32, #tpu.memory_space<vmem>> -> memref<64x128xf32, #tpu.memory_space<vmem>>
      %dma_start3A_82 = arith.constant 0 : i32
      %dma_start3A_83 = tpu.memref_slice %arg3[%dma_start3A_82, %multiple_of3A_76] : memref<64x1000000xf32, #tpu.memory_space<hbm>> -> memref<64x128xf32, #tpu.memory_space<hbm>>
      %dma_start3A_84 = arith.constant 0 : i32
      %dma_start3A_85 = arith.constant 0 : i32
      %dma_start3A_86 = tpu.memref_slice %arg7[%dma_start3A_77, %dma_start3A_84, %dma_start3A_85] : memref<8x64x128xf32, #tpu.memory_space<vmem>> -> memref<1x64x128xf32, #tpu.memory_space<vmem>>
      %dma_start3A_87 = tpu.memref_squeeze %dma_start3A_86 : memref<1x64x128xf32, #tpu.memory_space<vmem>> -> memref<64x128xf32, #tpu.memory_space<vmem>>
      %dma_start3A_88 = arith.constant 0 : i32
      %dma_start3A_89 = tpu.memref_slice %arg3[%dma_start3A_88, %multiple_of3A_76] : memref<64x1000000xf32, #tpu.memory_space<hbm>> -> memref<64x128xf32, #tpu.memory_space<hbm>>
      tpu.enqueue_dma source(%dma_start3A_89 : memref<64x128xf32, #tpu.memory_space<hbm>>) target(%dma_start3A_87 : memref<64x128xf32, #tpu.memory_space<vmem>>) target_semaphore(%arg9 : memref<!tpu.dma_semaphore, #tpu.memory_space<semaphore_mem>>)
      %slice3A_90 = vector.extract_strided_slice %get3A_25 {offsets = [4], sizes = [1], strides = [1]} : vector<16xi32> to vector<1xi32>
      %squeeze3A_91 = vector.extract %slice3A_90[0] : i32 from vector<1xi32>
      %multiple_of3A_92 = tpu.assume_multiple %squeeze3A_91, 128 : i32
      %dma_start3A_93 = arith.constant 4 : i32
      %dma_start3A_94 = arith.constant 0 : i32
      %dma_start3A_95 = arith.constant 0 : i32
      %dma_start3A_96 = tpu.memref_slice %arg7[%dma_start3A_93, %dma_start3A_94, %dma_start3A_95] : memref<8x64x128xf32, #tpu.memory_space<vmem>> -> memref<1x64x128xf32, #tpu.memory_space<vmem>>
      %dma_start3A_97 = tpu.memref_squeeze %dma_start3A_96 : memref<1x64x128xf32, #tpu.memory_space<vmem>> -> memref<64x128xf32, #tpu.memory_space<vmem>>
      %dma_start3A_98 = arith.constant 0 : i32
      %dma_start3A_99 = tpu.memref_slice %arg3[%dma_start3A_98, %multiple_of3A_92] : memref<64x1000000xf32, #tpu.memory_space<hbm>> -> memref<64x128xf32, #tpu.memory_space<hbm>>
      %dma_start3A_100 = arith.constant 0 : i32
      %dma_start3A_101 = arith.constant 0 : i32
      %dma_start3A_102 = tpu.memref_slice %arg7[%dma_start3A_93, %dma_start3A_100, %dma_start3A_101] : memref<8x64x128xf32, #tpu.memory_space<vmem>> -> memref<1x64x128xf32, #tpu.memory_space<vmem>>
      %dma_start3A_103 = tpu.memref_squeeze %dma_start3A_102 : memref<1x64x128xf32, #tpu.memory_space<vmem>> -> memref<64x128xf32, #tpu.memory_space<vmem>>
      %dma_start3A_104 = arith.constant 0 : i32
      %dma_start3A_105 = tpu.memref_slice %arg3[%dma_start3A_104, %multiple_of3A_92] : memref<64x1000000xf32, #tpu.memory_space<hbm>> -> memref<64x128xf32, #tpu.memory_space<hbm>>
      tpu.enqueue_dma source(%dma_start3A_105 : memref<64x128xf32, #tpu.memory_space<hbm>>) target(%dma_start3A_103 : memref<64x128xf32, #tpu.memory_space<vmem>>) target_semaphore(%arg9 : memref<!tpu.dma_semaphore, #tpu.memory_space<semaphore_mem>>)
      %slice3A_106 = vector.extract_strided_slice %get3A_25 {offsets = [5], sizes = [1], strides = [1]} : vector<16xi32> to vector<1xi32>
      %squeeze3A_107 = vector.extract %slice3A_106[0] : i32 from vector<1xi32>
      %multiple_of3A_108 = tpu.assume_multiple %squeeze3A_107, 128 : i32
      %dma_start3A_109 = arith.constant 5 : i32
      %dma_start3A_110 = arith.constant 0 : i32
      %dma_start3A_111 = arith.constant 0 : i32
      %dma_start3A_112 = tpu.memref_slice %arg7[%dma_start3A_109, %dma_start3A_110, %dma_start3A_111] : memref<8x64x128xf32, #tpu.memory_space<vmem>> -> memref<1x64x128xf32, #tpu.memory_space<vmem>>
      %dma_start3A_113 = tpu.memref_squeeze %dma_start3A_112 : memref<1x64x128xf32, #tpu.memory_space<vmem>> -> memref<64x128xf32, #tpu.memory_space<vmem>>
      %dma_start3A_114 = arith.constant 0 : i32
      %dma_start3A_115 = tpu.memref_slice %arg3[%dma_start3A_114, %multiple_of3A_108] : memref<64x1000000xf32, #tpu.memory_space<hbm>> -> memref<64x128xf32, #tpu.memory_space<hbm>>
      %dma_start3A_116 = arith.constant 0 : i32
      %dma_start3A_117 = arith.constant 0 : i32
      %dma_start3A_118 = tpu.memref_slice %arg7[%dma_start3A_109, %dma_start3A_116, %dma_start3A_117] : memref<8x64x128xf32, #tpu.memory_space<vmem>> -> memref<1x64x128xf32, #tpu.memory_space<vmem>>
      %dma_start3A_119 = tpu.memref_squeeze %dma_start3A_118 : memref<1x64x128xf32, #tpu.memory_space<vmem>> -> memref<64x128xf32, #tpu.memory_space<vmem>>
      %dma_start3A_120 = arith.constant 0 : i32
      %dma_start3A_121 = tpu.memref_slice %arg3[%dma_start3A_120, %multiple_of3A_108] : memref<64x1000000xf32, #tpu.memory_space<hbm>> -> memref<64x128xf32, #tpu.memory_space<hbm>>
      tpu.enqueue_dma source(%dma_start3A_121 : memref<64x128xf32, #tpu.memory_space<hbm>>) target(%dma_start3A_119 : memref<64x128xf32, #tpu.memory_space<vmem>>) target_semaphore(%arg9 : memref<!tpu.dma_semaphore, #tpu.memory_space<semaphore_mem>>)
      %slice3A_122 = vector.extract_strided_slice %get3A_25 {offsets = [6], sizes = [1], strides = [1]} : vector<16xi32> to vector<1xi32>
      %squeeze3A_123 = vector.extract %slice3A_122[0] : i32 from vector<1xi32>
      %multiple_of3A_124 = tpu.assume_multiple %squeeze3A_123, 128 : i32
      %dma_start3A_125 = arith.constant 6 : i32
      %dma_start3A_126 = arith.constant 0 : i32
      %dma_start3A_127 = arith.constant 0 : i32
      %dma_start3A_128 = tpu.memref_slice %arg7[%dma_start3A_125, %dma_start3A_126, %dma_start3A_127] : memref<8x64x128xf32, #tpu.memory_space<vmem>> -> memref<1x64x128xf32, #tpu.memory_space<vmem>>
      %dma_start3A_129 = tpu.memref_squeeze %dma_start3A_128 : memref<1x64x128xf32, #tpu.memory_space<vmem>> -> memref<64x128xf32, #tpu.memory_space<vmem>>
      %dma_start3A_130 = arith.constant 0 : i32
      %dma_start3A_131 = tpu.memref_slice %arg3[%dma_start3A_130, %multiple_of3A_124] : memref<64x1000000xf32, #tpu.memory_space<hbm>> -> memref<64x128xf32, #tpu.memory_space<hbm>>
      %dma_start3A_132 = arith.constant 0 : i32
      %dma_start3A_133 = arith.constant 0 : i32
      %dma_start3A_134 = tpu.memref_slice %arg7[%dma_start3A_125, %dma_start3A_132, %dma_start3A_133] : memref<8x64x128xf32, #tpu.memory_space<vmem>> -> memref<1x64x128xf32, #tpu.memory_space<vmem>>
      %dma_start3A_135 = tpu.memref_squeeze %dma_start3A_134 : memref<1x64x128xf32, #tpu.memory_space<vmem>> -> memref<64x128xf32, #tpu.memory_space<vmem>>
      %dma_start3A_136 = arith.constant 0 : i32
      %dma_start3A_137 = tpu.memref_slice %arg3[%dma_start3A_136, %multiple_of3A_124] : memref<64x1000000xf32, #tpu.memory_space<hbm>> -> memref<64x128xf32, #tpu.memory_space<hbm>>
      tpu.enqueue_dma source(%dma_start3A_137 : memref<64x128xf32, #tpu.memory_space<hbm>>) target(%dma_start3A_135 : memref<64x128xf32, #tpu.memory_space<vmem>>) target_semaphore(%arg9 : memref<!tpu.dma_semaphore, #tpu.memory_space<semaphore_mem>>)
      %slice3A_138 = vector.extract_strided_slice %get3A_25 {offsets = [7], sizes = [1], strides = [1]} : vector<16xi32> to vector<1xi32>
      %squeeze3A_139 = vector.extract %slice3A_138[0] : i32 from vector<1xi32>
      %multiple_of3A_140 = tpu.assume_multiple %squeeze3A_139, 128 : i32
      %dma_start3A_141 = arith.constant 7 : i32
      %dma_start3A_142 = arith.constant 0 : i32
      %dma_start3A_143 = arith.constant 0 : i32
      %dma_start3A_144 = tpu.memref_slice %arg7[%dma_start3A_141, %dma_start3A_142, %dma_start3A_143] : memref<8x64x128xf32, #tpu.memory_space<vmem>> -> memref<1x64x128xf32, #tpu.memory_space<vmem>>
      %dma_start3A_145 = tpu.memref_squeeze %dma_start3A_144 : memref<1x64x128xf32, #tpu.memory_space<vmem>> -> memref<64x128xf32, #tpu.memory_space<vmem>>
      %dma_start3A_146 = arith.constant 0 : i32
      %dma_start3A_147 = tpu.memref_slice %arg3[%dma_start3A_146, %multiple_of3A_140] : memref<64x1000000xf32, #tpu.memory_space<hbm>> -> memref<64x128xf32, #tpu.memory_space<hbm>>
      %dma_start3A_148 = arith.constant 0 : i32
      %dma_start3A_149 = arith.constant 0 : i32
      %dma_start3A_150 = tpu.memref_slice %arg7[%dma_start3A_141, %dma_start3A_148, %dma_start3A_149] : memref<8x64x128xf32, #tpu.memory_space<vmem>> -> memref<1x64x128xf32, #tpu.memory_space<vmem>>
      %dma_start3A_151 = tpu.memref_squeeze %dma_start3A_150 : memref<1x64x128xf32, #tpu.memory_space<vmem>> -> memref<64x128xf32, #tpu.memory_space<vmem>>
      %dma_start3A_152 = arith.constant 0 : i32
      %dma_start3A_153 = tpu.memref_slice %arg3[%dma_start3A_152, %multiple_of3A_140] : memref<64x1000000xf32, #tpu.memory_space<hbm>> -> memref<64x128xf32, #tpu.memory_space<hbm>>
      tpu.enqueue_dma source(%dma_start3A_153 : memref<64x128xf32, #tpu.memory_space<hbm>>) target(%dma_start3A_151 : memref<64x128xf32, #tpu.memory_space<vmem>>) target_semaphore(%arg9 : memref<!tpu.dma_semaphore, #tpu.memory_space<semaphore_mem>>)
      %dma_wait3A = arith.constant 0 : i32
      %dma_wait3A_154 = arith.constant 0 : i32
      %dma_wait3A_155 = arith.constant 0 : i32
      %dma_wait3A_156 = tpu.memref_slice %arg7[%dma_wait3A, %dma_wait3A_154, %dma_wait3A_155] : memref<8x64x128xf32, #tpu.memory_space<vmem>> -> memref<1x64x128xf32, #tpu.memory_space<vmem>>
      %dma_wait3A_157 = tpu.memref_squeeze %dma_wait3A_156 : memref<1x64x128xf32, #tpu.memory_space<vmem>> -> memref<64x128xf32, #tpu.memory_space<vmem>>
      %dma_wait3A_158 = arith.constant 0 : i32
      %dma_wait3A_159 = tpu.memref_slice %arg3[%dma_wait3A_158, %multiple_of3A] : memref<64x1000000xf32, #tpu.memory_space<hbm>> -> memref<64x128xf32, #tpu.memory_space<hbm>>
      %dma_wait3A_160 = arith.constant 0 : i32
      %dma_wait3A_161 = arith.constant 0 : i32
      %dma_wait3A_162 = tpu.memref_slice %arg7[%dma_wait3A, %dma_wait3A_160, %dma_wait3A_161] : memref<8x64x128xf32, #tpu.memory_space<vmem>> -> memref<1x64x128xf32, #tpu.memory_space<vmem>>
      %dma_wait3A_163 = tpu.memref_squeeze %dma_wait3A_162 : memref<1x64x128xf32, #tpu.memory_space<vmem>> -> memref<64x128xf32, #tpu.memory_space<vmem>>
      %dma_wait3A_164 = arith.constant 0 : i32
      %dma_wait3A_165 = tpu.memref_slice %arg3[%dma_wait3A_164, %multiple_of3A] : memref<64x1000000xf32, #tpu.memory_space<hbm>> -> memref<64x128xf32, #tpu.memory_space<hbm>>
      tpu.wait_dma2 semaphore(%arg9 : memref<!tpu.dma_semaphore, #tpu.memory_space<semaphore_mem>>) src(%dma_wait3A_165 : memref<64x128xf32, #tpu.memory_space<hbm>>) dst(%dma_wait3A_163 : memref<64x128xf32, #tpu.memory_space<vmem>>)
      %dma_wait3A_166 = arith.constant 1 : i32
      %dma_wait3A_167 = arith.constant 0 : i32
      %dma_wait3A_168 = arith.constant 0 : i32
      %dma_wait3A_169 = tpu.memref_slice %arg7[%dma_wait3A_166, %dma_wait3A_167, %dma_wait3A_168] : memref<8x64x128xf32, #tpu.memory_space<vmem>> -> memref<1x64x128xf32, #tpu.memory_space<vmem>>
      %dma_wait3A_170 = tpu.memref_squeeze %dma_wait3A_169 : memref<1x64x128xf32, #tpu.memory_space<vmem>> -> memref<64x128xf32, #tpu.memory_space<vmem>>
      %dma_wait3A_171 = arith.constant 0 : i32
      %dma_wait3A_172 = tpu.memref_slice %arg3[%dma_wait3A_171, %multiple_of3A_44] : memref<64x1000000xf32, #tpu.memory_space<hbm>> -> memref<64x128xf32, #tpu.memory_space<hbm>>
      %dma_wait3A_173 = arith.constant 0 : i32
      %dma_wait3A_174 = arith.constant 0 : i32
      %dma_wait3A_175 = tpu.memref_slice %arg7[%dma_wait3A_166, %dma_wait3A_173, %dma_wait3A_174] : memref<8x64x128xf32, #tpu.memory_space<vmem>> -> memref<1x64x128xf32, #tpu.memory_space<vmem>>
      %dma_wait3A_176 = tpu.memref_squeeze %dma_wait3A_175 : memref<1x64x128xf32, #tpu.memory_space<vmem>> -> memref<64x128xf32, #tpu.memory_space<vmem>>
      %dma_wait3A_177 = arith.constant 0 : i32
      %dma_wait3A_178 = tpu.memref_slice %arg3[%dma_wait3A_177, %multiple_of3A_44] : memref<64x1000000xf32, #tpu.memory_space<hbm>> -> memref<64x128xf32, #tpu.memory_space<hbm>>
      tpu.wait_dma2 semaphore(%arg9 : memref<!tpu.dma_semaphore, #tpu.memory_space<semaphore_mem>>) src(%dma_wait3A_178 : memref<64x128xf32, #tpu.memory_space<hbm>>) dst(%dma_wait3A_176 : memref<64x128xf32, #tpu.memory_space<vmem>>)
      %dma_wait3A_179 = arith.constant 2 : i32
      %dma_wait3A_180 = arith.constant 0 : i32
      %dma_wait3A_181 = arith.constant 0 : i32
      %dma_wait3A_182 = tpu.memref_slice %arg7[%dma_wait3A_179, %dma_wait3A_180, %dma_wait3A_181] : memref<8x64x128xf32, #tpu.memory_space<vmem>> -> memref<1x64x128xf32, #tpu.memory_space<vmem>>
      %dma_wait3A_183 = tpu.memref_squeeze %dma_wait3A_182 : memref<1x64x128xf32, #tpu.memory_space<vmem>> -> memref<64x128xf32, #tpu.memory_space<vmem>>
      %dma_wait3A_184 = arith.constant 0 : i32
      %dma_wait3A_185 = tpu.memref_slice %arg3[%dma_wait3A_184, %multiple_of3A_60] : memref<64x1000000xf32, #tpu.memory_space<hbm>> -> memref<64x128xf32, #tpu.memory_space<hbm>>
      %dma_wait3A_186 = arith.constant 0 : i32
      %dma_wait3A_187 = arith.constant 0 : i32
      %dma_wait3A_188 = tpu.memref_slice %arg7[%dma_wait3A_179, %dma_wait3A_186, %dma_wait3A_187] : memref<8x64x128xf32, #tpu.memory_space<vmem>> -> memref<1x64x128xf32, #tpu.memory_space<vmem>>
      %dma_wait3A_189 = tpu.memref_squeeze %dma_wait3A_188 : memref<1x64x128xf32, #tpu.memory_space<vmem>> -> memref<64x128xf32, #tpu.memory_space<vmem>>
      %dma_wait3A_190 = arith.constant 0 : i32
      %dma_wait3A_191 = tpu.memref_slice %arg3[%dma_wait3A_190, %multiple_of3A_60] : memref<64x1000000xf32, #tpu.memory_space<hbm>> -> memref<64x128xf32, #tpu.memory_space<hbm>>
      tpu.wait_dma2 semaphore(%arg9 : memref<!tpu.dma_semaphore, #tpu.memory_space<semaphore_mem>>) src(%dma_wait3A_191 : memref<64x128xf32, #tpu.memory_space<hbm>>) dst(%dma_wait3A_189 : memref<64x128xf32, #tpu.memory_space<vmem>>)
      %dma_wait3A_192 = arith.constant 3 : i32
      %dma_wait3A_193 = arith.constant 0 : i32
      %dma_wait3A_194 = arith.constant 0 : i32
      %dma_wait3A_195 = tpu.memref_slice %arg7[%dma_wait3A_192, %dma_wait3A_193, %dma_wait3A_194] : memref<8x64x128xf32, #tpu.memory_space<vmem>> -> memref<1x64x128xf32, #tpu.memory_space<vmem>>
      %dma_wait3A_196 = tpu.memref_squeeze %dma_wait3A_195 : memref<1x64x128xf32, #tpu.memory_space<vmem>> -> memref<64x128xf32, #tpu.memory_space<vmem>>
      %dma_wait3A_197 = arith.constant 0 : i32
      %dma_wait3A_198 = tpu.memref_slice %arg3[%dma_wait3A_197, %multiple_of3A_76] : memref<64x1000000xf32, #tpu.memory_space<hbm>> -> memref<64x128xf32, #tpu.memory_space<hbm>>
      %dma_wait3A_199 = arith.constant 0 : i32
      %dma_wait3A_200 = arith.constant 0 : i32
      %dma_wait3A_201 = tpu.memref_slice %arg7[%dma_wait3A_192, %dma_wait3A_199, %dma_wait3A_200] : memref<8x64x128xf32, #tpu.memory_space<vmem>> -> memref<1x64x128xf32, #tpu.memory_space<vmem>>
      %dma_wait3A_202 = tpu.memref_squeeze %dma_wait3A_201 : memref<1x64x128xf32, #tpu.memory_space<vmem>> -> memref<64x128xf32, #tpu.memory_space<vmem>>
      %dma_wait3A_203 = arith.constant 0 : i32
      %dma_wait3A_204 = tpu.memref_slice %arg3[%dma_wait3A_203, %multiple_of3A_76] : memref<64x1000000xf32, #tpu.memory_space<hbm>> -> memref<64x128xf32, #tpu.memory_space<hbm>>
      tpu.wait_dma2 semaphore(%arg9 : memref<!tpu.dma_semaphore, #tpu.memory_space<semaphore_mem>>) src(%dma_wait3A_204 : memref<64x128xf32, #tpu.memory_space<hbm>>) dst(%dma_wait3A_202 : memref<64x128xf32, #tpu.memory_space<vmem>>)
      %sub3A = arith.constant 0 : i32
      %sub3A_205 = arith.subi %scan3A_21, %sub3A : i32
      %broadcast_in_dim3A = arith.constant 0 : i32
      %broadcast_in_dim3A_206 = vector.broadcast %broadcast_in_dim3A : i32 to vector<16xi32>
      %slice3A_207 = vector.extract_strided_slice %get3A_29 {offsets = [0], sizes = [1], strides = [1]} : vector<16xi32> to vector<1xi32>
      %squeeze3A_208 = vector.extract %slice3A_207[0] : i32 from vector<1xi32>
      %add3A_209 = vector.broadcast %squeeze3A_208 : i32 to vector<16xi32>
      %add3A_210 = arith.addi %broadcast_in_dim3A_206, %add3A_209 : vector<16xi32>
      %broadcast_in_dim3A_211 = arith.constant 0 : i32
      %broadcast_in_dim3A_212 = vector.broadcast %broadcast_in_dim3A_211 : i32 to vector<16xi32>
      %mul3A_213 = arith.constant 16 : i32
      %mul3A_214 = arith.muli %sub3A_205, %mul3A_213 : i32
      %add3A_215 = arith.constant 0 : i32
      %add3A_216 = arith.addi %mul3A_214, %add3A_215 : i32
      %add3A_217 = vector.broadcast %add3A_216 : i32 to vector<16xi32>
      %add3A_218 = arith.addi %broadcast_in_dim3A_212, %add3A_217 : vector<16xi32>
      %add3A_219 = arith.constant 0 : i32
      %add3A_220 = vector.broadcast %add3A_219 : i32 to vector<16xi32>
      %add3A_221 = arith.addi %iota3A, %add3A_220 : vector<16xi32>
      %gather3A = arith.constant 0 : i32
      %gather3A_222 = arith.constant 0 : i32
      %gather3A_223 = arith.constant 0 : i32
      %gather3A_224 = tpu.memref_slice %arg7[%gather3A, %gather3A_222, %gather3A_223] : memref<8x64x128xf32, #tpu.memory_space<vmem>> -> memref<1x64x128xf32, #tpu.memory_space<vmem>>
      %gather3A_225 = tpu.memref_squeeze %gather3A_224 : memref<1x64x128xf32, #tpu.memory_space<vmem>> -> memref<64x128xf32, #tpu.memory_space<vmem>>
      %gather3A_226 = tpu.vector_load_idx %gather3A_225[%add3A_221, %add3A_210] : memref<64x128xf32, #tpu.memory_space<vmem>>[vector<16xi32>, vector<16xi32>], vector<16xf32>,
      tpu.vector_store_idx %arg8[%add3A_218, %add3A_221], %gather3A_226 : memref<256x64xf32, #tpu.memory_space<vmem>>[vector<16xi32>, vector<16xi32>], vector<16xf32>,
      %add3A_227 = arith.constant 16 : i32
      %add3A_228 = vector.broadcast %add3A_227 : i32 to vector<16xi32>
      %add3A_229 = arith.addi %iota3A, %add3A_228 : vector<16xi32>
      %gather3A_230 = arith.constant 0 : i32
      %gather3A_231 = arith.constant 0 : i32
      %gather3A_232 = arith.constant 0 : i32
      %gather3A_233 = tpu.memref_slice %arg7[%gather3A_230, %gather3A_231, %gather3A_232] : memref<8x64x128xf32, #tpu.memory_space<vmem>> -> memref<1x64x128xf32, #tpu.memory_space<vmem>>
      %gather3A_234 = tpu.memref_squeeze %gather3A_233 : memref<1x64x128xf32, #tpu.memory_space<vmem>> -> memref<64x128xf32, #tpu.memory_space<vmem>>
      %gather3A_235 = tpu.vector_load_idx %gather3A_234[%add3A_229, %add3A_210] : memref<64x128xf32, #tpu.memory_space<vmem>>[vector<16xi32>, vector<16xi32>], vector<16xf32>,
      tpu.vector_store_idx %arg8[%add3A_218, %add3A_229], %gather3A_235 : memref<256x64xf32, #tpu.memory_space<vmem>>[vector<16xi32>, vector<16xi32>], vector<16xf32>,
      %add3A_236 = arith.constant 32 : i32
      %add3A_237 = vector.broadcast %add3A_236 : i32 to vector<16xi32>
      %add3A_238 = arith.addi %iota3A, %add3A_237 : vector<16xi32>
      %gather3A_239 = arith.constant 0 : i32
      %gather3A_240 = arith.constant 0 : i32
      %gather3A_241 = arith.constant 0 : i32
      %gather3A_242 = tpu.memref_slice %arg7[%gather3A_239, %gather3A_240, %gather3A_241] : memref<8x64x128xf32, #tpu.memory_space<vmem>> -> memref<1x64x128xf32, #tpu.memory_space<vmem>>
      %gather3A_243 = tpu.memref_squeeze %gather3A_242 : memref<1x64x128xf32, #tpu.memory_space<vmem>> -> memref<64x128xf32, #tpu.memory_space<vmem>>
      %gather3A_244 = tpu.vector_load_idx %gather3A_243[%add3A_238, %add3A_210] : memref<64x128xf32, #tpu.memory_space<vmem>>[vector<16xi32>, vector<16xi32>], vector<16xf32>,
      tpu.vector_store_idx %arg8[%add3A_218, %add3A_238], %gather3A_244 : memref<256x64xf32, #tpu.memory_space<vmem>>[vector<16xi32>, vector<16xi32>], vector<16xf32>,
      %add3A_245 = arith.constant 48 : i32
      %add3A_246 = vector.broadcast %add3A_245 : i32 to vector<16xi32>
      %add3A_247 = arith.addi %iota3A, %add3A_246 : vector<16xi32>
      %gather3A_248 = arith.constant 0 : i32
      %gather3A_249 = arith.constant 0 : i32
      %gather3A_250 = arith.constant 0 : i32
      %gather3A_251 = tpu.memref_slice %arg7[%gather3A_248, %gather3A_249, %gather3A_250] : memref<8x64x128xf32, #tpu.memory_space<vmem>> -> memref<1x64x128xf32, #tpu.memory_space<vmem>>
      %gather3A_252 = tpu.memref_squeeze %gather3A_251 : memref<1x64x128xf32, #tpu.memory_space<vmem>> -> memref<64x128xf32, #tpu.memory_space<vmem>>
      %gather3A_253 = tpu.vector_load_idx %gather3A_252[%add3A_247, %add3A_210] : memref<64x128xf32, #tpu.memory_space<vmem>>[vector<16xi32>, vector<16xi32>], vector<16xf32>,
      tpu.vector_store_idx %arg8[%add3A_218, %add3A_247], %gather3A_253 : memref<256x64xf32, #tpu.memory_space<vmem>>[vector<16xi32>, vector<16xi32>], vector<16xf32>,
      %broadcast_in_dim3A_254 = arith.constant 0 : i32
      %broadcast_in_dim3A_255 = vector.broadcast %broadcast_in_dim3A_254 : i32 to vector<16xi32>
      %slice3A_256 = vector.extract_strided_slice %get3A_29 {offsets = [1], sizes = [1], strides = [1]} : vector<16xi32> to vector<1xi32>
      %squeeze3A_257 = vector.extract %slice3A_256[0] : i32 from vector<1xi32>
      %add3A_258 = vector.broadcast %squeeze3A_257 : i32 to vector<16xi32>
      %add3A_259 = arith.addi %broadcast_in_dim3A_255, %add3A_258 : vector<16xi32>
      %broadcast_in_dim3A_260 = arith.constant 0 : i32
      %broadcast_in_dim3A_261 = vector.broadcast %broadcast_in_dim3A_260 : i32 to vector<16xi32>
      %mul3A_262 = arith.constant 16 : i32
      %mul3A_263 = arith.muli %sub3A_205, %mul3A_262 : i32
      %add3A_264 = arith.constant 1 : i32
      %add3A_265 = arith.addi %mul3A_263, %add3A_264 : i32
      %add3A_266 = vector.broadcast %add3A_265 : i32 to vector<16xi32>
      %add3A_267 = arith.addi %broadcast_in_dim3A_261, %add3A_266 : vector<16xi32>
      %add3A_268 = arith.constant 0 : i32
      %add3A_269 = vector.broadcast %add3A_268 : i32 to vector<16xi32>
      %add3A_270 = arith.addi %iota3A, %add3A_269 : vector<16xi32>
      %gather3A_271 = arith.constant 1 : i32
      %gather3A_272 = arith.constant 0 : i32
      %gather3A_273 = arith.constant 0 : i32
      %gather3A_274 = tpu.memref_slice %arg7[%gather3A_271, %gather3A_272, %gather3A_273] : memref<8x64x128xf32, #tpu.memory_space<vmem>> -> memref<1x64x128xf32, #tpu.memory_space<vmem>>
      %gather3A_275 = tpu.memref_squeeze %gather3A_274 : memref<1x64x128xf32, #tpu.memory_space<vmem>> -> memref<64x128xf32, #tpu.memory_space<vmem>>
      %gather3A_276 = tpu.vector_load_idx %gather3A_275[%add3A_270, %add3A_259] : memref<64x128xf32, #tpu.memory_space<vmem>>[vector<16xi32>, vector<16xi32>], vector<16xf32>,
      tpu.vector_store_idx %arg8[%add3A_267, %add3A_270], %gather3A_276 : memref<256x64xf32, #tpu.memory_space<vmem>>[vector<16xi32>, vector<16xi32>], vector<16xf32>,
      %add3A_277 = arith.constant 16 : i32
      %add3A_278 = vector.broadcast %add3A_277 : i32 to vector<16xi32>
      %add3A_279 = arith.addi %iota3A, %add3A_278 : vector<16xi32>
      %gather3A_280 = arith.constant 1 : i32
      %gather3A_281 = arith.constant 0 : i32
      %gather3A_282 = arith.constant 0 : i32
      %gather3A_283 = tpu.memref_slice %arg7[%gather3A_280, %gather3A_281, %gather3A_282] : memref<8x64x128xf32, #tpu.memory_space<vmem>> -> memref<1x64x128xf32, #tpu.memory_space<vmem>>
      %gather3A_284 = tpu.memref_squeeze %gather3A_283 : memref<1x64x128xf32, #tpu.memory_space<vmem>> -> memref<64x128xf32, #tpu.memory_space<vmem>>
      %gather3A_285 = tpu.vector_load_idx %gather3A_284[%add3A_279, %add3A_259] : memref<64x128xf32, #tpu.memory_space<vmem>>[vector<16xi32>, vector<16xi32>], vector<16xf32>,
      tpu.vector_store_idx %arg8[%add3A_267, %add3A_279], %gather3A_285 : memref<256x64xf32, #tpu.memory_space<vmem>>[vector<16xi32>, vector<16xi32>], vector<16xf32>,
      %add3A_286 = arith.constant 32 : i32
      %add3A_287 = vector.broadcast %add3A_286 : i32 to vector<16xi32>
      %add3A_288 = arith.addi %iota3A, %add3A_287 : vector<16xi32>
      %gather3A_289 = arith.constant 1 : i32
      %gather3A_290 = arith.constant 0 : i32
      %gather3A_291 = arith.constant 0 : i32
      %gather3A_292 = tpu.memref_slice %arg7[%gather3A_289, %gather3A_290, %gather3A_291] : memref<8x64x128xf32, #tpu.memory_space<vmem>> -> memref<1x64x128xf32, #tpu.memory_space<vmem>>
      %gather3A_293 = tpu.memref_squeeze %gather3A_292 : memref<1x64x128xf32, #tpu.memory_space<vmem>> -> memref<64x128xf32, #tpu.memory_space<vmem>>
      %gather3A_294 = tpu.vector_load_idx %gather3A_293[%add3A_288, %add3A_259] : memref<64x128xf32, #tpu.memory_space<vmem>>[vector<16xi32>, vector<16xi32>], vector<16xf32>,
      tpu.vector_store_idx %arg8[%add3A_267, %add3A_288], %gather3A_294 : memref<256x64xf32, #tpu.memory_space<vmem>>[vector<16xi32>, vector<16xi32>], vector<16xf32>,
      %add3A_295 = arith.constant 48 : i32
      %add3A_296 = vector.broadcast %add3A_295 : i32 to vector<16xi32>
      %add3A_297 = arith.addi %iota3A, %add3A_296 : vector<16xi32>
      %gather3A_298 = arith.constant 1 : i32
      %gather3A_299 = arith.constant 0 : i32
      %gather3A_300 = arith.constant 0 : i32
      %gather3A_301 = tpu.memref_slice %arg7[%gather3A_298, %gather3A_299, %gather3A_300] : memref<8x64x128xf32, #tpu.memory_space<vmem>> -> memref<1x64x128xf32, #tpu.memory_space<vmem>>
      %gather3A_302 = tpu.memref_squeeze %gather3A_301 : memref<1x64x128xf32, #tpu.memory_space<vmem>> -> memref<64x128xf32, #tpu.memory_space<vmem>>
      %gather3A_303 = tpu.vector_load_idx %gather3A_302[%add3A_297, %add3A_259] : memref<64x128xf32, #tpu.memory_space<vmem>>[vector<16xi32>, vector<16xi32>], vector<16xf32>,
      tpu.vector_store_idx %arg8[%add3A_267, %add3A_297], %gather3A_303 : memref<256x64xf32, #tpu.memory_space<vmem>>[vector<16xi32>, vector<16xi32>], vector<16xf32>,
      %broadcast_in_dim3A_304 = arith.constant 0 : i32
      %broadcast_in_dim3A_305 = vector.broadcast %broadcast_in_dim3A_304 : i32 to vector<16xi32>
      %slice3A_306 = vector.extract_strided_slice %get3A_29 {offsets = [2], sizes = [1], strides = [1]} : vector<16xi32> to vector<1xi32>
      %squeeze3A_307 = vector.extract %slice3A_306[0] : i32 from vector<1xi32>
      %add3A_308 = vector.broadcast %squeeze3A_307 : i32 to vector<16xi32>
      %add3A_309 = arith.addi %broadcast_in_dim3A_305, %add3A_308 : vector<16xi32>
      %broadcast_in_dim3A_310 = arith.constant 0 : i32
      %broadcast_in_dim3A_311 = vector.broadcast %broadcast_in_dim3A_310 : i32 to vector<16xi32>
      %mul3A_312 = arith.constant 16 : i32
      %mul3A_313 = arith.muli %sub3A_205, %mul3A_312 : i32
      %add3A_314 = arith.constant 2 : i32
      %add3A_315 = arith.addi %mul3A_313, %add3A_314 : i32
      %add3A_316 = vector.broadcast %add3A_315 : i32 to vector<16xi32>
      %add3A_317 = arith.addi %broadcast_in_dim3A_311, %add3A_316 : vector<16xi32>
      %add3A_318 = arith.constant 0 : i32
      %add3A_319 = vector.broadcast %add3A_318 : i32 to vector<16xi32>
      %add3A_320 = arith.addi %iota3A, %add3A_319 : vector<16xi32>
      %gather3A_321 = arith.constant 2 : i32
      %gather3A_322 = arith.constant 0 : i32
      %gather3A_323 = arith.constant 0 : i32
      %gather3A_324 = tpu.memref_slice %arg7[%gather3A_321, %gather3A_322, %gather3A_323] : memref<8x64x128xf32, #tpu.memory_space<vmem>> -> memref<1x64x128xf32, #tpu.memory_space<vmem>>
      %gather3A_325 = tpu.memref_squeeze %gather3A_324 : memref<1x64x128xf32, #tpu.memory_space<vmem>> -> memref<64x128xf32, #tpu.memory_space<vmem>>
      %gather3A_326 = tpu.vector_load_idx %gather3A_325[%add3A_320, %add3A_309] : memref<64x128xf32, #tpu.memory_space<vmem>>[vector<16xi32>, vector<16xi32>], vector<16xf32>,
      tpu.vector_store_idx %arg8[%add3A_317, %add3A_320], %gather3A_326 : memref<256x64xf32, #tpu.memory_space<vmem>>[vector<16xi32>, vector<16xi32>], vector<16xf32>,
      %add3A_327 = arith.constant 16 : i32
      %add3A_328 = vector.broadcast %add3A_327 : i32 to vector<16xi32>
      %add3A_329 = arith.addi %iota3A, %add3A_328 : vector<16xi32>
      %gather3A_330 = arith.constant 2 : i32
      %gather3A_331 = arith.constant 0 : i32
      %gather3A_332 = arith.constant 0 : i32
      %gather3A_333 = tpu.memref_slice %arg7[%gather3A_330, %gather3A_331, %gather3A_332] : memref<8x64x128xf32, #tpu.memory_space<vmem>> -> memref<1x64x128xf32, #tpu.memory_space<vmem>>
      %gather3A_334 = tpu.memref_squeeze %gather3A_333 : memref<1x64x128xf32, #tpu.memory_space<vmem>> -> memref<64x128xf32, #tpu.memory_space<vmem>>
      %gather3A_335 = tpu.vector_load_idx %gather3A_334[%add3A_329, %add3A_309] : memref<64x128xf32, #tpu.memory_space<vmem>>[vector<16xi32>, vector<16xi32>], vector<16xf32>,
      tpu.vector_store_idx %arg8[%add3A_317, %add3A_329], %gather3A_335 : memref<256x64xf32, #tpu.memory_space<vmem>>[vector<16xi32>, vector<16xi32>], vector<16xf32>,
      %add3A_336 = arith.constant 32 : i32
      %add3A_337 = vector.broadcast %add3A_336 : i32 to vector<16xi32>
      %add3A_338 = arith.addi %iota3A, %add3A_337 : vector<16xi32>
      %gather3A_339 = arith.constant 2 : i32
      %gather3A_340 = arith.constant 0 : i32
      %gather3A_341 = arith.constant 0 : i32
      %gather3A_342 = tpu.memref_slice %arg7[%gather3A_339, %gather3A_340, %gather3A_341] : memref<8x64x128xf32, #tpu.memory_space<vmem>> -> memref<1x64x128xf32, #tpu.memory_space<vmem>>
      %gather3A_343 = tpu.memref_squeeze %gather3A_342 : memref<1x64x128xf32, #tpu.memory_space<vmem>> -> memref<64x128xf32, #tpu.memory_space<vmem>>
      %gather3A_344 = tpu.vector_load_idx %gather3A_343[%add3A_338, %add3A_309] : memref<64x128xf32, #tpu.memory_space<vmem>>[vector<16xi32>, vector<16xi32>], vector<16xf32>,
      tpu.vector_store_idx %arg8[%add3A_317, %add3A_338], %gather3A_344 : memref<256x64xf32, #tpu.memory_space<vmem>>[vector<16xi32>, vector<16xi32>], vector<16xf32>,
      %add3A_345 = arith.constant 48 : i32
      %add3A_346 = vector.broadcast %add3A_345 : i32 to vector<16xi32>
      %add3A_347 = arith.addi %iota3A, %add3A_346 : vector<16xi32>
      %gather3A_348 = arith.constant 2 : i32
      %gather3A_349 = arith.constant 0 : i32
      %gather3A_350 = arith.constant 0 : i32
      %gather3A_351 = tpu.memref_slice %arg7[%gather3A_348, %gather3A_349, %gather3A_350] : memref<8x64x128xf32, #tpu.memory_space<vmem>> -> memref<1x64x128xf32, #tpu.memory_space<vmem>>
      %gather3A_352 = tpu.memref_squeeze %gather3A_351 : memref<1x64x128xf32, #tpu.memory_space<vmem>> -> memref<64x128xf32, #tpu.memory_space<vmem>>
      %gather3A_353 = tpu.vector_load_idx %gather3A_352[%add3A_347, %add3A_309] : memref<64x128xf32, #tpu.memory_space<vmem>>[vector<16xi32>, vector<16xi32>], vector<16xf32>,
      tpu.vector_store_idx %arg8[%add3A_317, %add3A_347], %gather3A_353 : memref<256x64xf32, #tpu.memory_space<vmem>>[vector<16xi32>, vector<16xi32>], vector<16xf32>,
      %broadcast_in_dim3A_354 = arith.constant 0 : i32
      %broadcast_in_dim3A_355 = vector.broadcast %broadcast_in_dim3A_354 : i32 to vector<16xi32>
      %slice3A_356 = vector.extract_strided_slice %get3A_29 {offsets = [3], sizes = [1], strides = [1]} : vector<16xi32> to vector<1xi32>
      %squeeze3A_357 = vector.extract %slice3A_356[0] : i32 from vector<1xi32>
      %add3A_358 = vector.broadcast %squeeze3A_357 : i32 to vector<16xi32>
      %add3A_359 = arith.addi %broadcast_in_dim3A_355, %add3A_358 : vector<16xi32>
      %broadcast_in_dim3A_360 = arith.constant 0 : i32
      %broadcast_in_dim3A_361 = vector.broadcast %broadcast_in_dim3A_360 : i32 to vector<16xi32>
      %mul3A_362 = arith.constant 16 : i32
      %mul3A_363 = arith.muli %sub3A_205, %mul3A_362 : i32
      %add3A_364 = arith.constant 3 : i32
      %add3A_365 = arith.addi %mul3A_363, %add3A_364 : i32
      %add3A_366 = vector.broadcast %add3A_365 : i32 to vector<16xi32>
      %add3A_367 = arith.addi %broadcast_in_dim3A_361, %add3A_366 : vector<16xi32>
      %add3A_368 = arith.constant 0 : i32
      %add3A_369 = vector.broadcast %add3A_368 : i32 to vector<16xi32>
      %add3A_370 = arith.addi %iota3A, %add3A_369 : vector<16xi32>
      %gather3A_371 = arith.constant 3 : i32
      %gather3A_372 = arith.constant 0 : i32
      %gather3A_373 = arith.constant 0 : i32
      %gather3A_374 = tpu.memref_slice %arg7[%gather3A_371, %gather3A_372, %gather3A_373] : memref<8x64x128xf32, #tpu.memory_space<vmem>> -> memref<1x64x128xf32, #tpu.memory_space<vmem>>
      %gather3A_375 = tpu.memref_squeeze %gather3A_374 : memref<1x64x128xf32, #tpu.memory_space<vmem>> -> memref<64x128xf32, #tpu.memory_space<vmem>>
      %gather3A_376 = tpu.vector_load_idx %gather3A_375[%add3A_370, %add3A_359] : memref<64x128xf32, #tpu.memory_space<vmem>>[vector<16xi32>, vector<16xi32>], vector<16xf32>,
      tpu.vector_store_idx %arg8[%add3A_367, %add3A_370], %gather3A_376 : memref<256x64xf32, #tpu.memory_space<vmem>>[vector<16xi32>, vector<16xi32>], vector<16xf32>,
      %add3A_377 = arith.constant 16 : i32
      %add3A_378 = vector.broadcast %add3A_377 : i32 to vector<16xi32>
      %add3A_379 = arith.addi %iota3A, %add3A_378 : vector<16xi32>
      %gather3A_380 = arith.constant 3 : i32
      %gather3A_381 = arith.constant 0 : i32
      %gather3A_382 = arith.constant 0 : i32
      %gather3A_383 = tpu.memref_slice %arg7[%gather3A_380, %gather3A_381, %gather3A_382] : memref<8x64x128xf32, #tpu.memory_space<vmem>> -> memref<1x64x128xf32, #tpu.memory_space<vmem>>
      %gather3A_384 = tpu.memref_squeeze %gather3A_383 : memref<1x64x128xf32, #tpu.memory_space<vmem>> -> memref<64x128xf32, #tpu.memory_space<vmem>>
      %gather3A_385 = tpu.vector_load_idx %gather3A_384[%add3A_379, %add3A_359] : memref<64x128xf32, #tpu.memory_space<vmem>>[vector<16xi32>, vector<16xi32>], vector<16xf32>,
      tpu.vector_store_idx %arg8[%add3A_367, %add3A_379], %gather3A_385 : memref<256x64xf32, #tpu.memory_space<vmem>>[vector<16xi32>, vector<16xi32>], vector<16xf32>,
      %add3A_386 = arith.constant 32 : i32
      %add3A_387 = vector.broadcast %add3A_386 : i32 to vector<16xi32>
      %add3A_388 = arith.addi %iota3A, %add3A_387 : vector<16xi32>
      %gather3A_389 = arith.constant 3 : i32
      %gather3A_390 = arith.constant 0 : i32
      %gather3A_391 = arith.constant 0 : i32
      %gather3A_392 = tpu.memref_slice %arg7[%gather3A_389, %gather3A_390, %gather3A_391] : memref<8x64x128xf32, #tpu.memory_space<vmem>> -> memref<1x64x128xf32, #tpu.memory_space<vmem>>
      %gather3A_393 = tpu.memref_squeeze %gather3A_392 : memref<1x64x128xf32, #tpu.memory_space<vmem>> -> memref<64x128xf32, #tpu.memory_space<vmem>>
      %gather3A_394 = tpu.vector_load_idx %gather3A_393[%add3A_388, %add3A_359] : memref<64x128xf32, #tpu.memory_space<vmem>>[vector<16xi32>, vector<16xi32>], vector<16xf32>,
      tpu.vector_store_idx %arg8[%add3A_367, %add3A_388], %gather3A_394 : memref<256x64xf32, #tpu.memory_space<vmem>>[vector<16xi32>, vector<16xi32>], vector<16xf32>,
      %add3A_395 = arith.constant 48 : i32
      %add3A_396 = vector.broadcast %add3A_395 : i32 to vector<16xi32>
      %add3A_397 = arith.addi %iota3A, %add3A_396 : vector<16xi32>
      %gather3A_398 = arith.constant 3 : i32
      %gather3A_399 = arith.constant 0 : i32
      %gather3A_400 = arith.constant 0 : i32
      %gather3A_401 = tpu.memref_slice %arg7[%gather3A_398, %gather3A_399, %gather3A_400] : memref<8x64x128xf32, #tpu.memory_space<vmem>> -> memref<1x64x128xf32, #tpu.memory_space<vmem>>
      %gather3A_402 = tpu.memref_squeeze %gather3A_401 : memref<1x64x128xf32, #tpu.memory_space<vmem>> -> memref<64x128xf32, #tpu.memory_space<vmem>>
      %gather3A_403 = tpu.vector_load_idx %gather3A_402[%add3A_397, %add3A_359] : memref<64x128xf32, #tpu.memory_space<vmem>>[vector<16xi32>, vector<16xi32>], vector<16xf32>,
      tpu.vector_store_idx %arg8[%add3A_367, %add3A_397], %gather3A_403 : memref<256x64xf32, #tpu.memory_space<vmem>>[vector<16xi32>, vector<16xi32>], vector<16xf32>,
      %slice3A_404 = vector.extract_strided_slice %get3A_25 {offsets = [8], sizes = [1], strides = [1]} : vector<16xi32> to vector<1xi32>
      %squeeze3A_405 = vector.extract %slice3A_404[0] : i32 from vector<1xi32>
      %multiple_of3A_406 = tpu.assume_multiple %squeeze3A_405, 128 : i32
      %dma_start3A_407 = arith.constant 0 : i32
      %dma_start3A_408 = arith.constant 0 : i32
      %dma_start3A_409 = arith.constant 0 : i32
      %dma_start3A_410 = tpu.memref_slice %arg7[%dma_start3A_407, %dma_start3A_408, %dma_start3A_409] : memref<8x64x128xf32, #tpu.memory_space<vmem>> -> memref<1x64x128xf32, #tpu.memory_space<vmem>>
      %dma_start3A_411 = tpu.memref_squeeze %dma_start3A_410 : memref<1x64x128xf32, #tpu.memory_space<vmem>> -> memref<64x128xf32, #tpu.memory_space<vmem>>
      %dma_start3A_412 = arith.constant 0 : i32
      %dma_start3A_413 = tpu.memref_slice %arg3[%dma_start3A_412, %multiple_of3A_406] : memref<64x1000000xf32, #tpu.memory_space<hbm>> -> memref<64x128xf32, #tpu.memory_space<hbm>>
      %dma_start3A_414 = arith.constant 0 : i32
      %dma_start3A_415 = arith.constant 0 : i32
      %dma_start3A_416 = tpu.memref_slice %arg7[%dma_start3A_407, %dma_start3A_414, %dma_start3A_415] : memref<8x64x128xf32, #tpu.memory_space<vmem>> -> memref<1x64x128xf32, #tpu.memory_space<vmem>>
      %dma_start3A_417 = tpu.memref_squeeze %dma_start3A_416 : memref<1x64x128xf32, #tpu.memory_space<vmem>> -> memref<64x128xf32, #tpu.memory_space<vmem>>
      %dma_start3A_418 = arith.constant 0 : i32
      %dma_start3A_419 = tpu.memref_slice %arg3[%dma_start3A_418, %multiple_of3A_406] : memref<64x1000000xf32, #tpu.memory_space<hbm>> -> memref<64x128xf32, #tpu.memory_space<hbm>>
      tpu.enqueue_dma source(%dma_start3A_419 : memref<64x128xf32, #tpu.memory_space<hbm>>) target(%dma_start3A_417 : memref<64x128xf32, #tpu.memory_space<vmem>>) target_semaphore(%arg9 : memref<!tpu.dma_semaphore, #tpu.memory_space<semaphore_mem>>)
      %slice3A_420 = vector.extract_strided_slice %get3A_25 {offsets = [9], sizes = [1], strides = [1]} : vector<16xi32> to vector<1xi32>
      %squeeze3A_421 = vector.extract %slice3A_420[0] : i32 from vector<1xi32>
      %multiple_of3A_422 = tpu.assume_multiple %squeeze3A_421, 128 : i32
      %dma_start3A_423 = arith.constant 1 : i32
      %dma_start3A_424 = arith.constant 0 : i32
      %dma_start3A_425 = arith.constant 0 : i32
      %dma_start3A_426 = tpu.memref_slice %arg7[%dma_start3A_423, %dma_start3A_424, %dma_start3A_425] : memref<8x64x128xf32, #tpu.memory_space<vmem>> -> memref<1x64x128xf32, #tpu.memory_space<vmem>>
      %dma_start3A_427 = tpu.memref_squeeze %dma_start3A_426 : memref<1x64x128xf32, #tpu.memory_space<vmem>> -> memref<64x128xf32, #tpu.memory_space<vmem>>
      %dma_start3A_428 = arith.constant 0 : i32
      %dma_start3A_429 = tpu.memref_slice %arg3[%dma_start3A_428, %multiple_of3A_422] : memref<64x1000000xf32, #tpu.memory_space<hbm>> -> memref<64x128xf32, #tpu.memory_space<hbm>>
      %dma_start3A_430 = arith.constant 0 : i32
      %dma_start3A_431 = arith.constant 0 : i32
      %dma_start3A_432 = tpu.memref_slice %arg7[%dma_start3A_423, %dma_start3A_430, %dma_start3A_431] : memref<8x64x128xf32, #tpu.memory_space<vmem>> -> memref<1x64x128xf32, #tpu.memory_space<vmem>>
      %dma_start3A_433 = tpu.memref_squeeze %dma_start3A_432 : memref<1x64x128xf32, #tpu.memory_space<vmem>> -> memref<64x128xf32, #tpu.memory_space<vmem>>
      %dma_start3A_434 = arith.constant 0 : i32
      %dma_start3A_435 = tpu.memref_slice %arg3[%dma_start3A_434, %multiple_of3A_422] : memref<64x1000000xf32, #tpu.memory_space<hbm>> -> memref<64x128xf32, #tpu.memory_space<hbm>>
      tpu.enqueue_dma source(%dma_start3A_435 : memref<64x128xf32, #tpu.memory_space<hbm>>) target(%dma_start3A_433 : memref<64x128xf32, #tpu.memory_space<vmem>>) target_semaphore(%arg9 : memref<!tpu.dma_semaphore, #tpu.memory_space<semaphore_mem>>)
      %slice3A_436 = vector.extract_strided_slice %get3A_25 {offsets = [10], sizes = [1], strides = [1]} : vector<16xi32> to vector<1xi32>
      %squeeze3A_437 = vector.extract %slice3A_436[0] : i32 from vector<1xi32>
      %multiple_of3A_438 = tpu.assume_multiple %squeeze3A_437, 128 : i32
      %dma_start3A_439 = arith.constant 2 : i32
      %dma_start3A_440 = arith.constant 0 : i32
      %dma_start3A_441 = arith.constant 0 : i32
      %dma_start3A_442 = tpu.memref_slice %arg7[%dma_start3A_439, %dma_start3A_440, %dma_start3A_441] : memref<8x64x128xf32, #tpu.memory_space<vmem>> -> memref<1x64x128xf32, #tpu.memory_space<vmem>>
      %dma_start3A_443 = tpu.memref_squeeze %dma_start3A_442 : memref<1x64x128xf32, #tpu.memory_space<vmem>> -> memref<64x128xf32, #tpu.memory_space<vmem>>
      %dma_start3A_444 = arith.constant 0 : i32
      %dma_start3A_445 = tpu.memref_slice %arg3[%dma_start3A_444, %multiple_of3A_438] : memref<64x1000000xf32, #tpu.memory_space<hbm>> -> memref<64x128xf32, #tpu.memory_space<hbm>>
      %dma_start3A_446 = arith.constant 0 : i32
      %dma_start3A_447 = arith.constant 0 : i32
      %dma_start3A_448 = tpu.memref_slice %arg7[%dma_start3A_439, %dma_start3A_446, %dma_start3A_447] : memref<8x64x128xf32, #tpu.memory_space<vmem>> -> memref<1x64x128xf32, #tpu.memory_space<vmem>>
      %dma_start3A_449 = tpu.memref_squeeze %dma_start3A_448 : memref<1x64x128xf32, #tpu.memory_space<vmem>> -> memref<64x128xf32, #tpu.memory_space<vmem>>
      %dma_start3A_450 = arith.constant 0 : i32
      %dma_start3A_451 = tpu.memref_slice %arg3[%dma_start3A_450, %multiple_of3A_438] : memref<64x1000000xf32, #tpu.memory_space<hbm>> -> memref<64x128xf32, #tpu.memory_space<hbm>>
      tpu.enqueue_dma source(%dma_start3A_451 : memref<64x128xf32, #tpu.memory_space<hbm>>) target(%dma_start3A_449 : memref<64x128xf32, #tpu.memory_space<vmem>>) target_semaphore(%arg9 : memref<!tpu.dma_semaphore, #tpu.memory_space<semaphore_mem>>)
      %slice3A_452 = vector.extract_strided_slice %get3A_25 {offsets = [11], sizes = [1], strides = [1]} : vector<16xi32> to vector<1xi32>
      %squeeze3A_453 = vector.extract %slice3A_452[0] : i32 from vector<1xi32>
      %multiple_of3A_454 = tpu.assume_multiple %squeeze3A_453, 128 : i32
      %dma_start3A_455 = arith.constant 3 : i32
      %dma_start3A_456 = arith.constant 0 : i32
      %dma_start3A_457 = arith.constant 0 : i32
      %dma_start3A_458 = tpu.memref_slice %arg7[%dma_start3A_455, %dma_start3A_456, %dma_start3A_457] : memref<8x64x128xf32, #tpu.memory_space<vmem>> -> memref<1x64x128xf32, #tpu.memory_space<vmem>>
      %dma_start3A_459 = tpu.memref_squeeze %dma_start3A_458 : memref<1x64x128xf32, #tpu.memory_space<vmem>> -> memref<64x128xf32, #tpu.memory_space<vmem>>
      %dma_start3A_460 = arith.constant 0 : i32
      %dma_start3A_461 = tpu.memref_slice %arg3[%dma_start3A_460, %multiple_of3A_454] : memref<64x1000000xf32, #tpu.memory_space<hbm>> -> memref<64x128xf32, #tpu.memory_space<hbm>>
      %dma_start3A_462 = arith.constant 0 : i32
      %dma_start3A_463 = arith.constant 0 : i32
      %dma_start3A_464 = tpu.memref_slice %arg7[%dma_start3A_455, %dma_start3A_462, %dma_start3A_463] : memref<8x64x128xf32, #tpu.memory_space<vmem>> -> memref<1x64x128xf32, #tpu.memory_space<vmem>>
      %dma_start3A_465 = tpu.memref_squeeze %dma_start3A_464 : memref<1x64x128xf32, #tpu.memory_space<vmem>> -> memref<64x128xf32, #tpu.memory_space<vmem>>
      %dma_start3A_466 = arith.constant 0 : i32
      %dma_start3A_467 = tpu.memref_slice %arg3[%dma_start3A_466, %multiple_of3A_454] : memref<64x1000000xf32, #tpu.memory_space<hbm>> -> memref<64x128xf32, #tpu.memory_space<hbm>>
      tpu.enqueue_dma source(%dma_start3A_467 : memref<64x128xf32, #tpu.memory_space<hbm>>) target(%dma_start3A_465 : memref<64x128xf32, #tpu.memory_space<vmem>>) target_semaphore(%arg9 : memref<!tpu.dma_semaphore, #tpu.memory_space<semaphore_mem>>)
      %dma_wait3A_468 = arith.constant 4 : i32
      %dma_wait3A_469 = arith.constant 0 : i32
      %dma_wait3A_470 = arith.constant 0 : i32
      %dma_wait3A_471 = tpu.memref_slice %arg7[%dma_wait3A_468, %dma_wait3A_469, %dma_wait3A_470] : memref<8x64x128xf32, #tpu.memory_space<vmem>> -> memref<1x64x128xf32, #tpu.memory_space<vmem>>
      %dma_wait3A_472 = tpu.memref_squeeze %dma_wait3A_471 : memref<1x64x128xf32, #tpu.memory_space<vmem>> -> memref<64x128xf32, #tpu.memory_space<vmem>>
      %dma_wait3A_473 = arith.constant 0 : i32
      %dma_wait3A_474 = tpu.memref_slice %arg3[%dma_wait3A_473, %multiple_of3A_92] : memref<64x1000000xf32, #tpu.memory_space<hbm>> -> memref<64x128xf32, #tpu.memory_space<hbm>>
      %dma_wait3A_475 = arith.constant 0 : i32
      %dma_wait3A_476 = arith.constant 0 : i32
      %dma_wait3A_477 = tpu.memref_slice %arg7[%dma_wait3A_468, %dma_wait3A_475, %dma_wait3A_476] : memref<8x64x128xf32, #tpu.memory_space<vmem>> -> memref<1x64x128xf32, #tpu.memory_space<vmem>>
      %dma_wait3A_478 = tpu.memref_squeeze %dma_wait3A_477 : memref<1x64x128xf32, #tpu.memory_space<vmem>> -> memref<64x128xf32, #tpu.memory_space<vmem>>
      %dma_wait3A_479 = arith.constant 0 : i32
      %dma_wait3A_480 = tpu.memref_slice %arg3[%dma_wait3A_479, %multiple_of3A_92] : memref<64x1000000xf32, #tpu.memory_space<hbm>> -> memref<64x128xf32, #tpu.memory_space<hbm>>
      tpu.wait_dma2 semaphore(%arg9 : memref<!tpu.dma_semaphore, #tpu.memory_space<semaphore_mem>>) src(%dma_wait3A_480 : memref<64x128xf32, #tpu.memory_space<hbm>>) dst(%dma_wait3A_478 : memref<64x128xf32, #tpu.memory_space<vmem>>)
      %dma_wait3A_481 = arith.constant 5 : i32
      %dma_wait3A_482 = arith.constant 0 : i32
      %dma_wait3A_483 = arith.constant 0 : i32
      %dma_wait3A_484 = tpu.memref_slice %arg7[%dma_wait3A_481, %dma_wait3A_482, %dma_wait3A_483] : memref<8x64x128xf32, #tpu.memory_space<vmem>> -> memref<1x64x128xf32, #tpu.memory_space<vmem>>
      %dma_wait3A_485 = tpu.memref_squeeze %dma_wait3A_484 : memref<1x64x128xf32, #tpu.memory_space<vmem>> -> memref<64x128xf32, #tpu.memory_space<vmem>>
      %dma_wait3A_486 = arith.constant 0 : i32
      %dma_wait3A_487 = tpu.memref_slice %arg3[%dma_wait3A_486, %multiple_of3A_108] : memref<64x1000000xf32, #tpu.memory_space<hbm>> -> memref<64x128xf32, #tpu.memory_space<hbm>>
      %dma_wait3A_488 = arith.constant 0 : i32
      %dma_wait3A_489 = arith.constant 0 : i32
      %dma_wait3A_490 = tpu.memref_slice %arg7[%dma_wait3A_481, %dma_wait3A_488, %dma_wait3A_489] : memref<8x64x128xf32, #tpu.memory_space<vmem>> -> memref<1x64x128xf32, #tpu.memory_space<vmem>>
      %dma_wait3A_491 = tpu.memref_squeeze %dma_wait3A_490 : memref<1x64x128xf32, #tpu.memory_space<vmem>> -> memref<64x128xf32, #tpu.memory_space<vmem>>
      %dma_wait3A_492 = arith.constant 0 : i32
      %dma_wait3A_493 = tpu.memref_slice %arg3[%dma_wait3A_492, %multiple_of3A_108] : memref<64x1000000xf32, #tpu.memory_space<hbm>> -> memref<64x128xf32, #tpu.memory_space<hbm>>
      tpu.wait_dma2 semaphore(%arg9 : memref<!tpu.dma_semaphore, #tpu.memory_space<semaphore_mem>>) src(%dma_wait3A_493 : memref<64x128xf32, #tpu.memory_space<hbm>>) dst(%dma_wait3A_491 : memref<64x128xf32, #tpu.memory_space<vmem>>)
      %dma_wait3A_494 = arith.constant 6 : i32
      %dma_wait3A_495 = arith.constant 0 : i32
      %dma_wait3A_496 = arith.constant 0 : i32
      %dma_wait3A_497 = tpu.memref_slice %arg7[%dma_wait3A_494, %dma_wait3A_495, %dma_wait3A_496] : memref<8x64x128xf32, #tpu.memory_space<vmem>> -> memref<1x64x128xf32, #tpu.memory_space<vmem>>
      %dma_wait3A_498 = tpu.memref_squeeze %dma_wait3A_497 : memref<1x64x128xf32, #tpu.memory_space<vmem>> -> memref<64x128xf32, #tpu.memory_space<vmem>>
      %dma_wait3A_499 = arith.constant 0 : i32
      %dma_wait3A_500 = tpu.memref_slice %arg3[%dma_wait3A_499, %multiple_of3A_124] : memref<64x1000000xf32, #tpu.memory_space<hbm>> -> memref<64x128xf32, #tpu.memory_space<hbm>>
      %dma_wait3A_501 = arith.constant 0 : i32
      %dma_wait3A_502 = arith.constant 0 : i32
      %dma_wait3A_503 = tpu.memref_slice %arg7[%dma_wait3A_494, %dma_wait3A_501, %dma_wait3A_502] : memref<8x64x128xf32, #tpu.memory_space<vmem>> -> memref<1x64x128xf32, #tpu.memory_space<vmem>>
      %dma_wait3A_504 = tpu.memref_squeeze %dma_wait3A_503 : memref<1x64x128xf32, #tpu.memory_space<vmem>> -> memref<64x128xf32, #tpu.memory_space<vmem>>
      %dma_wait3A_505 = arith.constant 0 : i32
      %dma_wait3A_506 = tpu.memref_slice %arg3[%dma_wait3A_505, %multiple_of3A_124] : memref<64x1000000xf32, #tpu.memory_space<hbm>> -> memref<64x128xf32, #tpu.memory_space<hbm>>
      tpu.wait_dma2 semaphore(%arg9 : memref<!tpu.dma_semaphore, #tpu.memory_space<semaphore_mem>>) src(%dma_wait3A_506 : memref<64x128xf32, #tpu.memory_space<hbm>>) dst(%dma_wait3A_504 : memref<64x128xf32, #tpu.memory_space<vmem>>)
      %dma_wait3A_507 = arith.constant 7 : i32
      %dma_wait3A_508 = arith.constant 0 : i32
      %dma_wait3A_509 = arith.constant 0 : i32
      %dma_wait3A_510 = tpu.memref_slice %arg7[%dma_wait3A_507, %dma_wait3A_508, %dma_wait3A_509] : memref<8x64x128xf32, #tpu.memory_space<vmem>> -> memref<1x64x128xf32, #tpu.memory_space<vmem>>
      %dma_wait3A_511 = tpu.memref_squeeze %dma_wait3A_510 : memref<1x64x128xf32, #tpu.memory_space<vmem>> -> memref<64x128xf32, #tpu.memory_space<vmem>>
      %dma_wait3A_512 = arith.constant 0 : i32
      %dma_wait3A_513 = tpu.memref_slice %arg3[%dma_wait3A_512, %multiple_of3A_140] : memref<64x1000000xf32, #tpu.memory_space<hbm>> -> memref<64x128xf32, #tpu.memory_space<hbm>>
      %dma_wait3A_514 = arith.constant 0 : i32
      %dma_wait3A_515 = arith.constant 0 : i32
      %dma_wait3A_516 = tpu.memref_slice %arg7[%dma_wait3A_507, %dma_wait3A_514, %dma_wait3A_515] : memref<8x64x128xf32, #tpu.memory_space<vmem>> -> memref<1x64x128xf32, #tpu.memory_space<vmem>>
      %dma_wait3A_517 = tpu.memref_squeeze %dma_wait3A_516 : memref<1x64x128xf32, #tpu.memory_space<vmem>> -> memref<64x128xf32, #tpu.memory_space<vmem>>
      %dma_wait3A_518 = arith.constant 0 : i32
      %dma_wait3A_519 = tpu.memref_slice %arg3[%dma_wait3A_518, %multiple_of3A_140] : memref<64x1000000xf32, #tpu.memory_space<hbm>> -> memref<64x128xf32, #tpu.memory_space<hbm>>
      tpu.wait_dma2 semaphore(%arg9 : memref<!tpu.dma_semaphore, #tpu.memory_space<semaphore_mem>>) src(%dma_wait3A_519 : memref<64x128xf32, #tpu.memory_space<hbm>>) dst(%dma_wait3A_517 : memref<64x128xf32, #tpu.memory_space<vmem>>)
      %sub3A_520 = arith.constant 0 : i32
      %sub3A_521 = arith.subi %scan3A_21, %sub3A_520 : i32
      %broadcast_in_dim3A_522 = arith.constant 0 : i32
      %broadcast_in_dim3A_523 = vector.broadcast %broadcast_in_dim3A_522 : i32 to vector<16xi32>
      %slice3A_524 = vector.extract_strided_slice %get3A_29 {offsets = [4], sizes = [1], strides = [1]} : vector<16xi32> to vector<1xi32>
      %squeeze3A_525 = vector.extract %slice3A_524[0] : i32 from vector<1xi32>
      %add3A_526 = vector.broadcast %squeeze3A_525 : i32 to vector<16xi32>
      %add3A_527 = arith.addi %broadcast_in_dim3A_523, %add3A_526 : vector<16xi32>
      %broadcast_in_dim3A_528 = arith.constant 0 : i32
      %broadcast_in_dim3A_529 = vector.broadcast %broadcast_in_dim3A_528 : i32 to vector<16xi32>
      %mul3A_530 = arith.constant 16 : i32
      %mul3A_531 = arith.muli %sub3A_521, %mul3A_530 : i32
      %add3A_532 = arith.constant 4 : i32
      %add3A_533 = arith.addi %mul3A_531, %add3A_532 : i32
      %add3A_534 = vector.broadcast %add3A_533 : i32 to vector<16xi32>
      %add3A_535 = arith.addi %broadcast_in_dim3A_529, %add3A_534 : vector<16xi32>
      %add3A_536 = arith.constant 0 : i32
      %add3A_537 = vector.broadcast %add3A_536 : i32 to vector<16xi32>
      %add3A_538 = arith.addi %iota3A, %add3A_537 : vector<16xi32>
      %gather3A_539 = arith.constant 4 : i32
      %gather3A_540 = arith.constant 0 : i32
      %gather3A_541 = arith.constant 0 : i32
      %gather3A_542 = tpu.memref_slice %arg7[%gather3A_539, %gather3A_540, %gather3A_541] : memref<8x64x128xf32, #tpu.memory_space<vmem>> -> memref<1x64x128xf32, #tpu.memory_space<vmem>>
      %gather3A_543 = tpu.memref_squeeze %gather3A_542 : memref<1x64x128xf32, #tpu.memory_space<vmem>> -> memref<64x128xf32, #tpu.memory_space<vmem>>
      %gather3A_544 = tpu.vector_load_idx %gather3A_543[%add3A_538, %add3A_527] : memref<64x128xf32, #tpu.memory_space<vmem>>[vector<16xi32>, vector<16xi32>], vector<16xf32>,
      tpu.vector_store_idx %arg8[%add3A_535, %add3A_538], %gather3A_544 : memref<256x64xf32, #tpu.memory_space<vmem>>[vector<16xi32>, vector<16xi32>], vector<16xf32>,
      %add3A_545 = arith.constant 16 : i32
      %add3A_546 = vector.broadcast %add3A_545 : i32 to vector<16xi32>
      %add3A_547 = arith.addi %iota3A, %add3A_546 : vector<16xi32>
      %gather3A_548 = arith.constant 4 : i32
      %gather3A_549 = arith.constant 0 : i32
      %gather3A_550 = arith.constant 0 : i32
      %gather3A_551 = tpu.memref_slice %arg7[%gather3A_548, %gather3A_549, %gather3A_550] : memref<8x64x128xf32, #tpu.memory_space<vmem>> -> memref<1x64x128xf32, #tpu.memory_space<vmem>>
      %gather3A_552 = tpu.memref_squeeze %gather3A_551 : memref<1x64x128xf32, #tpu.memory_space<vmem>> -> memref<64x128xf32, #tpu.memory_space<vmem>>
      %gather3A_553 = tpu.vector_load_idx %gather3A_552[%add3A_547, %add3A_527] : memref<64x128xf32, #tpu.memory_space<vmem>>[vector<16xi32>, vector<16xi32>], vector<16xf32>,
      tpu.vector_store_idx %arg8[%add3A_535, %add3A_547], %gather3A_553 : memref<256x64xf32, #tpu.memory_space<vmem>>[vector<16xi32>, vector<16xi32>], vector<16xf32>,
      %add3A_554 = arith.constant 32 : i32
      %add3A_555 = vector.broadcast %add3A_554 : i32 to vector<16xi32>
      %add3A_556 = arith.addi %iota3A, %add3A_555 : vector<16xi32>
      %gather3A_557 = arith.constant 4 : i32
      %gather3A_558 = arith.constant 0 : i32
      %gather3A_559 = arith.constant 0 : i32
      %gather3A_560 = tpu.memref_slice %arg7[%gather3A_557, %gather3A_558, %gather3A_559] : memref<8x64x128xf32, #tpu.memory_space<vmem>> -> memref<1x64x128xf32, #tpu.memory_space<vmem>>
      %gather3A_561 = tpu.memref_squeeze %gather3A_560 : memref<1x64x128xf32, #tpu.memory_space<vmem>> -> memref<64x128xf32, #tpu.memory_space<vmem>>
      %gather3A_562 = tpu.vector_load_idx %gather3A_561[%add3A_556, %add3A_527] : memref<64x128xf32, #tpu.memory_space<vmem>>[vector<16xi32>, vector<16xi32>], vector<16xf32>,
      tpu.vector_store_idx %arg8[%add3A_535, %add3A_556], %gather3A_562 : memref<256x64xf32, #tpu.memory_space<vmem>>[vector<16xi32>, vector<16xi32>], vector<16xf32>,
      %add3A_563 = arith.constant 48 : i32
      %add3A_564 = vector.broadcast %add3A_563 : i32 to vector<16xi32>
      %add3A_565 = arith.addi %iota3A, %add3A_564 : vector<16xi32>
      %gather3A_566 = arith.constant 4 : i32
      %gather3A_567 = arith.constant 0 : i32
      %gather3A_568 = arith.constant 0 : i32
      %gather3A_569 = tpu.memref_slice %arg7[%gather3A_566, %gather3A_567, %gather3A_568] : memref<8x64x128xf32, #tpu.memory_space<vmem>> -> memref<1x64x128xf32, #tpu.memory_space<vmem>>
      %gather3A_570 = tpu.memref_squeeze %gather3A_569 : memref<1x64x128xf32, #tpu.memory_space<vmem>> -> memref<64x128xf32, #tpu.memory_space<vmem>>
      %gather3A_571 = tpu.vector_load_idx %gather3A_570[%add3A_565, %add3A_527] : memref<64x128xf32, #tpu.memory_space<vmem>>[vector<16xi32>, vector<16xi32>], vector<16xf32>,
      tpu.vector_store_idx %arg8[%add3A_535, %add3A_565], %gather3A_571 : memref<256x64xf32, #tpu.memory_space<vmem>>[vector<16xi32>, vector<16xi32>], vector<16xf32>,
      %broadcast_in_dim3A_572 = arith.constant 0 : i32
      %broadcast_in_dim3A_573 = vector.broadcast %broadcast_in_dim3A_572 : i32 to vector<16xi32>
      %slice3A_574 = vector.extract_strided_slice %get3A_29 {offsets = [5], sizes = [1], strides = [1]} : vector<16xi32> to vector<1xi32>
      %squeeze3A_575 = vector.extract %slice3A_574[0] : i32 from vector<1xi32>
      %add3A_576 = vector.broadcast %squeeze3A_575 : i32 to vector<16xi32>
      %add3A_577 = arith.addi %broadcast_in_dim3A_573, %add3A_576 : vector<16xi32>
      %broadcast_in_dim3A_578 = arith.constant 0 : i32
      %broadcast_in_dim3A_579 = vector.broadcast %broadcast_in_dim3A_578 : i32 to vector<16xi32>
      %mul3A_580 = arith.constant 16 : i32
      %mul3A_581 = arith.muli %sub3A_521, %mul3A_580 : i32
      %add3A_582 = arith.constant 5 : i32
      %add3A_583 = arith.addi %mul3A_581, %add3A_582 : i32
      %add3A_584 = vector.broadcast %add3A_583 : i32 to vector<16xi32>
      %add3A_585 = arith.addi %broadcast_in_dim3A_579, %add3A_584 : vector<16xi32>
      %add3A_586 = arith.constant 0 : i32
      %add3A_587 = vector.broadcast %add3A_586 : i32 to vector<16xi32>
      %add3A_588 = arith.addi %iota3A, %add3A_587 : vector<16xi32>
      %gather3A_589 = arith.constant 5 : i32
      %gather3A_590 = arith.constant 0 : i32
      %gather3A_591 = arith.constant 0 : i32
      %gather3A_592 = tpu.memref_slice %arg7[%gather3A_589, %gather3A_590, %gather3A_591] : memref<8x64x128xf32, #tpu.memory_space<vmem>> -> memref<1x64x128xf32, #tpu.memory_space<vmem>>
      %gather3A_593 = tpu.memref_squeeze %gather3A_592 : memref<1x64x128xf32, #tpu.memory_space<vmem>> -> memref<64x128xf32, #tpu.memory_space<vmem>>
      %gather3A_594 = tpu.vector_load_idx %gather3A_593[%add3A_588, %add3A_577] : memref<64x128xf32, #tpu.memory_space<vmem>>[vector<16xi32>, vector<16xi32>], vector<16xf32>,
      tpu.vector_store_idx %arg8[%add3A_585, %add3A_588], %gather3A_594 : memref<256x64xf32, #tpu.memory_space<vmem>>[vector<16xi32>, vector<16xi32>], vector<16xf32>,
      %add3A_595 = arith.constant 16 : i32
      %add3A_596 = vector.broadcast %add3A_595 : i32 to vector<16xi32>
      %add3A_597 = arith.addi %iota3A, %add3A_596 : vector<16xi32>
      %gather3A_598 = arith.constant 5 : i32
      %gather3A_599 = arith.constant 0 : i32
      %gather3A_600 = arith.constant 0 : i32
      %gather3A_601 = tpu.memref_slice %arg7[%gather3A_598, %gather3A_599, %gather3A_600] : memref<8x64x128xf32, #tpu.memory_space<vmem>> -> memref<1x64x128xf32, #tpu.memory_space<vmem>>
      %gather3A_602 = tpu.memref_squeeze %gather3A_601 : memref<1x64x128xf32, #tpu.memory_space<vmem>> -> memref<64x128xf32, #tpu.memory_space<vmem>>
      %gather3A_603 = tpu.vector_load_idx %gather3A_602[%add3A_597, %add3A_577] : memref<64x128xf32, #tpu.memory_space<vmem>>[vector<16xi32>, vector<16xi32>], vector<16xf32>,
      tpu.vector_store_idx %arg8[%add3A_585, %add3A_597], %gather3A_603 : memref<256x64xf32, #tpu.memory_space<vmem>>[vector<16xi32>, vector<16xi32>], vector<16xf32>,
      %add3A_604 = arith.constant 32 : i32
      %add3A_605 = vector.broadcast %add3A_604 : i32 to vector<16xi32>
      %add3A_606 = arith.addi %iota3A, %add3A_605 : vector<16xi32>
      %gather3A_607 = arith.constant 5 : i32
      %gather3A_608 = arith.constant 0 : i32
      %gather3A_609 = arith.constant 0 : i32
      %gather3A_610 = tpu.memref_slice %arg7[%gather3A_607, %gather3A_608, %gather3A_609] : memref<8x64x128xf32, #tpu.memory_space<vmem>> -> memref<1x64x128xf32, #tpu.memory_space<vmem>>
      %gather3A_611 = tpu.memref_squeeze %gather3A_610 : memref<1x64x128xf32, #tpu.memory_space<vmem>> -> memref<64x128xf32, #tpu.memory_space<vmem>>
      %gather3A_612 = tpu.vector_load_idx %gather3A_611[%add3A_606, %add3A_577] : memref<64x128xf32, #tpu.memory_space<vmem>>[vector<16xi32>, vector<16xi32>], vector<16xf32>,
      tpu.vector_store_idx %arg8[%add3A_585, %add3A_606], %gather3A_612 : memref<256x64xf32, #tpu.memory_space<vmem>>[vector<16xi32>, vector<16xi32>], vector<16xf32>,
      %add3A_613 = arith.constant 48 : i32
      %add3A_614 = vector.broadcast %add3A_613 : i32 to vector<16xi32>
      %add3A_615 = arith.addi %iota3A, %add3A_614 : vector<16xi32>
      %gather3A_616 = arith.constant 5 : i32
      %gather3A_617 = arith.constant 0 : i32
      %gather3A_618 = arith.constant 0 : i32
      %gather3A_619 = tpu.memref_slice %arg7[%gather3A_616, %gather3A_617, %gather3A_618] : memref<8x64x128xf32, #tpu.memory_space<vmem>> -> memref<1x64x128xf32, #tpu.memory_space<vmem>>
      %gather3A_620 = tpu.memref_squeeze %gather3A_619 : memref<1x64x128xf32, #tpu.memory_space<vmem>> -> memref<64x128xf32, #tpu.memory_space<vmem>>
      %gather3A_621 = tpu.vector_load_idx %gather3A_620[%add3A_615, %add3A_577] : memref<64x128xf32, #tpu.memory_space<vmem>>[vector<16xi32>, vector<16xi32>], vector<16xf32>,
      tpu.vector_store_idx %arg8[%add3A_585, %add3A_615], %gather3A_621 : memref<256x64xf32, #tpu.memory_space<vmem>>[vector<16xi32>, vector<16xi32>], vector<16xf32>,
      %broadcast_in_dim3A_622 = arith.constant 0 : i32
      %broadcast_in_dim3A_623 = vector.broadcast %broadcast_in_dim3A_622 : i32 to vector<16xi32>
      %slice3A_624 = vector.extract_strided_slice %get3A_29 {offsets = [6], sizes = [1], strides = [1]} : vector<16xi32> to vector<1xi32>
      %squeeze3A_625 = vector.extract %slice3A_624[0] : i32 from vector<1xi32>
      %add3A_626 = vector.broadcast %squeeze3A_625 : i32 to vector<16xi32>
      %add3A_627 = arith.addi %broadcast_in_dim3A_623, %add3A_626 : vector<16xi32>
      %broadcast_in_dim3A_628 = arith.constant 0 : i32
      %broadcast_in_dim3A_629 = vector.broadcast %broadcast_in_dim3A_628 : i32 to vector<16xi32>
      %mul3A_630 = arith.constant 16 : i32
      %mul3A_631 = arith.muli %sub3A_521, %mul3A_630 : i32
      %add3A_632 = arith.constant 6 : i32
      %add3A_633 = arith.addi %mul3A_631, %add3A_632 : i32
      %add3A_634 = vector.broadcast %add3A_633 : i32 to vector<16xi32>
      %add3A_635 = arith.addi %broadcast_in_dim3A_629, %add3A_634 : vector<16xi32>
      %add3A_636 = arith.constant 0 : i32
      %add3A_637 = vector.broadcast %add3A_636 : i32 to vector<16xi32>
      %add3A_638 = arith.addi %iota3A, %add3A_637 : vector<16xi32>
      %gather3A_639 = arith.constant 6 : i32
      %gather3A_640 = arith.constant 0 : i32
      %gather3A_641 = arith.constant 0 : i32
      %gather3A_642 = tpu.memref_slice %arg7[%gather3A_639, %gather3A_640, %gather3A_641] : memref<8x64x128xf32, #tpu.memory_space<vmem>> -> memref<1x64x128xf32, #tpu.memory_space<vmem>>
      %gather3A_643 = tpu.memref_squeeze %gather3A_642 : memref<1x64x128xf32, #tpu.memory_space<vmem>> -> memref<64x128xf32, #tpu.memory_space<vmem>>
      %gather3A_644 = tpu.vector_load_idx %gather3A_643[%add3A_638, %add3A_627] : memref<64x128xf32, #tpu.memory_space<vmem>>[vector<16xi32>, vector<16xi32>], vector<16xf32>,
      tpu.vector_store_idx %arg8[%add3A_635, %add3A_638], %gather3A_644 : memref<256x64xf32, #tpu.memory_space<vmem>>[vector<16xi32>, vector<16xi32>], vector<16xf32>,
      %add3A_645 = arith.constant 16 : i32
      %add3A_646 = vector.broadcast %add3A_645 : i32 to vector<16xi32>
      %add3A_647 = arith.addi %iota3A, %add3A_646 : vector<16xi32>
      %gather3A_648 = arith.constant 6 : i32
      %gather3A_649 = arith.constant 0 : i32
      %gather3A_650 = arith.constant 0 : i32
      %gather3A_651 = tpu.memref_slice %arg7[%gather3A_648, %gather3A_649, %gather3A_650] : memref<8x64x128xf32, #tpu.memory_space<vmem>> -> memref<1x64x128xf32, #tpu.memory_space<vmem>>
      %gather3A_652 = tpu.memref_squeeze %gather3A_651 : memref<1x64x128xf32, #tpu.memory_space<vmem>> -> memref<64x128xf32, #tpu.memory_space<vmem>>
      %gather3A_653 = tpu.vector_load_idx %gather3A_652[%add3A_647, %add3A_627] : memref<64x128xf32, #tpu.memory_space<vmem>>[vector<16xi32>, vector<16xi32>], vector<16xf32>,
      tpu.vector_store_idx %arg8[%add3A_635, %add3A_647], %gather3A_653 : memref<256x64xf32, #tpu.memory_space<vmem>>[vector<16xi32>, vector<16xi32>], vector<16xf32>,
      %add3A_654 = arith.constant 32 : i32
      %add3A_655 = vector.broadcast %add3A_654 : i32 to vector<16xi32>
      %add3A_656 = arith.addi %iota3A, %add3A_655 : vector<16xi32>
      %gather3A_657 = arith.constant 6 : i32
      %gather3A_658 = arith.constant 0 : i32
      %gather3A_659 = arith.constant 0 : i32
      %gather3A_660 = tpu.memref_slice %arg7[%gather3A_657, %gather3A_658, %gather3A_659] : memref<8x64x128xf32, #tpu.memory_space<vmem>> -> memref<1x64x128xf32, #tpu.memory_space<vmem>>
      %gather3A_661 = tpu.memref_squeeze %gather3A_660 : memref<1x64x128xf32, #tpu.memory_space<vmem>> -> memref<64x128xf32, #tpu.memory_space<vmem>>
      %gather3A_662 = tpu.vector_load_idx %gather3A_661[%add3A_656, %add3A_627] : memref<64x128xf32, #tpu.memory_space<vmem>>[vector<16xi32>, vector<16xi32>], vector<16xf32>,
      tpu.vector_store_idx %arg8[%add3A_635, %add3A_656], %gather3A_662 : memref<256x64xf32, #tpu.memory_space<vmem>>[vector<16xi32>, vector<16xi32>], vector<16xf32>,
      %add3A_663 = arith.constant 48 : i32
      %add3A_664 = vector.broadcast %add3A_663 : i32 to vector<16xi32>
      %add3A_665 = arith.addi %iota3A, %add3A_664 : vector<16xi32>
      %gather3A_666 = arith.constant 6 : i32
      %gather3A_667 = arith.constant 0 : i32
      %gather3A_668 = arith.constant 0 : i32
      %gather3A_669 = tpu.memref_slice %arg7[%gather3A_666, %gather3A_667, %gather3A_668] : memref<8x64x128xf32, #tpu.memory_space<vmem>> -> memref<1x64x128xf32, #tpu.memory_space<vmem>>
      %gather3A_670 = tpu.memref_squeeze %gather3A_669 : memref<1x64x128xf32, #tpu.memory_space<vmem>> -> memref<64x128xf32, #tpu.memory_space<vmem>>
      %gather3A_671 = tpu.vector_load_idx %gather3A_670[%add3A_665, %add3A_627] : memref<64x128xf32, #tpu.memory_space<vmem>>[vector<16xi32>, vector<16xi32>], vector<16xf32>,
      tpu.vector_store_idx %arg8[%add3A_635, %add3A_665], %gather3A_671 : memref<256x64xf32, #tpu.memory_space<vmem>>[vector<16xi32>, vector<16xi32>], vector<16xf32>,
      %broadcast_in_dim3A_672 = arith.constant 0 : i32
      %broadcast_in_dim3A_673 = vector.broadcast %broadcast_in_dim3A_672 : i32 to vector<16xi32>
      %slice3A_674 = vector.extract_strided_slice %get3A_29 {offsets = [7], sizes = [1], strides = [1]} : vector<16xi32> to vector<1xi32>
      %squeeze3A_675 = vector.extract %slice3A_674[0] : i32 from vector<1xi32>
      %add3A_676 = vector.broadcast %squeeze3A_675 : i32 to vector<16xi32>
      %add3A_677 = arith.addi %broadcast_in_dim3A_673, %add3A_676 : vector<16xi32>
      %broadcast_in_dim3A_678 = arith.constant 0 : i32
      %broadcast_in_dim3A_679 = vector.broadcast %broadcast_in_dim3A_678 : i32 to vector<16xi32>
      %mul3A_680 = arith.constant 16 : i32
      %mul3A_681 = arith.muli %sub3A_521, %mul3A_680 : i32
      %add3A_682 = arith.constant 7 : i32
      %add3A_683 = arith.addi %mul3A_681, %add3A_682 : i32
      %add3A_684 = vector.broadcast %add3A_683 : i32 to vector<16xi32>
      %add3A_685 = arith.addi %broadcast_in_dim3A_679, %add3A_684 : vector<16xi32>
      %add3A_686 = arith.constant 0 : i32
      %add3A_687 = vector.broadcast %add3A_686 : i32 to vector<16xi32>
      %add3A_688 = arith.addi %iota3A, %add3A_687 : vector<16xi32>
      %gather3A_689 = arith.constant 7 : i32
      %gather3A_690 = arith.constant 0 : i32
      %gather3A_691 = arith.constant 0 : i32
      %gather3A_692 = tpu.memref_slice %arg7[%gather3A_689, %gather3A_690, %gather3A_691] : memref<8x64x128xf32, #tpu.memory_space<vmem>> -> memref<1x64x128xf32, #tpu.memory_space<vmem>>
      %gather3A_693 = tpu.memref_squeeze %gather3A_692 : memref<1x64x128xf32, #tpu.memory_space<vmem>> -> memref<64x128xf32, #tpu.memory_space<vmem>>
      %gather3A_694 = tpu.vector_load_idx %gather3A_693[%add3A_688, %add3A_677] : memref<64x128xf32, #tpu.memory_space<vmem>>[vector<16xi32>, vector<16xi32>], vector<16xf32>,
      tpu.vector_store_idx %arg8[%add3A_685, %add3A_688], %gather3A_694 : memref<256x64xf32, #tpu.memory_space<vmem>>[vector<16xi32>, vector<16xi32>], vector<16xf32>,
      %add3A_695 = arith.constant 16 : i32
      %add3A_696 = vector.broadcast %add3A_695 : i32 to vector<16xi32>
      %add3A_697 = arith.addi %iota3A, %add3A_696 : vector<16xi32>
      %gather3A_698 = arith.constant 7 : i32
      %gather3A_699 = arith.constant 0 : i32
      %gather3A_700 = arith.constant 0 : i32
      %gather3A_701 = tpu.memref_slice %arg7[%gather3A_698, %gather3A_699, %gather3A_700] : memref<8x64x128xf32, #tpu.memory_space<vmem>> -> memref<1x64x128xf32, #tpu.memory_space<vmem>>
      %gather3A_702 = tpu.memref_squeeze %gather3A_701 : memref<1x64x128xf32, #tpu.memory_space<vmem>> -> memref<64x128xf32, #tpu.memory_space<vmem>>
      %gather3A_703 = tpu.vector_load_idx %gather3A_702[%add3A_697, %add3A_677] : memref<64x128xf32, #tpu.memory_space<vmem>>[vector<16xi32>, vector<16xi32>], vector<16xf32>,
      tpu.vector_store_idx %arg8[%add3A_685, %add3A_697], %gather3A_703 : memref<256x64xf32, #tpu.memory_space<vmem>>[vector<16xi32>, vector<16xi32>], vector<16xf32>,
      %add3A_704 = arith.constant 32 : i32
      %add3A_705 = vector.broadcast %add3A_704 : i32 to vector<16xi32>
      %add3A_706 = arith.addi %iota3A, %add3A_705 : vector<16xi32>
      %gather3A_707 = arith.constant 7 : i32
      %gather3A_708 = arith.constant 0 : i32
      %gather3A_709 = arith.constant 0 : i32
      %gather3A_710 = tpu.memref_slice %arg7[%gather3A_707, %gather3A_708, %gather3A_709] : memref<8x64x128xf32, #tpu.memory_space<vmem>> -> memref<1x64x128xf32, #tpu.memory_space<vmem>>
      %gather3A_711 = tpu.memref_squeeze %gather3A_710 : memref<1x64x128xf32, #tpu.memory_space<vmem>> -> memref<64x128xf32, #tpu.memory_space<vmem>>
      %gather3A_712 = tpu.vector_load_idx %gather3A_711[%add3A_706, %add3A_677] : memref<64x128xf32, #tpu.memory_space<vmem>>[vector<16xi32>, vector<16xi32>], vector<16xf32>,
      tpu.vector_store_idx %arg8[%add3A_685, %add3A_706], %gather3A_712 : memref<256x64xf32, #tpu.memory_space<vmem>>[vector<16xi32>, vector<16xi32>], vector<16xf32>,
      %add3A_713 = arith.constant 48 : i32
      %add3A_714 = vector.broadcast %add3A_713 : i32 to vector<16xi32>
      %add3A_715 = arith.addi %iota3A, %add3A_714 : vector<16xi32>
      %gather3A_716 = arith.constant 7 : i32
      %gather3A_717 = arith.constant 0 : i32
      %gather3A_718 = arith.constant 0 : i32
      %gather3A_719 = tpu.memref_slice %arg7[%gather3A_716, %gather3A_717, %gather3A_718] : memref<8x64x128xf32, #tpu.memory_space<vmem>> -> memref<1x64x128xf32, #tpu.memory_space<vmem>>
      %gather3A_720 = tpu.memref_squeeze %gather3A_719 : memref<1x64x128xf32, #tpu.memory_space<vmem>> -> memref<64x128xf32, #tpu.memory_space<vmem>>
      %gather3A_721 = tpu.vector_load_idx %gather3A_720[%add3A_715, %add3A_677] : memref<64x128xf32, #tpu.memory_space<vmem>>[vector<16xi32>, vector<16xi32>], vector<16xf32>,
      tpu.vector_store_idx %arg8[%add3A_685, %add3A_715], %gather3A_721 : memref<256x64xf32, #tpu.memory_space<vmem>>[vector<16xi32>, vector<16xi32>], vector<16xf32>,
      %slice3A_722 = vector.extract_strided_slice %get3A_25 {offsets = [12], sizes = [1], strides = [1]} : vector<16xi32> to vector<1xi32>
      %squeeze3A_723 = vector.extract %slice3A_722[0] : i32 from vector<1xi32>
      %multiple_of3A_724 = tpu.assume_multiple %squeeze3A_723, 128 : i32
      %dma_start3A_725 = arith.constant 4 : i32
      %dma_start3A_726 = arith.constant 0 : i32
      %dma_start3A_727 = arith.constant 0 : i32
      %dma_start3A_728 = tpu.memref_slice %arg7[%dma_start3A_725, %dma_start3A_726, %dma_start3A_727] : memref<8x64x128xf32, #tpu.memory_space<vmem>> -> memref<1x64x128xf32, #tpu.memory_space<vmem>>
      %dma_start3A_729 = tpu.memref_squeeze %dma_start3A_728 : memref<1x64x128xf32, #tpu.memory_space<vmem>> -> memref<64x128xf32, #tpu.memory_space<vmem>>
      %dma_start3A_730 = arith.constant 0 : i32
      %dma_start3A_731 = tpu.memref_slice %arg3[%dma_start3A_730, %multiple_of3A_724] : memref<64x1000000xf32, #tpu.memory_space<hbm>> -> memref<64x128xf32, #tpu.memory_space<hbm>>
      %dma_start3A_732 = arith.constant 0 : i32
      %dma_start3A_733 = arith.constant 0 : i32
      %dma_start3A_734 = tpu.memref_slice %arg7[%dma_start3A_725, %dma_start3A_732, %dma_start3A_733] : memref<8x64x128xf32, #tpu.memory_space<vmem>> -> memref<1x64x128xf32, #tpu.memory_space<vmem>>
      %dma_start3A_735 = tpu.memref_squeeze %dma_start3A_734 : memref<1x64x128xf32, #tpu.memory_space<vmem>> -> memref<64x128xf32, #tpu.memory_space<vmem>>
      %dma_start3A_736 = arith.constant 0 : i32
      %dma_start3A_737 = tpu.memref_slice %arg3[%dma_start3A_736, %multiple_of3A_724] : memref<64x1000000xf32, #tpu.memory_space<hbm>> -> memref<64x128xf32, #tpu.memory_space<hbm>>
      tpu.enqueue_dma source(%dma_start3A_737 : memref<64x128xf32, #tpu.memory_space<hbm>>) target(%dma_start3A_735 : memref<64x128xf32, #tpu.memory_space<vmem>>) target_semaphore(%arg9 : memref<!tpu.dma_semaphore, #tpu.memory_space<semaphore_mem>>)
      %slice3A_738 = vector.extract_strided_slice %get3A_25 {offsets = [13], sizes = [1], strides = [1]} : vector<16xi32> to vector<1xi32>
      %squeeze3A_739 = vector.extract %slice3A_738[0] : i32 from vector<1xi32>
      %multiple_of3A_740 = tpu.assume_multiple %squeeze3A_739, 128 : i32
      %dma_start3A_741 = arith.constant 5 : i32
      %dma_start3A_742 = arith.constant 0 : i32
      %dma_start3A_743 = arith.constant 0 : i32
      %dma_start3A_744 = tpu.memref_slice %arg7[%dma_start3A_741, %dma_start3A_742, %dma_start3A_743] : memref<8x64x128xf32, #tpu.memory_space<vmem>> -> memref<1x64x128xf32, #tpu.memory_space<vmem>>
      %dma_start3A_745 = tpu.memref_squeeze %dma_start3A_744 : memref<1x64x128xf32, #tpu.memory_space<vmem>> -> memref<64x128xf32, #tpu.memory_space<vmem>>
      %dma_start3A_746 = arith.constant 0 : i32
      %dma_start3A_747 = tpu.memref_slice %arg3[%dma_start3A_746, %multiple_of3A_740] : memref<64x1000000xf32, #tpu.memory_space<hbm>> -> memref<64x128xf32, #tpu.memory_space<hbm>>
      %dma_start3A_748 = arith.constant 0 : i32
      %dma_start3A_749 = arith.constant 0 : i32
      %dma_start3A_750 = tpu.memref_slice %arg7[%dma_start3A_741, %dma_start3A_748, %dma_start3A_749] : memref<8x64x128xf32, #tpu.memory_space<vmem>> -> memref<1x64x128xf32, #tpu.memory_space<vmem>>
      %dma_start3A_751 = tpu.memref_squeeze %dma_start3A_750 : memref<1x64x128xf32, #tpu.memory_space<vmem>> -> memref<64x128xf32, #tpu.memory_space<vmem>>
      %dma_start3A_752 = arith.constant 0 : i32
      %dma_start3A_753 = tpu.memref_slice %arg3[%dma_start3A_752, %multiple_of3A_740] : memref<64x1000000xf32, #tpu.memory_space<hbm>> -> memref<64x128xf32, #tpu.memory_space<hbm>>
      tpu.enqueue_dma source(%dma_start3A_753 : memref<64x128xf32, #tpu.memory_space<hbm>>) target(%dma_start3A_751 : memref<64x128xf32, #tpu.memory_space<vmem>>) target_semaphore(%arg9 : memref<!tpu.dma_semaphore, #tpu.memory_space<semaphore_mem>>)
      %slice3A_754 = vector.extract_strided_slice %get3A_25 {offsets = [14], sizes = [1], strides = [1]} : vector<16xi32> to vector<1xi32>
      %squeeze3A_755 = vector.extract %slice3A_754[0] : i32 from vector<1xi32>
      %multiple_of3A_756 = tpu.assume_multiple %squeeze3A_755, 128 : i32
      %dma_start3A_757 = arith.constant 6 : i32
      %dma_start3A_758 = arith.constant 0 : i32
      %dma_start3A_759 = arith.constant 0 : i32
      %dma_start3A_760 = tpu.memref_slice %arg7[%dma_start3A_757, %dma_start3A_758, %dma_start3A_759] : memref<8x64x128xf32, #tpu.memory_space<vmem>> -> memref<1x64x128xf32, #tpu.memory_space<vmem>>
      %dma_start3A_761 = tpu.memref_squeeze %dma_start3A_760 : memref<1x64x128xf32, #tpu.memory_space<vmem>> -> memref<64x128xf32, #tpu.memory_space<vmem>>
      %dma_start3A_762 = arith.constant 0 : i32
      %dma_start3A_763 = tpu.memref_slice %arg3[%dma_start3A_762, %multiple_of3A_756] : memref<64x1000000xf32, #tpu.memory_space<hbm>> -> memref<64x128xf32, #tpu.memory_space<hbm>>
      %dma_start3A_764 = arith.constant 0 : i32
      %dma_start3A_765 = arith.constant 0 : i32
      %dma_start3A_766 = tpu.memref_slice %arg7[%dma_start3A_757, %dma_start3A_764, %dma_start3A_765] : memref<8x64x128xf32, #tpu.memory_space<vmem>> -> memref<1x64x128xf32, #tpu.memory_space<vmem>>
      %dma_start3A_767 = tpu.memref_squeeze %dma_start3A_766 : memref<1x64x128xf32, #tpu.memory_space<vmem>> -> memref<64x128xf32, #tpu.memory_space<vmem>>
      %dma_start3A_768 = arith.constant 0 : i32
      %dma_start3A_769 = tpu.memref_slice %arg3[%dma_start3A_768, %multiple_of3A_756] : memref<64x1000000xf32, #tpu.memory_space<hbm>> -> memref<64x128xf32, #tpu.memory_space<hbm>>
      tpu.enqueue_dma source(%dma_start3A_769 : memref<64x128xf32, #tpu.memory_space<hbm>>) target(%dma_start3A_767 : memref<64x128xf32, #tpu.memory_space<vmem>>) target_semaphore(%arg9 : memref<!tpu.dma_semaphore, #tpu.memory_space<semaphore_mem>>)
      %slice3A_770 = vector.extract_strided_slice %get3A_25 {offsets = [15], sizes = [1], strides = [1]} : vector<16xi32> to vector<1xi32>
      %squeeze3A_771 = vector.extract %slice3A_770[0] : i32 from vector<1xi32>
      %multiple_of3A_772 = tpu.assume_multiple %squeeze3A_771, 128 : i32
      %dma_start3A_773 = arith.constant 7 : i32
      %dma_start3A_774 = arith.constant 0 : i32
      %dma_start3A_775 = arith.constant 0 : i32
      %dma_start3A_776 = tpu.memref_slice %arg7[%dma_start3A_773, %dma_start3A_774, %dma_start3A_775] : memref<8x64x128xf32, #tpu.memory_space<vmem>> -> memref<1x64x128xf32, #tpu.memory_space<vmem>>
      %dma_start3A_777 = tpu.memref_squeeze %dma_start3A_776 : memref<1x64x128xf32, #tpu.memory_space<vmem>> -> memref<64x128xf32, #tpu.memory_space<vmem>>
      %dma_start3A_778 = arith.constant 0 : i32
      %dma_start3A_779 = tpu.memref_slice %arg3[%dma_start3A_778, %multiple_of3A_772] : memref<64x1000000xf32, #tpu.memory_space<hbm>> -> memref<64x128xf32, #tpu.memory_space<hbm>>
      %dma_start3A_780 = arith.constant 0 : i32
      %dma_start3A_781 = arith.constant 0 : i32
      %dma_start3A_782 = tpu.memref_slice %arg7[%dma_start3A_773, %dma_start3A_780, %dma_start3A_781] : memref<8x64x128xf32, #tpu.memory_space<vmem>> -> memref<1x64x128xf32, #tpu.memory_space<vmem>>
      %dma_start3A_783 = tpu.memref_squeeze %dma_start3A_782 : memref<1x64x128xf32, #tpu.memory_space<vmem>> -> memref<64x128xf32, #tpu.memory_space<vmem>>
      %dma_start3A_784 = arith.constant 0 : i32
      %dma_start3A_785 = tpu.memref_slice %arg3[%dma_start3A_784, %multiple_of3A_772] : memref<64x1000000xf32, #tpu.memory_space<hbm>> -> memref<64x128xf32, #tpu.memory_space<hbm>>
      tpu.enqueue_dma source(%dma_start3A_785 : memref<64x128xf32, #tpu.memory_space<hbm>>) target(%dma_start3A_783 : memref<64x128xf32, #tpu.memory_space<vmem>>) target_semaphore(%arg9 : memref<!tpu.dma_semaphore, #tpu.memory_space<semaphore_mem>>)
      %dma_wait3A_786 = arith.constant 0 : i32
      %dma_wait3A_787 = arith.constant 0 : i32
      %dma_wait3A_788 = arith.constant 0 : i32
      %dma_wait3A_789 = tpu.memref_slice %arg7[%dma_wait3A_786, %dma_wait3A_787, %dma_wait3A_788] : memref<8x64x128xf32, #tpu.memory_space<vmem>> -> memref<1x64x128xf32, #tpu.memory_space<vmem>>
      %dma_wait3A_790 = tpu.memref_squeeze %dma_wait3A_789 : memref<1x64x128xf32, #tpu.memory_space<vmem>> -> memref<64x128xf32, #tpu.memory_space<vmem>>
      %dma_wait3A_791 = arith.constant 0 : i32
      %dma_wait3A_792 = tpu.memref_slice %arg3[%dma_wait3A_791, %multiple_of3A_406] : memref<64x1000000xf32, #tpu.memory_space<hbm>> -> memref<64x128xf32, #tpu.memory_space<hbm>>
      %dma_wait3A_793 = arith.constant 0 : i32
      %dma_wait3A_794 = arith.constant 0 : i32
      %dma_wait3A_795 = tpu.memref_slice %arg7[%dma_wait3A_786, %dma_wait3A_793, %dma_wait3A_794] : memref<8x64x128xf32, #tpu.memory_space<vmem>> -> memref<1x64x128xf32, #tpu.memory_space<vmem>>
      %dma_wait3A_796 = tpu.memref_squeeze %dma_wait3A_795 : memref<1x64x128xf32, #tpu.memory_space<vmem>> -> memref<64x128xf32, #tpu.memory_space<vmem>>
      %dma_wait3A_797 = arith.constant 0 : i32
      %dma_wait3A_798 = tpu.memref_slice %arg3[%dma_wait3A_797, %multiple_of3A_406] : memref<64x1000000xf32, #tpu.memory_space<hbm>> -> memref<64x128xf32, #tpu.memory_space<hbm>>
      tpu.wait_dma2 semaphore(%arg9 : memref<!tpu.dma_semaphore, #tpu.memory_space<semaphore_mem>>) src(%dma_wait3A_798 : memref<64x128xf32, #tpu.memory_space<hbm>>) dst(%dma_wait3A_796 : memref<64x128xf32, #tpu.memory_space<vmem>>)
      %dma_wait3A_799 = arith.constant 1 : i32
      %dma_wait3A_800 = arith.constant 0 : i32
      %dma_wait3A_801 = arith.constant 0 : i32
      %dma_wait3A_802 = tpu.memref_slice %arg7[%dma_wait3A_799, %dma_wait3A_800, %dma_wait3A_801] : memref<8x64x128xf32, #tpu.memory_space<vmem>> -> memref<1x64x128xf32, #tpu.memory_space<vmem>>
      %dma_wait3A_803 = tpu.memref_squeeze %dma_wait3A_802 : memref<1x64x128xf32, #tpu.memory_space<vmem>> -> memref<64x128xf32, #tpu.memory_space<vmem>>
      %dma_wait3A_804 = arith.constant 0 : i32
      %dma_wait3A_805 = tpu.memref_slice %arg3[%dma_wait3A_804, %multiple_of3A_422] : memref<64x1000000xf32, #tpu.memory_space<hbm>> -> memref<64x128xf32, #tpu.memory_space<hbm>>
      %dma_wait3A_806 = arith.constant 0 : i32
      %dma_wait3A_807 = arith.constant 0 : i32
      %dma_wait3A_808 = tpu.memref_slice %arg7[%dma_wait3A_799, %dma_wait3A_806, %dma_wait3A_807] : memref<8x64x128xf32, #tpu.memory_space<vmem>> -> memref<1x64x128xf32, #tpu.memory_space<vmem>>
      %dma_wait3A_809 = tpu.memref_squeeze %dma_wait3A_808 : memref<1x64x128xf32, #tpu.memory_space<vmem>> -> memref<64x128xf32, #tpu.memory_space<vmem>>
      %dma_wait3A_810 = arith.constant 0 : i32
      %dma_wait3A_811 = tpu.memref_slice %arg3[%dma_wait3A_810, %multiple_of3A_422] : memref<64x1000000xf32, #tpu.memory_space<hbm>> -> memref<64x128xf32, #tpu.memory_space<hbm>>
      tpu.wait_dma2 semaphore(%arg9 : memref<!tpu.dma_semaphore, #tpu.memory_space<semaphore_mem>>) src(%dma_wait3A_811 : memref<64x128xf32, #tpu.memory_space<hbm>>) dst(%dma_wait3A_809 : memref<64x128xf32, #tpu.memory_space<vmem>>)
      %dma_wait3A_812 = arith.constant 2 : i32
      %dma_wait3A_813 = arith.constant 0 : i32
      %dma_wait3A_814 = arith.constant 0 : i32
      %dma_wait3A_815 = tpu.memref_slice %arg7[%dma_wait3A_812, %dma_wait3A_813, %dma_wait3A_814] : memref<8x64x128xf32, #tpu.memory_space<vmem>> -> memref<1x64x128xf32, #tpu.memory_space<vmem>>
      %dma_wait3A_816 = tpu.memref_squeeze %dma_wait3A_815 : memref<1x64x128xf32, #tpu.memory_space<vmem>> -> memref<64x128xf32, #tpu.memory_space<vmem>>
      %dma_wait3A_817 = arith.constant 0 : i32
      %dma_wait3A_818 = tpu.memref_slice %arg3[%dma_wait3A_817, %multiple_of3A_438] : memref<64x1000000xf32, #tpu.memory_space<hbm>> -> memref<64x128xf32, #tpu.memory_space<hbm>>
      %dma_wait3A_819 = arith.constant 0 : i32
      %dma_wait3A_820 = arith.constant 0 : i32
      %dma_wait3A_821 = tpu.memref_slice %arg7[%dma_wait3A_812, %dma_wait3A_819, %dma_wait3A_820] : memref<8x64x128xf32, #tpu.memory_space<vmem>> -> memref<1x64x128xf32, #tpu.memory_space<vmem>>
      %dma_wait3A_822 = tpu.memref_squeeze %dma_wait3A_821 : memref<1x64x128xf32, #tpu.memory_space<vmem>> -> memref<64x128xf32, #tpu.memory_space<vmem>>
      %dma_wait3A_823 = arith.constant 0 : i32
      %dma_wait3A_824 = tpu.memref_slice %arg3[%dma_wait3A_823, %multiple_of3A_438] : memref<64x1000000xf32, #tpu.memory_space<hbm>> -> memref<64x128xf32, #tpu.memory_space<hbm>>
      tpu.wait_dma2 semaphore(%arg9 : memref<!tpu.dma_semaphore, #tpu.memory_space<semaphore_mem>>) src(%dma_wait3A_824 : memref<64x128xf32, #tpu.memory_space<hbm>>) dst(%dma_wait3A_822 : memref<64x128xf32, #tpu.memory_space<vmem>>)
      %dma_wait3A_825 = arith.constant 3 : i32
      %dma_wait3A_826 = arith.constant 0 : i32
      %dma_wait3A_827 = arith.constant 0 : i32
      %dma_wait3A_828 = tpu.memref_slice %arg7[%dma_wait3A_825, %dma_wait3A_826, %dma_wait3A_827] : memref<8x64x128xf32, #tpu.memory_space<vmem>> -> memref<1x64x128xf32, #tpu.memory_space<vmem>>
      %dma_wait3A_829 = tpu.memref_squeeze %dma_wait3A_828 : memref<1x64x128xf32, #tpu.memory_space<vmem>> -> memref<64x128xf32, #tpu.memory_space<vmem>>
      %dma_wait3A_830 = arith.constant 0 : i32
      %dma_wait3A_831 = tpu.memref_slice %arg3[%dma_wait3A_830, %multiple_of3A_454] : memref<64x1000000xf32, #tpu.memory_space<hbm>> -> memref<64x128xf32, #tpu.memory_space<hbm>>
      %dma_wait3A_832 = arith.constant 0 : i32
      %dma_wait3A_833 = arith.constant 0 : i32
      %dma_wait3A_834 = tpu.memref_slice %arg7[%dma_wait3A_825, %dma_wait3A_832, %dma_wait3A_833] : memref<8x64x128xf32, #tpu.memory_space<vmem>> -> memref<1x64x128xf32, #tpu.memory_space<vmem>>
      %dma_wait3A_835 = tpu.memref_squeeze %dma_wait3A_834 : memref<1x64x128xf32, #tpu.memory_space<vmem>> -> memref<64x128xf32, #tpu.memory_space<vmem>>
      %dma_wait3A_836 = arith.constant 0 : i32
      %dma_wait3A_837 = tpu.memref_slice %arg3[%dma_wait3A_836, %multiple_of3A_454] : memref<64x1000000xf32, #tpu.memory_space<hbm>> -> memref<64x128xf32, #tpu.memory_space<hbm>>
      tpu.wait_dma2 semaphore(%arg9 : memref<!tpu.dma_semaphore, #tpu.memory_space<semaphore_mem>>) src(%dma_wait3A_837 : memref<64x128xf32, #tpu.memory_space<hbm>>) dst(%dma_wait3A_835 : memref<64x128xf32, #tpu.memory_space<vmem>>)
      %sub3A_838 = arith.constant 0 : i32
      %sub3A_839 = arith.subi %scan3A_21, %sub3A_838 : i32
      %broadcast_in_dim3A_840 = arith.constant 0 : i32
      %broadcast_in_dim3A_841 = vector.broadcast %broadcast_in_dim3A_840 : i32 to vector<16xi32>
      %slice3A_842 = vector.extract_strided_slice %get3A_29 {offsets = [8], sizes = [1], strides = [1]} : vector<16xi32> to vector<1xi32>
      %squeeze3A_843 = vector.extract %slice3A_842[0] : i32 from vector<1xi32>
      %add3A_844 = vector.broadcast %squeeze3A_843 : i32 to vector<16xi32>
      %add3A_845 = arith.addi %broadcast_in_dim3A_841, %add3A_844 : vector<16xi32>
      %broadcast_in_dim3A_846 = arith.constant 0 : i32
      %broadcast_in_dim3A_847 = vector.broadcast %broadcast_in_dim3A_846 : i32 to vector<16xi32>
      %mul3A_848 = arith.constant 16 : i32
      %mul3A_849 = arith.muli %sub3A_839, %mul3A_848 : i32
      %add3A_850 = arith.constant 8 : i32
      %add3A_851 = arith.addi %mul3A_849, %add3A_850 : i32
      %add3A_852 = vector.broadcast %add3A_851 : i32 to vector<16xi32>
      %add3A_853 = arith.addi %broadcast_in_dim3A_847, %add3A_852 : vector<16xi32>
      %add3A_854 = arith.constant 0 : i32
      %add3A_855 = vector.broadcast %add3A_854 : i32 to vector<16xi32>
      %add3A_856 = arith.addi %iota3A, %add3A_855 : vector<16xi32>
      %gather3A_857 = arith.constant 0 : i32
      %gather3A_858 = arith.constant 0 : i32
      %gather3A_859 = arith.constant 0 : i32
      %gather3A_860 = tpu.memref_slice %arg7[%gather3A_857, %gather3A_858, %gather3A_859] : memref<8x64x128xf32, #tpu.memory_space<vmem>> -> memref<1x64x128xf32, #tpu.memory_space<vmem>>
      %gather3A_861 = tpu.memref_squeeze %gather3A_860 : memref<1x64x128xf32, #tpu.memory_space<vmem>> -> memref<64x128xf32, #tpu.memory_space<vmem>>
      %gather3A_862 = tpu.vector_load_idx %gather3A_861[%add3A_856, %add3A_845] : memref<64x128xf32, #tpu.memory_space<vmem>>[vector<16xi32>, vector<16xi32>], vector<16xf32>,
      tpu.vector_store_idx %arg8[%add3A_853, %add3A_856], %gather3A_862 : memref<256x64xf32, #tpu.memory_space<vmem>>[vector<16xi32>, vector<16xi32>], vector<16xf32>,
      %add3A_863 = arith.constant 16 : i32
      %add3A_864 = vector.broadcast %add3A_863 : i32 to vector<16xi32>
      %add3A_865 = arith.addi %iota3A, %add3A_864 : vector<16xi32>
      %gather3A_866 = arith.constant 0 : i32
      %gather3A_867 = arith.constant 0 : i32
      %gather3A_868 = arith.constant 0 : i32
      %gather3A_869 = tpu.memref_slice %arg7[%gather3A_866, %gather3A_867, %gather3A_868] : memref<8x64x128xf32, #tpu.memory_space<vmem>> -> memref<1x64x128xf32, #tpu.memory_space<vmem>>
      %gather3A_870 = tpu.memref_squeeze %gather3A_869 : memref<1x64x128xf32, #tpu.memory_space<vmem>> -> memref<64x128xf32, #tpu.memory_space<vmem>>
      %gather3A_871 = tpu.vector_load_idx %gather3A_870[%add3A_865, %add3A_845] : memref<64x128xf32, #tpu.memory_space<vmem>>[vector<16xi32>, vector<16xi32>], vector<16xf32>,
      tpu.vector_store_idx %arg8[%add3A_853, %add3A_865], %gather3A_871 : memref<256x64xf32, #tpu.memory_space<vmem>>[vector<16xi32>, vector<16xi32>], vector<16xf32>,
      %add3A_872 = arith.constant 32 : i32
      %add3A_873 = vector.broadcast %add3A_872 : i32 to vector<16xi32>
      %add3A_874 = arith.addi %iota3A, %add3A_873 : vector<16xi32>
      %gather3A_875 = arith.constant 0 : i32
      %gather3A_876 = arith.constant 0 : i32
      %gather3A_877 = arith.constant 0 : i32
      %gather3A_878 = tpu.memref_slice %arg7[%gather3A_875, %gather3A_876, %gather3A_877] : memref<8x64x128xf32, #tpu.memory_space<vmem>> -> memref<1x64x128xf32, #tpu.memory_space<vmem>>
      %gather3A_879 = tpu.memref_squeeze %gather3A_878 : memref<1x64x128xf32, #tpu.memory_space<vmem>> -> memref<64x128xf32, #tpu.memory_space<vmem>>
      %gather3A_880 = tpu.vector_load_idx %gather3A_879[%add3A_874, %add3A_845] : memref<64x128xf32, #tpu.memory_space<vmem>>[vector<16xi32>, vector<16xi32>], vector<16xf32>,
      tpu.vector_store_idx %arg8[%add3A_853, %add3A_874], %gather3A_880 : memref<256x64xf32, #tpu.memory_space<vmem>>[vector<16xi32>, vector<16xi32>], vector<16xf32>,
      %add3A_881 = arith.constant 48 : i32
      %add3A_882 = vector.broadcast %add3A_881 : i32 to vector<16xi32>
      %add3A_883 = arith.addi %iota3A, %add3A_882 : vector<16xi32>
      %gather3A_884 = arith.constant 0 : i32
      %gather3A_885 = arith.constant 0 : i32
      %gather3A_886 = arith.constant 0 : i32
      %gather3A_887 = tpu.memref_slice %arg7[%gather3A_884, %gather3A_885, %gather3A_886] : memref<8x64x128xf32, #tpu.memory_space<vmem>> -> memref<1x64x128xf32, #tpu.memory_space<vmem>>
      %gather3A_888 = tpu.memref_squeeze %gather3A_887 : memref<1x64x128xf32, #tpu.memory_space<vmem>> -> memref<64x128xf32, #tpu.memory_space<vmem>>
      %gather3A_889 = tpu.vector_load_idx %gather3A_888[%add3A_883, %add3A_845] : memref<64x128xf32, #tpu.memory_space<vmem>>[vector<16xi32>, vector<16xi32>], vector<16xf32>,
      tpu.vector_store_idx %arg8[%add3A_853, %add3A_883], %gather3A_889 : memref<256x64xf32, #tpu.memory_space<vmem>>[vector<16xi32>, vector<16xi32>], vector<16xf32>,
      %broadcast_in_dim3A_890 = arith.constant 0 : i32
      %broadcast_in_dim3A_891 = vector.broadcast %broadcast_in_dim3A_890 : i32 to vector<16xi32>
      %slice3A_892 = vector.extract_strided_slice %get3A_29 {offsets = [9], sizes = [1], strides = [1]} : vector<16xi32> to vector<1xi32>
      %squeeze3A_893 = vector.extract %slice3A_892[0] : i32 from vector<1xi32>
      %add3A_894 = vector.broadcast %squeeze3A_893 : i32 to vector<16xi32>
      %add3A_895 = arith.addi %broadcast_in_dim3A_891, %add3A_894 : vector<16xi32>
      %broadcast_in_dim3A_896 = arith.constant 0 : i32
      %broadcast_in_dim3A_897 = vector.broadcast %broadcast_in_dim3A_896 : i32 to vector<16xi32>
      %mul3A_898 = arith.constant 16 : i32
      %mul3A_899 = arith.muli %sub3A_839, %mul3A_898 : i32
      %add3A_900 = arith.constant 9 : i32
      %add3A_901 = arith.addi %mul3A_899, %add3A_900 : i32
      %add3A_902 = vector.broadcast %add3A_901 : i32 to vector<16xi32>
      %add3A_903 = arith.addi %broadcast_in_dim3A_897, %add3A_902 : vector<16xi32>
      %add3A_904 = arith.constant 0 : i32
      %add3A_905 = vector.broadcast %add3A_904 : i32 to vector<16xi32>
      %add3A_906 = arith.addi %iota3A, %add3A_905 : vector<16xi32>
      %gather3A_907 = arith.constant 1 : i32
      %gather3A_908 = arith.constant 0 : i32
      %gather3A_909 = arith.constant 0 : i32
      %gather3A_910 = tpu.memref_slice %arg7[%gather3A_907, %gather3A_908, %gather3A_909] : memref<8x64x128xf32, #tpu.memory_space<vmem>> -> memref<1x64x128xf32, #tpu.memory_space<vmem>>
      %gather3A_911 = tpu.memref_squeeze %gather3A_910 : memref<1x64x128xf32, #tpu.memory_space<vmem>> -> memref<64x128xf32, #tpu.memory_space<vmem>>
      %gather3A_912 = tpu.vector_load_idx %gather3A_911[%add3A_906, %add3A_895] : memref<64x128xf32, #tpu.memory_space<vmem>>[vector<16xi32>, vector<16xi32>], vector<16xf32>,
      tpu.vector_store_idx %arg8[%add3A_903, %add3A_906], %gather3A_912 : memref<256x64xf32, #tpu.memory_space<vmem>>[vector<16xi32>, vector<16xi32>], vector<16xf32>,
      %add3A_913 = arith.constant 16 : i32
      %add3A_914 = vector.broadcast %add3A_913 : i32 to vector<16xi32>
      %add3A_915 = arith.addi %iota3A, %add3A_914 : vector<16xi32>
      %gather3A_916 = arith.constant 1 : i32
      %gather3A_917 = arith.constant 0 : i32
      %gather3A_918 = arith.constant 0 : i32
      %gather3A_919 = tpu.memref_slice %arg7[%gather3A_916, %gather3A_917, %gather3A_918] : memref<8x64x128xf32, #tpu.memory_space<vmem>> -> memref<1x64x128xf32, #tpu.memory_space<vmem>>
      %gather3A_920 = tpu.memref_squeeze %gather3A_919 : memref<1x64x128xf32, #tpu.memory_space<vmem>> -> memref<64x128xf32, #tpu.memory_space<vmem>>
      %gather3A_921 = tpu.vector_load_idx %gather3A_920[%add3A_915, %add3A_895] : memref<64x128xf32, #tpu.memory_space<vmem>>[vector<16xi32>, vector<16xi32>], vector<16xf32>,
      tpu.vector_store_idx %arg8[%add3A_903, %add3A_915], %gather3A_921 : memref<256x64xf32, #tpu.memory_space<vmem>>[vector<16xi32>, vector<16xi32>], vector<16xf32>,
      %add3A_922 = arith.constant 32 : i32
      %add3A_923 = vector.broadcast %add3A_922 : i32 to vector<16xi32>
      %add3A_924 = arith.addi %iota3A, %add3A_923 : vector<16xi32>
      %gather3A_925 = arith.constant 1 : i32
      %gather3A_926 = arith.constant 0 : i32
      %gather3A_927 = arith.constant 0 : i32
      %gather3A_928 = tpu.memref_slice %arg7[%gather3A_925, %gather3A_926, %gather3A_927] : memref<8x64x128xf32, #tpu.memory_space<vmem>> -> memref<1x64x128xf32, #tpu.memory_space<vmem>>
      %gather3A_929 = tpu.memref_squeeze %gather3A_928 : memref<1x64x128xf32, #tpu.memory_space<vmem>> -> memref<64x128xf32, #tpu.memory_space<vmem>>
      %gather3A_930 = tpu.vector_load_idx %gather3A_929[%add3A_924, %add3A_895] : memref<64x128xf32, #tpu.memory_space<vmem>>[vector<16xi32>, vector<16xi32>], vector<16xf32>,
      tpu.vector_store_idx %arg8[%add3A_903, %add3A_924], %gather3A_930 : memref<256x64xf32, #tpu.memory_space<vmem>>[vector<16xi32>, vector<16xi32>], vector<16xf32>,
      %add3A_931 = arith.constant 48 : i32
      %add3A_932 = vector.broadcast %add3A_931 : i32 to vector<16xi32>
      %add3A_933 = arith.addi %iota3A, %add3A_932 : vector<16xi32>
      %gather3A_934 = arith.constant 1 : i32
      %gather3A_935 = arith.constant 0 : i32
      %gather3A_936 = arith.constant 0 : i32
      %gather3A_937 = tpu.memref_slice %arg7[%gather3A_934, %gather3A_935, %gather3A_936] : memref<8x64x128xf32, #tpu.memory_space<vmem>> -> memref<1x64x128xf32, #tpu.memory_space<vmem>>
      %gather3A_938 = tpu.memref_squeeze %gather3A_937 : memref<1x64x128xf32, #tpu.memory_space<vmem>> -> memref<64x128xf32, #tpu.memory_space<vmem>>
      %gather3A_939 = tpu.vector_load_idx %gather3A_938[%add3A_933, %add3A_895] : memref<64x128xf32, #tpu.memory_space<vmem>>[vector<16xi32>, vector<16xi32>], vector<16xf32>,
      tpu.vector_store_idx %arg8[%add3A_903, %add3A_933], %gather3A_939 : memref<256x64xf32, #tpu.memory_space<vmem>>[vector<16xi32>, vector<16xi32>], vector<16xf32>,
      %broadcast_in_dim3A_940 = arith.constant 0 : i32
      %broadcast_in_dim3A_941 = vector.broadcast %broadcast_in_dim3A_940 : i32 to vector<16xi32>
      %slice3A_942 = vector.extract_strided_slice %get3A_29 {offsets = [10], sizes = [1], strides = [1]} : vector<16xi32> to vector<1xi32>
      %squeeze3A_943 = vector.extract %slice3A_942[0] : i32 from vector<1xi32>
      %add3A_944 = vector.broadcast %squeeze3A_943 : i32 to vector<16xi32>
      %add3A_945 = arith.addi %broadcast_in_dim3A_941, %add3A_944 : vector<16xi32>
      %broadcast_in_dim3A_946 = arith.constant 0 : i32
      %broadcast_in_dim3A_947 = vector.broadcast %broadcast_in_dim3A_946 : i32 to vector<16xi32>
      %mul3A_948 = arith.constant 16 : i32
      %mul3A_949 = arith.muli %sub3A_839, %mul3A_948 : i32
      %add3A_950 = arith.constant 10 : i32
      %add3A_951 = arith.addi %mul3A_949, %add3A_950 : i32
      %add3A_952 = vector.broadcast %add3A_951 : i32 to vector<16xi32>
      %add3A_953 = arith.addi %broadcast_in_dim3A_947, %add3A_952 : vector<16xi32>
      %add3A_954 = arith.constant 0 : i32
      %add3A_955 = vector.broadcast %add3A_954 : i32 to vector<16xi32>
      %add3A_956 = arith.addi %iota3A, %add3A_955 : vector<16xi32>
      %gather3A_957 = arith.constant 2 : i32
      %gather3A_958 = arith.constant 0 : i32
      %gather3A_959 = arith.constant 0 : i32
      %gather3A_960 = tpu.memref_slice %arg7[%gather3A_957, %gather3A_958, %gather3A_959] : memref<8x64x128xf32, #tpu.memory_space<vmem>> -> memref<1x64x128xf32, #tpu.memory_space<vmem>>
      %gather3A_961 = tpu.memref_squeeze %gather3A_960 : memref<1x64x128xf32, #tpu.memory_space<vmem>> -> memref<64x128xf32, #tpu.memory_space<vmem>>
      %gather3A_962 = tpu.vector_load_idx %gather3A_961[%add3A_956, %add3A_945] : memref<64x128xf32, #tpu.memory_space<vmem>>[vector<16xi32>, vector<16xi32>], vector<16xf32>,
      tpu.vector_store_idx %arg8[%add3A_953, %add3A_956], %gather3A_962 : memref<256x64xf32, #tpu.memory_space<vmem>>[vector<16xi32>, vector<16xi32>], vector<16xf32>,
      %add3A_963 = arith.constant 16 : i32
      %add3A_964 = vector.broadcast %add3A_963 : i32 to vector<16xi32>
      %add3A_965 = arith.addi %iota3A, %add3A_964 : vector<16xi32>
      %gather3A_966 = arith.constant 2 : i32
      %gather3A_967 = arith.constant 0 : i32
      %gather3A_968 = arith.constant 0 : i32
      %gather3A_969 = tpu.memref_slice %arg7[%gather3A_966, %gather3A_967, %gather3A_968] : memref<8x64x128xf32, #tpu.memory_space<vmem>> -> memref<1x64x128xf32, #tpu.memory_space<vmem>>
      %gather3A_970 = tpu.memref_squeeze %gather3A_969 : memref<1x64x128xf32, #tpu.memory_space<vmem>> -> memref<64x128xf32, #tpu.memory_space<vmem>>
      %gather3A_971 = tpu.vector_load_idx %gather3A_970[%add3A_965, %add3A_945] : memref<64x128xf32, #tpu.memory_space<vmem>>[vector<16xi32>, vector<16xi32>], vector<16xf32>,
      tpu.vector_store_idx %arg8[%add3A_953, %add3A_965], %gather3A_971 : memref<256x64xf32, #tpu.memory_space<vmem>>[vector<16xi32>, vector<16xi32>], vector<16xf32>,
      %add3A_972 = arith.constant 32 : i32
      %add3A_973 = vector.broadcast %add3A_972 : i32 to vector<16xi32>
      %add3A_974 = arith.addi %iota3A, %add3A_973 : vector<16xi32>
      %gather3A_975 = arith.constant 2 : i32
      %gather3A_976 = arith.constant 0 : i32
      %gather3A_977 = arith.constant 0 : i32
      %gather3A_978 = tpu.memref_slice %arg7[%gather3A_975, %gather3A_976, %gather3A_977] : memref<8x64x128xf32, #tpu.memory_space<vmem>> -> memref<1x64x128xf32, #tpu.memory_space<vmem>>
      %gather3A_979 = tpu.memref_squeeze %gather3A_978 : memref<1x64x128xf32, #tpu.memory_space<vmem>> -> memref<64x128xf32, #tpu.memory_space<vmem>>
      %gather3A_980 = tpu.vector_load_idx %gather3A_979[%add3A_974, %add3A_945] : memref<64x128xf32, #tpu.memory_space<vmem>>[vector<16xi32>, vector<16xi32>], vector<16xf32>,
      tpu.vector_store_idx %arg8[%add3A_953, %add3A_974], %gather3A_980 : memref<256x64xf32, #tpu.memory_space<vmem>>[vector<16xi32>, vector<16xi32>], vector<16xf32>,
      %add3A_981 = arith.constant 48 : i32
      %add3A_982 = vector.broadcast %add3A_981 : i32 to vector<16xi32>
      %add3A_983 = arith.addi %iota3A, %add3A_982 : vector<16xi32>
      %gather3A_984 = arith.constant 2 : i32
      %gather3A_985 = arith.constant 0 : i32
      %gather3A_986 = arith.constant 0 : i32
      %gather3A_987 = tpu.memref_slice %arg7[%gather3A_984, %gather3A_985, %gather3A_986] : memref<8x64x128xf32, #tpu.memory_space<vmem>> -> memref<1x64x128xf32, #tpu.memory_space<vmem>>
      %gather3A_988 = tpu.memref_squeeze %gather3A_987 : memref<1x64x128xf32, #tpu.memory_space<vmem>> -> memref<64x128xf32, #tpu.memory_space<vmem>>
      %gather3A_989 = tpu.vector_load_idx %gather3A_988[%add3A_983, %add3A_945] : memref<64x128xf32, #tpu.memory_space<vmem>>[vector<16xi32>, vector<16xi32>], vector<16xf32>,
      tpu.vector_store_idx %arg8[%add3A_953, %add3A_983], %gather3A_989 : memref<256x64xf32, #tpu.memory_space<vmem>>[vector<16xi32>, vector<16xi32>], vector<16xf32>,
      %broadcast_in_dim3A_990 = arith.constant 0 : i32
      %broadcast_in_dim3A_991 = vector.broadcast %broadcast_in_dim3A_990 : i32 to vector<16xi32>
      %slice3A_992 = vector.extract_strided_slice %get3A_29 {offsets = [11], sizes = [1], strides = [1]} : vector<16xi32> to vector<1xi32>
      %squeeze3A_993 = vector.extract %slice3A_992[0] : i32 from vector<1xi32>
      %add3A_994 = vector.broadcast %squeeze3A_993 : i32 to vector<16xi32>
      %add3A_995 = arith.addi %broadcast_in_dim3A_991, %add3A_994 : vector<16xi32>
      %broadcast_in_dim3A_996 = arith.constant 0 : i32
      %broadcast_in_dim3A_997 = vector.broadcast %broadcast_in_dim3A_996 : i32 to vector<16xi32>
      %mul3A_998 = arith.constant 16 : i32
      %mul3A_999 = arith.muli %sub3A_839, %mul3A_998 : i32
      %add3A_1000 = arith.constant 11 : i32
      %add3A_1001 = arith.addi %mul3A_999, %add3A_1000 : i32
      %add3A_1002 = vector.broadcast %add3A_1001 : i32 to vector<16xi32>
      %add3A_1003 = arith.addi %broadcast_in_dim3A_997, %add3A_1002 : vector<16xi32>
      %add3A_1004 = arith.constant 0 : i32
      %add3A_1005 = vector.broadcast %add3A_1004 : i32 to vector<16xi32>
      %add3A_1006 = arith.addi %iota3A, %add3A_1005 : vector<16xi32>
      %gather3A_1007 = arith.constant 3 : i32
      %gather3A_1008 = arith.constant 0 : i32
      %gather3A_1009 = arith.constant 0 : i32
      %gather3A_1010 = tpu.memref_slice %arg7[%gather3A_1007, %gather3A_1008, %gather3A_1009] : memref<8x64x128xf32, #tpu.memory_space<vmem>> -> memref<1x64x128xf32, #tpu.memory_space<vmem>>
      %gather3A_1011 = tpu.memref_squeeze %gather3A_1010 : memref<1x64x128xf32, #tpu.memory_space<vmem>> -> memref<64x128xf32, #tpu.memory_space<vmem>>
      %gather3A_1012 = tpu.vector_load_idx %gather3A_1011[%add3A_1006, %add3A_995] : memref<64x128xf32, #tpu.memory_space<vmem>>[vector<16xi32>, vector<16xi32>], vector<16xf32>,
      tpu.vector_store_idx %arg8[%add3A_1003, %add3A_1006], %gather3A_1012 : memref<256x64xf32, #tpu.memory_space<vmem>>[vector<16xi32>, vector<16xi32>], vector<16xf32>,
      %add3A_1013 = arith.constant 16 : i32
      %add3A_1014 = vector.broadcast %add3A_1013 : i32 to vector<16xi32>
      %add3A_1015 = arith.addi %iota3A, %add3A_1014 : vector<16xi32>
      %gather3A_1016 = arith.constant 3 : i32
      %gather3A_1017 = arith.constant 0 : i32
      %gather3A_1018 = arith.constant 0 : i32
      %gather3A_1019 = tpu.memref_slice %arg7[%gather3A_1016, %gather3A_1017, %gather3A_1018] : memref<8x64x128xf32, #tpu.memory_space<vmem>> -> memref<1x64x128xf32, #tpu.memory_space<vmem>>
      %gather3A_1020 = tpu.memref_squeeze %gather3A_1019 : memref<1x64x128xf32, #tpu.memory_space<vmem>> -> memref<64x128xf32, #tpu.memory_space<vmem>>
      %gather3A_1021 = tpu.vector_load_idx %gather3A_1020[%add3A_1015, %add3A_995] : memref<64x128xf32, #tpu.memory_space<vmem>>[vector<16xi32>, vector<16xi32>], vector<16xf32>,
      tpu.vector_store_idx %arg8[%add3A_1003, %add3A_1015], %gather3A_1021 : memref<256x64xf32, #tpu.memory_space<vmem>>[vector<16xi32>, vector<16xi32>], vector<16xf32>,
      %add3A_1022 = arith.constant 32 : i32
      %add3A_1023 = vector.broadcast %add3A_1022 : i32 to vector<16xi32>
      %add3A_1024 = arith.addi %iota3A, %add3A_1023 : vector<16xi32>
      %gather3A_1025 = arith.constant 3 : i32
      %gather3A_1026 = arith.constant 0 : i32
      %gather3A_1027 = arith.constant 0 : i32
      %gather3A_1028 = tpu.memref_slice %arg7[%gather3A_1025, %gather3A_1026, %gather3A_1027] : memref<8x64x128xf32, #tpu.memory_space<vmem>> -> memref<1x64x128xf32, #tpu.memory_space<vmem>>
      %gather3A_1029 = tpu.memref_squeeze %gather3A_1028 : memref<1x64x128xf32, #tpu.memory_space<vmem>> -> memref<64x128xf32, #tpu.memory_space<vmem>>
      %gather3A_1030 = tpu.vector_load_idx %gather3A_1029[%add3A_1024, %add3A_995] : memref<64x128xf32, #tpu.memory_space<vmem>>[vector<16xi32>, vector<16xi32>], vector<16xf32>,
      tpu.vector_store_idx %arg8[%add3A_1003, %add3A_1024], %gather3A_1030 : memref<256x64xf32, #tpu.memory_space<vmem>>[vector<16xi32>, vector<16xi32>], vector<16xf32>,
      %add3A_1031 = arith.constant 48 : i32
      %add3A_1032 = vector.broadcast %add3A_1031 : i32 to vector<16xi32>
      %add3A_1033 = arith.addi %iota3A, %add3A_1032 : vector<16xi32>
      %gather3A_1034 = arith.constant 3 : i32
      %gather3A_1035 = arith.constant 0 : i32
      %gather3A_1036 = arith.constant 0 : i32
      %gather3A_1037 = tpu.memref_slice %arg7[%gather3A_1034, %gather3A_1035, %gather3A_1036] : memref<8x64x128xf32, #tpu.memory_space<vmem>> -> memref<1x64x128xf32, #tpu.memory_space<vmem>>
      %gather3A_1038 = tpu.memref_squeeze %gather3A_1037 : memref<1x64x128xf32, #tpu.memory_space<vmem>> -> memref<64x128xf32, #tpu.memory_space<vmem>>
      %gather3A_1039 = tpu.vector_load_idx %gather3A_1038[%add3A_1033, %add3A_995] : memref<64x128xf32, #tpu.memory_space<vmem>>[vector<16xi32>, vector<16xi32>], vector<16xf32>,
      tpu.vector_store_idx %arg8[%add3A_1003, %add3A_1033], %gather3A_1039 : memref<256x64xf32, #tpu.memory_space<vmem>>[vector<16xi32>, vector<16xi32>], vector<16xf32>,
      %dma_wait3A_1040 = arith.constant 4 : i32
      %dma_wait3A_1041 = arith.constant 0 : i32
      %dma_wait3A_1042 = arith.constant 0 : i32
      %dma_wait3A_1043 = tpu.memref_slice %arg7[%dma_wait3A_1040, %dma_wait3A_1041, %dma_wait3A_1042] : memref<8x64x128xf32, #tpu.memory_space<vmem>> -> memref<1x64x128xf32, #tpu.memory_space<vmem>>
      %dma_wait3A_1044 = tpu.memref_squeeze %dma_wait3A_1043 : memref<1x64x128xf32, #tpu.memory_space<vmem>> -> memref<64x128xf32, #tpu.memory_space<vmem>>
      %dma_wait3A_1045 = arith.constant 0 : i32
      %dma_wait3A_1046 = tpu.memref_slice %arg3[%dma_wait3A_1045, %multiple_of3A_724] : memref<64x1000000xf32, #tpu.memory_space<hbm>> -> memref<64x128xf32, #tpu.memory_space<hbm>>
      %dma_wait3A_1047 = arith.constant 0 : i32
      %dma_wait3A_1048 = arith.constant 0 : i32
      %dma_wait3A_1049 = tpu.memref_slice %arg7[%dma_wait3A_1040, %dma_wait3A_1047, %dma_wait3A_1048] : memref<8x64x128xf32, #tpu.memory_space<vmem>> -> memref<1x64x128xf32, #tpu.memory_space<vmem>>
      %dma_wait3A_1050 = tpu.memref_squeeze %dma_wait3A_1049 : memref<1x64x128xf32, #tpu.memory_space<vmem>> -> memref<64x128xf32, #tpu.memory_space<vmem>>
      %dma_wait3A_1051 = arith.constant 0 : i32
      %dma_wait3A_1052 = tpu.memref_slice %arg3[%dma_wait3A_1051, %multiple_of3A_724] : memref<64x1000000xf32, #tpu.memory_space<hbm>> -> memref<64x128xf32, #tpu.memory_space<hbm>>
      tpu.wait_dma2 semaphore(%arg9 : memref<!tpu.dma_semaphore, #tpu.memory_space<semaphore_mem>>) src(%dma_wait3A_1052 : memref<64x128xf32, #tpu.memory_space<hbm>>) dst(%dma_wait3A_1050 : memref<64x128xf32, #tpu.memory_space<vmem>>)
      %dma_wait3A_1053 = arith.constant 5 : i32
      %dma_wait3A_1054 = arith.constant 0 : i32
      %dma_wait3A_1055 = arith.constant 0 : i32
      %dma_wait3A_1056 = tpu.memref_slice %arg7[%dma_wait3A_1053, %dma_wait3A_1054, %dma_wait3A_1055] : memref<8x64x128xf32, #tpu.memory_space<vmem>> -> memref<1x64x128xf32, #tpu.memory_space<vmem>>
      %dma_wait3A_1057 = tpu.memref_squeeze %dma_wait3A_1056 : memref<1x64x128xf32, #tpu.memory_space<vmem>> -> memref<64x128xf32, #tpu.memory_space<vmem>>
      %dma_wait3A_1058 = arith.constant 0 : i32
      %dma_wait3A_1059 = tpu.memref_slice %arg3[%dma_wait3A_1058, %multiple_of3A_740] : memref<64x1000000xf32, #tpu.memory_space<hbm>> -> memref<64x128xf32, #tpu.memory_space<hbm>>
      %dma_wait3A_1060 = arith.constant 0 : i32
      %dma_wait3A_1061 = arith.constant 0 : i32
      %dma_wait3A_1062 = tpu.memref_slice %arg7[%dma_wait3A_1053, %dma_wait3A_1060, %dma_wait3A_1061] : memref<8x64x128xf32, #tpu.memory_space<vmem>> -> memref<1x64x128xf32, #tpu.memory_space<vmem>>
      %dma_wait3A_1063 = tpu.memref_squeeze %dma_wait3A_1062 : memref<1x64x128xf32, #tpu.memory_space<vmem>> -> memref<64x128xf32, #tpu.memory_space<vmem>>
      %dma_wait3A_1064 = arith.constant 0 : i32
      %dma_wait3A_1065 = tpu.memref_slice %arg3[%dma_wait3A_1064, %multiple_of3A_740] : memref<64x1000000xf32, #tpu.memory_space<hbm>> -> memref<64x128xf32, #tpu.memory_space<hbm>>
      tpu.wait_dma2 semaphore(%arg9 : memref<!tpu.dma_semaphore, #tpu.memory_space<semaphore_mem>>) src(%dma_wait3A_1065 : memref<64x128xf32, #tpu.memory_space<hbm>>) dst(%dma_wait3A_1063 : memref<64x128xf32, #tpu.memory_space<vmem>>)
      %dma_wait3A_1066 = arith.constant 6 : i32
      %dma_wait3A_1067 = arith.constant 0 : i32
      %dma_wait3A_1068 = arith.constant 0 : i32
      %dma_wait3A_1069 = tpu.memref_slice %arg7[%dma_wait3A_1066, %dma_wait3A_1067, %dma_wait3A_1068] : memref<8x64x128xf32, #tpu.memory_space<vmem>> -> memref<1x64x128xf32, #tpu.memory_space<vmem>>
      %dma_wait3A_1070 = tpu.memref_squeeze %dma_wait3A_1069 : memref<1x64x128xf32, #tpu.memory_space<vmem>> -> memref<64x128xf32, #tpu.memory_space<vmem>>
      %dma_wait3A_1071 = arith.constant 0 : i32
      %dma_wait3A_1072 = tpu.memref_slice %arg3[%dma_wait3A_1071, %multiple_of3A_756] : memref<64x1000000xf32, #tpu.memory_space<hbm>> -> memref<64x128xf32, #tpu.memory_space<hbm>>
      %dma_wait3A_1073 = arith.constant 0 : i32
      %dma_wait3A_1074 = arith.constant 0 : i32
      %dma_wait3A_1075 = tpu.memref_slice %arg7[%dma_wait3A_1066, %dma_wait3A_1073, %dma_wait3A_1074] : memref<8x64x128xf32, #tpu.memory_space<vmem>> -> memref<1x64x128xf32, #tpu.memory_space<vmem>>
      %dma_wait3A_1076 = tpu.memref_squeeze %dma_wait3A_1075 : memref<1x64x128xf32, #tpu.memory_space<vmem>> -> memref<64x128xf32, #tpu.memory_space<vmem>>
      %dma_wait3A_1077 = arith.constant 0 : i32
      %dma_wait3A_1078 = tpu.memref_slice %arg3[%dma_wait3A_1077, %multiple_of3A_756] : memref<64x1000000xf32, #tpu.memory_space<hbm>> -> memref<64x128xf32, #tpu.memory_space<hbm>>
      tpu.wait_dma2 semaphore(%arg9 : memref<!tpu.dma_semaphore, #tpu.memory_space<semaphore_mem>>) src(%dma_wait3A_1078 : memref<64x128xf32, #tpu.memory_space<hbm>>) dst(%dma_wait3A_1076 : memref<64x128xf32, #tpu.memory_space<vmem>>)
      %dma_wait3A_1079 = arith.constant 7 : i32
      %dma_wait3A_1080 = arith.constant 0 : i32
      %dma_wait3A_1081 = arith.constant 0 : i32
      %dma_wait3A_1082 = tpu.memref_slice %arg7[%dma_wait3A_1079, %dma_wait3A_1080, %dma_wait3A_1081] : memref<8x64x128xf32, #tpu.memory_space<vmem>> -> memref<1x64x128xf32, #tpu.memory_space<vmem>>
      %dma_wait3A_1083 = tpu.memref_squeeze %dma_wait3A_1082 : memref<1x64x128xf32, #tpu.memory_space<vmem>> -> memref<64x128xf32, #tpu.memory_space<vmem>>
      %dma_wait3A_1084 = arith.constant 0 : i32
      %dma_wait3A_1085 = tpu.memref_slice %arg3[%dma_wait3A_1084, %multiple_of3A_772] : memref<64x1000000xf32, #tpu.memory_space<hbm>> -> memref<64x128xf32, #tpu.memory_space<hbm>>
      %dma_wait3A_1086 = arith.constant 0 : i32
      %dma_wait3A_1087 = arith.constant 0 : i32
      %dma_wait3A_1088 = tpu.memref_slice %arg7[%dma_wait3A_1079, %dma_wait3A_1086, %dma_wait3A_1087] : memref<8x64x128xf32, #tpu.memory_space<vmem>> -> memref<1x64x128xf32, #tpu.memory_space<vmem>>
      %dma_wait3A_1089 = tpu.memref_squeeze %dma_wait3A_1088 : memref<1x64x128xf32, #tpu.memory_space<vmem>> -> memref<64x128xf32, #tpu.memory_space<vmem>>
      %dma_wait3A_1090 = arith.constant 0 : i32
      %dma_wait3A_1091 = tpu.memref_slice %arg3[%dma_wait3A_1090, %multiple_of3A_772] : memref<64x1000000xf32, #tpu.memory_space<hbm>> -> memref<64x128xf32, #tpu.memory_space<hbm>>
      tpu.wait_dma2 semaphore(%arg9 : memref<!tpu.dma_semaphore, #tpu.memory_space<semaphore_mem>>) src(%dma_wait3A_1091 : memref<64x128xf32, #tpu.memory_space<hbm>>) dst(%dma_wait3A_1089 : memref<64x128xf32, #tpu.memory_space<vmem>>)
      %sub3A_1092 = arith.constant 0 : i32
      %sub3A_1093 = arith.subi %scan3A_21, %sub3A_1092 : i32
      %broadcast_in_dim3A_1094 = arith.constant 0 : i32
      %broadcast_in_dim3A_1095 = vector.broadcast %broadcast_in_dim3A_1094 : i32 to vector<16xi32>
      %slice3A_1096 = vector.extract_strided_slice %get3A_29 {offsets = [12], sizes = [1], strides = [1]} : vector<16xi32> to vector<1xi32>
      %squeeze3A_1097 = vector.extract %slice3A_1096[0] : i32 from vector<1xi32>
      %add3A_1098 = vector.broadcast %squeeze3A_1097 : i32 to vector<16xi32>
      %add3A_1099 = arith.addi %broadcast_in_dim3A_1095, %add3A_1098 : vector<16xi32>
      %broadcast_in_dim3A_1100 = arith.constant 0 : i32
      %broadcast_in_dim3A_1101 = vector.broadcast %broadcast_in_dim3A_1100 : i32 to vector<16xi32>
      %mul3A_1102 = arith.constant 16 : i32
      %mul3A_1103 = arith.muli %sub3A_1093, %mul3A_1102 : i32
      %add3A_1104 = arith.constant 12 : i32
      %add3A_1105 = arith.addi %mul3A_1103, %add3A_1104 : i32
      %add3A_1106 = vector.broadcast %add3A_1105 : i32 to vector<16xi32>
      %add3A_1107 = arith.addi %broadcast_in_dim3A_1101, %add3A_1106 : vector<16xi32>
      %add3A_1108 = arith.constant 0 : i32
      %add3A_1109 = vector.broadcast %add3A_1108 : i32 to vector<16xi32>
      %add3A_1110 = arith.addi %iota3A, %add3A_1109 : vector<16xi32>
      %gather3A_1111 = arith.constant 4 : i32
      %gather3A_1112 = arith.constant 0 : i32
      %gather3A_1113 = arith.constant 0 : i32
      %gather3A_1114 = tpu.memref_slice %arg7[%gather3A_1111, %gather3A_1112, %gather3A_1113] : memref<8x64x128xf32, #tpu.memory_space<vmem>> -> memref<1x64x128xf32, #tpu.memory_space<vmem>>
      %gather3A_1115 = tpu.memref_squeeze %gather3A_1114 : memref<1x64x128xf32, #tpu.memory_space<vmem>> -> memref<64x128xf32, #tpu.memory_space<vmem>>
      %gather3A_1116 = tpu.vector_load_idx %gather3A_1115[%add3A_1110, %add3A_1099] : memref<64x128xf32, #tpu.memory_space<vmem>>[vector<16xi32>, vector<16xi32>], vector<16xf32>,
      tpu.vector_store_idx %arg8[%add3A_1107, %add3A_1110], %gather3A_1116 : memref<256x64xf32, #tpu.memory_space<vmem>>[vector<16xi32>, vector<16xi32>], vector<16xf32>,
      %add3A_1117 = arith.constant 16 : i32
      %add3A_1118 = vector.broadcast %add3A_1117 : i32 to vector<16xi32>
      %add3A_1119 = arith.addi %iota3A, %add3A_1118 : vector<16xi32>
      %gather3A_1120 = arith.constant 4 : i32
      %gather3A_1121 = arith.constant 0 : i32
      %gather3A_1122 = arith.constant 0 : i32
      %gather3A_1123 = tpu.memref_slice %arg7[%gather3A_1120, %gather3A_1121, %gather3A_1122] : memref<8x64x128xf32, #tpu.memory_space<vmem>> -> memref<1x64x128xf32, #tpu.memory_space<vmem>>
      %gather3A_1124 = tpu.memref_squeeze %gather3A_1123 : memref<1x64x128xf32, #tpu.memory_space<vmem>> -> memref<64x128xf32, #tpu.memory_space<vmem>>
      %gather3A_1125 = tpu.vector_load_idx %gather3A_1124[%add3A_1119, %add3A_1099] : memref<64x128xf32, #tpu.memory_space<vmem>>[vector<16xi32>, vector<16xi32>], vector<16xf32>,
      tpu.vector_store_idx %arg8[%add3A_1107, %add3A_1119], %gather3A_1125 : memref<256x64xf32, #tpu.memory_space<vmem>>[vector<16xi32>, vector<16xi32>], vector<16xf32>,
      %add3A_1126 = arith.constant 32 : i32
      %add3A_1127 = vector.broadcast %add3A_1126 : i32 to vector<16xi32>
      %add3A_1128 = arith.addi %iota3A, %add3A_1127 : vector<16xi32>
      %gather3A_1129 = arith.constant 4 : i32
      %gather3A_1130 = arith.constant 0 : i32
      %gather3A_1131 = arith.constant 0 : i32
      %gather3A_1132 = tpu.memref_slice %arg7[%gather3A_1129, %gather3A_1130, %gather3A_1131] : memref<8x64x128xf32, #tpu.memory_space<vmem>> -> memref<1x64x128xf32, #tpu.memory_space<vmem>>
      %gather3A_1133 = tpu.memref_squeeze %gather3A_1132 : memref<1x64x128xf32, #tpu.memory_space<vmem>> -> memref<64x128xf32, #tpu.memory_space<vmem>>
      %gather3A_1134 = tpu.vector_load_idx %gather3A_1133[%add3A_1128, %add3A_1099] : memref<64x128xf32, #tpu.memory_space<vmem>>[vector<16xi32>, vector<16xi32>], vector<16xf32>,
      tpu.vector_store_idx %arg8[%add3A_1107, %add3A_1128], %gather3A_1134 : memref<256x64xf32, #tpu.memory_space<vmem>>[vector<16xi32>, vector<16xi32>], vector<16xf32>,
      %add3A_1135 = arith.constant 48 : i32
      %add3A_1136 = vector.broadcast %add3A_1135 : i32 to vector<16xi32>
      %add3A_1137 = arith.addi %iota3A, %add3A_1136 : vector<16xi32>
      %gather3A_1138 = arith.constant 4 : i32
      %gather3A_1139 = arith.constant 0 : i32
      %gather3A_1140 = arith.constant 0 : i32
      %gather3A_1141 = tpu.memref_slice %arg7[%gather3A_1138, %gather3A_1139, %gather3A_1140] : memref<8x64x128xf32, #tpu.memory_space<vmem>> -> memref<1x64x128xf32, #tpu.memory_space<vmem>>
      %gather3A_1142 = tpu.memref_squeeze %gather3A_1141 : memref<1x64x128xf32, #tpu.memory_space<vmem>> -> memref<64x128xf32, #tpu.memory_space<vmem>>
      %gather3A_1143 = tpu.vector_load_idx %gather3A_1142[%add3A_1137, %add3A_1099] : memref<64x128xf32, #tpu.memory_space<vmem>>[vector<16xi32>, vector<16xi32>], vector<16xf32>,
      tpu.vector_store_idx %arg8[%add3A_1107, %add3A_1137], %gather3A_1143 : memref<256x64xf32, #tpu.memory_space<vmem>>[vector<16xi32>, vector<16xi32>], vector<16xf32>,
      %broadcast_in_dim3A_1144 = arith.constant 0 : i32
      %broadcast_in_dim3A_1145 = vector.broadcast %broadcast_in_dim3A_1144 : i32 to vector<16xi32>
      %slice3A_1146 = vector.extract_strided_slice %get3A_29 {offsets = [13], sizes = [1], strides = [1]} : vector<16xi32> to vector<1xi32>
      %squeeze3A_1147 = vector.extract %slice3A_1146[0] : i32 from vector<1xi32>
      %add3A_1148 = vector.broadcast %squeeze3A_1147 : i32 to vector<16xi32>
      %add3A_1149 = arith.addi %broadcast_in_dim3A_1145, %add3A_1148 : vector<16xi32>
      %broadcast_in_dim3A_1150 = arith.constant 0 : i32
      %broadcast_in_dim3A_1151 = vector.broadcast %broadcast_in_dim3A_1150 : i32 to vector<16xi32>
      %mul3A_1152 = arith.constant 16 : i32
      %mul3A_1153 = arith.muli %sub3A_1093, %mul3A_1152 : i32
      %add3A_1154 = arith.constant 13 : i32
      %add3A_1155 = arith.addi %mul3A_1153, %add3A_1154 : i32
      %add3A_1156 = vector.broadcast %add3A_1155 : i32 to vector<16xi32>
      %add3A_1157 = arith.addi %broadcast_in_dim3A_1151, %add3A_1156 : vector<16xi32>
      %add3A_1158 = arith.constant 0 : i32
      %add3A_1159 = vector.broadcast %add3A_1158 : i32 to vector<16xi32>
      %add3A_1160 = arith.addi %iota3A, %add3A_1159 : vector<16xi32>
      %gather3A_1161 = arith.constant 5 : i32
      %gather3A_1162 = arith.constant 0 : i32
      %gather3A_1163 = arith.constant 0 : i32
      %gather3A_1164 = tpu.memref_slice %arg7[%gather3A_1161, %gather3A_1162, %gather3A_1163] : memref<8x64x128xf32, #tpu.memory_space<vmem>> -> memref<1x64x128xf32, #tpu.memory_space<vmem>>
      %gather3A_1165 = tpu.memref_squeeze %gather3A_1164 : memref<1x64x128xf32, #tpu.memory_space<vmem>> -> memref<64x128xf32, #tpu.memory_space<vmem>>
      %gather3A_1166 = tpu.vector_load_idx %gather3A_1165[%add3A_1160, %add3A_1149] : memref<64x128xf32, #tpu.memory_space<vmem>>[vector<16xi32>, vector<16xi32>], vector<16xf32>,
      tpu.vector_store_idx %arg8[%add3A_1157, %add3A_1160], %gather3A_1166 : memref<256x64xf32, #tpu.memory_space<vmem>>[vector<16xi32>, vector<16xi32>], vector<16xf32>,
      %add3A_1167 = arith.constant 16 : i32
      %add3A_1168 = vector.broadcast %add3A_1167 : i32 to vector<16xi32>
      %add3A_1169 = arith.addi %iota3A, %add3A_1168 : vector<16xi32>
      %gather3A_1170 = arith.constant 5 : i32
      %gather3A_1171 = arith.constant 0 : i32
      %gather3A_1172 = arith.constant 0 : i32
      %gather3A_1173 = tpu.memref_slice %arg7[%gather3A_1170, %gather3A_1171, %gather3A_1172] : memref<8x64x128xf32, #tpu.memory_space<vmem>> -> memref<1x64x128xf32, #tpu.memory_space<vmem>>
      %gather3A_1174 = tpu.memref_squeeze %gather3A_1173 : memref<1x64x128xf32, #tpu.memory_space<vmem>> -> memref<64x128xf32, #tpu.memory_space<vmem>>
      %gather3A_1175 = tpu.vector_load_idx %gather3A_1174[%add3A_1169, %add3A_1149] : memref<64x128xf32, #tpu.memory_space<vmem>>[vector<16xi32>, vector<16xi32>], vector<16xf32>,
      tpu.vector_store_idx %arg8[%add3A_1157, %add3A_1169], %gather3A_1175 : memref<256x64xf32, #tpu.memory_space<vmem>>[vector<16xi32>, vector<16xi32>], vector<16xf32>,
      %add3A_1176 = arith.constant 32 : i32
      %add3A_1177 = vector.broadcast %add3A_1176 : i32 to vector<16xi32>
      %add3A_1178 = arith.addi %iota3A, %add3A_1177 : vector<16xi32>
      %gather3A_1179 = arith.constant 5 : i32
      %gather3A_1180 = arith.constant 0 : i32
      %gather3A_1181 = arith.constant 0 : i32
      %gather3A_1182 = tpu.memref_slice %arg7[%gather3A_1179, %gather3A_1180, %gather3A_1181] : memref<8x64x128xf32, #tpu.memory_space<vmem>> -> memref<1x64x128xf32, #tpu.memory_space<vmem>>
      %gather3A_1183 = tpu.memref_squeeze %gather3A_1182 : memref<1x64x128xf32, #tpu.memory_space<vmem>> -> memref<64x128xf32, #tpu.memory_space<vmem>>
      %gather3A_1184 = tpu.vector_load_idx %gather3A_1183[%add3A_1178, %add3A_1149] : memref<64x128xf32, #tpu.memory_space<vmem>>[vector<16xi32>, vector<16xi32>], vector<16xf32>,
      tpu.vector_store_idx %arg8[%add3A_1157, %add3A_1178], %gather3A_1184 : memref<256x64xf32, #tpu.memory_space<vmem>>[vector<16xi32>, vector<16xi32>], vector<16xf32>,
      %add3A_1185 = arith.constant 48 : i32
      %add3A_1186 = vector.broadcast %add3A_1185 : i32 to vector<16xi32>
      %add3A_1187 = arith.addi %iota3A, %add3A_1186 : vector<16xi32>
      %gather3A_1188 = arith.constant 5 : i32
      %gather3A_1189 = arith.constant 0 : i32
      %gather3A_1190 = arith.constant 0 : i32
      %gather3A_1191 = tpu.memref_slice %arg7[%gather3A_1188, %gather3A_1189, %gather3A_1190] : memref<8x64x128xf32, #tpu.memory_space<vmem>> -> memref<1x64x128xf32, #tpu.memory_space<vmem>>
      %gather3A_1192 = tpu.memref_squeeze %gather3A_1191 : memref<1x64x128xf32, #tpu.memory_space<vmem>> -> memref<64x128xf32, #tpu.memory_space<vmem>>
      %gather3A_1193 = tpu.vector_load_idx %gather3A_1192[%add3A_1187, %add3A_1149] : memref<64x128xf32, #tpu.memory_space<vmem>>[vector<16xi32>, vector<16xi32>], vector<16xf32>,
      tpu.vector_store_idx %arg8[%add3A_1157, %add3A_1187], %gather3A_1193 : memref<256x64xf32, #tpu.memory_space<vmem>>[vector<16xi32>, vector<16xi32>], vector<16xf32>,
      %broadcast_in_dim3A_1194 = arith.constant 0 : i32
      %broadcast_in_dim3A_1195 = vector.broadcast %broadcast_in_dim3A_1194 : i32 to vector<16xi32>
      %slice3A_1196 = vector.extract_strided_slice %get3A_29 {offsets = [14], sizes = [1], strides = [1]} : vector<16xi32> to vector<1xi32>
      %squeeze3A_1197 = vector.extract %slice3A_1196[0] : i32 from vector<1xi32>
      %add3A_1198 = vector.broadcast %squeeze3A_1197 : i32 to vector<16xi32>
      %add3A_1199 = arith.addi %broadcast_in_dim3A_1195, %add3A_1198 : vector<16xi32>
      %broadcast_in_dim3A_1200 = arith.constant 0 : i32
      %broadcast_in_dim3A_1201 = vector.broadcast %broadcast_in_dim3A_1200 : i32 to vector<16xi32>
      %mul3A_1202 = arith.constant 16 : i32
      %mul3A_1203 = arith.muli %sub3A_1093, %mul3A_1202 : i32
      %add3A_1204 = arith.constant 14 : i32
      %add3A_1205 = arith.addi %mul3A_1203, %add3A_1204 : i32
      %add3A_1206 = vector.broadcast %add3A_1205 : i32 to vector<16xi32>
      %add3A_1207 = arith.addi %broadcast_in_dim3A_1201, %add3A_1206 : vector<16xi32>
      %add3A_1208 = arith.constant 0 : i32
      %add3A_1209 = vector.broadcast %add3A_1208 : i32 to vector<16xi32>
      %add3A_1210 = arith.addi %iota3A, %add3A_1209 : vector<16xi32>
      %gather3A_1211 = arith.constant 6 : i32
      %gather3A_1212 = arith.constant 0 : i32
      %gather3A_1213 = arith.constant 0 : i32
      %gather3A_1214 = tpu.memref_slice %arg7[%gather3A_1211, %gather3A_1212, %gather3A_1213] : memref<8x64x128xf32, #tpu.memory_space<vmem>> -> memref<1x64x128xf32, #tpu.memory_space<vmem>>
      %gather3A_1215 = tpu.memref_squeeze %gather3A_1214 : memref<1x64x128xf32, #tpu.memory_space<vmem>> -> memref<64x128xf32, #tpu.memory_space<vmem>>
      %gather3A_1216 = tpu.vector_load_idx %gather3A_1215[%add3A_1210, %add3A_1199] : memref<64x128xf32, #tpu.memory_space<vmem>>[vector<16xi32>, vector<16xi32>], vector<16xf32>,
      tpu.vector_store_idx %arg8[%add3A_1207, %add3A_1210], %gather3A_1216 : memref<256x64xf32, #tpu.memory_space<vmem>>[vector<16xi32>, vector<16xi32>], vector<16xf32>,
      %add3A_1217 = arith.constant 16 : i32
      %add3A_1218 = vector.broadcast %add3A_1217 : i32 to vector<16xi32>
      %add3A_1219 = arith.addi %iota3A, %add3A_1218 : vector<16xi32>
      %gather3A_1220 = arith.constant 6 : i32
      %gather3A_1221 = arith.constant 0 : i32
      %gather3A_1222 = arith.constant 0 : i32
      %gather3A_1223 = tpu.memref_slice %arg7[%gather3A_1220, %gather3A_1221, %gather3A_1222] : memref<8x64x128xf32, #tpu.memory_space<vmem>> -> memref<1x64x128xf32, #tpu.memory_space<vmem>>
      %gather3A_1224 = tpu.memref_squeeze %gather3A_1223 : memref<1x64x128xf32, #tpu.memory_space<vmem>> -> memref<64x128xf32, #tpu.memory_space<vmem>>
      %gather3A_1225 = tpu.vector_load_idx %gather3A_1224[%add3A_1219, %add3A_1199] : memref<64x128xf32, #tpu.memory_space<vmem>>[vector<16xi32>, vector<16xi32>], vector<16xf32>,
      tpu.vector_store_idx %arg8[%add3A_1207, %add3A_1219], %gather3A_1225 : memref<256x64xf32, #tpu.memory_space<vmem>>[vector<16xi32>, vector<16xi32>], vector<16xf32>,
      %add3A_1226 = arith.constant 32 : i32
      %add3A_1227 = vector.broadcast %add3A_1226 : i32 to vector<16xi32>
      %add3A_1228 = arith.addi %iota3A, %add3A_1227 : vector<16xi32>
      %gather3A_1229 = arith.constant 6 : i32
      %gather3A_1230 = arith.constant 0 : i32
      %gather3A_1231 = arith.constant 0 : i32
      %gather3A_1232 = tpu.memref_slice %arg7[%gather3A_1229, %gather3A_1230, %gather3A_1231] : memref<8x64x128xf32, #tpu.memory_space<vmem>> -> memref<1x64x128xf32, #tpu.memory_space<vmem>>
      %gather3A_1233 = tpu.memref_squeeze %gather3A_1232 : memref<1x64x128xf32, #tpu.memory_space<vmem>> -> memref<64x128xf32, #tpu.memory_space<vmem>>
      %gather3A_1234 = tpu.vector_load_idx %gather3A_1233[%add3A_1228, %add3A_1199] : memref<64x128xf32, #tpu.memory_space<vmem>>[vector<16xi32>, vector<16xi32>], vector<16xf32>,
      tpu.vector_store_idx %arg8[%add3A_1207, %add3A_1228], %gather3A_1234 : memref<256x64xf32, #tpu.memory_space<vmem>>[vector<16xi32>, vector<16xi32>], vector<16xf32>,
      %add3A_1235 = arith.constant 48 : i32
      %add3A_1236 = vector.broadcast %add3A_1235 : i32 to vector<16xi32>
      %add3A_1237 = arith.addi %iota3A, %add3A_1236 : vector<16xi32>
      %gather3A_1238 = arith.constant 6 : i32
      %gather3A_1239 = arith.constant 0 : i32
      %gather3A_1240 = arith.constant 0 : i32
      %gather3A_1241 = tpu.memref_slice %arg7[%gather3A_1238, %gather3A_1239, %gather3A_1240] : memref<8x64x128xf32, #tpu.memory_space<vmem>> -> memref<1x64x128xf32, #tpu.memory_space<vmem>>
      %gather3A_1242 = tpu.memref_squeeze %gather3A_1241 : memref<1x64x128xf32, #tpu.memory_space<vmem>> -> memref<64x128xf32, #tpu.memory_space<vmem>>
      %gather3A_1243 = tpu.vector_load_idx %gather3A_1242[%add3A_1237, %add3A_1199] : memref<64x128xf32, #tpu.memory_space<vmem>>[vector<16xi32>, vector<16xi32>], vector<16xf32>,
      tpu.vector_store_idx %arg8[%add3A_1207, %add3A_1237], %gather3A_1243 : memref<256x64xf32, #tpu.memory_space<vmem>>[vector<16xi32>, vector<16xi32>], vector<16xf32>,
      %broadcast_in_dim3A_1244 = arith.constant 0 : i32
      %broadcast_in_dim3A_1245 = vector.broadcast %broadcast_in_dim3A_1244 : i32 to vector<16xi32>
      %slice3A_1246 = vector.extract_strided_slice %get3A_29 {offsets = [15], sizes = [1], strides = [1]} : vector<16xi32> to vector<1xi32>
      %squeeze3A_1247 = vector.extract %slice3A_1246[0] : i32 from vector<1xi32>
      %add3A_1248 = vector.broadcast %squeeze3A_1247 : i32 to vector<16xi32>
      %add3A_1249 = arith.addi %broadcast_in_dim3A_1245, %add3A_1248 : vector<16xi32>
      %broadcast_in_dim3A_1250 = arith.constant 0 : i32
      %broadcast_in_dim3A_1251 = vector.broadcast %broadcast_in_dim3A_1250 : i32 to vector<16xi32>
      %mul3A_1252 = arith.constant 16 : i32
      %mul3A_1253 = arith.muli %sub3A_1093, %mul3A_1252 : i32
      %add3A_1254 = arith.constant 15 : i32
      %add3A_1255 = arith.addi %mul3A_1253, %add3A_1254 : i32
      %add3A_1256 = vector.broadcast %add3A_1255 : i32 to vector<16xi32>
      %add3A_1257 = arith.addi %broadcast_in_dim3A_1251, %add3A_1256 : vector<16xi32>
      %add3A_1258 = arith.constant 0 : i32
      %add3A_1259 = vector.broadcast %add3A_1258 : i32 to vector<16xi32>
      %add3A_1260 = arith.addi %iota3A, %add3A_1259 : vector<16xi32>
      %gather3A_1261 = arith.constant 7 : i32
      %gather3A_1262 = arith.constant 0 : i32
      %gather3A_1263 = arith.constant 0 : i32
      %gather3A_1264 = tpu.memref_slice %arg7[%gather3A_1261, %gather3A_1262, %gather3A_1263] : memref<8x64x128xf32, #tpu.memory_space<vmem>> -> memref<1x64x128xf32, #tpu.memory_space<vmem>>
      %gather3A_1265 = tpu.memref_squeeze %gather3A_1264 : memref<1x64x128xf32, #tpu.memory_space<vmem>> -> memref<64x128xf32, #tpu.memory_space<vmem>>
      %gather3A_1266 = tpu.vector_load_idx %gather3A_1265[%add3A_1260, %add3A_1249] : memref<64x128xf32, #tpu.memory_space<vmem>>[vector<16xi32>, vector<16xi32>], vector<16xf32>,
      tpu.vector_store_idx %arg8[%add3A_1257, %add3A_1260], %gather3A_1266 : memref<256x64xf32, #tpu.memory_space<vmem>>[vector<16xi32>, vector<16xi32>], vector<16xf32>,
      %add3A_1267 = arith.constant 16 : i32
      %add3A_1268 = vector.broadcast %add3A_1267 : i32 to vector<16xi32>
      %add3A_1269 = arith.addi %iota3A, %add3A_1268 : vector<16xi32>
      %gather3A_1270 = arith.constant 7 : i32
      %gather3A_1271 = arith.constant 0 : i32
      %gather3A_1272 = arith.constant 0 : i32
      %gather3A_1273 = tpu.memref_slice %arg7[%gather3A_1270, %gather3A_1271, %gather3A_1272] : memref<8x64x128xf32, #tpu.memory_space<vmem>> -> memref<1x64x128xf32, #tpu.memory_space<vmem>>
      %gather3A_1274 = tpu.memref_squeeze %gather3A_1273 : memref<1x64x128xf32, #tpu.memory_space<vmem>> -> memref<64x128xf32, #tpu.memory_space<vmem>>
      %gather3A_1275 = tpu.vector_load_idx %gather3A_1274[%add3A_1269, %add3A_1249] : memref<64x128xf32, #tpu.memory_space<vmem>>[vector<16xi32>, vector<16xi32>], vector<16xf32>,
      tpu.vector_store_idx %arg8[%add3A_1257, %add3A_1269], %gather3A_1275 : memref<256x64xf32, #tpu.memory_space<vmem>>[vector<16xi32>, vector<16xi32>], vector<16xf32>,
      %add3A_1276 = arith.constant 32 : i32
      %add3A_1277 = vector.broadcast %add3A_1276 : i32 to vector<16xi32>
      %add3A_1278 = arith.addi %iota3A, %add3A_1277 : vector<16xi32>
      %gather3A_1279 = arith.constant 7 : i32
      %gather3A_1280 = arith.constant 0 : i32
      %gather3A_1281 = arith.constant 0 : i32
      %gather3A_1282 = tpu.memref_slice %arg7[%gather3A_1279, %gather3A_1280, %gather3A_1281] : memref<8x64x128xf32, #tpu.memory_space<vmem>> -> memref<1x64x128xf32, #tpu.memory_space<vmem>>
      %gather3A_1283 = tpu.memref_squeeze %gather3A_1282 : memref<1x64x128xf32, #tpu.memory_space<vmem>> -> memref<64x128xf32, #tpu.memory_space<vmem>>
      %gather3A_1284 = tpu.vector_load_idx %gather3A_1283[%add3A_1278, %add3A_1249] : memref<64x128xf32, #tpu.memory_space<vmem>>[vector<16xi32>, vector<16xi32>], vector<16xf32>,
      tpu.vector_store_idx %arg8[%add3A_1257, %add3A_1278], %gather3A_1284 : memref<256x64xf32, #tpu.memory_space<vmem>>[vector<16xi32>, vector<16xi32>], vector<16xf32>,
      %add3A_1285 = arith.constant 48 : i32
      %add3A_1286 = vector.broadcast %add3A_1285 : i32 to vector<16xi32>
      %add3A_1287 = arith.addi %iota3A, %add3A_1286 : vector<16xi32>
      %gather3A_1288 = arith.constant 7 : i32
      %gather3A_1289 = arith.constant 0 : i32
      %gather3A_1290 = arith.constant 0 : i32
      %gather3A_1291 = tpu.memref_slice %arg7[%gather3A_1288, %gather3A_1289, %gather3A_1290] : memref<8x64x128xf32, #tpu.memory_space<vmem>> -> memref<1x64x128xf32, #tpu.memory_space<vmem>>
      %gather3A_1292 = tpu.memref_squeeze %gather3A_1291 : memref<1x64x128xf32, #tpu.memory_space<vmem>> -> memref<64x128xf32, #tpu.memory_space<vmem>>
      %gather3A_1293 = tpu.vector_load_idx %gather3A_1292[%add3A_1287, %add3A_1249] : memref<64x128xf32, #tpu.memory_space<vmem>>[vector<16xi32>, vector<16xi32>], vector<16xf32>,
      tpu.vector_store_idx %arg8[%add3A_1257, %add3A_1287], %gather3A_1293 : memref<256x64xf32, #tpu.memory_space<vmem>>[vector<16xi32>, vector<16xi32>], vector<16xf32>,
      %scan3A_1294 = arith.constant 0 : i32
      scf.yield %scan3A_1294 : i32
    }
    %scan3A_9 = arith.constant 16 : i32
    %add3A_10 = arith.constant 0 : i32
    %add3A_11 = arith.addi %mul3A_2, %add3A_10 : i32
    "tpu.region"() ({
      %run_scoped3A_21 = tpu.sem_alloc : memref<!tpu.dma_semaphore, #tpu.memory_space<semaphore_mem>>
      %dma_start3A = arith.constant 0 : i32
      %dma_start3A_22 = tpu.memref_slice %arg4[%add3A_11, %dma_start3A] : memref<16384x64xf32, #tpu.memory_space<hbm>> -> memref<256x64xf32, #tpu.memory_space<hbm>>
      %dma_start3A_23 = arith.constant 0 : i32
      %dma_start3A_24 = tpu.memref_slice %arg4[%add3A_11, %dma_start3A_23] : memref<16384x64xf32, #tpu.memory_space<hbm>> -> memref<256x64xf32, #tpu.memory_space<hbm>>
      tpu.enqueue_dma source(%arg8 : memref<256x64xf32, #tpu.memory_space<vmem>>) target(%dma_start3A_24 : memref<256x64xf32, #tpu.memory_space<hbm>>) target_semaphore(%run_scoped3A_21 : memref<!tpu.dma_semaphore, #tpu.memory_space<semaphore_mem>>)
      %dma_wait3A = arith.constant 0 : i32
      %dma_wait3A_25 = tpu.memref_slice %arg4[%add3A_11, %dma_wait3A] : memref<16384x64xf32, #tpu.memory_space<hbm>> -> memref<256x64xf32, #tpu.memory_space<hbm>>
      %dma_wait3A_26 = arith.constant 0 : i32
      %dma_wait3A_27 = tpu.memref_slice %arg4[%add3A_11, %dma_wait3A_26] : memref<16384x64xf32, #tpu.memory_space<hbm>> -> memref<256x64xf32, #tpu.memory_space<hbm>>
      tpu.wait_dma2 semaphore(%run_scoped3A_21 : memref<!tpu.dma_semaphore, #tpu.memory_space<semaphore_mem>>) src(%arg8 : memref<256x64xf32, #tpu.memory_space<vmem>>) dst(%dma_wait3A_27 : memref<256x64xf32, #tpu.memory_space<hbm>>)
      tpu.yield
    }) : () -> ()
    %scan3A_12 = arith.constant 0 : i32
    %scan3A_13 = arith.constant 16 : i32
    %scan3A_14 = arith.constant 16 : i32
    %scan3A_15 = arith.addi %scan3A_13, %scan3A_14 : i32
    %scan3A_16 = arith.constant 1 : i32
    %scan3A_17 = scf.for %scan3A_21 = %scan3A_13 to %scan3A_15 step %scan3A_16 iter_args(%scan3A_22 = %scan3A_12) -> (i32)  : i32 {
      %mul3A_23 = arith.constant 16 : i32
      %mul3A_24 = arith.muli %scan3A_21, %mul3A_23 : i32
      %get3A = arith.index_cast %mul3A_24 : i32 to index
      %get3A_25 = tpu.vector_load %arg5[%get3A] {strides = array<i32>} : memref<512xi32, #tpu.memory_space<vmem>>, vector<16xi32>,
      %mul3A_26 = arith.constant 16 : i32
      %mul3A_27 = arith.muli %scan3A_21, %mul3A_26 : i32
      %get3A_28 = arith.index_cast %mul3A_27 : i32 to index
      %get3A_29 = tpu.vector_load %arg6[%get3A_28] {strides = array<i32>} : memref<512xi32, #tpu.memory_space<vmem>>, vector<16xi32>,
      %slice3A = vector.extract_strided_slice %get3A_25 {offsets = [0], sizes = [1], strides = [1]} : vector<16xi32> to vector<1xi32>
      %squeeze3A = vector.extract %slice3A[0] : i32 from vector<1xi32>
      %multiple_of3A = tpu.assume_multiple %squeeze3A, 128 : i32
      %dma_start3A = arith.constant 0 : i32
      %dma_start3A_30 = arith.constant 0 : i32
      %dma_start3A_31 = arith.constant 0 : i32
      %dma_start3A_32 = tpu.memref_slice %arg7[%dma_start3A, %dma_start3A_30, %dma_start3A_31] : memref<8x64x128xf32, #tpu.memory_space<vmem>> -> memref<1x64x128xf32, #tpu.memory_space<vmem>>
      %dma_start3A_33 = tpu.memref_squeeze %dma_start3A_32 : memref<1x64x128xf32, #tpu.memory_space<vmem>> -> memref<64x128xf32, #tpu.memory_space<vmem>>
      %dma_start3A_34 = arith.constant 0 : i32
      %dma_start3A_35 = tpu.memref_slice %arg3[%dma_start3A_34, %multiple_of3A] : memref<64x1000000xf32, #tpu.memory_space<hbm>> -> memref<64x128xf32, #tpu.memory_space<hbm>>
      %dma_start3A_36 = arith.constant 0 : i32
      %dma_start3A_37 = arith.constant 0 : i32
      %dma_start3A_38 = tpu.memref_slice %arg7[%dma_start3A, %dma_start3A_36, %dma_start3A_37] : memref<8x64x128xf32, #tpu.memory_space<vmem>> -> memref<1x64x128xf32, #tpu.memory_space<vmem>>
      %dma_start3A_39 = tpu.memref_squeeze %dma_start3A_38 : memref<1x64x128xf32, #tpu.memory_space<vmem>> -> memref<64x128xf32, #tpu.memory_space<vmem>>
      %dma_start3A_40 = arith.constant 0 : i32
      %dma_start3A_41 = tpu.memref_slice %arg3[%dma_start3A_40, %multiple_of3A] : memref<64x1000000xf32, #tpu.memory_space<hbm>> -> memref<64x128xf32, #tpu.memory_space<hbm>>
      tpu.enqueue_dma source(%dma_start3A_41 : memref<64x128xf32, #tpu.memory_space<hbm>>) target(%dma_start3A_39 : memref<64x128xf32, #tpu.memory_space<vmem>>) target_semaphore(%arg9 : memref<!tpu.dma_semaphore, #tpu.memory_space<semaphore_mem>>)
      %slice3A_42 = vector.extract_strided_slice %get3A_25 {offsets = [1], sizes = [1], strides = [1]} : vector<16xi32> to vector<1xi32>
      %squeeze3A_43 = vector.extract %slice3A_42[0] : i32 from vector<1xi32>
      %multiple_of3A_44 = tpu.assume_multiple %squeeze3A_43, 128 : i32
      %dma_start3A_45 = arith.constant 1 : i32
      %dma_start3A_46 = arith.constant 0 : i32
      %dma_start3A_47 = arith.constant 0 : i32
      %dma_start3A_48 = tpu.memref_slice %arg7[%dma_start3A_45, %dma_start3A_46, %dma_start3A_47] : memref<8x64x128xf32, #tpu.memory_space<vmem>> -> memref<1x64x128xf32, #tpu.memory_space<vmem>>
      %dma_start3A_49 = tpu.memref_squeeze %dma_start3A_48 : memref<1x64x128xf32, #tpu.memory_space<vmem>> -> memref<64x128xf32, #tpu.memory_space<vmem>>
      %dma_start3A_50 = arith.constant 0 : i32
      %dma_start3A_51 = tpu.memref_slice %arg3[%dma_start3A_50, %multiple_of3A_44] : memref<64x1000000xf32, #tpu.memory_space<hbm>> -> memref<64x128xf32, #tpu.memory_space<hbm>>
      %dma_start3A_52 = arith.constant 0 : i32
      %dma_start3A_53 = arith.constant 0 : i32
      %dma_start3A_54 = tpu.memref_slice %arg7[%dma_start3A_45, %dma_start3A_52, %dma_start3A_53] : memref<8x64x128xf32, #tpu.memory_space<vmem>> -> memref<1x64x128xf32, #tpu.memory_space<vmem>>
      %dma_start3A_55 = tpu.memref_squeeze %dma_start3A_54 : memref<1x64x128xf32, #tpu.memory_space<vmem>> -> memref<64x128xf32, #tpu.memory_space<vmem>>
      %dma_start3A_56 = arith.constant 0 : i32
      %dma_start3A_57 = tpu.memref_slice %arg3[%dma_start3A_56, %multiple_of3A_44] : memref<64x1000000xf32, #tpu.memory_space<hbm>> -> memref<64x128xf32, #tpu.memory_space<hbm>>
      tpu.enqueue_dma source(%dma_start3A_57 : memref<64x128xf32, #tpu.memory_space<hbm>>) target(%dma_start3A_55 : memref<64x128xf32, #tpu.memory_space<vmem>>) target_semaphore(%arg9 : memref<!tpu.dma_semaphore, #tpu.memory_space<semaphore_mem>>)
      %slice3A_58 = vector.extract_strided_slice %get3A_25 {offsets = [2], sizes = [1], strides = [1]} : vector<16xi32> to vector<1xi32>
      %squeeze3A_59 = vector.extract %slice3A_58[0] : i32 from vector<1xi32>
      %multiple_of3A_60 = tpu.assume_multiple %squeeze3A_59, 128 : i32
      %dma_start3A_61 = arith.constant 2 : i32
      %dma_start3A_62 = arith.constant 0 : i32
      %dma_start3A_63 = arith.constant 0 : i32
      %dma_start3A_64 = tpu.memref_slice %arg7[%dma_start3A_61, %dma_start3A_62, %dma_start3A_63] : memref<8x64x128xf32, #tpu.memory_space<vmem>> -> memref<1x64x128xf32, #tpu.memory_space<vmem>>
      %dma_start3A_65 = tpu.memref_squeeze %dma_start3A_64 : memref<1x64x128xf32, #tpu.memory_space<vmem>> -> memref<64x128xf32, #tpu.memory_space<vmem>>
      %dma_start3A_66 = arith.constant 0 : i32
      %dma_start3A_67 = tpu.memref_slice %arg3[%dma_start3A_66, %multiple_of3A_60] : memref<64x1000000xf32, #tpu.memory_space<hbm>> -> memref<64x128xf32, #tpu.memory_space<hbm>>
      %dma_start3A_68 = arith.constant 0 : i32
      %dma_start3A_69 = arith.constant 0 : i32
      %dma_start3A_70 = tpu.memref_slice %arg7[%dma_start3A_61, %dma_start3A_68, %dma_start3A_69] : memref<8x64x128xf32, #tpu.memory_space<vmem>> -> memref<1x64x128xf32, #tpu.memory_space<vmem>>
      %dma_start3A_71 = tpu.memref_squeeze %dma_start3A_70 : memref<1x64x128xf32, #tpu.memory_space<vmem>> -> memref<64x128xf32, #tpu.memory_space<vmem>>
      %dma_start3A_72 = arith.constant 0 : i32
      %dma_start3A_73 = tpu.memref_slice %arg3[%dma_start3A_72, %multiple_of3A_60] : memref<64x1000000xf32, #tpu.memory_space<hbm>> -> memref<64x128xf32, #tpu.memory_space<hbm>>
      tpu.enqueue_dma source(%dma_start3A_73 : memref<64x128xf32, #tpu.memory_space<hbm>>) target(%dma_start3A_71 : memref<64x128xf32, #tpu.memory_space<vmem>>) target_semaphore(%arg9 : memref<!tpu.dma_semaphore, #tpu.memory_space<semaphore_mem>>)
      %slice3A_74 = vector.extract_strided_slice %get3A_25 {offsets = [3], sizes = [1], strides = [1]} : vector<16xi32> to vector<1xi32>
      %squeeze3A_75 = vector.extract %slice3A_74[0] : i32 from vector<1xi32>
      %multiple_of3A_76 = tpu.assume_multiple %squeeze3A_75, 128 : i32
      %dma_start3A_77 = arith.constant 3 : i32
      %dma_start3A_78 = arith.constant 0 : i32
      %dma_start3A_79 = arith.constant 0 : i32
      %dma_start3A_80 = tpu.memref_slice %arg7[%dma_start3A_77, %dma_start3A_78, %dma_start3A_79] : memref<8x64x128xf32, #tpu.memory_space<vmem>> -> memref<1x64x128xf32, #tpu.memory_space<vmem>>
      %dma_start3A_81 = tpu.memref_squeeze %dma_start3A_80 : memref<1x64x128xf32, #tpu.memory_space<vmem>> -> memref<64x128xf32, #tpu.memory_space<vmem>>
      %dma_start3A_82 = arith.constant 0 : i32
      %dma_start3A_83 = tpu.memref_slice %arg3[%dma_start3A_82, %multiple_of3A_76] : memref<64x1000000xf32, #tpu.memory_space<hbm>> -> memref<64x128xf32, #tpu.memory_space<hbm>>
      %dma_start3A_84 = arith.constant 0 : i32
      %dma_start3A_85 = arith.constant 0 : i32
      %dma_start3A_86 = tpu.memref_slice %arg7[%dma_start3A_77, %dma_start3A_84, %dma_start3A_85] : memref<8x64x128xf32, #tpu.memory_space<vmem>> -> memref<1x64x128xf32, #tpu.memory_space<vmem>>
      %dma_start3A_87 = tpu.memref_squeeze %dma_start3A_86 : memref<1x64x128xf32, #tpu.memory_space<vmem>> -> memref<64x128xf32, #tpu.memory_space<vmem>>
      %dma_start3A_88 = arith.constant 0 : i32
      %dma_start3A_89 = tpu.memref_slice %arg3[%dma_start3A_88, %multiple_of3A_76] : memref<64x1000000xf32, #tpu.memory_space<hbm>> -> memref<64x128xf32, #tpu.memory_space<hbm>>
      tpu.enqueue_dma source(%dma_start3A_89 : memref<64x128xf32, #tpu.memory_space<hbm>>) target(%dma_start3A_87 : memref<64x128xf32, #tpu.memory_space<vmem>>) target_semaphore(%arg9 : memref<!tpu.dma_semaphore, #tpu.memory_space<semaphore_mem>>)
      %slice3A_90 = vector.extract_strided_slice %get3A_25 {offsets = [4], sizes = [1], strides = [1]} : vector<16xi32> to vector<1xi32>
      %squeeze3A_91 = vector.extract %slice3A_90[0] : i32 from vector<1xi32>
      %multiple_of3A_92 = tpu.assume_multiple %squeeze3A_91, 128 : i32
      %dma_start3A_93 = arith.constant 4 : i32
      %dma_start3A_94 = arith.constant 0 : i32
      %dma_start3A_95 = arith.constant 0 : i32
      %dma_start3A_96 = tpu.memref_slice %arg7[%dma_start3A_93, %dma_start3A_94, %dma_start3A_95] : memref<8x64x128xf32, #tpu.memory_space<vmem>> -> memref<1x64x128xf32, #tpu.memory_space<vmem>>
      %dma_start3A_97 = tpu.memref_squeeze %dma_start3A_96 : memref<1x64x128xf32, #tpu.memory_space<vmem>> -> memref<64x128xf32, #tpu.memory_space<vmem>>
      %dma_start3A_98 = arith.constant 0 : i32
      %dma_start3A_99 = tpu.memref_slice %arg3[%dma_start3A_98, %multiple_of3A_92] : memref<64x1000000xf32, #tpu.memory_space<hbm>> -> memref<64x128xf32, #tpu.memory_space<hbm>>
      %dma_start3A_100 = arith.constant 0 : i32
      %dma_start3A_101 = arith.constant 0 : i32
      %dma_start3A_102 = tpu.memref_slice %arg7[%dma_start3A_93, %dma_start3A_100, %dma_start3A_101] : memref<8x64x128xf32, #tpu.memory_space<vmem>> -> memref<1x64x128xf32, #tpu.memory_space<vmem>>
      %dma_start3A_103 = tpu.memref_squeeze %dma_start3A_102 : memref<1x64x128xf32, #tpu.memory_space<vmem>> -> memref<64x128xf32, #tpu.memory_space<vmem>>
      %dma_start3A_104 = arith.constant 0 : i32
      %dma_start3A_105 = tpu.memref_slice %arg3[%dma_start3A_104, %multiple_of3A_92] : memref<64x1000000xf32, #tpu.memory_space<hbm>> -> memref<64x128xf32, #tpu.memory_space<hbm>>
      tpu.enqueue_dma source(%dma_start3A_105 : memref<64x128xf32, #tpu.memory_space<hbm>>) target(%dma_start3A_103 : memref<64x128xf32, #tpu.memory_space<vmem>>) target_semaphore(%arg9 : memref<!tpu.dma_semaphore, #tpu.memory_space<semaphore_mem>>)
      %slice3A_106 = vector.extract_strided_slice %get3A_25 {offsets = [5], sizes = [1], strides = [1]} : vector<16xi32> to vector<1xi32>
      %squeeze3A_107 = vector.extract %slice3A_106[0] : i32 from vector<1xi32>
      %multiple_of3A_108 = tpu.assume_multiple %squeeze3A_107, 128 : i32
      %dma_start3A_109 = arith.constant 5 : i32
      %dma_start3A_110 = arith.constant 0 : i32
      %dma_start3A_111 = arith.constant 0 : i32
      %dma_start3A_112 = tpu.memref_slice %arg7[%dma_start3A_109, %dma_start3A_110, %dma_start3A_111] : memref<8x64x128xf32, #tpu.memory_space<vmem>> -> memref<1x64x128xf32, #tpu.memory_space<vmem>>
      %dma_start3A_113 = tpu.memref_squeeze %dma_start3A_112 : memref<1x64x128xf32, #tpu.memory_space<vmem>> -> memref<64x128xf32, #tpu.memory_space<vmem>>
      %dma_start3A_114 = arith.constant 0 : i32
      %dma_start3A_115 = tpu.memref_slice %arg3[%dma_start3A_114, %multiple_of3A_108] : memref<64x1000000xf32, #tpu.memory_space<hbm>> -> memref<64x128xf32, #tpu.memory_space<hbm>>
      %dma_start3A_116 = arith.constant 0 : i32
      %dma_start3A_117 = arith.constant 0 : i32
      %dma_start3A_118 = tpu.memref_slice %arg7[%dma_start3A_109, %dma_start3A_116, %dma_start3A_117] : memref<8x64x128xf32, #tpu.memory_space<vmem>> -> memref<1x64x128xf32, #tpu.memory_space<vmem>>
      %dma_start3A_119 = tpu.memref_squeeze %dma_start3A_118 : memref<1x64x128xf32, #tpu.memory_space<vmem>> -> memref<64x128xf32, #tpu.memory_space<vmem>>
      %dma_start3A_120 = arith.constant 0 : i32
      %dma_start3A_121 = tpu.memref_slice %arg3[%dma_start3A_120, %multiple_of3A_108] : memref<64x1000000xf32, #tpu.memory_space<hbm>> -> memref<64x128xf32, #tpu.memory_space<hbm>>
      tpu.enqueue_dma source(%dma_start3A_121 : memref<64x128xf32, #tpu.memory_space<hbm>>) target(%dma_start3A_119 : memref<64x128xf32, #tpu.memory_space<vmem>>) target_semaphore(%arg9 : memref<!tpu.dma_semaphore, #tpu.memory_space<semaphore_mem>>)
      %slice3A_122 = vector.extract_strided_slice %get3A_25 {offsets = [6], sizes = [1], strides = [1]} : vector<16xi32> to vector<1xi32>
      %squeeze3A_123 = vector.extract %slice3A_122[0] : i32 from vector<1xi32>
      %multiple_of3A_124 = tpu.assume_multiple %squeeze3A_123, 128 : i32
      %dma_start3A_125 = arith.constant 6 : i32
      %dma_start3A_126 = arith.constant 0 : i32
      %dma_start3A_127 = arith.constant 0 : i32
      %dma_start3A_128 = tpu.memref_slice %arg7[%dma_start3A_125, %dma_start3A_126, %dma_start3A_127] : memref<8x64x128xf32, #tpu.memory_space<vmem>> -> memref<1x64x128xf32, #tpu.memory_space<vmem>>
      %dma_start3A_129 = tpu.memref_squeeze %dma_start3A_128 : memref<1x64x128xf32, #tpu.memory_space<vmem>> -> memref<64x128xf32, #tpu.memory_space<vmem>>
      %dma_start3A_130 = arith.constant 0 : i32
      %dma_start3A_131 = tpu.memref_slice %arg3[%dma_start3A_130, %multiple_of3A_124] : memref<64x1000000xf32, #tpu.memory_space<hbm>> -> memref<64x128xf32, #tpu.memory_space<hbm>>
      %dma_start3A_132 = arith.constant 0 : i32
      %dma_start3A_133 = arith.constant 0 : i32
      %dma_start3A_134 = tpu.memref_slice %arg7[%dma_start3A_125, %dma_start3A_132, %dma_start3A_133] : memref<8x64x128xf32, #tpu.memory_space<vmem>> -> memref<1x64x128xf32, #tpu.memory_space<vmem>>
      %dma_start3A_135 = tpu.memref_squeeze %dma_start3A_134 : memref<1x64x128xf32, #tpu.memory_space<vmem>> -> memref<64x128xf32, #tpu.memory_space<vmem>>
      %dma_start3A_136 = arith.constant 0 : i32
      %dma_start3A_137 = tpu.memref_slice %arg3[%dma_start3A_136, %multiple_of3A_124] : memref<64x1000000xf32, #tpu.memory_space<hbm>> -> memref<64x128xf32, #tpu.memory_space<hbm>>
      tpu.enqueue_dma source(%dma_start3A_137 : memref<64x128xf32, #tpu.memory_space<hbm>>) target(%dma_start3A_135 : memref<64x128xf32, #tpu.memory_space<vmem>>) target_semaphore(%arg9 : memref<!tpu.dma_semaphore, #tpu.memory_space<semaphore_mem>>)
      %slice3A_138 = vector.extract_strided_slice %get3A_25 {offsets = [7], sizes = [1], strides = [1]} : vector<16xi32> to vector<1xi32>
      %squeeze3A_139 = vector.extract %slice3A_138[0] : i32 from vector<1xi32>
      %multiple_of3A_140 = tpu.assume_multiple %squeeze3A_139, 128 : i32
      %dma_start3A_141 = arith.constant 7 : i32
      %dma_start3A_142 = arith.constant 0 : i32
      %dma_start3A_143 = arith.constant 0 : i32
      %dma_start3A_144 = tpu.memref_slice %arg7[%dma_start3A_141, %dma_start3A_142, %dma_start3A_143] : memref<8x64x128xf32, #tpu.memory_space<vmem>> -> memref<1x64x128xf32, #tpu.memory_space<vmem>>
      %dma_start3A_145 = tpu.memref_squeeze %dma_start3A_144 : memref<1x64x128xf32, #tpu.memory_space<vmem>> -> memref<64x128xf32, #tpu.memory_space<vmem>>
      %dma_start3A_146 = arith.constant 0 : i32
      %dma_start3A_147 = tpu.memref_slice %arg3[%dma_start3A_146, %multiple_of3A_140] : memref<64x1000000xf32, #tpu.memory_space<hbm>> -> memref<64x128xf32, #tpu.memory_space<hbm>>
      %dma_start3A_148 = arith.constant 0 : i32
      %dma_start3A_149 = arith.constant 0 : i32
      %dma_start3A_150 = tpu.memref_slice %arg7[%dma_start3A_141, %dma_start3A_148, %dma_start3A_149] : memref<8x64x128xf32, #tpu.memory_space<vmem>> -> memref<1x64x128xf32, #tpu.memory_space<vmem>>
      %dma_start3A_151 = tpu.memref_squeeze %dma_start3A_150 : memref<1x64x128xf32, #tpu.memory_space<vmem>> -> memref<64x128xf32, #tpu.memory_space<vmem>>
      %dma_start3A_152 = arith.constant 0 : i32
      %dma_start3A_153 = tpu.memref_slice %arg3[%dma_start3A_152, %multiple_of3A_140] : memref<64x1000000xf32, #tpu.memory_space<hbm>> -> memref<64x128xf32, #tpu.memory_space<hbm>>
      tpu.enqueue_dma source(%dma_start3A_153 : memref<64x128xf32, #tpu.memory_space<hbm>>) target(%dma_start3A_151 : memref<64x128xf32, #tpu.memory_space<vmem>>) target_semaphore(%arg9 : memref<!tpu.dma_semaphore, #tpu.memory_space<semaphore_mem>>)
      %dma_wait3A = arith.constant 0 : i32
      %dma_wait3A_154 = arith.constant 0 : i32
      %dma_wait3A_155 = arith.constant 0 : i32
      %dma_wait3A_156 = tpu.memref_slice %arg7[%dma_wait3A, %dma_wait3A_154, %dma_wait3A_155] : memref<8x64x128xf32, #tpu.memory_space<vmem>> -> memref<1x64x128xf32, #tpu.memory_space<vmem>>
      %dma_wait3A_157 = tpu.memref_squeeze %dma_wait3A_156 : memref<1x64x128xf32, #tpu.memory_space<vmem>> -> memref<64x128xf32, #tpu.memory_space<vmem>>
      %dma_wait3A_158 = arith.constant 0 : i32
      %dma_wait3A_159 = tpu.memref_slice %arg3[%dma_wait3A_158, %multiple_of3A] : memref<64x1000000xf32, #tpu.memory_space<hbm>> -> memref<64x128xf32, #tpu.memory_space<hbm>>
      %dma_wait3A_160 = arith.constant 0 : i32
      %dma_wait3A_161 = arith.constant 0 : i32
      %dma_wait3A_162 = tpu.memref_slice %arg7[%dma_wait3A, %dma_wait3A_160, %dma_wait3A_161] : memref<8x64x128xf32, #tpu.memory_space<vmem>> -> memref<1x64x128xf32, #tpu.memory_space<vmem>>
      %dma_wait3A_163 = tpu.memref_squeeze %dma_wait3A_162 : memref<1x64x128xf32, #tpu.memory_space<vmem>> -> memref<64x128xf32, #tpu.memory_space<vmem>>
      %dma_wait3A_164 = arith.constant 0 : i32
      %dma_wait3A_165 = tpu.memref_slice %arg3[%dma_wait3A_164, %multiple_of3A] : memref<64x1000000xf32, #tpu.memory_space<hbm>> -> memref<64x128xf32, #tpu.memory_space<hbm>>
      tpu.wait_dma2 semaphore(%arg9 : memref<!tpu.dma_semaphore, #tpu.memory_space<semaphore_mem>>) src(%dma_wait3A_165 : memref<64x128xf32, #tpu.memory_space<hbm>>) dst(%dma_wait3A_163 : memref<64x128xf32, #tpu.memory_space<vmem>>)
      %dma_wait3A_166 = arith.constant 1 : i32
      %dma_wait3A_167 = arith.constant 0 : i32
      %dma_wait3A_168 = arith.constant 0 : i32
      %dma_wait3A_169 = tpu.memref_slice %arg7[%dma_wait3A_166, %dma_wait3A_167, %dma_wait3A_168] : memref<8x64x128xf32, #tpu.memory_space<vmem>> -> memref<1x64x128xf32, #tpu.memory_space<vmem>>
      %dma_wait3A_170 = tpu.memref_squeeze %dma_wait3A_169 : memref<1x64x128xf32, #tpu.memory_space<vmem>> -> memref<64x128xf32, #tpu.memory_space<vmem>>
      %dma_wait3A_171 = arith.constant 0 : i32
      %dma_wait3A_172 = tpu.memref_slice %arg3[%dma_wait3A_171, %multiple_of3A_44] : memref<64x1000000xf32, #tpu.memory_space<hbm>> -> memref<64x128xf32, #tpu.memory_space<hbm>>
      %dma_wait3A_173 = arith.constant 0 : i32
      %dma_wait3A_174 = arith.constant 0 : i32
      %dma_wait3A_175 = tpu.memref_slice %arg7[%dma_wait3A_166, %dma_wait3A_173, %dma_wait3A_174] : memref<8x64x128xf32, #tpu.memory_space<vmem>> -> memref<1x64x128xf32, #tpu.memory_space<vmem>>
      %dma_wait3A_176 = tpu.memref_squeeze %dma_wait3A_175 : memref<1x64x128xf32, #tpu.memory_space<vmem>> -> memref<64x128xf32, #tpu.memory_space<vmem>>
      %dma_wait3A_177 = arith.constant 0 : i32
      %dma_wait3A_178 = tpu.memref_slice %arg3[%dma_wait3A_177, %multiple_of3A_44] : memref<64x1000000xf32, #tpu.memory_space<hbm>> -> memref<64x128xf32, #tpu.memory_space<hbm>>
      tpu.wait_dma2 semaphore(%arg9 : memref<!tpu.dma_semaphore, #tpu.memory_space<semaphore_mem>>) src(%dma_wait3A_178 : memref<64x128xf32, #tpu.memory_space<hbm>>) dst(%dma_wait3A_176 : memref<64x128xf32, #tpu.memory_space<vmem>>)
      %dma_wait3A_179 = arith.constant 2 : i32
      %dma_wait3A_180 = arith.constant 0 : i32
      %dma_wait3A_181 = arith.constant 0 : i32
      %dma_wait3A_182 = tpu.memref_slice %arg7[%dma_wait3A_179, %dma_wait3A_180, %dma_wait3A_181] : memref<8x64x128xf32, #tpu.memory_space<vmem>> -> memref<1x64x128xf32, #tpu.memory_space<vmem>>
      %dma_wait3A_183 = tpu.memref_squeeze %dma_wait3A_182 : memref<1x64x128xf32, #tpu.memory_space<vmem>> -> memref<64x128xf32, #tpu.memory_space<vmem>>
      %dma_wait3A_184 = arith.constant 0 : i32
      %dma_wait3A_185 = tpu.memref_slice %arg3[%dma_wait3A_184, %multiple_of3A_60] : memref<64x1000000xf32, #tpu.memory_space<hbm>> -> memref<64x128xf32, #tpu.memory_space<hbm>>
      %dma_wait3A_186 = arith.constant 0 : i32
      %dma_wait3A_187 = arith.constant 0 : i32
      %dma_wait3A_188 = tpu.memref_slice %arg7[%dma_wait3A_179, %dma_wait3A_186, %dma_wait3A_187] : memref<8x64x128xf32, #tpu.memory_space<vmem>> -> memref<1x64x128xf32, #tpu.memory_space<vmem>>
      %dma_wait3A_189 = tpu.memref_squeeze %dma_wait3A_188 : memref<1x64x128xf32, #tpu.memory_space<vmem>> -> memref<64x128xf32, #tpu.memory_space<vmem>>
      %dma_wait3A_190 = arith.constant 0 : i32
      %dma_wait3A_191 = tpu.memref_slice %arg3[%dma_wait3A_190, %multiple_of3A_60] : memref<64x1000000xf32, #tpu.memory_space<hbm>> -> memref<64x128xf32, #tpu.memory_space<hbm>>
      tpu.wait_dma2 semaphore(%arg9 : memref<!tpu.dma_semaphore, #tpu.memory_space<semaphore_mem>>) src(%dma_wait3A_191 : memref<64x128xf32, #tpu.memory_space<hbm>>) dst(%dma_wait3A_189 : memref<64x128xf32, #tpu.memory_space<vmem>>)
      %dma_wait3A_192 = arith.constant 3 : i32
      %dma_wait3A_193 = arith.constant 0 : i32
      %dma_wait3A_194 = arith.constant 0 : i32
      %dma_wait3A_195 = tpu.memref_slice %arg7[%dma_wait3A_192, %dma_wait3A_193, %dma_wait3A_194] : memref<8x64x128xf32, #tpu.memory_space<vmem>> -> memref<1x64x128xf32, #tpu.memory_space<vmem>>
      %dma_wait3A_196 = tpu.memref_squeeze %dma_wait3A_195 : memref<1x64x128xf32, #tpu.memory_space<vmem>> -> memref<64x128xf32, #tpu.memory_space<vmem>>
      %dma_wait3A_197 = arith.constant 0 : i32
      %dma_wait3A_198 = tpu.memref_slice %arg3[%dma_wait3A_197, %multiple_of3A_76] : memref<64x1000000xf32, #tpu.memory_space<hbm>> -> memref<64x128xf32, #tpu.memory_space<hbm>>
      %dma_wait3A_199 = arith.constant 0 : i32
      %dma_wait3A_200 = arith.constant 0 : i32
      %dma_wait3A_201 = tpu.memref_slice %arg7[%dma_wait3A_192, %dma_wait3A_199, %dma_wait3A_200] : memref<8x64x128xf32, #tpu.memory_space<vmem>> -> memref<1x64x128xf32, #tpu.memory_space<vmem>>
      %dma_wait3A_202 = tpu.memref_squeeze %dma_wait3A_201 : memref<1x64x128xf32, #tpu.memory_space<vmem>> -> memref<64x128xf32, #tpu.memory_space<vmem>>
      %dma_wait3A_203 = arith.constant 0 : i32
      %dma_wait3A_204 = tpu.memref_slice %arg3[%dma_wait3A_203, %multiple_of3A_76] : memref<64x1000000xf32, #tpu.memory_space<hbm>> -> memref<64x128xf32, #tpu.memory_space<hbm>>
      tpu.wait_dma2 semaphore(%arg9 : memref<!tpu.dma_semaphore, #tpu.memory_space<semaphore_mem>>) src(%dma_wait3A_204 : memref<64x128xf32, #tpu.memory_space<hbm>>) dst(%dma_wait3A_202 : memref<64x128xf32, #tpu.memory_space<vmem>>)
      %sub3A = arith.constant 16 : i32
      %sub3A_205 = arith.subi %scan3A_21, %sub3A : i32
      %broadcast_in_dim3A = arith.constant 0 : i32
      %broadcast_in_dim3A_206 = vector.broadcast %broadcast_in_dim3A : i32 to vector<16xi32>
      %slice3A_207 = vector.extract_strided_slice %get3A_29 {offsets = [0], sizes = [1], strides = [1]} : vector<16xi32> to vector<1xi32>
      %squeeze3A_208 = vector.extract %slice3A_207[0] : i32 from vector<1xi32>
      %add3A_209 = vector.broadcast %squeeze3A_208 : i32 to vector<16xi32>
      %add3A_210 = arith.addi %broadcast_in_dim3A_206, %add3A_209 : vector<16xi32>
      %broadcast_in_dim3A_211 = arith.constant 0 : i32
      %broadcast_in_dim3A_212 = vector.broadcast %broadcast_in_dim3A_211 : i32 to vector<16xi32>
      %mul3A_213 = arith.constant 16 : i32
      %mul3A_214 = arith.muli %sub3A_205, %mul3A_213 : i32
      %add3A_215 = arith.constant 0 : i32
      %add3A_216 = arith.addi %mul3A_214, %add3A_215 : i32
      %add3A_217 = vector.broadcast %add3A_216 : i32 to vector<16xi32>
      %add3A_218 = arith.addi %broadcast_in_dim3A_212, %add3A_217 : vector<16xi32>
      %add3A_219 = arith.constant 0 : i32
      %add3A_220 = vector.broadcast %add3A_219 : i32 to vector<16xi32>
      %add3A_221 = arith.addi %iota3A, %add3A_220 : vector<16xi32>
      %gather3A = arith.constant 0 : i32
      %gather3A_222 = arith.constant 0 : i32
      %gather3A_223 = arith.constant 0 : i32
      %gather3A_224 = tpu.memref_slice %arg7[%gather3A, %gather3A_222, %gather3A_223] : memref<8x64x128xf32, #tpu.memory_space<vmem>> -> memref<1x64x128xf32, #tpu.memory_space<vmem>>
      %gather3A_225 = tpu.memref_squeeze %gather3A_224 : memref<1x64x128xf32, #tpu.memory_space<vmem>> -> memref<64x128xf32, #tpu.memory_space<vmem>>
      %gather3A_226 = tpu.vector_load_idx %gather3A_225[%add3A_221, %add3A_210] : memref<64x128xf32, #tpu.memory_space<vmem>>[vector<16xi32>, vector<16xi32>], vector<16xf32>,
      tpu.vector_store_idx %arg8[%add3A_218, %add3A_221], %gather3A_226 : memref<256x64xf32, #tpu.memory_space<vmem>>[vector<16xi32>, vector<16xi32>], vector<16xf32>,
      %add3A_227 = arith.constant 16 : i32
      %add3A_228 = vector.broadcast %add3A_227 : i32 to vector<16xi32>
      %add3A_229 = arith.addi %iota3A, %add3A_228 : vector<16xi32>
      %gather3A_230 = arith.constant 0 : i32
      %gather3A_231 = arith.constant 0 : i32
      %gather3A_232 = arith.constant 0 : i32
      %gather3A_233 = tpu.memref_slice %arg7[%gather3A_230, %gather3A_231, %gather3A_232] : memref<8x64x128xf32, #tpu.memory_space<vmem>> -> memref<1x64x128xf32, #tpu.memory_space<vmem>>
      %gather3A_234 = tpu.memref_squeeze %gather3A_233 : memref<1x64x128xf32, #tpu.memory_space<vmem>> -> memref<64x128xf32, #tpu.memory_space<vmem>>
      %gather3A_235 = tpu.vector_load_idx %gather3A_234[%add3A_229, %add3A_210] : memref<64x128xf32, #tpu.memory_space<vmem>>[vector<16xi32>, vector<16xi32>], vector<16xf32>,
      tpu.vector_store_idx %arg8[%add3A_218, %add3A_229], %gather3A_235 : memref<256x64xf32, #tpu.memory_space<vmem>>[vector<16xi32>, vector<16xi32>], vector<16xf32>,
      %add3A_236 = arith.constant 32 : i32
      %add3A_237 = vector.broadcast %add3A_236 : i32 to vector<16xi32>
      %add3A_238 = arith.addi %iota3A, %add3A_237 : vector<16xi32>
      %gather3A_239 = arith.constant 0 : i32
      %gather3A_240 = arith.constant 0 : i32
      %gather3A_241 = arith.constant 0 : i32
      %gather3A_242 = tpu.memref_slice %arg7[%gather3A_239, %gather3A_240, %gather3A_241] : memref<8x64x128xf32, #tpu.memory_space<vmem>> -> memref<1x64x128xf32, #tpu.memory_space<vmem>>
      %gather3A_243 = tpu.memref_squeeze %gather3A_242 : memref<1x64x128xf32, #tpu.memory_space<vmem>> -> memref<64x128xf32, #tpu.memory_space<vmem>>
      %gather3A_244 = tpu.vector_load_idx %gather3A_243[%add3A_238, %add3A_210] : memref<64x128xf32, #tpu.memory_space<vmem>>[vector<16xi32>, vector<16xi32>], vector<16xf32>,
      tpu.vector_store_idx %arg8[%add3A_218, %add3A_238], %gather3A_244 : memref<256x64xf32, #tpu.memory_space<vmem>>[vector<16xi32>, vector<16xi32>], vector<16xf32>,
      %add3A_245 = arith.constant 48 : i32
      %add3A_246 = vector.broadcast %add3A_245 : i32 to vector<16xi32>
      %add3A_247 = arith.addi %iota3A, %add3A_246 : vector<16xi32>
      %gather3A_248 = arith.constant 0 : i32
      %gather3A_249 = arith.constant 0 : i32
      %gather3A_250 = arith.constant 0 : i32
      %gather3A_251 = tpu.memref_slice %arg7[%gather3A_248, %gather3A_249, %gather3A_250] : memref<8x64x128xf32, #tpu.memory_space<vmem>> -> memref<1x64x128xf32, #tpu.memory_space<vmem>>
      %gather3A_252 = tpu.memref_squeeze %gather3A_251 : memref<1x64x128xf32, #tpu.memory_space<vmem>> -> memref<64x128xf32, #tpu.memory_space<vmem>>
      %gather3A_253 = tpu.vector_load_idx %gather3A_252[%add3A_247, %add3A_210] : memref<64x128xf32, #tpu.memory_space<vmem>>[vector<16xi32>, vector<16xi32>], vector<16xf32>,
      tpu.vector_store_idx %arg8[%add3A_218, %add3A_247], %gather3A_253 : memref<256x64xf32, #tpu.memory_space<vmem>>[vector<16xi32>, vector<16xi32>], vector<16xf32>,
      %broadcast_in_dim3A_254 = arith.constant 0 : i32
      %broadcast_in_dim3A_255 = vector.broadcast %broadcast_in_dim3A_254 : i32 to vector<16xi32>
      %slice3A_256 = vector.extract_strided_slice %get3A_29 {offsets = [1], sizes = [1], strides = [1]} : vector<16xi32> to vector<1xi32>
      %squeeze3A_257 = vector.extract %slice3A_256[0] : i32 from vector<1xi32>
      %add3A_258 = vector.broadcast %squeeze3A_257 : i32 to vector<16xi32>
      %add3A_259 = arith.addi %broadcast_in_dim3A_255, %add3A_258 : vector<16xi32>
      %broadcast_in_dim3A_260 = arith.constant 0 : i32
      %broadcast_in_dim3A_261 = vector.broadcast %broadcast_in_dim3A_260 : i32 to vector<16xi32>
      %mul3A_262 = arith.constant 16 : i32
      %mul3A_263 = arith.muli %sub3A_205, %mul3A_262 : i32
      %add3A_264 = arith.constant 1 : i32
      %add3A_265 = arith.addi %mul3A_263, %add3A_264 : i32
      %add3A_266 = vector.broadcast %add3A_265 : i32 to vector<16xi32>
      %add3A_267 = arith.addi %broadcast_in_dim3A_261, %add3A_266 : vector<16xi32>
      %add3A_268 = arith.constant 0 : i32
      %add3A_269 = vector.broadcast %add3A_268 : i32 to vector<16xi32>
      %add3A_270 = arith.addi %iota3A, %add3A_269 : vector<16xi32>
      %gather3A_271 = arith.constant 1 : i32
      %gather3A_272 = arith.constant 0 : i32
      %gather3A_273 = arith.constant 0 : i32
      %gather3A_274 = tpu.memref_slice %arg7[%gather3A_271, %gather3A_272, %gather3A_273] : memref<8x64x128xf32, #tpu.memory_space<vmem>> -> memref<1x64x128xf32, #tpu.memory_space<vmem>>
      %gather3A_275 = tpu.memref_squeeze %gather3A_274 : memref<1x64x128xf32, #tpu.memory_space<vmem>> -> memref<64x128xf32, #tpu.memory_space<vmem>>
      %gather3A_276 = tpu.vector_load_idx %gather3A_275[%add3A_270, %add3A_259] : memref<64x128xf32, #tpu.memory_space<vmem>>[vector<16xi32>, vector<16xi32>], vector<16xf32>,
      tpu.vector_store_idx %arg8[%add3A_267, %add3A_270], %gather3A_276 : memref<256x64xf32, #tpu.memory_space<vmem>>[vector<16xi32>, vector<16xi32>], vector<16xf32>,
      %add3A_277 = arith.constant 16 : i32
      %add3A_278 = vector.broadcast %add3A_277 : i32 to vector<16xi32>
      %add3A_279 = arith.addi %iota3A, %add3A_278 : vector<16xi32>
      %gather3A_280 = arith.constant 1 : i32
      %gather3A_281 = arith.constant 0 : i32
      %gather3A_282 = arith.constant 0 : i32
      %gather3A_283 = tpu.memref_slice %arg7[%gather3A_280, %gather3A_281, %gather3A_282] : memref<8x64x128xf32, #tpu.memory_space<vmem>> -> memref<1x64x128xf32, #tpu.memory_space<vmem>>
      %gather3A_284 = tpu.memref_squeeze %gather3A_283 : memref<1x64x128xf32, #tpu.memory_space<vmem>> -> memref<64x128xf32, #tpu.memory_space<vmem>>
      %gather3A_285 = tpu.vector_load_idx %gather3A_284[%add3A_279, %add3A_259] : memref<64x128xf32, #tpu.memory_space<vmem>>[vector<16xi32>, vector<16xi32>], vector<16xf32>,
      tpu.vector_store_idx %arg8[%add3A_267, %add3A_279], %gather3A_285 : memref<256x64xf32, #tpu.memory_space<vmem>>[vector<16xi32>, vector<16xi32>], vector<16xf32>,
      %add3A_286 = arith.constant 32 : i32
      %add3A_287 = vector.broadcast %add3A_286 : i32 to vector<16xi32>
      %add3A_288 = arith.addi %iota3A, %add3A_287 : vector<16xi32>
      %gather3A_289 = arith.constant 1 : i32
      %gather3A_290 = arith.constant 0 : i32
      %gather3A_291 = arith.constant 0 : i32
      %gather3A_292 = tpu.memref_slice %arg7[%gather3A_289, %gather3A_290, %gather3A_291] : memref<8x64x128xf32, #tpu.memory_space<vmem>> -> memref<1x64x128xf32, #tpu.memory_space<vmem>>
      %gather3A_293 = tpu.memref_squeeze %gather3A_292 : memref<1x64x128xf32, #tpu.memory_space<vmem>> -> memref<64x128xf32, #tpu.memory_space<vmem>>
      %gather3A_294 = tpu.vector_load_idx %gather3A_293[%add3A_288, %add3A_259] : memref<64x128xf32, #tpu.memory_space<vmem>>[vector<16xi32>, vector<16xi32>], vector<16xf32>,
      tpu.vector_store_idx %arg8[%add3A_267, %add3A_288], %gather3A_294 : memref<256x64xf32, #tpu.memory_space<vmem>>[vector<16xi32>, vector<16xi32>], vector<16xf32>,
      %add3A_295 = arith.constant 48 : i32
      %add3A_296 = vector.broadcast %add3A_295 : i32 to vector<16xi32>
      %add3A_297 = arith.addi %iota3A, %add3A_296 : vector<16xi32>
      %gather3A_298 = arith.constant 1 : i32
      %gather3A_299 = arith.constant 0 : i32
      %gather3A_300 = arith.constant 0 : i32
      %gather3A_301 = tpu.memref_slice %arg7[%gather3A_298, %gather3A_299, %gather3A_300] : memref<8x64x128xf32, #tpu.memory_space<vmem>> -> memref<1x64x128xf32, #tpu.memory_space<vmem>>
      %gather3A_302 = tpu.memref_squeeze %gather3A_301 : memref<1x64x128xf32, #tpu.memory_space<vmem>> -> memref<64x128xf32, #tpu.memory_space<vmem>>
      %gather3A_303 = tpu.vector_load_idx %gather3A_302[%add3A_297, %add3A_259] : memref<64x128xf32, #tpu.memory_space<vmem>>[vector<16xi32>, vector<16xi32>], vector<16xf32>,
      tpu.vector_store_idx %arg8[%add3A_267, %add3A_297], %gather3A_303 : memref<256x64xf32, #tpu.memory_space<vmem>>[vector<16xi32>, vector<16xi32>], vector<16xf32>,
      %broadcast_in_dim3A_304 = arith.constant 0 : i32
      %broadcast_in_dim3A_305 = vector.broadcast %broadcast_in_dim3A_304 : i32 to vector<16xi32>
      %slice3A_306 = vector.extract_strided_slice %get3A_29 {offsets = [2], sizes = [1], strides = [1]} : vector<16xi32> to vector<1xi32>
      %squeeze3A_307 = vector.extract %slice3A_306[0] : i32 from vector<1xi32>
      %add3A_308 = vector.broadcast %squeeze3A_307 : i32 to vector<16xi32>
      %add3A_309 = arith.addi %broadcast_in_dim3A_305, %add3A_308 : vector<16xi32>
      %broadcast_in_dim3A_310 = arith.constant 0 : i32
      %broadcast_in_dim3A_311 = vector.broadcast %broadcast_in_dim3A_310 : i32 to vector<16xi32>
      %mul3A_312 = arith.constant 16 : i32
      %mul3A_313 = arith.muli %sub3A_205, %mul3A_312 : i32
      %add3A_314 = arith.constant 2 : i32
      %add3A_315 = arith.addi %mul3A_313, %add3A_314 : i32
      %add3A_316 = vector.broadcast %add3A_315 : i32 to vector<16xi32>
      %add3A_317 = arith.addi %broadcast_in_dim3A_311, %add3A_316 : vector<16xi32>
      %add3A_318 = arith.constant 0 : i32
      %add3A_319 = vector.broadcast %add3A_318 : i32 to vector<16xi32>
      %add3A_320 = arith.addi %iota3A, %add3A_319 : vector<16xi32>
      %gather3A_321 = arith.constant 2 : i32
      %gather3A_322 = arith.constant 0 : i32
      %gather3A_323 = arith.constant 0 : i32
      %gather3A_324 = tpu.memref_slice %arg7[%gather3A_321, %gather3A_322, %gather3A_323] : memref<8x64x128xf32, #tpu.memory_space<vmem>> -> memref<1x64x128xf32, #tpu.memory_space<vmem>>
      %gather3A_325 = tpu.memref_squeeze %gather3A_324 : memref<1x64x128xf32, #tpu.memory_space<vmem>> -> memref<64x128xf32, #tpu.memory_space<vmem>>
      %gather3A_326 = tpu.vector_load_idx %gather3A_325[%add3A_320, %add3A_309] : memref<64x128xf32, #tpu.memory_space<vmem>>[vector<16xi32>, vector<16xi32>], vector<16xf32>,
      tpu.vector_store_idx %arg8[%add3A_317, %add3A_320], %gather3A_326 : memref<256x64xf32, #tpu.memory_space<vmem>>[vector<16xi32>, vector<16xi32>], vector<16xf32>,
      %add3A_327 = arith.constant 16 : i32
      %add3A_328 = vector.broadcast %add3A_327 : i32 to vector<16xi32>
      %add3A_329 = arith.addi %iota3A, %add3A_328 : vector<16xi32>
      %gather3A_330 = arith.constant 2 : i32
      %gather3A_331 = arith.constant 0 : i32
      %gather3A_332 = arith.constant 0 : i32
      %gather3A_333 = tpu.memref_slice %arg7[%gather3A_330, %gather3A_331, %gather3A_332] : memref<8x64x128xf32, #tpu.memory_space<vmem>> -> memref<1x64x128xf32, #tpu.memory_space<vmem>>
      %gather3A_334 = tpu.memref_squeeze %gather3A_333 : memref<1x64x128xf32, #tpu.memory_space<vmem>> -> memref<64x128xf32, #tpu.memory_space<vmem>>
      %gather3A_335 = tpu.vector_load_idx %gather3A_334[%add3A_329, %add3A_309] : memref<64x128xf32, #tpu.memory_space<vmem>>[vector<16xi32>, vector<16xi32>], vector<16xf32>,
      tpu.vector_store_idx %arg8[%add3A_317, %add3A_329], %gather3A_335 : memref<256x64xf32, #tpu.memory_space<vmem>>[vector<16xi32>, vector<16xi32>], vector<16xf32>,
      %add3A_336 = arith.constant 32 : i32
      %add3A_337 = vector.broadcast %add3A_336 : i32 to vector<16xi32>
      %add3A_338 = arith.addi %iota3A, %add3A_337 : vector<16xi32>
      %gather3A_339 = arith.constant 2 : i32
      %gather3A_340 = arith.constant 0 : i32
      %gather3A_341 = arith.constant 0 : i32
      %gather3A_342 = tpu.memref_slice %arg7[%gather3A_339, %gather3A_340, %gather3A_341] : memref<8x64x128xf32, #tpu.memory_space<vmem>> -> memref<1x64x128xf32, #tpu.memory_space<vmem>>
      %gather3A_343 = tpu.memref_squeeze %gather3A_342 : memref<1x64x128xf32, #tpu.memory_space<vmem>> -> memref<64x128xf32, #tpu.memory_space<vmem>>
      %gather3A_344 = tpu.vector_load_idx %gather3A_343[%add3A_338, %add3A_309] : memref<64x128xf32, #tpu.memory_space<vmem>>[vector<16xi32>, vector<16xi32>], vector<16xf32>,
      tpu.vector_store_idx %arg8[%add3A_317, %add3A_338], %gather3A_344 : memref<256x64xf32, #tpu.memory_space<vmem>>[vector<16xi32>, vector<16xi32>], vector<16xf32>,
      %add3A_345 = arith.constant 48 : i32
      %add3A_346 = vector.broadcast %add3A_345 : i32 to vector<16xi32>
      %add3A_347 = arith.addi %iota3A, %add3A_346 : vector<16xi32>
      %gather3A_348 = arith.constant 2 : i32
      %gather3A_349 = arith.constant 0 : i32
      %gather3A_350 = arith.constant 0 : i32
      %gather3A_351 = tpu.memref_slice %arg7[%gather3A_348, %gather3A_349, %gather3A_350] : memref<8x64x128xf32, #tpu.memory_space<vmem>> -> memref<1x64x128xf32, #tpu.memory_space<vmem>>
      %gather3A_352 = tpu.memref_squeeze %gather3A_351 : memref<1x64x128xf32, #tpu.memory_space<vmem>> -> memref<64x128xf32, #tpu.memory_space<vmem>>
      %gather3A_353 = tpu.vector_load_idx %gather3A_352[%add3A_347, %add3A_309] : memref<64x128xf32, #tpu.memory_space<vmem>>[vector<16xi32>, vector<16xi32>], vector<16xf32>,
      tpu.vector_store_idx %arg8[%add3A_317, %add3A_347], %gather3A_353 : memref<256x64xf32, #tpu.memory_space<vmem>>[vector<16xi32>, vector<16xi32>], vector<16xf32>,
      %broadcast_in_dim3A_354 = arith.constant 0 : i32
      %broadcast_in_dim3A_355 = vector.broadcast %broadcast_in_dim3A_354 : i32 to vector<16xi32>
      %slice3A_356 = vector.extract_strided_slice %get3A_29 {offsets = [3], sizes = [1], strides = [1]} : vector<16xi32> to vector<1xi32>
      %squeeze3A_357 = vector.extract %slice3A_356[0] : i32 from vector<1xi32>
      %add3A_358 = vector.broadcast %squeeze3A_357 : i32 to vector<16xi32>
      %add3A_359 = arith.addi %broadcast_in_dim3A_355, %add3A_358 : vector<16xi32>
      %broadcast_in_dim3A_360 = arith.constant 0 : i32
      %broadcast_in_dim3A_361 = vector.broadcast %broadcast_in_dim3A_360 : i32 to vector<16xi32>
      %mul3A_362 = arith.constant 16 : i32
      %mul3A_363 = arith.muli %sub3A_205, %mul3A_362 : i32
      %add3A_364 = arith.constant 3 : i32
      %add3A_365 = arith.addi %mul3A_363, %add3A_364 : i32
      %add3A_366 = vector.broadcast %add3A_365 : i32 to vector<16xi32>
      %add3A_367 = arith.addi %broadcast_in_dim3A_361, %add3A_366 : vector<16xi32>
      %add3A_368 = arith.constant 0 : i32
      %add3A_369 = vector.broadcast %add3A_368 : i32 to vector<16xi32>
      %add3A_370 = arith.addi %iota3A, %add3A_369 : vector<16xi32>
      %gather3A_371 = arith.constant 3 : i32
      %gather3A_372 = arith.constant 0 : i32
      %gather3A_373 = arith.constant 0 : i32
      %gather3A_374 = tpu.memref_slice %arg7[%gather3A_371, %gather3A_372, %gather3A_373] : memref<8x64x128xf32, #tpu.memory_space<vmem>> -> memref<1x64x128xf32, #tpu.memory_space<vmem>>
      %gather3A_375 = tpu.memref_squeeze %gather3A_374 : memref<1x64x128xf32, #tpu.memory_space<vmem>> -> memref<64x128xf32, #tpu.memory_space<vmem>>
      %gather3A_376 = tpu.vector_load_idx %gather3A_375[%add3A_370, %add3A_359] : memref<64x128xf32, #tpu.memory_space<vmem>>[vector<16xi32>, vector<16xi32>], vector<16xf32>,
      tpu.vector_store_idx %arg8[%add3A_367, %add3A_370], %gather3A_376 : memref<256x64xf32, #tpu.memory_space<vmem>>[vector<16xi32>, vector<16xi32>], vector<16xf32>,
      %add3A_377 = arith.constant 16 : i32
      %add3A_378 = vector.broadcast %add3A_377 : i32 to vector<16xi32>
      %add3A_379 = arith.addi %iota3A, %add3A_378 : vector<16xi32>
      %gather3A_380 = arith.constant 3 : i32
      %gather3A_381 = arith.constant 0 : i32
      %gather3A_382 = arith.constant 0 : i32
      %gather3A_383 = tpu.memref_slice %arg7[%gather3A_380, %gather3A_381, %gather3A_382] : memref<8x64x128xf32, #tpu.memory_space<vmem>> -> memref<1x64x128xf32, #tpu.memory_space<vmem>>
      %gather3A_384 = tpu.memref_squeeze %gather3A_383 : memref<1x64x128xf32, #tpu.memory_space<vmem>> -> memref<64x128xf32, #tpu.memory_space<vmem>>
      %gather3A_385 = tpu.vector_load_idx %gather3A_384[%add3A_379, %add3A_359] : memref<64x128xf32, #tpu.memory_space<vmem>>[vector<16xi32>, vector<16xi32>], vector<16xf32>,
      tpu.vector_store_idx %arg8[%add3A_367, %add3A_379], %gather3A_385 : memref<256x64xf32, #tpu.memory_space<vmem>>[vector<16xi32>, vector<16xi32>], vector<16xf32>,
      %add3A_386 = arith.constant 32 : i32
      %add3A_387 = vector.broadcast %add3A_386 : i32 to vector<16xi32>
      %add3A_388 = arith.addi %iota3A, %add3A_387 : vector<16xi32>
      %gather3A_389 = arith.constant 3 : i32
      %gather3A_390 = arith.constant 0 : i32
      %gather3A_391 = arith.constant 0 : i32
      %gather3A_392 = tpu.memref_slice %arg7[%gather3A_389, %gather3A_390, %gather3A_391] : memref<8x64x128xf32, #tpu.memory_space<vmem>> -> memref<1x64x128xf32, #tpu.memory_space<vmem>>
      %gather3A_393 = tpu.memref_squeeze %gather3A_392 : memref<1x64x128xf32, #tpu.memory_space<vmem>> -> memref<64x128xf32, #tpu.memory_space<vmem>>
      %gather3A_394 = tpu.vector_load_idx %gather3A_393[%add3A_388, %add3A_359] : memref<64x128xf32, #tpu.memory_space<vmem>>[vector<16xi32>, vector<16xi32>], vector<16xf32>,
      tpu.vector_store_idx %arg8[%add3A_367, %add3A_388], %gather3A_394 : memref<256x64xf32, #tpu.memory_space<vmem>>[vector<16xi32>, vector<16xi32>], vector<16xf32>,
      %add3A_395 = arith.constant 48 : i32
      %add3A_396 = vector.broadcast %add3A_395 : i32 to vector<16xi32>
      %add3A_397 = arith.addi %iota3A, %add3A_396 : vector<16xi32>
      %gather3A_398 = arith.constant 3 : i32
      %gather3A_399 = arith.constant 0 : i32
      %gather3A_400 = arith.constant 0 : i32
      %gather3A_401 = tpu.memref_slice %arg7[%gather3A_398, %gather3A_399, %gather3A_400] : memref<8x64x128xf32, #tpu.memory_space<vmem>> -> memref<1x64x128xf32, #tpu.memory_space<vmem>>
      %gather3A_402 = tpu.memref_squeeze %gather3A_401 : memref<1x64x128xf32, #tpu.memory_space<vmem>> -> memref<64x128xf32, #tpu.memory_space<vmem>>
      %gather3A_403 = tpu.vector_load_idx %gather3A_402[%add3A_397, %add3A_359] : memref<64x128xf32, #tpu.memory_space<vmem>>[vector<16xi32>, vector<16xi32>], vector<16xf32>,
      tpu.vector_store_idx %arg8[%add3A_367, %add3A_397], %gather3A_403 : memref<256x64xf32, #tpu.memory_space<vmem>>[vector<16xi32>, vector<16xi32>], vector<16xf32>,
      %slice3A_404 = vector.extract_strided_slice %get3A_25 {offsets = [8], sizes = [1], strides = [1]} : vector<16xi32> to vector<1xi32>
      %squeeze3A_405 = vector.extract %slice3A_404[0] : i32 from vector<1xi32>
      %multiple_of3A_406 = tpu.assume_multiple %squeeze3A_405, 128 : i32
      %dma_start3A_407 = arith.constant 0 : i32
      %dma_start3A_408 = arith.constant 0 : i32
      %dma_start3A_409 = arith.constant 0 : i32
      %dma_start3A_410 = tpu.memref_slice %arg7[%dma_start3A_407, %dma_start3A_408, %dma_start3A_409] : memref<8x64x128xf32, #tpu.memory_space<vmem>> -> memref<1x64x128xf32, #tpu.memory_space<vmem>>
      %dma_start3A_411 = tpu.memref_squeeze %dma_start3A_410 : memref<1x64x128xf32, #tpu.memory_space<vmem>> -> memref<64x128xf32, #tpu.memory_space<vmem>>
      %dma_start3A_412 = arith.constant 0 : i32
      %dma_start3A_413 = tpu.memref_slice %arg3[%dma_start3A_412, %multiple_of3A_406] : memref<64x1000000xf32, #tpu.memory_space<hbm>> -> memref<64x128xf32, #tpu.memory_space<hbm>>
      %dma_start3A_414 = arith.constant 0 : i32
      %dma_start3A_415 = arith.constant 0 : i32
      %dma_start3A_416 = tpu.memref_slice %arg7[%dma_start3A_407, %dma_start3A_414, %dma_start3A_415] : memref<8x64x128xf32, #tpu.memory_space<vmem>> -> memref<1x64x128xf32, #tpu.memory_space<vmem>>
      %dma_start3A_417 = tpu.memref_squeeze %dma_start3A_416 : memref<1x64x128xf32, #tpu.memory_space<vmem>> -> memref<64x128xf32, #tpu.memory_space<vmem>>
      %dma_start3A_418 = arith.constant 0 : i32
      %dma_start3A_419 = tpu.memref_slice %arg3[%dma_start3A_418, %multiple_of3A_406] : memref<64x1000000xf32, #tpu.memory_space<hbm>> -> memref<64x128xf32, #tpu.memory_space<hbm>>
      tpu.enqueue_dma source(%dma_start3A_419 : memref<64x128xf32, #tpu.memory_space<hbm>>) target(%dma_start3A_417 : memref<64x128xf32, #tpu.memory_space<vmem>>) target_semaphore(%arg9 : memref<!tpu.dma_semaphore, #tpu.memory_space<semaphore_mem>>)
      %slice3A_420 = vector.extract_strided_slice %get3A_25 {offsets = [9], sizes = [1], strides = [1]} : vector<16xi32> to vector<1xi32>
      %squeeze3A_421 = vector.extract %slice3A_420[0] : i32 from vector<1xi32>
      %multiple_of3A_422 = tpu.assume_multiple %squeeze3A_421, 128 : i32
      %dma_start3A_423 = arith.constant 1 : i32
      %dma_start3A_424 = arith.constant 0 : i32
      %dma_start3A_425 = arith.constant 0 : i32
      %dma_start3A_426 = tpu.memref_slice %arg7[%dma_start3A_423, %dma_start3A_424, %dma_start3A_425] : memref<8x64x128xf32, #tpu.memory_space<vmem>> -> memref<1x64x128xf32, #tpu.memory_space<vmem>>
      %dma_start3A_427 = tpu.memref_squeeze %dma_start3A_426 : memref<1x64x128xf32, #tpu.memory_space<vmem>> -> memref<64x128xf32, #tpu.memory_space<vmem>>
      %dma_start3A_428 = arith.constant 0 : i32
      %dma_start3A_429 = tpu.memref_slice %arg3[%dma_start3A_428, %multiple_of3A_422] : memref<64x1000000xf32, #tpu.memory_space<hbm>> -> memref<64x128xf32, #tpu.memory_space<hbm>>
      %dma_start3A_430 = arith.constant 0 : i32
      %dma_start3A_431 = arith.constant 0 : i32
      %dma_start3A_432 = tpu.memref_slice %arg7[%dma_start3A_423, %dma_start3A_430, %dma_start3A_431] : memref<8x64x128xf32, #tpu.memory_space<vmem>> -> memref<1x64x128xf32, #tpu.memory_space<vmem>>
      %dma_start3A_433 = tpu.memref_squeeze %dma_start3A_432 : memref<1x64x128xf32, #tpu.memory_space<vmem>> -> memref<64x128xf32, #tpu.memory_space<vmem>>
      %dma_start3A_434 = arith.constant 0 : i32
      %dma_start3A_435 = tpu.memref_slice %arg3[%dma_start3A_434, %multiple_of3A_422] : memref<64x1000000xf32, #tpu.memory_space<hbm>> -> memref<64x128xf32, #tpu.memory_space<hbm>>
      tpu.enqueue_dma source(%dma_start3A_435 : memref<64x128xf32, #tpu.memory_space<hbm>>) target(%dma_start3A_433 : memref<64x128xf32, #tpu.memory_space<vmem>>) target_semaphore(%arg9 : memref<!tpu.dma_semaphore, #tpu.memory_space<semaphore_mem>>)
      %slice3A_436 = vector.extract_strided_slice %get3A_25 {offsets = [10], sizes = [1], strides = [1]} : vector<16xi32> to vector<1xi32>
      %squeeze3A_437 = vector.extract %slice3A_436[0] : i32 from vector<1xi32>
      %multiple_of3A_438 = tpu.assume_multiple %squeeze3A_437, 128 : i32
      %dma_start3A_439 = arith.constant 2 : i32
      %dma_start3A_440 = arith.constant 0 : i32
      %dma_start3A_441 = arith.constant 0 : i32
      %dma_start3A_442 = tpu.memref_slice %arg7[%dma_start3A_439, %dma_start3A_440, %dma_start3A_441] : memref<8x64x128xf32, #tpu.memory_space<vmem>> -> memref<1x64x128xf32, #tpu.memory_space<vmem>>
      %dma_start3A_443 = tpu.memref_squeeze %dma_start3A_442 : memref<1x64x128xf32, #tpu.memory_space<vmem>> -> memref<64x128xf32, #tpu.memory_space<vmem>>
      %dma_start3A_444 = arith.constant 0 : i32
      %dma_start3A_445 = tpu.memref_slice %arg3[%dma_start3A_444, %multiple_of3A_438] : memref<64x1000000xf32, #tpu.memory_space<hbm>> -> memref<64x128xf32, #tpu.memory_space<hbm>>
      %dma_start3A_446 = arith.constant 0 : i32
      %dma_start3A_447 = arith.constant 0 : i32
      %dma_start3A_448 = tpu.memref_slice %arg7[%dma_start3A_439, %dma_start3A_446, %dma_start3A_447] : memref<8x64x128xf32, #tpu.memory_space<vmem>> -> memref<1x64x128xf32, #tpu.memory_space<vmem>>
      %dma_start3A_449 = tpu.memref_squeeze %dma_start3A_448 : memref<1x64x128xf32, #tpu.memory_space<vmem>> -> memref<64x128xf32, #tpu.memory_space<vmem>>
      %dma_start3A_450 = arith.constant 0 : i32
      %dma_start3A_451 = tpu.memref_slice %arg3[%dma_start3A_450, %multiple_of3A_438] : memref<64x1000000xf32, #tpu.memory_space<hbm>> -> memref<64x128xf32, #tpu.memory_space<hbm>>
      tpu.enqueue_dma source(%dma_start3A_451 : memref<64x128xf32, #tpu.memory_space<hbm>>) target(%dma_start3A_449 : memref<64x128xf32, #tpu.memory_space<vmem>>) target_semaphore(%arg9 : memref<!tpu.dma_semaphore, #tpu.memory_space<semaphore_mem>>)
      %slice3A_452 = vector.extract_strided_slice %get3A_25 {offsets = [11], sizes = [1], strides = [1]} : vector<16xi32> to vector<1xi32>
      %squeeze3A_453 = vector.extract %slice3A_452[0] : i32 from vector<1xi32>
      %multiple_of3A_454 = tpu.assume_multiple %squeeze3A_453, 128 : i32
      %dma_start3A_455 = arith.constant 3 : i32
      %dma_start3A_456 = arith.constant 0 : i32
      %dma_start3A_457 = arith.constant 0 : i32
      %dma_start3A_458 = tpu.memref_slice %arg7[%dma_start3A_455, %dma_start3A_456, %dma_start3A_457] : memref<8x64x128xf32, #tpu.memory_space<vmem>> -> memref<1x64x128xf32, #tpu.memory_space<vmem>>
      %dma_start3A_459 = tpu.memref_squeeze %dma_start3A_458 : memref<1x64x128xf32, #tpu.memory_space<vmem>> -> memref<64x128xf32, #tpu.memory_space<vmem>>
      %dma_start3A_460 = arith.constant 0 : i32
      %dma_start3A_461 = tpu.memref_slice %arg3[%dma_start3A_460, %multiple_of3A_454] : memref<64x1000000xf32, #tpu.memory_space<hbm>> -> memref<64x128xf32, #tpu.memory_space<hbm>>
      %dma_start3A_462 = arith.constant 0 : i32
      %dma_start3A_463 = arith.constant 0 : i32
      %dma_start3A_464 = tpu.memref_slice %arg7[%dma_start3A_455, %dma_start3A_462, %dma_start3A_463] : memref<8x64x128xf32, #tpu.memory_space<vmem>> -> memref<1x64x128xf32, #tpu.memory_space<vmem>>
      %dma_start3A_465 = tpu.memref_squeeze %dma_start3A_464 : memref<1x64x128xf32, #tpu.memory_space<vmem>> -> memref<64x128xf32, #tpu.memory_space<vmem>>
      %dma_start3A_466 = arith.constant 0 : i32
      %dma_start3A_467 = tpu.memref_slice %arg3[%dma_start3A_466, %multiple_of3A_454] : memref<64x1000000xf32, #tpu.memory_space<hbm>> -> memref<64x128xf32, #tpu.memory_space<hbm>>
      tpu.enqueue_dma source(%dma_start3A_467 : memref<64x128xf32, #tpu.memory_space<hbm>>) target(%dma_start3A_465 : memref<64x128xf32, #tpu.memory_space<vmem>>) target_semaphore(%arg9 : memref<!tpu.dma_semaphore, #tpu.memory_space<semaphore_mem>>)
      %dma_wait3A_468 = arith.constant 4 : i32
      %dma_wait3A_469 = arith.constant 0 : i32
      %dma_wait3A_470 = arith.constant 0 : i32
      %dma_wait3A_471 = tpu.memref_slice %arg7[%dma_wait3A_468, %dma_wait3A_469, %dma_wait3A_470] : memref<8x64x128xf32, #tpu.memory_space<vmem>> -> memref<1x64x128xf32, #tpu.memory_space<vmem>>
      %dma_wait3A_472 = tpu.memref_squeeze %dma_wait3A_471 : memref<1x64x128xf32, #tpu.memory_space<vmem>> -> memref<64x128xf32, #tpu.memory_space<vmem>>
      %dma_wait3A_473 = arith.constant 0 : i32
      %dma_wait3A_474 = tpu.memref_slice %arg3[%dma_wait3A_473, %multiple_of3A_92] : memref<64x1000000xf32, #tpu.memory_space<hbm>> -> memref<64x128xf32, #tpu.memory_space<hbm>>
      %dma_wait3A_475 = arith.constant 0 : i32
      %dma_wait3A_476 = arith.constant 0 : i32
      %dma_wait3A_477 = tpu.memref_slice %arg7[%dma_wait3A_468, %dma_wait3A_475, %dma_wait3A_476] : memref<8x64x128xf32, #tpu.memory_space<vmem>> -> memref<1x64x128xf32, #tpu.memory_space<vmem>>
      %dma_wait3A_478 = tpu.memref_squeeze %dma_wait3A_477 : memref<1x64x128xf32, #tpu.memory_space<vmem>> -> memref<64x128xf32, #tpu.memory_space<vmem>>
      %dma_wait3A_479 = arith.constant 0 : i32
      %dma_wait3A_480 = tpu.memref_slice %arg3[%dma_wait3A_479, %multiple_of3A_92] : memref<64x1000000xf32, #tpu.memory_space<hbm>> -> memref<64x128xf32, #tpu.memory_space<hbm>>
      tpu.wait_dma2 semaphore(%arg9 : memref<!tpu.dma_semaphore, #tpu.memory_space<semaphore_mem>>) src(%dma_wait3A_480 : memref<64x128xf32, #tpu.memory_space<hbm>>) dst(%dma_wait3A_478 : memref<64x128xf32, #tpu.memory_space<vmem>>)
      %dma_wait3A_481 = arith.constant 5 : i32
      %dma_wait3A_482 = arith.constant 0 : i32
      %dma_wait3A_483 = arith.constant 0 : i32
      %dma_wait3A_484 = tpu.memref_slice %arg7[%dma_wait3A_481, %dma_wait3A_482, %dma_wait3A_483] : memref<8x64x128xf32, #tpu.memory_space<vmem>> -> memref<1x64x128xf32, #tpu.memory_space<vmem>>
      %dma_wait3A_485 = tpu.memref_squeeze %dma_wait3A_484 : memref<1x64x128xf32, #tpu.memory_space<vmem>> -> memref<64x128xf32, #tpu.memory_space<vmem>>
      %dma_wait3A_486 = arith.constant 0 : i32
      %dma_wait3A_487 = tpu.memref_slice %arg3[%dma_wait3A_486, %multiple_of3A_108] : memref<64x1000000xf32, #tpu.memory_space<hbm>> -> memref<64x128xf32, #tpu.memory_space<hbm>>
      %dma_wait3A_488 = arith.constant 0 : i32
      %dma_wait3A_489 = arith.constant 0 : i32
      %dma_wait3A_490 = tpu.memref_slice %arg7[%dma_wait3A_481, %dma_wait3A_488, %dma_wait3A_489] : memref<8x64x128xf32, #tpu.memory_space<vmem>> -> memref<1x64x128xf32, #tpu.memory_space<vmem>>
      %dma_wait3A_491 = tpu.memref_squeeze %dma_wait3A_490 : memref<1x64x128xf32, #tpu.memory_space<vmem>> -> memref<64x128xf32, #tpu.memory_space<vmem>>
      %dma_wait3A_492 = arith.constant 0 : i32
      %dma_wait3A_493 = tpu.memref_slice %arg3[%dma_wait3A_492, %multiple_of3A_108] : memref<64x1000000xf32, #tpu.memory_space<hbm>> -> memref<64x128xf32, #tpu.memory_space<hbm>>
      tpu.wait_dma2 semaphore(%arg9 : memref<!tpu.dma_semaphore, #tpu.memory_space<semaphore_mem>>) src(%dma_wait3A_493 : memref<64x128xf32, #tpu.memory_space<hbm>>) dst(%dma_wait3A_491 : memref<64x128xf32, #tpu.memory_space<vmem>>)
      %dma_wait3A_494 = arith.constant 6 : i32
      %dma_wait3A_495 = arith.constant 0 : i32
      %dma_wait3A_496 = arith.constant 0 : i32
      %dma_wait3A_497 = tpu.memref_slice %arg7[%dma_wait3A_494, %dma_wait3A_495, %dma_wait3A_496] : memref<8x64x128xf32, #tpu.memory_space<vmem>> -> memref<1x64x128xf32, #tpu.memory_space<vmem>>
      %dma_wait3A_498 = tpu.memref_squeeze %dma_wait3A_497 : memref<1x64x128xf32, #tpu.memory_space<vmem>> -> memref<64x128xf32, #tpu.memory_space<vmem>>
      %dma_wait3A_499 = arith.constant 0 : i32
      %dma_wait3A_500 = tpu.memref_slice %arg3[%dma_wait3A_499, %multiple_of3A_124] : memref<64x1000000xf32, #tpu.memory_space<hbm>> -> memref<64x128xf32, #tpu.memory_space<hbm>>
      %dma_wait3A_501 = arith.constant 0 : i32
      %dma_wait3A_502 = arith.constant 0 : i32
      %dma_wait3A_503 = tpu.memref_slice %arg7[%dma_wait3A_494, %dma_wait3A_501, %dma_wait3A_502] : memref<8x64x128xf32, #tpu.memory_space<vmem>> -> memref<1x64x128xf32, #tpu.memory_space<vmem>>
      %dma_wait3A_504 = tpu.memref_squeeze %dma_wait3A_503 : memref<1x64x128xf32, #tpu.memory_space<vmem>> -> memref<64x128xf32, #tpu.memory_space<vmem>>
      %dma_wait3A_505 = arith.constant 0 : i32
      %dma_wait3A_506 = tpu.memref_slice %arg3[%dma_wait3A_505, %multiple_of3A_124] : memref<64x1000000xf32, #tpu.memory_space<hbm>> -> memref<64x128xf32, #tpu.memory_space<hbm>>
      tpu.wait_dma2 semaphore(%arg9 : memref<!tpu.dma_semaphore, #tpu.memory_space<semaphore_mem>>) src(%dma_wait3A_506 : memref<64x128xf32, #tpu.memory_space<hbm>>) dst(%dma_wait3A_504 : memref<64x128xf32, #tpu.memory_space<vmem>>)
      %dma_wait3A_507 = arith.constant 7 : i32
      %dma_wait3A_508 = arith.constant 0 : i32
      %dma_wait3A_509 = arith.constant 0 : i32
      %dma_wait3A_510 = tpu.memref_slice %arg7[%dma_wait3A_507, %dma_wait3A_508, %dma_wait3A_509] : memref<8x64x128xf32, #tpu.memory_space<vmem>> -> memref<1x64x128xf32, #tpu.memory_space<vmem>>
      %dma_wait3A_511 = tpu.memref_squeeze %dma_wait3A_510 : memref<1x64x128xf32, #tpu.memory_space<vmem>> -> memref<64x128xf32, #tpu.memory_space<vmem>>
      %dma_wait3A_512 = arith.constant 0 : i32
      %dma_wait3A_513 = tpu.memref_slice %arg3[%dma_wait3A_512, %multiple_of3A_140] : memref<64x1000000xf32, #tpu.memory_space<hbm>> -> memref<64x128xf32, #tpu.memory_space<hbm>>
      %dma_wait3A_514 = arith.constant 0 : i32
      %dma_wait3A_515 = arith.constant 0 : i32
      %dma_wait3A_516 = tpu.memref_slice %arg7[%dma_wait3A_507, %dma_wait3A_514, %dma_wait3A_515] : memref<8x64x128xf32, #tpu.memory_space<vmem>> -> memref<1x64x128xf32, #tpu.memory_space<vmem>>
      %dma_wait3A_517 = tpu.memref_squeeze %dma_wait3A_516 : memref<1x64x128xf32, #tpu.memory_space<vmem>> -> memref<64x128xf32, #tpu.memory_space<vmem>>
      %dma_wait3A_518 = arith.constant 0 : i32
      %dma_wait3A_519 = tpu.memref_slice %arg3[%dma_wait3A_518, %multiple_of3A_140] : memref<64x1000000xf32, #tpu.memory_space<hbm>> -> memref<64x128xf32, #tpu.memory_space<hbm>>
      tpu.wait_dma2 semaphore(%arg9 : memref<!tpu.dma_semaphore, #tpu.memory_space<semaphore_mem>>) src(%dma_wait3A_519 : memref<64x128xf32, #tpu.memory_space<hbm>>) dst(%dma_wait3A_517 : memref<64x128xf32, #tpu.memory_space<vmem>>)
      %sub3A_520 = arith.constant 16 : i32
      %sub3A_521 = arith.subi %scan3A_21, %sub3A_520 : i32
      %broadcast_in_dim3A_522 = arith.constant 0 : i32
      %broadcast_in_dim3A_523 = vector.broadcast %broadcast_in_dim3A_522 : i32 to vector<16xi32>
      %slice3A_524 = vector.extract_strided_slice %get3A_29 {offsets = [4], sizes = [1], strides = [1]} : vector<16xi32> to vector<1xi32>
      %squeeze3A_525 = vector.extract %slice3A_524[0] : i32 from vector<1xi32>
      %add3A_526 = vector.broadcast %squeeze3A_525 : i32 to vector<16xi32>
      %add3A_527 = arith.addi %broadcast_in_dim3A_523, %add3A_526 : vector<16xi32>
      %broadcast_in_dim3A_528 = arith.constant 0 : i32
      %broadcast_in_dim3A_529 = vector.broadcast %broadcast_in_dim3A_528 : i32 to vector<16xi32>
      %mul3A_530 = arith.constant 16 : i32
      %mul3A_531 = arith.muli %sub3A_521, %mul3A_530 : i32
      %add3A_532 = arith.constant 4 : i32
      %add3A_533 = arith.addi %mul3A_531, %add3A_532 : i32
      %add3A_534 = vector.broadcast %add3A_533 : i32 to vector<16xi32>
      %add3A_535 = arith.addi %broadcast_in_dim3A_529, %add3A_534 : vector<16xi32>
      %add3A_536 = arith.constant 0 : i32
      %add3A_537 = vector.broadcast %add3A_536 : i32 to vector<16xi32>
      %add3A_538 = arith.addi %iota3A, %add3A_537 : vector<16xi32>
      %gather3A_539 = arith.constant 4 : i32
      %gather3A_540 = arith.constant 0 : i32
      %gather3A_541 = arith.constant 0 : i32
      %gather3A_542 = tpu.memref_slice %arg7[%gather3A_539, %gather3A_540, %gather3A_541] : memref<8x64x128xf32, #tpu.memory_space<vmem>> -> memref<1x64x128xf32, #tpu.memory_space<vmem>>
      %gather3A_543 = tpu.memref_squeeze %gather3A_542 : memref<1x64x128xf32, #tpu.memory_space<vmem>> -> memref<64x128xf32, #tpu.memory_space<vmem>>
      %gather3A_544 = tpu.vector_load_idx %gather3A_543[%add3A_538, %add3A_527] : memref<64x128xf32, #tpu.memory_space<vmem>>[vector<16xi32>, vector<16xi32>], vector<16xf32>,
      tpu.vector_store_idx %arg8[%add3A_535, %add3A_538], %gather3A_544 : memref<256x64xf32, #tpu.memory_space<vmem>>[vector<16xi32>, vector<16xi32>], vector<16xf32>,
      %add3A_545 = arith.constant 16 : i32
      %add3A_546 = vector.broadcast %add3A_545 : i32 to vector<16xi32>
      %add3A_547 = arith.addi %iota3A, %add3A_546 : vector<16xi32>
      %gather3A_548 = arith.constant 4 : i32
      %gather3A_549 = arith.constant 0 : i32
      %gather3A_550 = arith.constant 0 : i32
      %gather3A_551 = tpu.memref_slice %arg7[%gather3A_548, %gather3A_549, %gather3A_550] : memref<8x64x128xf32, #tpu.memory_space<vmem>> -> memref<1x64x128xf32, #tpu.memory_space<vmem>>
      %gather3A_552 = tpu.memref_squeeze %gather3A_551 : memref<1x64x128xf32, #tpu.memory_space<vmem>> -> memref<64x128xf32, #tpu.memory_space<vmem>>
      %gather3A_553 = tpu.vector_load_idx %gather3A_552[%add3A_547, %add3A_527] : memref<64x128xf32, #tpu.memory_space<vmem>>[vector<16xi32>, vector<16xi32>], vector<16xf32>,
      tpu.vector_store_idx %arg8[%add3A_535, %add3A_547], %gather3A_553 : memref<256x64xf32, #tpu.memory_space<vmem>>[vector<16xi32>, vector<16xi32>], vector<16xf32>,
      %add3A_554 = arith.constant 32 : i32
      %add3A_555 = vector.broadcast %add3A_554 : i32 to vector<16xi32>
      %add3A_556 = arith.addi %iota3A, %add3A_555 : vector<16xi32>
      %gather3A_557 = arith.constant 4 : i32
      %gather3A_558 = arith.constant 0 : i32
      %gather3A_559 = arith.constant 0 : i32
      %gather3A_560 = tpu.memref_slice %arg7[%gather3A_557, %gather3A_558, %gather3A_559] : memref<8x64x128xf32, #tpu.memory_space<vmem>> -> memref<1x64x128xf32, #tpu.memory_space<vmem>>
      %gather3A_561 = tpu.memref_squeeze %gather3A_560 : memref<1x64x128xf32, #tpu.memory_space<vmem>> -> memref<64x128xf32, #tpu.memory_space<vmem>>
      %gather3A_562 = tpu.vector_load_idx %gather3A_561[%add3A_556, %add3A_527] : memref<64x128xf32, #tpu.memory_space<vmem>>[vector<16xi32>, vector<16xi32>], vector<16xf32>,
      tpu.vector_store_idx %arg8[%add3A_535, %add3A_556], %gather3A_562 : memref<256x64xf32, #tpu.memory_space<vmem>>[vector<16xi32>, vector<16xi32>], vector<16xf32>,
      %add3A_563 = arith.constant 48 : i32
      %add3A_564 = vector.broadcast %add3A_563 : i32 to vector<16xi32>
      %add3A_565 = arith.addi %iota3A, %add3A_564 : vector<16xi32>
      %gather3A_566 = arith.constant 4 : i32
      %gather3A_567 = arith.constant 0 : i32
      %gather3A_568 = arith.constant 0 : i32
      %gather3A_569 = tpu.memref_slice %arg7[%gather3A_566, %gather3A_567, %gather3A_568] : memref<8x64x128xf32, #tpu.memory_space<vmem>> -> memref<1x64x128xf32, #tpu.memory_space<vmem>>
      %gather3A_570 = tpu.memref_squeeze %gather3A_569 : memref<1x64x128xf32, #tpu.memory_space<vmem>> -> memref<64x128xf32, #tpu.memory_space<vmem>>
      %gather3A_571 = tpu.vector_load_idx %gather3A_570[%add3A_565, %add3A_527] : memref<64x128xf32, #tpu.memory_space<vmem>>[vector<16xi32>, vector<16xi32>], vector<16xf32>,
      tpu.vector_store_idx %arg8[%add3A_535, %add3A_565], %gather3A_571 : memref<256x64xf32, #tpu.memory_space<vmem>>[vector<16xi32>, vector<16xi32>], vector<16xf32>,
      %broadcast_in_dim3A_572 = arith.constant 0 : i32
      %broadcast_in_dim3A_573 = vector.broadcast %broadcast_in_dim3A_572 : i32 to vector<16xi32>
      %slice3A_574 = vector.extract_strided_slice %get3A_29 {offsets = [5], sizes = [1], strides = [1]} : vector<16xi32> to vector<1xi32>
      %squeeze3A_575 = vector.extract %slice3A_574[0] : i32 from vector<1xi32>
      %add3A_576 = vector.broadcast %squeeze3A_575 : i32 to vector<16xi32>
      %add3A_577 = arith.addi %broadcast_in_dim3A_573, %add3A_576 : vector<16xi32>
      %broadcast_in_dim3A_578 = arith.constant 0 : i32
      %broadcast_in_dim3A_579 = vector.broadcast %broadcast_in_dim3A_578 : i32 to vector<16xi32>
      %mul3A_580 = arith.constant 16 : i32
      %mul3A_581 = arith.muli %sub3A_521, %mul3A_580 : i32
      %add3A_582 = arith.constant 5 : i32
      %add3A_583 = arith.addi %mul3A_581, %add3A_582 : i32
      %add3A_584 = vector.broadcast %add3A_583 : i32 to vector<16xi32>
      %add3A_585 = arith.addi %broadcast_in_dim3A_579, %add3A_584 : vector<16xi32>
      %add3A_586 = arith.constant 0 : i32
      %add3A_587 = vector.broadcast %add3A_586 : i32 to vector<16xi32>
      %add3A_588 = arith.addi %iota3A, %add3A_587 : vector<16xi32>
      %gather3A_589 = arith.constant 5 : i32
      %gather3A_590 = arith.constant 0 : i32
      %gather3A_591 = arith.constant 0 : i32
      %gather3A_592 = tpu.memref_slice %arg7[%gather3A_589, %gather3A_590, %gather3A_591] : memref<8x64x128xf32, #tpu.memory_space<vmem>> -> memref<1x64x128xf32, #tpu.memory_space<vmem>>
      %gather3A_593 = tpu.memref_squeeze %gather3A_592 : memref<1x64x128xf32, #tpu.memory_space<vmem>> -> memref<64x128xf32, #tpu.memory_space<vmem>>
      %gather3A_594 = tpu.vector_load_idx %gather3A_593[%add3A_588, %add3A_577] : memref<64x128xf32, #tpu.memory_space<vmem>>[vector<16xi32>, vector<16xi32>], vector<16xf32>,
      tpu.vector_store_idx %arg8[%add3A_585, %add3A_588], %gather3A_594 : memref<256x64xf32, #tpu.memory_space<vmem>>[vector<16xi32>, vector<16xi32>], vector<16xf32>,
      %add3A_595 = arith.constant 16 : i32
      %add3A_596 = vector.broadcast %add3A_595 : i32 to vector<16xi32>
      %add3A_597 = arith.addi %iota3A, %add3A_596 : vector<16xi32>
      %gather3A_598 = arith.constant 5 : i32
      %gather3A_599 = arith.constant 0 : i32
      %gather3A_600 = arith.constant 0 : i32
      %gather3A_601 = tpu.memref_slice %arg7[%gather3A_598, %gather3A_599, %gather3A_600] : memref<8x64x128xf32, #tpu.memory_space<vmem>> -> memref<1x64x128xf32, #tpu.memory_space<vmem>>
      %gather3A_602 = tpu.memref_squeeze %gather3A_601 : memref<1x64x128xf32, #tpu.memory_space<vmem>> -> memref<64x128xf32, #tpu.memory_space<vmem>>
      %gather3A_603 = tpu.vector_load_idx %gather3A_602[%add3A_597, %add3A_577] : memref<64x128xf32, #tpu.memory_space<vmem>>[vector<16xi32>, vector<16xi32>], vector<16xf32>,
      tpu.vector_store_idx %arg8[%add3A_585, %add3A_597], %gather3A_603 : memref<256x64xf32, #tpu.memory_space<vmem>>[vector<16xi32>, vector<16xi32>], vector<16xf32>,
      %add3A_604 = arith.constant 32 : i32
      %add3A_605 = vector.broadcast %add3A_604 : i32 to vector<16xi32>
      %add3A_606 = arith.addi %iota3A, %add3A_605 : vector<16xi32>
      %gather3A_607 = arith.constant 5 : i32
      %gather3A_608 = arith.constant 0 : i32
      %gather3A_609 = arith.constant 0 : i32
      %gather3A_610 = tpu.memref_slice %arg7[%gather3A_607, %gather3A_608, %gather3A_609] : memref<8x64x128xf32, #tpu.memory_space<vmem>> -> memref<1x64x128xf32, #tpu.memory_space<vmem>>
      %gather3A_611 = tpu.memref_squeeze %gather3A_610 : memref<1x64x128xf32, #tpu.memory_space<vmem>> -> memref<64x128xf32, #tpu.memory_space<vmem>>
      %gather3A_612 = tpu.vector_load_idx %gather3A_611[%add3A_606, %add3A_577] : memref<64x128xf32, #tpu.memory_space<vmem>>[vector<16xi32>, vector<16xi32>], vector<16xf32>,
      tpu.vector_store_idx %arg8[%add3A_585, %add3A_606], %gather3A_612 : memref<256x64xf32, #tpu.memory_space<vmem>>[vector<16xi32>, vector<16xi32>], vector<16xf32>,
      %add3A_613 = arith.constant 48 : i32
      %add3A_614 = vector.broadcast %add3A_613 : i32 to vector<16xi32>
      %add3A_615 = arith.addi %iota3A, %add3A_614 : vector<16xi32>
      %gather3A_616 = arith.constant 5 : i32
      %gather3A_617 = arith.constant 0 : i32
      %gather3A_618 = arith.constant 0 : i32
      %gather3A_619 = tpu.memref_slice %arg7[%gather3A_616, %gather3A_617, %gather3A_618] : memref<8x64x128xf32, #tpu.memory_space<vmem>> -> memref<1x64x128xf32, #tpu.memory_space<vmem>>
      %gather3A_620 = tpu.memref_squeeze %gather3A_619 : memref<1x64x128xf32, #tpu.memory_space<vmem>> -> memref<64x128xf32, #tpu.memory_space<vmem>>
      %gather3A_621 = tpu.vector_load_idx %gather3A_620[%add3A_615, %add3A_577] : memref<64x128xf32, #tpu.memory_space<vmem>>[vector<16xi32>, vector<16xi32>], vector<16xf32>,
      tpu.vector_store_idx %arg8[%add3A_585, %add3A_615], %gather3A_621 : memref<256x64xf32, #tpu.memory_space<vmem>>[vector<16xi32>, vector<16xi32>], vector<16xf32>,
      %broadcast_in_dim3A_622 = arith.constant 0 : i32
      %broadcast_in_dim3A_623 = vector.broadcast %broadcast_in_dim3A_622 : i32 to vector<16xi32>
      %slice3A_624 = vector.extract_strided_slice %get3A_29 {offsets = [6], sizes = [1], strides = [1]} : vector<16xi32> to vector<1xi32>
      %squeeze3A_625 = vector.extract %slice3A_624[0] : i32 from vector<1xi32>
      %add3A_626 = vector.broadcast %squeeze3A_625 : i32 to vector<16xi32>
      %add3A_627 = arith.addi %broadcast_in_dim3A_623, %add3A_626 : vector<16xi32>
      %broadcast_in_dim3A_628 = arith.constant 0 : i32
      %broadcast_in_dim3A_629 = vector.broadcast %broadcast_in_dim3A_628 : i32 to vector<16xi32>
      %mul3A_630 = arith.constant 16 : i32
      %mul3A_631 = arith.muli %sub3A_521, %mul3A_630 : i32
      %add3A_632 = arith.constant 6 : i32
      %add3A_633 = arith.addi %mul3A_631, %add3A_632 : i32
      %add3A_634 = vector.broadcast %add3A_633 : i32 to vector<16xi32>
      %add3A_635 = arith.addi %broadcast_in_dim3A_629, %add3A_634 : vector<16xi32>
      %add3A_636 = arith.constant 0 : i32
      %add3A_637 = vector.broadcast %add3A_636 : i32 to vector<16xi32>
      %add3A_638 = arith.addi %iota3A, %add3A_637 : vector<16xi32>
      %gather3A_639 = arith.constant 6 : i32
      %gather3A_640 = arith.constant 0 : i32
      %gather3A_641 = arith.constant 0 : i32
      %gather3A_642 = tpu.memref_slice %arg7[%gather3A_639, %gather3A_640, %gather3A_641] : memref<8x64x128xf32, #tpu.memory_space<vmem>> -> memref<1x64x128xf32, #tpu.memory_space<vmem>>
      %gather3A_643 = tpu.memref_squeeze %gather3A_642 : memref<1x64x128xf32, #tpu.memory_space<vmem>> -> memref<64x128xf32, #tpu.memory_space<vmem>>
      %gather3A_644 = tpu.vector_load_idx %gather3A_643[%add3A_638, %add3A_627] : memref<64x128xf32, #tpu.memory_space<vmem>>[vector<16xi32>, vector<16xi32>], vector<16xf32>,
      tpu.vector_store_idx %arg8[%add3A_635, %add3A_638], %gather3A_644 : memref<256x64xf32, #tpu.memory_space<vmem>>[vector<16xi32>, vector<16xi32>], vector<16xf32>,
      %add3A_645 = arith.constant 16 : i32
      %add3A_646 = vector.broadcast %add3A_645 : i32 to vector<16xi32>
      %add3A_647 = arith.addi %iota3A, %add3A_646 : vector<16xi32>
      %gather3A_648 = arith.constant 6 : i32
      %gather3A_649 = arith.constant 0 : i32
      %gather3A_650 = arith.constant 0 : i32
      %gather3A_651 = tpu.memref_slice %arg7[%gather3A_648, %gather3A_649, %gather3A_650] : memref<8x64x128xf32, #tpu.memory_space<vmem>> -> memref<1x64x128xf32, #tpu.memory_space<vmem>>
      %gather3A_652 = tpu.memref_squeeze %gather3A_651 : memref<1x64x128xf32, #tpu.memory_space<vmem>> -> memref<64x128xf32, #tpu.memory_space<vmem>>
      %gather3A_653 = tpu.vector_load_idx %gather3A_652[%add3A_647, %add3A_627] : memref<64x128xf32, #tpu.memory_space<vmem>>[vector<16xi32>, vector<16xi32>], vector<16xf32>,
      tpu.vector_store_idx %arg8[%add3A_635, %add3A_647], %gather3A_653 : memref<256x64xf32, #tpu.memory_space<vmem>>[vector<16xi32>, vector<16xi32>], vector<16xf32>,
      %add3A_654 = arith.constant 32 : i32
      %add3A_655 = vector.broadcast %add3A_654 : i32 to vector<16xi32>
      %add3A_656 = arith.addi %iota3A, %add3A_655 : vector<16xi32>
      %gather3A_657 = arith.constant 6 : i32
      %gather3A_658 = arith.constant 0 : i32
      %gather3A_659 = arith.constant 0 : i32
      %gather3A_660 = tpu.memref_slice %arg7[%gather3A_657, %gather3A_658, %gather3A_659] : memref<8x64x128xf32, #tpu.memory_space<vmem>> -> memref<1x64x128xf32, #tpu.memory_space<vmem>>
      %gather3A_661 = tpu.memref_squeeze %gather3A_660 : memref<1x64x128xf32, #tpu.memory_space<vmem>> -> memref<64x128xf32, #tpu.memory_space<vmem>>
      %gather3A_662 = tpu.vector_load_idx %gather3A_661[%add3A_656, %add3A_627] : memref<64x128xf32, #tpu.memory_space<vmem>>[vector<16xi32>, vector<16xi32>], vector<16xf32>,
      tpu.vector_store_idx %arg8[%add3A_635, %add3A_656], %gather3A_662 : memref<256x64xf32, #tpu.memory_space<vmem>>[vector<16xi32>, vector<16xi32>], vector<16xf32>,
      %add3A_663 = arith.constant 48 : i32
      %add3A_664 = vector.broadcast %add3A_663 : i32 to vector<16xi32>
      %add3A_665 = arith.addi %iota3A, %add3A_664 : vector<16xi32>
      %gather3A_666 = arith.constant 6 : i32
      %gather3A_667 = arith.constant 0 : i32
      %gather3A_668 = arith.constant 0 : i32
      %gather3A_669 = tpu.memref_slice %arg7[%gather3A_666, %gather3A_667, %gather3A_668] : memref<8x64x128xf32, #tpu.memory_space<vmem>> -> memref<1x64x128xf32, #tpu.memory_space<vmem>>
      %gather3A_670 = tpu.memref_squeeze %gather3A_669 : memref<1x64x128xf32, #tpu.memory_space<vmem>> -> memref<64x128xf32, #tpu.memory_space<vmem>>
      %gather3A_671 = tpu.vector_load_idx %gather3A_670[%add3A_665, %add3A_627] : memref<64x128xf32, #tpu.memory_space<vmem>>[vector<16xi32>, vector<16xi32>], vector<16xf32>,
      tpu.vector_store_idx %arg8[%add3A_635, %add3A_665], %gather3A_671 : memref<256x64xf32, #tpu.memory_space<vmem>>[vector<16xi32>, vector<16xi32>], vector<16xf32>,
      %broadcast_in_dim3A_672 = arith.constant 0 : i32
      %broadcast_in_dim3A_673 = vector.broadcast %broadcast_in_dim3A_672 : i32 to vector<16xi32>
      %slice3A_674 = vector.extract_strided_slice %get3A_29 {offsets = [7], sizes = [1], strides = [1]} : vector<16xi32> to vector<1xi32>
      %squeeze3A_675 = vector.extract %slice3A_674[0] : i32 from vector<1xi32>
      %add3A_676 = vector.broadcast %squeeze3A_675 : i32 to vector<16xi32>
      %add3A_677 = arith.addi %broadcast_in_dim3A_673, %add3A_676 : vector<16xi32>
      %broadcast_in_dim3A_678 = arith.constant 0 : i32
      %broadcast_in_dim3A_679 = vector.broadcast %broadcast_in_dim3A_678 : i32 to vector<16xi32>
      %mul3A_680 = arith.constant 16 : i32
      %mul3A_681 = arith.muli %sub3A_521, %mul3A_680 : i32
      %add3A_682 = arith.constant 7 : i32
      %add3A_683 = arith.addi %mul3A_681, %add3A_682 : i32
      %add3A_684 = vector.broadcast %add3A_683 : i32 to vector<16xi32>
      %add3A_685 = arith.addi %broadcast_in_dim3A_679, %add3A_684 : vector<16xi32>
      %add3A_686 = arith.constant 0 : i32
      %add3A_687 = vector.broadcast %add3A_686 : i32 to vector<16xi32>
      %add3A_688 = arith.addi %iota3A, %add3A_687 : vector<16xi32>
      %gather3A_689 = arith.constant 7 : i32
      %gather3A_690 = arith.constant 0 : i32
      %gather3A_691 = arith.constant 0 : i32
      %gather3A_692 = tpu.memref_slice %arg7[%gather3A_689, %gather3A_690, %gather3A_691] : memref<8x64x128xf32, #tpu.memory_space<vmem>> -> memref<1x64x128xf32, #tpu.memory_space<vmem>>
      %gather3A_693 = tpu.memref_squeeze %gather3A_692 : memref<1x64x128xf32, #tpu.memory_space<vmem>> -> memref<64x128xf32, #tpu.memory_space<vmem>>
      %gather3A_694 = tpu.vector_load_idx %gather3A_693[%add3A_688, %add3A_677] : memref<64x128xf32, #tpu.memory_space<vmem>>[vector<16xi32>, vector<16xi32>], vector<16xf32>,
      tpu.vector_store_idx %arg8[%add3A_685, %add3A_688], %gather3A_694 : memref<256x64xf32, #tpu.memory_space<vmem>>[vector<16xi32>, vector<16xi32>], vector<16xf32>,
      %add3A_695 = arith.constant 16 : i32
      %add3A_696 = vector.broadcast %add3A_695 : i32 to vector<16xi32>
      %add3A_697 = arith.addi %iota3A, %add3A_696 : vector<16xi32>
      %gather3A_698 = arith.constant 7 : i32
      %gather3A_699 = arith.constant 0 : i32
      %gather3A_700 = arith.constant 0 : i32
      %gather3A_701 = tpu.memref_slice %arg7[%gather3A_698, %gather3A_699, %gather3A_700] : memref<8x64x128xf32, #tpu.memory_space<vmem>> -> memref<1x64x128xf32, #tpu.memory_space<vmem>>
      %gather3A_702 = tpu.memref_squeeze %gather3A_701 : memref<1x64x128xf32, #tpu.memory_space<vmem>> -> memref<64x128xf32, #tpu.memory_space<vmem>>
      %gather3A_703 = tpu.vector_load_idx %gather3A_702[%add3A_697, %add3A_677] : memref<64x128xf32, #tpu.memory_space<vmem>>[vector<16xi32>, vector<16xi32>], vector<16xf32>,
      tpu.vector_store_idx %arg8[%add3A_685, %add3A_697], %gather3A_703 : memref<256x64xf32, #tpu.memory_space<vmem>>[vector<16xi32>, vector<16xi32>], vector<16xf32>,
      %add3A_704 = arith.constant 32 : i32
      %add3A_705 = vector.broadcast %add3A_704 : i32 to vector<16xi32>
      %add3A_706 = arith.addi %iota3A, %add3A_705 : vector<16xi32>
      %gather3A_707 = arith.constant 7 : i32
      %gather3A_708 = arith.constant 0 : i32
      %gather3A_709 = arith.constant 0 : i32
      %gather3A_710 = tpu.memref_slice %arg7[%gather3A_707, %gather3A_708, %gather3A_709] : memref<8x64x128xf32, #tpu.memory_space<vmem>> -> memref<1x64x128xf32, #tpu.memory_space<vmem>>
      %gather3A_711 = tpu.memref_squeeze %gather3A_710 : memref<1x64x128xf32, #tpu.memory_space<vmem>> -> memref<64x128xf32, #tpu.memory_space<vmem>>
      %gather3A_712 = tpu.vector_load_idx %gather3A_711[%add3A_706, %add3A_677] : memref<64x128xf32, #tpu.memory_space<vmem>>[vector<16xi32>, vector<16xi32>], vector<16xf32>,
      tpu.vector_store_idx %arg8[%add3A_685, %add3A_706], %gather3A_712 : memref<256x64xf32, #tpu.memory_space<vmem>>[vector<16xi32>, vector<16xi32>], vector<16xf32>,
      %add3A_713 = arith.constant 48 : i32
      %add3A_714 = vector.broadcast %add3A_713 : i32 to vector<16xi32>
      %add3A_715 = arith.addi %iota3A, %add3A_714 : vector<16xi32>
      %gather3A_716 = arith.constant 7 : i32
      %gather3A_717 = arith.constant 0 : i32
      %gather3A_718 = arith.constant 0 : i32
      %gather3A_719 = tpu.memref_slice %arg7[%gather3A_716, %gather3A_717, %gather3A_718] : memref<8x64x128xf32, #tpu.memory_space<vmem>> -> memref<1x64x128xf32, #tpu.memory_space<vmem>>
      %gather3A_720 = tpu.memref_squeeze %gather3A_719 : memref<1x64x128xf32, #tpu.memory_space<vmem>> -> memref<64x128xf32, #tpu.memory_space<vmem>>
      %gather3A_721 = tpu.vector_load_idx %gather3A_720[%add3A_715, %add3A_677] : memref<64x128xf32, #tpu.memory_space<vmem>>[vector<16xi32>, vector<16xi32>], vector<16xf32>,
      tpu.vector_store_idx %arg8[%add3A_685, %add3A_715], %gather3A_721 : memref<256x64xf32, #tpu.memory_space<vmem>>[vector<16xi32>, vector<16xi32>], vector<16xf32>,
      %slice3A_722 = vector.extract_strided_slice %get3A_25 {offsets = [12], sizes = [1], strides = [1]} : vector<16xi32> to vector<1xi32>
      %squeeze3A_723 = vector.extract %slice3A_722[0] : i32 from vector<1xi32>
      %multiple_of3A_724 = tpu.assume_multiple %squeeze3A_723, 128 : i32
      %dma_start3A_725 = arith.constant 4 : i32
      %dma_start3A_726 = arith.constant 0 : i32
      %dma_start3A_727 = arith.constant 0 : i32
      %dma_start3A_728 = tpu.memref_slice %arg7[%dma_start3A_725, %dma_start3A_726, %dma_start3A_727] : memref<8x64x128xf32, #tpu.memory_space<vmem>> -> memref<1x64x128xf32, #tpu.memory_space<vmem>>
      %dma_start3A_729 = tpu.memref_squeeze %dma_start3A_728 : memref<1x64x128xf32, #tpu.memory_space<vmem>> -> memref<64x128xf32, #tpu.memory_space<vmem>>
      %dma_start3A_730 = arith.constant 0 : i32
      %dma_start3A_731 = tpu.memref_slice %arg3[%dma_start3A_730, %multiple_of3A_724] : memref<64x1000000xf32, #tpu.memory_space<hbm>> -> memref<64x128xf32, #tpu.memory_space<hbm>>
      %dma_start3A_732 = arith.constant 0 : i32
      %dma_start3A_733 = arith.constant 0 : i32
      %dma_start3A_734 = tpu.memref_slice %arg7[%dma_start3A_725, %dma_start3A_732, %dma_start3A_733] : memref<8x64x128xf32, #tpu.memory_space<vmem>> -> memref<1x64x128xf32, #tpu.memory_space<vmem>>
      %dma_start3A_735 = tpu.memref_squeeze %dma_start3A_734 : memref<1x64x128xf32, #tpu.memory_space<vmem>> -> memref<64x128xf32, #tpu.memory_space<vmem>>
      %dma_start3A_736 = arith.constant 0 : i32
      %dma_start3A_737 = tpu.memref_slice %arg3[%dma_start3A_736, %multiple_of3A_724] : memref<64x1000000xf32, #tpu.memory_space<hbm>> -> memref<64x128xf32, #tpu.memory_space<hbm>>
      tpu.enqueue_dma source(%dma_start3A_737 : memref<64x128xf32, #tpu.memory_space<hbm>>) target(%dma_start3A_735 : memref<64x128xf32, #tpu.memory_space<vmem>>) target_semaphore(%arg9 : memref<!tpu.dma_semaphore, #tpu.memory_space<semaphore_mem>>)
      %slice3A_738 = vector.extract_strided_slice %get3A_25 {offsets = [13], sizes = [1], strides = [1]} : vector<16xi32> to vector<1xi32>
      %squeeze3A_739 = vector.extract %slice3A_738[0] : i32 from vector<1xi32>
      %multiple_of3A_740 = tpu.assume_multiple %squeeze3A_739, 128 : i32
      %dma_start3A_741 = arith.constant 5 : i32
      %dma_start3A_742 = arith.constant 0 : i32
      %dma_start3A_743 = arith.constant 0 : i32
      %dma_start3A_744 = tpu.memref_slice %arg7[%dma_start3A_741, %dma_start3A_742, %dma_start3A_743] : memref<8x64x128xf32, #tpu.memory_space<vmem>> -> memref<1x64x128xf32, #tpu.memory_space<vmem>>
      %dma_start3A_745 = tpu.memref_squeeze %dma_start3A_744 : memref<1x64x128xf32, #tpu.memory_space<vmem>> -> memref<64x128xf32, #tpu.memory_space<vmem>>
      %dma_start3A_746 = arith.constant 0 : i32
      %dma_start3A_747 = tpu.memref_slice %arg3[%dma_start3A_746, %multiple_of3A_740] : memref<64x1000000xf32, #tpu.memory_space<hbm>> -> memref<64x128xf32, #tpu.memory_space<hbm>>
      %dma_start3A_748 = arith.constant 0 : i32
      %dma_start3A_749 = arith.constant 0 : i32
      %dma_start3A_750 = tpu.memref_slice %arg7[%dma_start3A_741, %dma_start3A_748, %dma_start3A_749] : memref<8x64x128xf32, #tpu.memory_space<vmem>> -> memref<1x64x128xf32, #tpu.memory_space<vmem>>
      %dma_start3A_751 = tpu.memref_squeeze %dma_start3A_750 : memref<1x64x128xf32, #tpu.memory_space<vmem>> -> memref<64x128xf32, #tpu.memory_space<vmem>>
      %dma_start3A_752 = arith.constant 0 : i32
      %dma_start3A_753 = tpu.memref_slice %arg3[%dma_start3A_752, %multiple_of3A_740] : memref<64x1000000xf32, #tpu.memory_space<hbm>> -> memref<64x128xf32, #tpu.memory_space<hbm>>
      tpu.enqueue_dma source(%dma_start3A_753 : memref<64x128xf32, #tpu.memory_space<hbm>>) target(%dma_start3A_751 : memref<64x128xf32, #tpu.memory_space<vmem>>) target_semaphore(%arg9 : memref<!tpu.dma_semaphore, #tpu.memory_space<semaphore_mem>>)
      %slice3A_754 = vector.extract_strided_slice %get3A_25 {offsets = [14], sizes = [1], strides = [1]} : vector<16xi32> to vector<1xi32>
      %squeeze3A_755 = vector.extract %slice3A_754[0] : i32 from vector<1xi32>
      %multiple_of3A_756 = tpu.assume_multiple %squeeze3A_755, 128 : i32
      %dma_start3A_757 = arith.constant 6 : i32
      %dma_start3A_758 = arith.constant 0 : i32
      %dma_start3A_759 = arith.constant 0 : i32
      %dma_start3A_760 = tpu.memref_slice %arg7[%dma_start3A_757, %dma_start3A_758, %dma_start3A_759] : memref<8x64x128xf32, #tpu.memory_space<vmem>> -> memref<1x64x128xf32, #tpu.memory_space<vmem>>
      %dma_start3A_761 = tpu.memref_squeeze %dma_start3A_760 : memref<1x64x128xf32, #tpu.memory_space<vmem>> -> memref<64x128xf32, #tpu.memory_space<vmem>>
      %dma_start3A_762 = arith.constant 0 : i32
      %dma_start3A_763 = tpu.memref_slice %arg3[%dma_start3A_762, %multiple_of3A_756] : memref<64x1000000xf32, #tpu.memory_space<hbm>> -> memref<64x128xf32, #tpu.memory_space<hbm>>
      %dma_start3A_764 = arith.constant 0 : i32
      %dma_start3A_765 = arith.constant 0 : i32
      %dma_start3A_766 = tpu.memref_slice %arg7[%dma_start3A_757, %dma_start3A_764, %dma_start3A_765] : memref<8x64x128xf32, #tpu.memory_space<vmem>> -> memref<1x64x128xf32, #tpu.memory_space<vmem>>
      %dma_start3A_767 = tpu.memref_squeeze %dma_start3A_766 : memref<1x64x128xf32, #tpu.memory_space<vmem>> -> memref<64x128xf32, #tpu.memory_space<vmem>>
      %dma_start3A_768 = arith.constant 0 : i32
      %dma_start3A_769 = tpu.memref_slice %arg3[%dma_start3A_768, %multiple_of3A_756] : memref<64x1000000xf32, #tpu.memory_space<hbm>> -> memref<64x128xf32, #tpu.memory_space<hbm>>
      tpu.enqueue_dma source(%dma_start3A_769 : memref<64x128xf32, #tpu.memory_space<hbm>>) target(%dma_start3A_767 : memref<64x128xf32, #tpu.memory_space<vmem>>) target_semaphore(%arg9 : memref<!tpu.dma_semaphore, #tpu.memory_space<semaphore_mem>>)
      %slice3A_770 = vector.extract_strided_slice %get3A_25 {offsets = [15], sizes = [1], strides = [1]} : vector<16xi32> to vector<1xi32>
      %squeeze3A_771 = vector.extract %slice3A_770[0] : i32 from vector<1xi32>
      %multiple_of3A_772 = tpu.assume_multiple %squeeze3A_771, 128 : i32
      %dma_start3A_773 = arith.constant 7 : i32
      %dma_start3A_774 = arith.constant 0 : i32
      %dma_start3A_775 = arith.constant 0 : i32
      %dma_start3A_776 = tpu.memref_slice %arg7[%dma_start3A_773, %dma_start3A_774, %dma_start3A_775] : memref<8x64x128xf32, #tpu.memory_space<vmem>> -> memref<1x64x128xf32, #tpu.memory_space<vmem>>
      %dma_start3A_777 = tpu.memref_squeeze %dma_start3A_776 : memref<1x64x128xf32, #tpu.memory_space<vmem>> -> memref<64x128xf32, #tpu.memory_space<vmem>>
      %dma_start3A_778 = arith.constant 0 : i32
      %dma_start3A_779 = tpu.memref_slice %arg3[%dma_start3A_778, %multiple_of3A_772] : memref<64x1000000xf32, #tpu.memory_space<hbm>> -> memref<64x128xf32, #tpu.memory_space<hbm>>
      %dma_start3A_780 = arith.constant 0 : i32
      %dma_start3A_781 = arith.constant 0 : i32
      %dma_start3A_782 = tpu.memref_slice %arg7[%dma_start3A_773, %dma_start3A_780, %dma_start3A_781] : memref<8x64x128xf32, #tpu.memory_space<vmem>> -> memref<1x64x128xf32, #tpu.memory_space<vmem>>
      %dma_start3A_783 = tpu.memref_squeeze %dma_start3A_782 : memref<1x64x128xf32, #tpu.memory_space<vmem>> -> memref<64x128xf32, #tpu.memory_space<vmem>>
      %dma_start3A_784 = arith.constant 0 : i32
      %dma_start3A_785 = tpu.memref_slice %arg3[%dma_start3A_784, %multiple_of3A_772] : memref<64x1000000xf32, #tpu.memory_space<hbm>> -> memref<64x128xf32, #tpu.memory_space<hbm>>
      tpu.enqueue_dma source(%dma_start3A_785 : memref<64x128xf32, #tpu.memory_space<hbm>>) target(%dma_start3A_783 : memref<64x128xf32, #tpu.memory_space<vmem>>) target_semaphore(%arg9 : memref<!tpu.dma_semaphore, #tpu.memory_space<semaphore_mem>>)
      %dma_wait3A_786 = arith.constant 0 : i32
      %dma_wait3A_787 = arith.constant 0 : i32
      %dma_wait3A_788 = arith.constant 0 : i32
      %dma_wait3A_789 = tpu.memref_slice %arg7[%dma_wait3A_786, %dma_wait3A_787, %dma_wait3A_788] : memref<8x64x128xf32, #tpu.memory_space<vmem>> -> memref<1x64x128xf32, #tpu.memory_space<vmem>>
      %dma_wait3A_790 = tpu.memref_squeeze %dma_wait3A_789 : memref<1x64x128xf32, #tpu.memory_space<vmem>> -> memref<64x128xf32, #tpu.memory_space<vmem>>
      %dma_wait3A_791 = arith.constant 0 : i32
      %dma_wait3A_792 = tpu.memref_slice %arg3[%dma_wait3A_791, %multiple_of3A_406] : memref<64x1000000xf32, #tpu.memory_space<hbm>> -> memref<64x128xf32, #tpu.memory_space<hbm>>
      %dma_wait3A_793 = arith.constant 0 : i32
      %dma_wait3A_794 = arith.constant 0 : i32
      %dma_wait3A_795 = tpu.memref_slice %arg7[%dma_wait3A_786, %dma_wait3A_793, %dma_wait3A_794] : memref<8x64x128xf32, #tpu.memory_space<vmem>> -> memref<1x64x128xf32, #tpu.memory_space<vmem>>
      %dma_wait3A_796 = tpu.memref_squeeze %dma_wait3A_795 : memref<1x64x128xf32, #tpu.memory_space<vmem>> -> memref<64x128xf32, #tpu.memory_space<vmem>>
      %dma_wait3A_797 = arith.constant 0 : i32
      %dma_wait3A_798 = tpu.memref_slice %arg3[%dma_wait3A_797, %multiple_of3A_406] : memref<64x1000000xf32, #tpu.memory_space<hbm>> -> memref<64x128xf32, #tpu.memory_space<hbm>>
      tpu.wait_dma2 semaphore(%arg9 : memref<!tpu.dma_semaphore, #tpu.memory_space<semaphore_mem>>) src(%dma_wait3A_798 : memref<64x128xf32, #tpu.memory_space<hbm>>) dst(%dma_wait3A_796 : memref<64x128xf32, #tpu.memory_space<vmem>>)
      %dma_wait3A_799 = arith.constant 1 : i32
      %dma_wait3A_800 = arith.constant 0 : i32
      %dma_wait3A_801 = arith.constant 0 : i32
      %dma_wait3A_802 = tpu.memref_slice %arg7[%dma_wait3A_799, %dma_wait3A_800, %dma_wait3A_801] : memref<8x64x128xf32, #tpu.memory_space<vmem>> -> memref<1x64x128xf32, #tpu.memory_space<vmem>>
      %dma_wait3A_803 = tpu.memref_squeeze %dma_wait3A_802 : memref<1x64x128xf32, #tpu.memory_space<vmem>> -> memref<64x128xf32, #tpu.memory_space<vmem>>
      %dma_wait3A_804 = arith.constant 0 : i32
      %dma_wait3A_805 = tpu.memref_slice %arg3[%dma_wait3A_804, %multiple_of3A_422] : memref<64x1000000xf32, #tpu.memory_space<hbm>> -> memref<64x128xf32, #tpu.memory_space<hbm>>
      %dma_wait3A_806 = arith.constant 0 : i32
      %dma_wait3A_807 = arith.constant 0 : i32
      %dma_wait3A_808 = tpu.memref_slice %arg7[%dma_wait3A_799, %dma_wait3A_806, %dma_wait3A_807] : memref<8x64x128xf32, #tpu.memory_space<vmem>> -> memref<1x64x128xf32, #tpu.memory_space<vmem>>
      %dma_wait3A_809 = tpu.memref_squeeze %dma_wait3A_808 : memref<1x64x128xf32, #tpu.memory_space<vmem>> -> memref<64x128xf32, #tpu.memory_space<vmem>>
      %dma_wait3A_810 = arith.constant 0 : i32
      %dma_wait3A_811 = tpu.memref_slice %arg3[%dma_wait3A_810, %multiple_of3A_422] : memref<64x1000000xf32, #tpu.memory_space<hbm>> -> memref<64x128xf32, #tpu.memory_space<hbm>>
      tpu.wait_dma2 semaphore(%arg9 : memref<!tpu.dma_semaphore, #tpu.memory_space<semaphore_mem>>) src(%dma_wait3A_811 : memref<64x128xf32, #tpu.memory_space<hbm>>) dst(%dma_wait3A_809 : memref<64x128xf32, #tpu.memory_space<vmem>>)
      %dma_wait3A_812 = arith.constant 2 : i32
      %dma_wait3A_813 = arith.constant 0 : i32
      %dma_wait3A_814 = arith.constant 0 : i32
      %dma_wait3A_815 = tpu.memref_slice %arg7[%dma_wait3A_812, %dma_wait3A_813, %dma_wait3A_814] : memref<8x64x128xf32, #tpu.memory_space<vmem>> -> memref<1x64x128xf32, #tpu.memory_space<vmem>>
      %dma_wait3A_816 = tpu.memref_squeeze %dma_wait3A_815 : memref<1x64x128xf32, #tpu.memory_space<vmem>> -> memref<64x128xf32, #tpu.memory_space<vmem>>
      %dma_wait3A_817 = arith.constant 0 : i32
      %dma_wait3A_818 = tpu.memref_slice %arg3[%dma_wait3A_817, %multiple_of3A_438] : memref<64x1000000xf32, #tpu.memory_space<hbm>> -> memref<64x128xf32, #tpu.memory_space<hbm>>
      %dma_wait3A_819 = arith.constant 0 : i32
      %dma_wait3A_820 = arith.constant 0 : i32
      %dma_wait3A_821 = tpu.memref_slice %arg7[%dma_wait3A_812, %dma_wait3A_819, %dma_wait3A_820] : memref<8x64x128xf32, #tpu.memory_space<vmem>> -> memref<1x64x128xf32, #tpu.memory_space<vmem>>
      %dma_wait3A_822 = tpu.memref_squeeze %dma_wait3A_821 : memref<1x64x128xf32, #tpu.memory_space<vmem>> -> memref<64x128xf32, #tpu.memory_space<vmem>>
      %dma_wait3A_823 = arith.constant 0 : i32
      %dma_wait3A_824 = tpu.memref_slice %arg3[%dma_wait3A_823, %multiple_of3A_438] : memref<64x1000000xf32, #tpu.memory_space<hbm>> -> memref<64x128xf32, #tpu.memory_space<hbm>>
      tpu.wait_dma2 semaphore(%arg9 : memref<!tpu.dma_semaphore, #tpu.memory_space<semaphore_mem>>) src(%dma_wait3A_824 : memref<64x128xf32, #tpu.memory_space<hbm>>) dst(%dma_wait3A_822 : memref<64x128xf32, #tpu.memory_space<vmem>>)
      %dma_wait3A_825 = arith.constant 3 : i32
      %dma_wait3A_826 = arith.constant 0 : i32
      %dma_wait3A_827 = arith.constant 0 : i32
      %dma_wait3A_828 = tpu.memref_slice %arg7[%dma_wait3A_825, %dma_wait3A_826, %dma_wait3A_827] : memref<8x64x128xf32, #tpu.memory_space<vmem>> -> memref<1x64x128xf32, #tpu.memory_space<vmem>>
      %dma_wait3A_829 = tpu.memref_squeeze %dma_wait3A_828 : memref<1x64x128xf32, #tpu.memory_space<vmem>> -> memref<64x128xf32, #tpu.memory_space<vmem>>
      %dma_wait3A_830 = arith.constant 0 : i32
      %dma_wait3A_831 = tpu.memref_slice %arg3[%dma_wait3A_830, %multiple_of3A_454] : memref<64x1000000xf32, #tpu.memory_space<hbm>> -> memref<64x128xf32, #tpu.memory_space<hbm>>
      %dma_wait3A_832 = arith.constant 0 : i32
      %dma_wait3A_833 = arith.constant 0 : i32
      %dma_wait3A_834 = tpu.memref_slice %arg7[%dma_wait3A_825, %dma_wait3A_832, %dma_wait3A_833] : memref<8x64x128xf32, #tpu.memory_space<vmem>> -> memref<1x64x128xf32, #tpu.memory_space<vmem>>
      %dma_wait3A_835 = tpu.memref_squeeze %dma_wait3A_834 : memref<1x64x128xf32, #tpu.memory_space<vmem>> -> memref<64x128xf32, #tpu.memory_space<vmem>>
      %dma_wait3A_836 = arith.constant 0 : i32
      %dma_wait3A_837 = tpu.memref_slice %arg3[%dma_wait3A_836, %multiple_of3A_454] : memref<64x1000000xf32, #tpu.memory_space<hbm>> -> memref<64x128xf32, #tpu.memory_space<hbm>>
      tpu.wait_dma2 semaphore(%arg9 : memref<!tpu.dma_semaphore, #tpu.memory_space<semaphore_mem>>) src(%dma_wait3A_837 : memref<64x128xf32, #tpu.memory_space<hbm>>) dst(%dma_wait3A_835 : memref<64x128xf32, #tpu.memory_space<vmem>>)
      %sub3A_838 = arith.constant 16 : i32
      %sub3A_839 = arith.subi %scan3A_21, %sub3A_838 : i32
      %broadcast_in_dim3A_840 = arith.constant 0 : i32
      %broadcast_in_dim3A_841 = vector.broadcast %broadcast_in_dim3A_840 : i32 to vector<16xi32>
      %slice3A_842 = vector.extract_strided_slice %get3A_29 {offsets = [8], sizes = [1], strides = [1]} : vector<16xi32> to vector<1xi32>
      %squeeze3A_843 = vector.extract %slice3A_842[0] : i32 from vector<1xi32>
      %add3A_844 = vector.broadcast %squeeze3A_843 : i32 to vector<16xi32>
      %add3A_845 = arith.addi %broadcast_in_dim3A_841, %add3A_844 : vector<16xi32>
      %broadcast_in_dim3A_846 = arith.constant 0 : i32
      %broadcast_in_dim3A_847 = vector.broadcast %broadcast_in_dim3A_846 : i32 to vector<16xi32>
      %mul3A_848 = arith.constant 16 : i32
      %mul3A_849 = arith.muli %sub3A_839, %mul3A_848 : i32
      %add3A_850 = arith.constant 8 : i32
      %add3A_851 = arith.addi %mul3A_849, %add3A_850 : i32
      %add3A_852 = vector.broadcast %add3A_851 : i32 to vector<16xi32>
      %add3A_853 = arith.addi %broadcast_in_dim3A_847, %add3A_852 : vector<16xi32>
      %add3A_854 = arith.constant 0 : i32
      %add3A_855 = vector.broadcast %add3A_854 : i32 to vector<16xi32>
      %add3A_856 = arith.addi %iota3A, %add3A_855 : vector<16xi32>
      %gather3A_857 = arith.constant 0 : i32
      %gather3A_858 = arith.constant 0 : i32
      %gather3A_859 = arith.constant 0 : i32
      %gather3A_860 = tpu.memref_slice %arg7[%gather3A_857, %gather3A_858, %gather3A_859] : memref<8x64x128xf32, #tpu.memory_space<vmem>> -> memref<1x64x128xf32, #tpu.memory_space<vmem>>
      %gather3A_861 = tpu.memref_squeeze %gather3A_860 : memref<1x64x128xf32, #tpu.memory_space<vmem>> -> memref<64x128xf32, #tpu.memory_space<vmem>>
      %gather3A_862 = tpu.vector_load_idx %gather3A_861[%add3A_856, %add3A_845] : memref<64x128xf32, #tpu.memory_space<vmem>>[vector<16xi32>, vector<16xi32>], vector<16xf32>,
      tpu.vector_store_idx %arg8[%add3A_853, %add3A_856], %gather3A_862 : memref<256x64xf32, #tpu.memory_space<vmem>>[vector<16xi32>, vector<16xi32>], vector<16xf32>,
      %add3A_863 = arith.constant 16 : i32
      %add3A_864 = vector.broadcast %add3A_863 : i32 to vector<16xi32>
      %add3A_865 = arith.addi %iota3A, %add3A_864 : vector<16xi32>
      %gather3A_866 = arith.constant 0 : i32
      %gather3A_867 = arith.constant 0 : i32
      %gather3A_868 = arith.constant 0 : i32
      %gather3A_869 = tpu.memref_slice %arg7[%gather3A_866, %gather3A_867, %gather3A_868] : memref<8x64x128xf32, #tpu.memory_space<vmem>> -> memref<1x64x128xf32, #tpu.memory_space<vmem>>
      %gather3A_870 = tpu.memref_squeeze %gather3A_869 : memref<1x64x128xf32, #tpu.memory_space<vmem>> -> memref<64x128xf32, #tpu.memory_space<vmem>>
      %gather3A_871 = tpu.vector_load_idx %gather3A_870[%add3A_865, %add3A_845] : memref<64x128xf32, #tpu.memory_space<vmem>>[vector<16xi32>, vector<16xi32>], vector<16xf32>,
      tpu.vector_store_idx %arg8[%add3A_853, %add3A_865], %gather3A_871 : memref<256x64xf32, #tpu.memory_space<vmem>>[vector<16xi32>, vector<16xi32>], vector<16xf32>,
      %add3A_872 = arith.constant 32 : i32
      %add3A_873 = vector.broadcast %add3A_872 : i32 to vector<16xi32>
      %add3A_874 = arith.addi %iota3A, %add3A_873 : vector<16xi32>
      %gather3A_875 = arith.constant 0 : i32
      %gather3A_876 = arith.constant 0 : i32
      %gather3A_877 = arith.constant 0 : i32
      %gather3A_878 = tpu.memref_slice %arg7[%gather3A_875, %gather3A_876, %gather3A_877] : memref<8x64x128xf32, #tpu.memory_space<vmem>> -> memref<1x64x128xf32, #tpu.memory_space<vmem>>
      %gather3A_879 = tpu.memref_squeeze %gather3A_878 : memref<1x64x128xf32, #tpu.memory_space<vmem>> -> memref<64x128xf32, #tpu.memory_space<vmem>>
      %gather3A_880 = tpu.vector_load_idx %gather3A_879[%add3A_874, %add3A_845] : memref<64x128xf32, #tpu.memory_space<vmem>>[vector<16xi32>, vector<16xi32>], vector<16xf32>,
      tpu.vector_store_idx %arg8[%add3A_853, %add3A_874], %gather3A_880 : memref<256x64xf32, #tpu.memory_space<vmem>>[vector<16xi32>, vector<16xi32>], vector<16xf32>,
      %add3A_881 = arith.constant 48 : i32
      %add3A_882 = vector.broadcast %add3A_881 : i32 to vector<16xi32>
      %add3A_883 = arith.addi %iota3A, %add3A_882 : vector<16xi32>
      %gather3A_884 = arith.constant 0 : i32
      %gather3A_885 = arith.constant 0 : i32
      %gather3A_886 = arith.constant 0 : i32
      %gather3A_887 = tpu.memref_slice %arg7[%gather3A_884, %gather3A_885, %gather3A_886] : memref<8x64x128xf32, #tpu.memory_space<vmem>> -> memref<1x64x128xf32, #tpu.memory_space<vmem>>
      %gather3A_888 = tpu.memref_squeeze %gather3A_887 : memref<1x64x128xf32, #tpu.memory_space<vmem>> -> memref<64x128xf32, #tpu.memory_space<vmem>>
      %gather3A_889 = tpu.vector_load_idx %gather3A_888[%add3A_883, %add3A_845] : memref<64x128xf32, #tpu.memory_space<vmem>>[vector<16xi32>, vector<16xi32>], vector<16xf32>,
      tpu.vector_store_idx %arg8[%add3A_853, %add3A_883], %gather3A_889 : memref<256x64xf32, #tpu.memory_space<vmem>>[vector<16xi32>, vector<16xi32>], vector<16xf32>,
      %broadcast_in_dim3A_890 = arith.constant 0 : i32
      %broadcast_in_dim3A_891 = vector.broadcast %broadcast_in_dim3A_890 : i32 to vector<16xi32>
      %slice3A_892 = vector.extract_strided_slice %get3A_29 {offsets = [9], sizes = [1], strides = [1]} : vector<16xi32> to vector<1xi32>
      %squeeze3A_893 = vector.extract %slice3A_892[0] : i32 from vector<1xi32>
      %add3A_894 = vector.broadcast %squeeze3A_893 : i32 to vector<16xi32>
      %add3A_895 = arith.addi %broadcast_in_dim3A_891, %add3A_894 : vector<16xi32>
      %broadcast_in_dim3A_896 = arith.constant 0 : i32
      %broadcast_in_dim3A_897 = vector.broadcast %broadcast_in_dim3A_896 : i32 to vector<16xi32>
      %mul3A_898 = arith.constant 16 : i32
      %mul3A_899 = arith.muli %sub3A_839, %mul3A_898 : i32
      %add3A_900 = arith.constant 9 : i32
      %add3A_901 = arith.addi %mul3A_899, %add3A_900 : i32
      %add3A_902 = vector.broadcast %add3A_901 : i32 to vector<16xi32>
      %add3A_903 = arith.addi %broadcast_in_dim3A_897, %add3A_902 : vector<16xi32>
      %add3A_904 = arith.constant 0 : i32
      %add3A_905 = vector.broadcast %add3A_904 : i32 to vector<16xi32>
      %add3A_906 = arith.addi %iota3A, %add3A_905 : vector<16xi32>
      %gather3A_907 = arith.constant 1 : i32
      %gather3A_908 = arith.constant 0 : i32
      %gather3A_909 = arith.constant 0 : i32
      %gather3A_910 = tpu.memref_slice %arg7[%gather3A_907, %gather3A_908, %gather3A_909] : memref<8x64x128xf32, #tpu.memory_space<vmem>> -> memref<1x64x128xf32, #tpu.memory_space<vmem>>
      %gather3A_911 = tpu.memref_squeeze %gather3A_910 : memref<1x64x128xf32, #tpu.memory_space<vmem>> -> memref<64x128xf32, #tpu.memory_space<vmem>>
      %gather3A_912 = tpu.vector_load_idx %gather3A_911[%add3A_906, %add3A_895] : memref<64x128xf32, #tpu.memory_space<vmem>>[vector<16xi32>, vector<16xi32>], vector<16xf32>,
      tpu.vector_store_idx %arg8[%add3A_903, %add3A_906], %gather3A_912 : memref<256x64xf32, #tpu.memory_space<vmem>>[vector<16xi32>, vector<16xi32>], vector<16xf32>,
      %add3A_913 = arith.constant 16 : i32
      %add3A_914 = vector.broadcast %add3A_913 : i32 to vector<16xi32>
      %add3A_915 = arith.addi %iota3A, %add3A_914 : vector<16xi32>
      %gather3A_916 = arith.constant 1 : i32
      %gather3A_917 = arith.constant 0 : i32
      %gather3A_918 = arith.constant 0 : i32
      %gather3A_919 = tpu.memref_slice %arg7[%gather3A_916, %gather3A_917, %gather3A_918] : memref<8x64x128xf32, #tpu.memory_space<vmem>> -> memref<1x64x128xf32, #tpu.memory_space<vmem>>
      %gather3A_920 = tpu.memref_squeeze %gather3A_919 : memref<1x64x128xf32, #tpu.memory_space<vmem>> -> memref<64x128xf32, #tpu.memory_space<vmem>>
      %gather3A_921 = tpu.vector_load_idx %gather3A_920[%add3A_915, %add3A_895] : memref<64x128xf32, #tpu.memory_space<vmem>>[vector<16xi32>, vector<16xi32>], vector<16xf32>,
      tpu.vector_store_idx %arg8[%add3A_903, %add3A_915], %gather3A_921 : memref<256x64xf32, #tpu.memory_space<vmem>>[vector<16xi32>, vector<16xi32>], vector<16xf32>,
      %add3A_922 = arith.constant 32 : i32
      %add3A_923 = vector.broadcast %add3A_922 : i32 to vector<16xi32>
      %add3A_924 = arith.addi %iota3A, %add3A_923 : vector<16xi32>
      %gather3A_925 = arith.constant 1 : i32
      %gather3A_926 = arith.constant 0 : i32
      %gather3A_927 = arith.constant 0 : i32
      %gather3A_928 = tpu.memref_slice %arg7[%gather3A_925, %gather3A_926, %gather3A_927] : memref<8x64x128xf32, #tpu.memory_space<vmem>> -> memref<1x64x128xf32, #tpu.memory_space<vmem>>
      %gather3A_929 = tpu.memref_squeeze %gather3A_928 : memref<1x64x128xf32, #tpu.memory_space<vmem>> -> memref<64x128xf32, #tpu.memory_space<vmem>>
      %gather3A_930 = tpu.vector_load_idx %gather3A_929[%add3A_924, %add3A_895] : memref<64x128xf32, #tpu.memory_space<vmem>>[vector<16xi32>, vector<16xi32>], vector<16xf32>,
      tpu.vector_store_idx %arg8[%add3A_903, %add3A_924], %gather3A_930 : memref<256x64xf32, #tpu.memory_space<vmem>>[vector<16xi32>, vector<16xi32>], vector<16xf32>,
      %add3A_931 = arith.constant 48 : i32
      %add3A_932 = vector.broadcast %add3A_931 : i32 to vector<16xi32>
      %add3A_933 = arith.addi %iota3A, %add3A_932 : vector<16xi32>
      %gather3A_934 = arith.constant 1 : i32
      %gather3A_935 = arith.constant 0 : i32
      %gather3A_936 = arith.constant 0 : i32
      %gather3A_937 = tpu.memref_slice %arg7[%gather3A_934, %gather3A_935, %gather3A_936] : memref<8x64x128xf32, #tpu.memory_space<vmem>> -> memref<1x64x128xf32, #tpu.memory_space<vmem>>
      %gather3A_938 = tpu.memref_squeeze %gather3A_937 : memref<1x64x128xf32, #tpu.memory_space<vmem>> -> memref<64x128xf32, #tpu.memory_space<vmem>>
      %gather3A_939 = tpu.vector_load_idx %gather3A_938[%add3A_933, %add3A_895] : memref<64x128xf32, #tpu.memory_space<vmem>>[vector<16xi32>, vector<16xi32>], vector<16xf32>,
      tpu.vector_store_idx %arg8[%add3A_903, %add3A_933], %gather3A_939 : memref<256x64xf32, #tpu.memory_space<vmem>>[vector<16xi32>, vector<16xi32>], vector<16xf32>,
      %broadcast_in_dim3A_940 = arith.constant 0 : i32
      %broadcast_in_dim3A_941 = vector.broadcast %broadcast_in_dim3A_940 : i32 to vector<16xi32>
      %slice3A_942 = vector.extract_strided_slice %get3A_29 {offsets = [10], sizes = [1], strides = [1]} : vector<16xi32> to vector<1xi32>
      %squeeze3A_943 = vector.extract %slice3A_942[0] : i32 from vector<1xi32>
      %add3A_944 = vector.broadcast %squeeze3A_943 : i32 to vector<16xi32>
      %add3A_945 = arith.addi %broadcast_in_dim3A_941, %add3A_944 : vector<16xi32>
      %broadcast_in_dim3A_946 = arith.constant 0 : i32
      %broadcast_in_dim3A_947 = vector.broadcast %broadcast_in_dim3A_946 : i32 to vector<16xi32>
      %mul3A_948 = arith.constant 16 : i32
      %mul3A_949 = arith.muli %sub3A_839, %mul3A_948 : i32
      %add3A_950 = arith.constant 10 : i32
      %add3A_951 = arith.addi %mul3A_949, %add3A_950 : i32
      %add3A_952 = vector.broadcast %add3A_951 : i32 to vector<16xi32>
      %add3A_953 = arith.addi %broadcast_in_dim3A_947, %add3A_952 : vector<16xi32>
      %add3A_954 = arith.constant 0 : i32
      %add3A_955 = vector.broadcast %add3A_954 : i32 to vector<16xi32>
      %add3A_956 = arith.addi %iota3A, %add3A_955 : vector<16xi32>
      %gather3A_957 = arith.constant 2 : i32
      %gather3A_958 = arith.constant 0 : i32
      %gather3A_959 = arith.constant 0 : i32
      %gather3A_960 = tpu.memref_slice %arg7[%gather3A_957, %gather3A_958, %gather3A_959] : memref<8x64x128xf32, #tpu.memory_space<vmem>> -> memref<1x64x128xf32, #tpu.memory_space<vmem>>
      %gather3A_961 = tpu.memref_squeeze %gather3A_960 : memref<1x64x128xf32, #tpu.memory_space<vmem>> -> memref<64x128xf32, #tpu.memory_space<vmem>>
      %gather3A_962 = tpu.vector_load_idx %gather3A_961[%add3A_956, %add3A_945] : memref<64x128xf32, #tpu.memory_space<vmem>>[vector<16xi32>, vector<16xi32>], vector<16xf32>,
      tpu.vector_store_idx %arg8[%add3A_953, %add3A_956], %gather3A_962 : memref<256x64xf32, #tpu.memory_space<vmem>>[vector<16xi32>, vector<16xi32>], vector<16xf32>,
      %add3A_963 = arith.constant 16 : i32
      %add3A_964 = vector.broadcast %add3A_963 : i32 to vector<16xi32>
      %add3A_965 = arith.addi %iota3A, %add3A_964 : vector<16xi32>
      %gather3A_966 = arith.constant 2 : i32
      %gather3A_967 = arith.constant 0 : i32
      %gather3A_968 = arith.constant 0 : i32
      %gather3A_969 = tpu.memref_slice %arg7[%gather3A_966, %gather3A_967, %gather3A_968] : memref<8x64x128xf32, #tpu.memory_space<vmem>> -> memref<1x64x128xf32, #tpu.memory_space<vmem>>
      %gather3A_970 = tpu.memref_squeeze %gather3A_969 : memref<1x64x128xf32, #tpu.memory_space<vmem>> -> memref<64x128xf32, #tpu.memory_space<vmem>>
      %gather3A_971 = tpu.vector_load_idx %gather3A_970[%add3A_965, %add3A_945] : memref<64x128xf32, #tpu.memory_space<vmem>>[vector<16xi32>, vector<16xi32>], vector<16xf32>,
      tpu.vector_store_idx %arg8[%add3A_953, %add3A_965], %gather3A_971 : memref<256x64xf32, #tpu.memory_space<vmem>>[vector<16xi32>, vector<16xi32>], vector<16xf32>,
      %add3A_972 = arith.constant 32 : i32
      %add3A_973 = vector.broadcast %add3A_972 : i32 to vector<16xi32>
      %add3A_974 = arith.addi %iota3A, %add3A_973 : vector<16xi32>
      %gather3A_975 = arith.constant 2 : i32
      %gather3A_976 = arith.constant 0 : i32
      %gather3A_977 = arith.constant 0 : i32
      %gather3A_978 = tpu.memref_slice %arg7[%gather3A_975, %gather3A_976, %gather3A_977] : memref<8x64x128xf32, #tpu.memory_space<vmem>> -> memref<1x64x128xf32, #tpu.memory_space<vmem>>
      %gather3A_979 = tpu.memref_squeeze %gather3A_978 : memref<1x64x128xf32, #tpu.memory_space<vmem>> -> memref<64x128xf32, #tpu.memory_space<vmem>>
      %gather3A_980 = tpu.vector_load_idx %gather3A_979[%add3A_974, %add3A_945] : memref<64x128xf32, #tpu.memory_space<vmem>>[vector<16xi32>, vector<16xi32>], vector<16xf32>,
      tpu.vector_store_idx %arg8[%add3A_953, %add3A_974], %gather3A_980 : memref<256x64xf32, #tpu.memory_space<vmem>>[vector<16xi32>, vector<16xi32>], vector<16xf32>,
      %add3A_981 = arith.constant 48 : i32
      %add3A_982 = vector.broadcast %add3A_981 : i32 to vector<16xi32>
      %add3A_983 = arith.addi %iota3A, %add3A_982 : vector<16xi32>
      %gather3A_984 = arith.constant 2 : i32
      %gather3A_985 = arith.constant 0 : i32
      %gather3A_986 = arith.constant 0 : i32
      %gather3A_987 = tpu.memref_slice %arg7[%gather3A_984, %gather3A_985, %gather3A_986] : memref<8x64x128xf32, #tpu.memory_space<vmem>> -> memref<1x64x128xf32, #tpu.memory_space<vmem>>
      %gather3A_988 = tpu.memref_squeeze %gather3A_987 : memref<1x64x128xf32, #tpu.memory_space<vmem>> -> memref<64x128xf32, #tpu.memory_space<vmem>>
      %gather3A_989 = tpu.vector_load_idx %gather3A_988[%add3A_983, %add3A_945] : memref<64x128xf32, #tpu.memory_space<vmem>>[vector<16xi32>, vector<16xi32>], vector<16xf32>,
      tpu.vector_store_idx %arg8[%add3A_953, %add3A_983], %gather3A_989 : memref<256x64xf32, #tpu.memory_space<vmem>>[vector<16xi32>, vector<16xi32>], vector<16xf32>,
      %broadcast_in_dim3A_990 = arith.constant 0 : i32
      %broadcast_in_dim3A_991 = vector.broadcast %broadcast_in_dim3A_990 : i32 to vector<16xi32>
      %slice3A_992 = vector.extract_strided_slice %get3A_29 {offsets = [11], sizes = [1], strides = [1]} : vector<16xi32> to vector<1xi32>
      %squeeze3A_993 = vector.extract %slice3A_992[0] : i32 from vector<1xi32>
      %add3A_994 = vector.broadcast %squeeze3A_993 : i32 to vector<16xi32>
      %add3A_995 = arith.addi %broadcast_in_dim3A_991, %add3A_994 : vector<16xi32>
      %broadcast_in_dim3A_996 = arith.constant 0 : i32
      %broadcast_in_dim3A_997 = vector.broadcast %broadcast_in_dim3A_996 : i32 to vector<16xi32>
      %mul3A_998 = arith.constant 16 : i32
      %mul3A_999 = arith.muli %sub3A_839, %mul3A_998 : i32
      %add3A_1000 = arith.constant 11 : i32
      %add3A_1001 = arith.addi %mul3A_999, %add3A_1000 : i32
      %add3A_1002 = vector.broadcast %add3A_1001 : i32 to vector<16xi32>
      %add3A_1003 = arith.addi %broadcast_in_dim3A_997, %add3A_1002 : vector<16xi32>
      %add3A_1004 = arith.constant 0 : i32
      %add3A_1005 = vector.broadcast %add3A_1004 : i32 to vector<16xi32>
      %add3A_1006 = arith.addi %iota3A, %add3A_1005 : vector<16xi32>
      %gather3A_1007 = arith.constant 3 : i32
      %gather3A_1008 = arith.constant 0 : i32
      %gather3A_1009 = arith.constant 0 : i32
      %gather3A_1010 = tpu.memref_slice %arg7[%gather3A_1007, %gather3A_1008, %gather3A_1009] : memref<8x64x128xf32, #tpu.memory_space<vmem>> -> memref<1x64x128xf32, #tpu.memory_space<vmem>>
      %gather3A_1011 = tpu.memref_squeeze %gather3A_1010 : memref<1x64x128xf32, #tpu.memory_space<vmem>> -> memref<64x128xf32, #tpu.memory_space<vmem>>
      %gather3A_1012 = tpu.vector_load_idx %gather3A_1011[%add3A_1006, %add3A_995] : memref<64x128xf32, #tpu.memory_space<vmem>>[vector<16xi32>, vector<16xi32>], vector<16xf32>,
      tpu.vector_store_idx %arg8[%add3A_1003, %add3A_1006], %gather3A_1012 : memref<256x64xf32, #tpu.memory_space<vmem>>[vector<16xi32>, vector<16xi32>], vector<16xf32>,
      %add3A_1013 = arith.constant 16 : i32
      %add3A_1014 = vector.broadcast %add3A_1013 : i32 to vector<16xi32>
      %add3A_1015 = arith.addi %iota3A, %add3A_1014 : vector<16xi32>
      %gather3A_1016 = arith.constant 3 : i32
      %gather3A_1017 = arith.constant 0 : i32
      %gather3A_1018 = arith.constant 0 : i32
      %gather3A_1019 = tpu.memref_slice %arg7[%gather3A_1016, %gather3A_1017, %gather3A_1018] : memref<8x64x128xf32, #tpu.memory_space<vmem>> -> memref<1x64x128xf32, #tpu.memory_space<vmem>>
      %gather3A_1020 = tpu.memref_squeeze %gather3A_1019 : memref<1x64x128xf32, #tpu.memory_space<vmem>> -> memref<64x128xf32, #tpu.memory_space<vmem>>
      %gather3A_1021 = tpu.vector_load_idx %gather3A_1020[%add3A_1015, %add3A_995] : memref<64x128xf32, #tpu.memory_space<vmem>>[vector<16xi32>, vector<16xi32>], vector<16xf32>,
      tpu.vector_store_idx %arg8[%add3A_1003, %add3A_1015], %gather3A_1021 : memref<256x64xf32, #tpu.memory_space<vmem>>[vector<16xi32>, vector<16xi32>], vector<16xf32>,
      %add3A_1022 = arith.constant 32 : i32
      %add3A_1023 = vector.broadcast %add3A_1022 : i32 to vector<16xi32>
      %add3A_1024 = arith.addi %iota3A, %add3A_1023 : vector<16xi32>
      %gather3A_1025 = arith.constant 3 : i32
      %gather3A_1026 = arith.constant 0 : i32
      %gather3A_1027 = arith.constant 0 : i32
      %gather3A_1028 = tpu.memref_slice %arg7[%gather3A_1025, %gather3A_1026, %gather3A_1027] : memref<8x64x128xf32, #tpu.memory_space<vmem>> -> memref<1x64x128xf32, #tpu.memory_space<vmem>>
      %gather3A_1029 = tpu.memref_squeeze %gather3A_1028 : memref<1x64x128xf32, #tpu.memory_space<vmem>> -> memref<64x128xf32, #tpu.memory_space<vmem>>
      %gather3A_1030 = tpu.vector_load_idx %gather3A_1029[%add3A_1024, %add3A_995] : memref<64x128xf32, #tpu.memory_space<vmem>>[vector<16xi32>, vector<16xi32>], vector<16xf32>,
      tpu.vector_store_idx %arg8[%add3A_1003, %add3A_1024], %gather3A_1030 : memref<256x64xf32, #tpu.memory_space<vmem>>[vector<16xi32>, vector<16xi32>], vector<16xf32>,
      %add3A_1031 = arith.constant 48 : i32
      %add3A_1032 = vector.broadcast %add3A_1031 : i32 to vector<16xi32>
      %add3A_1033 = arith.addi %iota3A, %add3A_1032 : vector<16xi32>
      %gather3A_1034 = arith.constant 3 : i32
      %gather3A_1035 = arith.constant 0 : i32
      %gather3A_1036 = arith.constant 0 : i32
      %gather3A_1037 = tpu.memref_slice %arg7[%gather3A_1034, %gather3A_1035, %gather3A_1036] : memref<8x64x128xf32, #tpu.memory_space<vmem>> -> memref<1x64x128xf32, #tpu.memory_space<vmem>>
      %gather3A_1038 = tpu.memref_squeeze %gather3A_1037 : memref<1x64x128xf32, #tpu.memory_space<vmem>> -> memref<64x128xf32, #tpu.memory_space<vmem>>
      %gather3A_1039 = tpu.vector_load_idx %gather3A_1038[%add3A_1033, %add3A_995] : memref<64x128xf32, #tpu.memory_space<vmem>>[vector<16xi32>, vector<16xi32>], vector<16xf32>,
      tpu.vector_store_idx %arg8[%add3A_1003, %add3A_1033], %gather3A_1039 : memref<256x64xf32, #tpu.memory_space<vmem>>[vector<16xi32>, vector<16xi32>], vector<16xf32>,
      %dma_wait3A_1040 = arith.constant 4 : i32
      %dma_wait3A_1041 = arith.constant 0 : i32
      %dma_wait3A_1042 = arith.constant 0 : i32
      %dma_wait3A_1043 = tpu.memref_slice %arg7[%dma_wait3A_1040, %dma_wait3A_1041, %dma_wait3A_1042] : memref<8x64x128xf32, #tpu.memory_space<vmem>> -> memref<1x64x128xf32, #tpu.memory_space<vmem>>
      %dma_wait3A_1044 = tpu.memref_squeeze %dma_wait3A_1043 : memref<1x64x128xf32, #tpu.memory_space<vmem>> -> memref<64x128xf32, #tpu.memory_space<vmem>>
      %dma_wait3A_1045 = arith.constant 0 : i32
      %dma_wait3A_1046 = tpu.memref_slice %arg3[%dma_wait3A_1045, %multiple_of3A_724] : memref<64x1000000xf32, #tpu.memory_space<hbm>> -> memref<64x128xf32, #tpu.memory_space<hbm>>
      %dma_wait3A_1047 = arith.constant 0 : i32
      %dma_wait3A_1048 = arith.constant 0 : i32
      %dma_wait3A_1049 = tpu.memref_slice %arg7[%dma_wait3A_1040, %dma_wait3A_1047, %dma_wait3A_1048] : memref<8x64x128xf32, #tpu.memory_space<vmem>> -> memref<1x64x128xf32, #tpu.memory_space<vmem>>
      %dma_wait3A_1050 = tpu.memref_squeeze %dma_wait3A_1049 : memref<1x64x128xf32, #tpu.memory_space<vmem>> -> memref<64x128xf32, #tpu.memory_space<vmem>>
      %dma_wait3A_1051 = arith.constant 0 : i32
      %dma_wait3A_1052 = tpu.memref_slice %arg3[%dma_wait3A_1051, %multiple_of3A_724] : memref<64x1000000xf32, #tpu.memory_space<hbm>> -> memref<64x128xf32, #tpu.memory_space<hbm>>
      tpu.wait_dma2 semaphore(%arg9 : memref<!tpu.dma_semaphore, #tpu.memory_space<semaphore_mem>>) src(%dma_wait3A_1052 : memref<64x128xf32, #tpu.memory_space<hbm>>) dst(%dma_wait3A_1050 : memref<64x128xf32, #tpu.memory_space<vmem>>)
      %dma_wait3A_1053 = arith.constant 5 : i32
      %dma_wait3A_1054 = arith.constant 0 : i32
      %dma_wait3A_1055 = arith.constant 0 : i32
      %dma_wait3A_1056 = tpu.memref_slice %arg7[%dma_wait3A_1053, %dma_wait3A_1054, %dma_wait3A_1055] : memref<8x64x128xf32, #tpu.memory_space<vmem>> -> memref<1x64x128xf32, #tpu.memory_space<vmem>>
      %dma_wait3A_1057 = tpu.memref_squeeze %dma_wait3A_1056 : memref<1x64x128xf32, #tpu.memory_space<vmem>> -> memref<64x128xf32, #tpu.memory_space<vmem>>
      %dma_wait3A_1058 = arith.constant 0 : i32
      %dma_wait3A_1059 = tpu.memref_slice %arg3[%dma_wait3A_1058, %multiple_of3A_740] : memref<64x1000000xf32, #tpu.memory_space<hbm>> -> memref<64x128xf32, #tpu.memory_space<hbm>>
      %dma_wait3A_1060 = arith.constant 0 : i32
      %dma_wait3A_1061 = arith.constant 0 : i32
      %dma_wait3A_1062 = tpu.memref_slice %arg7[%dma_wait3A_1053, %dma_wait3A_1060, %dma_wait3A_1061] : memref<8x64x128xf32, #tpu.memory_space<vmem>> -> memref<1x64x128xf32, #tpu.memory_space<vmem>>
      %dma_wait3A_1063 = tpu.memref_squeeze %dma_wait3A_1062 : memref<1x64x128xf32, #tpu.memory_space<vmem>> -> memref<64x128xf32, #tpu.memory_space<vmem>>
      %dma_wait3A_1064 = arith.constant 0 : i32
      %dma_wait3A_1065 = tpu.memref_slice %arg3[%dma_wait3A_1064, %multiple_of3A_740] : memref<64x1000000xf32, #tpu.memory_space<hbm>> -> memref<64x128xf32, #tpu.memory_space<hbm>>
      tpu.wait_dma2 semaphore(%arg9 : memref<!tpu.dma_semaphore, #tpu.memory_space<semaphore_mem>>) src(%dma_wait3A_1065 : memref<64x128xf32, #tpu.memory_space<hbm>>) dst(%dma_wait3A_1063 : memref<64x128xf32, #tpu.memory_space<vmem>>)
      %dma_wait3A_1066 = arith.constant 6 : i32
      %dma_wait3A_1067 = arith.constant 0 : i32
      %dma_wait3A_1068 = arith.constant 0 : i32
      %dma_wait3A_1069 = tpu.memref_slice %arg7[%dma_wait3A_1066, %dma_wait3A_1067, %dma_wait3A_1068] : memref<8x64x128xf32, #tpu.memory_space<vmem>> -> memref<1x64x128xf32, #tpu.memory_space<vmem>>
      %dma_wait3A_1070 = tpu.memref_squeeze %dma_wait3A_1069 : memref<1x64x128xf32, #tpu.memory_space<vmem>> -> memref<64x128xf32, #tpu.memory_space<vmem>>
      %dma_wait3A_1071 = arith.constant 0 : i32
      %dma_wait3A_1072 = tpu.memref_slice %arg3[%dma_wait3A_1071, %multiple_of3A_756] : memref<64x1000000xf32, #tpu.memory_space<hbm>> -> memref<64x128xf32, #tpu.memory_space<hbm>>
      %dma_wait3A_1073 = arith.constant 0 : i32
      %dma_wait3A_1074 = arith.constant 0 : i32
      %dma_wait3A_1075 = tpu.memref_slice %arg7[%dma_wait3A_1066, %dma_wait3A_1073, %dma_wait3A_1074] : memref<8x64x128xf32, #tpu.memory_space<vmem>> -> memref<1x64x128xf32, #tpu.memory_space<vmem>>
      %dma_wait3A_1076 = tpu.memref_squeeze %dma_wait3A_1075 : memref<1x64x128xf32, #tpu.memory_space<vmem>> -> memref<64x128xf32, #tpu.memory_space<vmem>>
      %dma_wait3A_1077 = arith.constant 0 : i32
      %dma_wait3A_1078 = tpu.memref_slice %arg3[%dma_wait3A_1077, %multiple_of3A_756] : memref<64x1000000xf32, #tpu.memory_space<hbm>> -> memref<64x128xf32, #tpu.memory_space<hbm>>
      tpu.wait_dma2 semaphore(%arg9 : memref<!tpu.dma_semaphore, #tpu.memory_space<semaphore_mem>>) src(%dma_wait3A_1078 : memref<64x128xf32, #tpu.memory_space<hbm>>) dst(%dma_wait3A_1076 : memref<64x128xf32, #tpu.memory_space<vmem>>)
      %dma_wait3A_1079 = arith.constant 7 : i32
      %dma_wait3A_1080 = arith.constant 0 : i32
      %dma_wait3A_1081 = arith.constant 0 : i32
      %dma_wait3A_1082 = tpu.memref_slice %arg7[%dma_wait3A_1079, %dma_wait3A_1080, %dma_wait3A_1081] : memref<8x64x128xf32, #tpu.memory_space<vmem>> -> memref<1x64x128xf32, #tpu.memory_space<vmem>>
      %dma_wait3A_1083 = tpu.memref_squeeze %dma_wait3A_1082 : memref<1x64x128xf32, #tpu.memory_space<vmem>> -> memref<64x128xf32, #tpu.memory_space<vmem>>
      %dma_wait3A_1084 = arith.constant 0 : i32
      %dma_wait3A_1085 = tpu.memref_slice %arg3[%dma_wait3A_1084, %multiple_of3A_772] : memref<64x1000000xf32, #tpu.memory_space<hbm>> -> memref<64x128xf32, #tpu.memory_space<hbm>>
      %dma_wait3A_1086 = arith.constant 0 : i32
      %dma_wait3A_1087 = arith.constant 0 : i32
      %dma_wait3A_1088 = tpu.memref_slice %arg7[%dma_wait3A_1079, %dma_wait3A_1086, %dma_wait3A_1087] : memref<8x64x128xf32, #tpu.memory_space<vmem>> -> memref<1x64x128xf32, #tpu.memory_space<vmem>>
      %dma_wait3A_1089 = tpu.memref_squeeze %dma_wait3A_1088 : memref<1x64x128xf32, #tpu.memory_space<vmem>> -> memref<64x128xf32, #tpu.memory_space<vmem>>
      %dma_wait3A_1090 = arith.constant 0 : i32
      %dma_wait3A_1091 = tpu.memref_slice %arg3[%dma_wait3A_1090, %multiple_of3A_772] : memref<64x1000000xf32, #tpu.memory_space<hbm>> -> memref<64x128xf32, #tpu.memory_space<hbm>>
      tpu.wait_dma2 semaphore(%arg9 : memref<!tpu.dma_semaphore, #tpu.memory_space<semaphore_mem>>) src(%dma_wait3A_1091 : memref<64x128xf32, #tpu.memory_space<hbm>>) dst(%dma_wait3A_1089 : memref<64x128xf32, #tpu.memory_space<vmem>>)
      %sub3A_1092 = arith.constant 16 : i32
      %sub3A_1093 = arith.subi %scan3A_21, %sub3A_1092 : i32
      %broadcast_in_dim3A_1094 = arith.constant 0 : i32
      %broadcast_in_dim3A_1095 = vector.broadcast %broadcast_in_dim3A_1094 : i32 to vector<16xi32>
      %slice3A_1096 = vector.extract_strided_slice %get3A_29 {offsets = [12], sizes = [1], strides = [1]} : vector<16xi32> to vector<1xi32>
      %squeeze3A_1097 = vector.extract %slice3A_1096[0] : i32 from vector<1xi32>
      %add3A_1098 = vector.broadcast %squeeze3A_1097 : i32 to vector<16xi32>
      %add3A_1099 = arith.addi %broadcast_in_dim3A_1095, %add3A_1098 : vector<16xi32>
      %broadcast_in_dim3A_1100 = arith.constant 0 : i32
      %broadcast_in_dim3A_1101 = vector.broadcast %broadcast_in_dim3A_1100 : i32 to vector<16xi32>
      %mul3A_1102 = arith.constant 16 : i32
      %mul3A_1103 = arith.muli %sub3A_1093, %mul3A_1102 : i32
      %add3A_1104 = arith.constant 12 : i32
      %add3A_1105 = arith.addi %mul3A_1103, %add3A_1104 : i32
      %add3A_1106 = vector.broadcast %add3A_1105 : i32 to vector<16xi32>
      %add3A_1107 = arith.addi %broadcast_in_dim3A_1101, %add3A_1106 : vector<16xi32>
      %add3A_1108 = arith.constant 0 : i32
      %add3A_1109 = vector.broadcast %add3A_1108 : i32 to vector<16xi32>
      %add3A_1110 = arith.addi %iota3A, %add3A_1109 : vector<16xi32>
      %gather3A_1111 = arith.constant 4 : i32
      %gather3A_1112 = arith.constant 0 : i32
      %gather3A_1113 = arith.constant 0 : i32
      %gather3A_1114 = tpu.memref_slice %arg7[%gather3A_1111, %gather3A_1112, %gather3A_1113] : memref<8x64x128xf32, #tpu.memory_space<vmem>> -> memref<1x64x128xf32, #tpu.memory_space<vmem>>
      %gather3A_1115 = tpu.memref_squeeze %gather3A_1114 : memref<1x64x128xf32, #tpu.memory_space<vmem>> -> memref<64x128xf32, #tpu.memory_space<vmem>>
      %gather3A_1116 = tpu.vector_load_idx %gather3A_1115[%add3A_1110, %add3A_1099] : memref<64x128xf32, #tpu.memory_space<vmem>>[vector<16xi32>, vector<16xi32>], vector<16xf32>,
      tpu.vector_store_idx %arg8[%add3A_1107, %add3A_1110], %gather3A_1116 : memref<256x64xf32, #tpu.memory_space<vmem>>[vector<16xi32>, vector<16xi32>], vector<16xf32>,
      %add3A_1117 = arith.constant 16 : i32
      %add3A_1118 = vector.broadcast %add3A_1117 : i32 to vector<16xi32>
      %add3A_1119 = arith.addi %iota3A, %add3A_1118 : vector<16xi32>
      %gather3A_1120 = arith.constant 4 : i32
      %gather3A_1121 = arith.constant 0 : i32
      %gather3A_1122 = arith.constant 0 : i32
      %gather3A_1123 = tpu.memref_slice %arg7[%gather3A_1120, %gather3A_1121, %gather3A_1122] : memref<8x64x128xf32, #tpu.memory_space<vmem>> -> memref<1x64x128xf32, #tpu.memory_space<vmem>>
      %gather3A_1124 = tpu.memref_squeeze %gather3A_1123 : memref<1x64x128xf32, #tpu.memory_space<vmem>> -> memref<64x128xf32, #tpu.memory_space<vmem>>
      %gather3A_1125 = tpu.vector_load_idx %gather3A_1124[%add3A_1119, %add3A_1099] : memref<64x128xf32, #tpu.memory_space<vmem>>[vector<16xi32>, vector<16xi32>], vector<16xf32>,
      tpu.vector_store_idx %arg8[%add3A_1107, %add3A_1119], %gather3A_1125 : memref<256x64xf32, #tpu.memory_space<vmem>>[vector<16xi32>, vector<16xi32>], vector<16xf32>,
      %add3A_1126 = arith.constant 32 : i32
      %add3A_1127 = vector.broadcast %add3A_1126 : i32 to vector<16xi32>
      %add3A_1128 = arith.addi %iota3A, %add3A_1127 : vector<16xi32>
      %gather3A_1129 = arith.constant 4 : i32
      %gather3A_1130 = arith.constant 0 : i32
      %gather3A_1131 = arith.constant 0 : i32
      %gather3A_1132 = tpu.memref_slice %arg7[%gather3A_1129, %gather3A_1130, %gather3A_1131] : memref<8x64x128xf32, #tpu.memory_space<vmem>> -> memref<1x64x128xf32, #tpu.memory_space<vmem>>
      %gather3A_1133 = tpu.memref_squeeze %gather3A_1132 : memref<1x64x128xf32, #tpu.memory_space<vmem>> -> memref<64x128xf32, #tpu.memory_space<vmem>>
      %gather3A_1134 = tpu.vector_load_idx %gather3A_1133[%add3A_1128, %add3A_1099] : memref<64x128xf32, #tpu.memory_space<vmem>>[vector<16xi32>, vector<16xi32>], vector<16xf32>,
      tpu.vector_store_idx %arg8[%add3A_1107, %add3A_1128], %gather3A_1134 : memref<256x64xf32, #tpu.memory_space<vmem>>[vector<16xi32>, vector<16xi32>], vector<16xf32>,
      %add3A_1135 = arith.constant 48 : i32
      %add3A_1136 = vector.broadcast %add3A_1135 : i32 to vector<16xi32>
      %add3A_1137 = arith.addi %iota3A, %add3A_1136 : vector<16xi32>
      %gather3A_1138 = arith.constant 4 : i32
      %gather3A_1139 = arith.constant 0 : i32
      %gather3A_1140 = arith.constant 0 : i32
      %gather3A_1141 = tpu.memref_slice %arg7[%gather3A_1138, %gather3A_1139, %gather3A_1140] : memref<8x64x128xf32, #tpu.memory_space<vmem>> -> memref<1x64x128xf32, #tpu.memory_space<vmem>>
      %gather3A_1142 = tpu.memref_squeeze %gather3A_1141 : memref<1x64x128xf32, #tpu.memory_space<vmem>> -> memref<64x128xf32, #tpu.memory_space<vmem>>
      %gather3A_1143 = tpu.vector_load_idx %gather3A_1142[%add3A_1137, %add3A_1099] : memref<64x128xf32, #tpu.memory_space<vmem>>[vector<16xi32>, vector<16xi32>], vector<16xf32>,
      tpu.vector_store_idx %arg8[%add3A_1107, %add3A_1137], %gather3A_1143 : memref<256x64xf32, #tpu.memory_space<vmem>>[vector<16xi32>, vector<16xi32>], vector<16xf32>,
      %broadcast_in_dim3A_1144 = arith.constant 0 : i32
      %broadcast_in_dim3A_1145 = vector.broadcast %broadcast_in_dim3A_1144 : i32 to vector<16xi32>
      %slice3A_1146 = vector.extract_strided_slice %get3A_29 {offsets = [13], sizes = [1], strides = [1]} : vector<16xi32> to vector<1xi32>
      %squeeze3A_1147 = vector.extract %slice3A_1146[0] : i32 from vector<1xi32>
      %add3A_1148 = vector.broadcast %squeeze3A_1147 : i32 to vector<16xi32>
      %add3A_1149 = arith.addi %broadcast_in_dim3A_1145, %add3A_1148 : vector<16xi32>
      %broadcast_in_dim3A_1150 = arith.constant 0 : i32
      %broadcast_in_dim3A_1151 = vector.broadcast %broadcast_in_dim3A_1150 : i32 to vector<16xi32>
      %mul3A_1152 = arith.constant 16 : i32
      %mul3A_1153 = arith.muli %sub3A_1093, %mul3A_1152 : i32
      %add3A_1154 = arith.constant 13 : i32
      %add3A_1155 = arith.addi %mul3A_1153, %add3A_1154 : i32
      %add3A_1156 = vector.broadcast %add3A_1155 : i32 to vector<16xi32>
      %add3A_1157 = arith.addi %broadcast_in_dim3A_1151, %add3A_1156 : vector<16xi32>
      %add3A_1158 = arith.constant 0 : i32
      %add3A_1159 = vector.broadcast %add3A_1158 : i32 to vector<16xi32>
      %add3A_1160 = arith.addi %iota3A, %add3A_1159 : vector<16xi32>
      %gather3A_1161 = arith.constant 5 : i32
      %gather3A_1162 = arith.constant 0 : i32
      %gather3A_1163 = arith.constant 0 : i32
      %gather3A_1164 = tpu.memref_slice %arg7[%gather3A_1161, %gather3A_1162, %gather3A_1163] : memref<8x64x128xf32, #tpu.memory_space<vmem>> -> memref<1x64x128xf32, #tpu.memory_space<vmem>>
      %gather3A_1165 = tpu.memref_squeeze %gather3A_1164 : memref<1x64x128xf32, #tpu.memory_space<vmem>> -> memref<64x128xf32, #tpu.memory_space<vmem>>
      %gather3A_1166 = tpu.vector_load_idx %gather3A_1165[%add3A_1160, %add3A_1149] : memref<64x128xf32, #tpu.memory_space<vmem>>[vector<16xi32>, vector<16xi32>], vector<16xf32>,
      tpu.vector_store_idx %arg8[%add3A_1157, %add3A_1160], %gather3A_1166 : memref<256x64xf32, #tpu.memory_space<vmem>>[vector<16xi32>, vector<16xi32>], vector<16xf32>,
      %add3A_1167 = arith.constant 16 : i32
      %add3A_1168 = vector.broadcast %add3A_1167 : i32 to vector<16xi32>
      %add3A_1169 = arith.addi %iota3A, %add3A_1168 : vector<16xi32>
      %gather3A_1170 = arith.constant 5 : i32
      %gather3A_1171 = arith.constant 0 : i32
      %gather3A_1172 = arith.constant 0 : i32
      %gather3A_1173 = tpu.memref_slice %arg7[%gather3A_1170, %gather3A_1171, %gather3A_1172] : memref<8x64x128xf32, #tpu.memory_space<vmem>> -> memref<1x64x128xf32, #tpu.memory_space<vmem>>
      %gather3A_1174 = tpu.memref_squeeze %gather3A_1173 : memref<1x64x128xf32, #tpu.memory_space<vmem>> -> memref<64x128xf32, #tpu.memory_space<vmem>>
      %gather3A_1175 = tpu.vector_load_idx %gather3A_1174[%add3A_1169, %add3A_1149] : memref<64x128xf32, #tpu.memory_space<vmem>>[vector<16xi32>, vector<16xi32>], vector<16xf32>,
      tpu.vector_store_idx %arg8[%add3A_1157, %add3A_1169], %gather3A_1175 : memref<256x64xf32, #tpu.memory_space<vmem>>[vector<16xi32>, vector<16xi32>], vector<16xf32>,
      %add3A_1176 = arith.constant 32 : i32
      %add3A_1177 = vector.broadcast %add3A_1176 : i32 to vector<16xi32>
      %add3A_1178 = arith.addi %iota3A, %add3A_1177 : vector<16xi32>
      %gather3A_1179 = arith.constant 5 : i32
      %gather3A_1180 = arith.constant 0 : i32
      %gather3A_1181 = arith.constant 0 : i32
      %gather3A_1182 = tpu.memref_slice %arg7[%gather3A_1179, %gather3A_1180, %gather3A_1181] : memref<8x64x128xf32, #tpu.memory_space<vmem>> -> memref<1x64x128xf32, #tpu.memory_space<vmem>>
      %gather3A_1183 = tpu.memref_squeeze %gather3A_1182 : memref<1x64x128xf32, #tpu.memory_space<vmem>> -> memref<64x128xf32, #tpu.memory_space<vmem>>
      %gather3A_1184 = tpu.vector_load_idx %gather3A_1183[%add3A_1178, %add3A_1149] : memref<64x128xf32, #tpu.memory_space<vmem>>[vector<16xi32>, vector<16xi32>], vector<16xf32>,
      tpu.vector_store_idx %arg8[%add3A_1157, %add3A_1178], %gather3A_1184 : memref<256x64xf32, #tpu.memory_space<vmem>>[vector<16xi32>, vector<16xi32>], vector<16xf32>,
      %add3A_1185 = arith.constant 48 : i32
      %add3A_1186 = vector.broadcast %add3A_1185 : i32 to vector<16xi32>
      %add3A_1187 = arith.addi %iota3A, %add3A_1186 : vector<16xi32>
      %gather3A_1188 = arith.constant 5 : i32
      %gather3A_1189 = arith.constant 0 : i32
      %gather3A_1190 = arith.constant 0 : i32
      %gather3A_1191 = tpu.memref_slice %arg7[%gather3A_1188, %gather3A_1189, %gather3A_1190] : memref<8x64x128xf32, #tpu.memory_space<vmem>> -> memref<1x64x128xf32, #tpu.memory_space<vmem>>
      %gather3A_1192 = tpu.memref_squeeze %gather3A_1191 : memref<1x64x128xf32, #tpu.memory_space<vmem>> -> memref<64x128xf32, #tpu.memory_space<vmem>>
      %gather3A_1193 = tpu.vector_load_idx %gather3A_1192[%add3A_1187, %add3A_1149] : memref<64x128xf32, #tpu.memory_space<vmem>>[vector<16xi32>, vector<16xi32>], vector<16xf32>,
      tpu.vector_store_idx %arg8[%add3A_1157, %add3A_1187], %gather3A_1193 : memref<256x64xf32, #tpu.memory_space<vmem>>[vector<16xi32>, vector<16xi32>], vector<16xf32>,
      %broadcast_in_dim3A_1194 = arith.constant 0 : i32
      %broadcast_in_dim3A_1195 = vector.broadcast %broadcast_in_dim3A_1194 : i32 to vector<16xi32>
      %slice3A_1196 = vector.extract_strided_slice %get3A_29 {offsets = [14], sizes = [1], strides = [1]} : vector<16xi32> to vector<1xi32>
      %squeeze3A_1197 = vector.extract %slice3A_1196[0] : i32 from vector<1xi32>
      %add3A_1198 = vector.broadcast %squeeze3A_1197 : i32 to vector<16xi32>
      %add3A_1199 = arith.addi %broadcast_in_dim3A_1195, %add3A_1198 : vector<16xi32>
      %broadcast_in_dim3A_1200 = arith.constant 0 : i32
      %broadcast_in_dim3A_1201 = vector.broadcast %broadcast_in_dim3A_1200 : i32 to vector<16xi32>
      %mul3A_1202 = arith.constant 16 : i32
      %mul3A_1203 = arith.muli %sub3A_1093, %mul3A_1202 : i32
      %add3A_1204 = arith.constant 14 : i32
      %add3A_1205 = arith.addi %mul3A_1203, %add3A_1204 : i32
      %add3A_1206 = vector.broadcast %add3A_1205 : i32 to vector<16xi32>
      %add3A_1207 = arith.addi %broadcast_in_dim3A_1201, %add3A_1206 : vector<16xi32>
      %add3A_1208 = arith.constant 0 : i32
      %add3A_1209 = vector.broadcast %add3A_1208 : i32 to vector<16xi32>
      %add3A_1210 = arith.addi %iota3A, %add3A_1209 : vector<16xi32>
      %gather3A_1211 = arith.constant 6 : i32
      %gather3A_1212 = arith.constant 0 : i32
      %gather3A_1213 = arith.constant 0 : i32
      %gather3A_1214 = tpu.memref_slice %arg7[%gather3A_1211, %gather3A_1212, %gather3A_1213] : memref<8x64x128xf32, #tpu.memory_space<vmem>> -> memref<1x64x128xf32, #tpu.memory_space<vmem>>
      %gather3A_1215 = tpu.memref_squeeze %gather3A_1214 : memref<1x64x128xf32, #tpu.memory_space<vmem>> -> memref<64x128xf32, #tpu.memory_space<vmem>>
      %gather3A_1216 = tpu.vector_load_idx %gather3A_1215[%add3A_1210, %add3A_1199] : memref<64x128xf32, #tpu.memory_space<vmem>>[vector<16xi32>, vector<16xi32>], vector<16xf32>,
      tpu.vector_store_idx %arg8[%add3A_1207, %add3A_1210], %gather3A_1216 : memref<256x64xf32, #tpu.memory_space<vmem>>[vector<16xi32>, vector<16xi32>], vector<16xf32>,
      %add3A_1217 = arith.constant 16 : i32
      %add3A_1218 = vector.broadcast %add3A_1217 : i32 to vector<16xi32>
      %add3A_1219 = arith.addi %iota3A, %add3A_1218 : vector<16xi32>
      %gather3A_1220 = arith.constant 6 : i32
      %gather3A_1221 = arith.constant 0 : i32
      %gather3A_1222 = arith.constant 0 : i32
      %gather3A_1223 = tpu.memref_slice %arg7[%gather3A_1220, %gather3A_1221, %gather3A_1222] : memref<8x64x128xf32, #tpu.memory_space<vmem>> -> memref<1x64x128xf32, #tpu.memory_space<vmem>>
      %gather3A_1224 = tpu.memref_squeeze %gather3A_1223 : memref<1x64x128xf32, #tpu.memory_space<vmem>> -> memref<64x128xf32, #tpu.memory_space<vmem>>
      %gather3A_1225 = tpu.vector_load_idx %gather3A_1224[%add3A_1219, %add3A_1199] : memref<64x128xf32, #tpu.memory_space<vmem>>[vector<16xi32>, vector<16xi32>], vector<16xf32>,
      tpu.vector_store_idx %arg8[%add3A_1207, %add3A_1219], %gather3A_1225 : memref<256x64xf32, #tpu.memory_space<vmem>>[vector<16xi32>, vector<16xi32>], vector<16xf32>,
      %add3A_1226 = arith.constant 32 : i32
      %add3A_1227 = vector.broadcast %add3A_1226 : i32 to vector<16xi32>
      %add3A_1228 = arith.addi %iota3A, %add3A_1227 : vector<16xi32>
      %gather3A_1229 = arith.constant 6 : i32
      %gather3A_1230 = arith.constant 0 : i32
      %gather3A_1231 = arith.constant 0 : i32
      %gather3A_1232 = tpu.memref_slice %arg7[%gather3A_1229, %gather3A_1230, %gather3A_1231] : memref<8x64x128xf32, #tpu.memory_space<vmem>> -> memref<1x64x128xf32, #tpu.memory_space<vmem>>
      %gather3A_1233 = tpu.memref_squeeze %gather3A_1232 : memref<1x64x128xf32, #tpu.memory_space<vmem>> -> memref<64x128xf32, #tpu.memory_space<vmem>>
      %gather3A_1234 = tpu.vector_load_idx %gather3A_1233[%add3A_1228, %add3A_1199] : memref<64x128xf32, #tpu.memory_space<vmem>>[vector<16xi32>, vector<16xi32>], vector<16xf32>,
      tpu.vector_store_idx %arg8[%add3A_1207, %add3A_1228], %gather3A_1234 : memref<256x64xf32, #tpu.memory_space<vmem>>[vector<16xi32>, vector<16xi32>], vector<16xf32>,
      %add3A_1235 = arith.constant 48 : i32
      %add3A_1236 = vector.broadcast %add3A_1235 : i32 to vector<16xi32>
      %add3A_1237 = arith.addi %iota3A, %add3A_1236 : vector<16xi32>
      %gather3A_1238 = arith.constant 6 : i32
      %gather3A_1239 = arith.constant 0 : i32
      %gather3A_1240 = arith.constant 0 : i32
      %gather3A_1241 = tpu.memref_slice %arg7[%gather3A_1238, %gather3A_1239, %gather3A_1240] : memref<8x64x128xf32, #tpu.memory_space<vmem>> -> memref<1x64x128xf32, #tpu.memory_space<vmem>>
      %gather3A_1242 = tpu.memref_squeeze %gather3A_1241 : memref<1x64x128xf32, #tpu.memory_space<vmem>> -> memref<64x128xf32, #tpu.memory_space<vmem>>
      %gather3A_1243 = tpu.vector_load_idx %gather3A_1242[%add3A_1237, %add3A_1199] : memref<64x128xf32, #tpu.memory_space<vmem>>[vector<16xi32>, vector<16xi32>], vector<16xf32>,
      tpu.vector_store_idx %arg8[%add3A_1207, %add3A_1237], %gather3A_1243 : memref<256x64xf32, #tpu.memory_space<vmem>>[vector<16xi32>, vector<16xi32>], vector<16xf32>,
      %broadcast_in_dim3A_1244 = arith.constant 0 : i32
      %broadcast_in_dim3A_1245 = vector.broadcast %broadcast_in_dim3A_1244 : i32 to vector<16xi32>
      %slice3A_1246 = vector.extract_strided_slice %get3A_29 {offsets = [15], sizes = [1], strides = [1]} : vector<16xi32> to vector<1xi32>
      %squeeze3A_1247 = vector.extract %slice3A_1246[0] : i32 from vector<1xi32>
      %add3A_1248 = vector.broadcast %squeeze3A_1247 : i32 to vector<16xi32>
      %add3A_1249 = arith.addi %broadcast_in_dim3A_1245, %add3A_1248 : vector<16xi32>
      %broadcast_in_dim3A_1250 = arith.constant 0 : i32
      %broadcast_in_dim3A_1251 = vector.broadcast %broadcast_in_dim3A_1250 : i32 to vector<16xi32>
      %mul3A_1252 = arith.constant 16 : i32
      %mul3A_1253 = arith.muli %sub3A_1093, %mul3A_1252 : i32
      %add3A_1254 = arith.constant 15 : i32
      %add3A_1255 = arith.addi %mul3A_1253, %add3A_1254 : i32
      %add3A_1256 = vector.broadcast %add3A_1255 : i32 to vector<16xi32>
      %add3A_1257 = arith.addi %broadcast_in_dim3A_1251, %add3A_1256 : vector<16xi32>
      %add3A_1258 = arith.constant 0 : i32
      %add3A_1259 = vector.broadcast %add3A_1258 : i32 to vector<16xi32>
      %add3A_1260 = arith.addi %iota3A, %add3A_1259 : vector<16xi32>
      %gather3A_1261 = arith.constant 7 : i32
      %gather3A_1262 = arith.constant 0 : i32
      %gather3A_1263 = arith.constant 0 : i32
      %gather3A_1264 = tpu.memref_slice %arg7[%gather3A_1261, %gather3A_1262, %gather3A_1263] : memref<8x64x128xf32, #tpu.memory_space<vmem>> -> memref<1x64x128xf32, #tpu.memory_space<vmem>>
      %gather3A_1265 = tpu.memref_squeeze %gather3A_1264 : memref<1x64x128xf32, #tpu.memory_space<vmem>> -> memref<64x128xf32, #tpu.memory_space<vmem>>
      %gather3A_1266 = tpu.vector_load_idx %gather3A_1265[%add3A_1260, %add3A_1249] : memref<64x128xf32, #tpu.memory_space<vmem>>[vector<16xi32>, vector<16xi32>], vector<16xf32>,
      tpu.vector_store_idx %arg8[%add3A_1257, %add3A_1260], %gather3A_1266 : memref<256x64xf32, #tpu.memory_space<vmem>>[vector<16xi32>, vector<16xi32>], vector<16xf32>,
      %add3A_1267 = arith.constant 16 : i32
      %add3A_1268 = vector.broadcast %add3A_1267 : i32 to vector<16xi32>
      %add3A_1269 = arith.addi %iota3A, %add3A_1268 : vector<16xi32>
      %gather3A_1270 = arith.constant 7 : i32
      %gather3A_1271 = arith.constant 0 : i32
      %gather3A_1272 = arith.constant 0 : i32
      %gather3A_1273 = tpu.memref_slice %arg7[%gather3A_1270, %gather3A_1271, %gather3A_1272] : memref<8x64x128xf32, #tpu.memory_space<vmem>> -> memref<1x64x128xf32, #tpu.memory_space<vmem>>
      %gather3A_1274 = tpu.memref_squeeze %gather3A_1273 : memref<1x64x128xf32, #tpu.memory_space<vmem>> -> memref<64x128xf32, #tpu.memory_space<vmem>>
      %gather3A_1275 = tpu.vector_load_idx %gather3A_1274[%add3A_1269, %add3A_1249] : memref<64x128xf32, #tpu.memory_space<vmem>>[vector<16xi32>, vector<16xi32>], vector<16xf32>,
      tpu.vector_store_idx %arg8[%add3A_1257, %add3A_1269], %gather3A_1275 : memref<256x64xf32, #tpu.memory_space<vmem>>[vector<16xi32>, vector<16xi32>], vector<16xf32>,
      %add3A_1276 = arith.constant 32 : i32
      %add3A_1277 = vector.broadcast %add3A_1276 : i32 to vector<16xi32>
      %add3A_1278 = arith.addi %iota3A, %add3A_1277 : vector<16xi32>
      %gather3A_1279 = arith.constant 7 : i32
      %gather3A_1280 = arith.constant 0 : i32
      %gather3A_1281 = arith.constant 0 : i32
      %gather3A_1282 = tpu.memref_slice %arg7[%gather3A_1279, %gather3A_1280, %gather3A_1281] : memref<8x64x128xf32, #tpu.memory_space<vmem>> -> memref<1x64x128xf32, #tpu.memory_space<vmem>>
      %gather3A_1283 = tpu.memref_squeeze %gather3A_1282 : memref<1x64x128xf32, #tpu.memory_space<vmem>> -> memref<64x128xf32, #tpu.memory_space<vmem>>
      %gather3A_1284 = tpu.vector_load_idx %gather3A_1283[%add3A_1278, %add3A_1249] : memref<64x128xf32, #tpu.memory_space<vmem>>[vector<16xi32>, vector<16xi32>], vector<16xf32>,
      tpu.vector_store_idx %arg8[%add3A_1257, %add3A_1278], %gather3A_1284 : memref<256x64xf32, #tpu.memory_space<vmem>>[vector<16xi32>, vector<16xi32>], vector<16xf32>,
      %add3A_1285 = arith.constant 48 : i32
      %add3A_1286 = vector.broadcast %add3A_1285 : i32 to vector<16xi32>
      %add3A_1287 = arith.addi %iota3A, %add3A_1286 : vector<16xi32>
      %gather3A_1288 = arith.constant 7 : i32
      %gather3A_1289 = arith.constant 0 : i32
      %gather3A_1290 = arith.constant 0 : i32
      %gather3A_1291 = tpu.memref_slice %arg7[%gather3A_1288, %gather3A_1289, %gather3A_1290] : memref<8x64x128xf32, #tpu.memory_space<vmem>> -> memref<1x64x128xf32, #tpu.memory_space<vmem>>
      %gather3A_1292 = tpu.memref_squeeze %gather3A_1291 : memref<1x64x128xf32, #tpu.memory_space<vmem>> -> memref<64x128xf32, #tpu.memory_space<vmem>>
      %gather3A_1293 = tpu.vector_load_idx %gather3A_1292[%add3A_1287, %add3A_1249] : memref<64x128xf32, #tpu.memory_space<vmem>>[vector<16xi32>, vector<16xi32>], vector<16xf32>,
      tpu.vector_store_idx %arg8[%add3A_1257, %add3A_1287], %gather3A_1293 : memref<256x64xf32, #tpu.memory_space<vmem>>[vector<16xi32>, vector<16xi32>], vector<16xf32>,
      %scan3A_1294 = arith.constant 0 : i32
      scf.yield %scan3A_1294 : i32
    }
    %scan3A_18 = arith.constant 16 : i32
    %add3A_19 = arith.constant 256 : i32
    %add3A_20 = arith.addi %mul3A_2, %add3A_19 : i32
    "tpu.region"() ({
      %run_scoped3A_21 = tpu.sem_alloc : memref<!tpu.dma_semaphore, #tpu.memory_space<semaphore_mem>>
      %dma_start3A = arith.constant 0 : i32
      %dma_start3A_22 = tpu.memref_slice %arg4[%add3A_20, %dma_start3A] : memref<16384x64xf32, #tpu.memory_space<hbm>> -> memref<256x64xf32, #tpu.memory_space<hbm>>
      %dma_start3A_23 = arith.constant 0 : i32
      %dma_start3A_24 = tpu.memref_slice %arg4[%add3A_20, %dma_start3A_23] : memref<16384x64xf32, #tpu.memory_space<hbm>> -> memref<256x64xf32, #tpu.memory_space<hbm>>
      tpu.enqueue_dma source(%arg8 : memref<256x64xf32, #tpu.memory_space<vmem>>) target(%dma_start3A_24 : memref<256x64xf32, #tpu.memory_space<hbm>>) target_semaphore(%run_scoped3A_21 : memref<!tpu.dma_semaphore, #tpu.memory_space<semaphore_mem>>)
      %dma_wait3A = arith.constant 0 : i32
      %dma_wait3A_25 = tpu.memref_slice %arg4[%add3A_20, %dma_wait3A] : memref<16384x64xf32, #tpu.memory_space<hbm>> -> memref<256x64xf32, #tpu.memory_space<hbm>>
      %dma_wait3A_26 = arith.constant 0 : i32
      %dma_wait3A_27 = tpu.memref_slice %arg4[%add3A_20, %dma_wait3A_26] : memref<16384x64xf32, #tpu.memory_space<hbm>> -> memref<256x64xf32, #tpu.memory_space<hbm>>
      tpu.wait_dma2 semaphore(%run_scoped3A_21 : memref<!tpu.dma_semaphore, #tpu.memory_space<semaphore_mem>>) src(%arg8 : memref<256x64xf32, #tpu.memory_space<vmem>>) dst(%dma_wait3A_27 : memref<256x64xf32, #tpu.memory_space<hbm>>)
      tpu.yield
    }) : () -> ()
    return
  }
}

</mosaic_0001>

<sc_bundles>
// kernel: kernel.3.cloned.1.call-start
scs
__scs_entry_jumppad:
0x0: {  	(pc) =	sbr.rel $0x88, $3  }
0x1: {  	(tag) =	ssettag $0x0;
	lr =	simm.s32 $0x1  }
0x2: {  	[smem:$0x3F9F] =	sst lr;
	_ =	strace $0xD0000000  }
0x3: {  	_ = 	snop  }
0x4: {  	_ = 	snop  }
0x5: {  	_ = 	snop  }
0x6: {  	_ = 	snop  }
0x7: {  	_ = 	snop  }
__scs_overlays_trampoline_lowered:
0x8: {  	[smem:$0x3FAE] =	sst s0  }
0x9: {  	[smem:$0x3FAF] =	sst s1  }
0xa: {  	[smem:$0x3FB0] =	sst s2  }
0xb: {  	[smem:$0x3FB1] =	sst s3  }
0xc: {  	[smem:$0x3FB2] =	sst s4  }
0xd: {  	[smem:$0x3FB3] =	sst s5  }
0xe: {  	[smem:$0x3FB4] =	sst s6  }
0xf: {  	[smem:$0x3FB5] =	sst s7  }
0x10: {  	[smem:$0x3FB6] =	sst s8  }
0x11: {  	[smem:$0x3FB7] =	sst s9;
	s0 =	simm.s32 @!p0 $0x0  }
0x12: {  	s1 =	sld [smem:$0x3F9D];
	s0 =	simm.s32 @p0 $0x1  }
0x13: {  	[smem:$0x3FB8] =	sst s0;
	s0 =	simm.s32 @!p1 $0x0  }
0x14: {  	s2 =	sld [smem:$0x3F9C];
	s0 =	simm.s32 @p1 $0x1  }
0x15: {  	[smem:$0x3FB9] =	sst s0;
	s0 =	simm.s32 @!p2 $0x0  }
0x16: {  	s3 =	sld [smem:$0x3FDB];
	s0 =	simm.s32 @p2 $0x1  }
0x17: {  	s4 =	simm.s32 $0x1BF5;
	[smem:$0x3FBB] =	sst s0  }
0x18: {  	s0 =	sld [smem:$0x3F9E];
	_ =	swait.ge [sflag:s4], $0x0  }
0x19: {  	s7 =	sld [smem:$0x3F9F]  }
0x1a: {  	s8 =	sadd.s32 $0xFFFFE003, lr  }
0x1b: {  	s9 =	sadd.s32 $0xFFFFFEF7, lr;
	s5 =	simm.s32 $0xFFFFFFFF;
	p2 =	slt.u32 s8, $0xFFFFF086  }
0x1c: {  	p1 =	slt.u32 s9, $0xF7A;
	s5 =	simm.s32 @!p2 $0x0  }
0x1d: {  	s5 =	simm.s32 @p1 $0x1;
	p0 =	seq.s32 s7, s2  }
0x1e: {  	s7 =	smul.u32 @!p0 $0xF7A, s2;
	p2 =	seq.s32 @!p0 s5, $0x0  }
0x1f: {  	s9 =	smul.u32 $0xF7A, s1;
	s8 =	simm.s32 @!p0 $0x1BF5;
	p2 =	por !p2, p0  }
0x20: {  	[sflag:s8] =	ssyncset.s32 @!p0 $0xFFFFF086;
	s6 =	sadd.s32 @!p0 s3, s7;
	s7 =	simm.s32 @!p0 $0x108  }
0x21: {  	s3 =	sadd.s32 s3, s9;
	s6 =	sadd.s32 @!p0 $0x88, s6;
	s7 =	simm.s32 @p2 $0x1082  }
0x22: {  	[simem:s7], [sflag:s8] =	dma.local @!p0 [hbm:s6], $0xF7A  }
0x23: {  	s9 =	sor.u32 $0xD0000000, s2;
	s6 =	simm.s32 $0x108;
	_ =	swait.ge @!p0 [sflag:s8], $0x0  }
0x24: {  	s3 =	sadd.s32 $0x88, s3;
	s6 =	simm.s32 @!p1 $0x1082;
	[sflag:s4] =	ssyncset.s32 $0xFFFFF086  }
0x25: {  	[simem:s6], [sflag:s4] =	dma.local [hbm:s3], $0xF7A  }
0x26: {  	[smem:$0x3F9F] =	sst s1;
	(tag) =	ssettag s2;
	_ =	strace s9  }
0x27: {  	s1 =	sld [smem:$0x3FAF]  }
0x28: {  	s2 =	sld [smem:$0x3FB0]  }
0x29: {  	s4 =	sld [smem:$0x3FB2]  }
0x2a: {  	p0 =	seq.s32 s5, $0x0;
	s5 =	sld [smem:$0x3FB3]  }
0x2b: {  	s6 =	sld [smem:$0x3FB4]  }
0x2c: {  	s7 =	sld [smem:$0x3FB5]  }
0x2d: {  	s3 =	simm.s32 $0x108;
	s8 =	sld [smem:$0x3FB6]  }
0x2e: {  	s3 =	simm.s32 @!p0 $0x1082;
	s9 =	sld [smem:$0x3FB7]  }
0x2f: {  	lr =	sadd.s32 s0, s3;
	s0 =	sld [smem:$0x3FAE]  }
0x30: {  	s3 =	sld [smem:$0x3FB1]  }
0x31: {  	[smem:$0x3FBA] =	sst s10  }
0x32: {  	s10 =	sld [smem:$0x3FB8];
	_ =	sdelay $0x3  }
0x33: {  	p0 =	seq.s32 s10, $0x1;
	s10 =	sld [smem:$0x3FBA];
	_ =	sdelay $0x3  }
0x34: {  	[smem:$0x3FBA] =	sst s10  }
0x35: {  	s10 =	sld [smem:$0x3FB9];
	_ =	sdelay $0x3  }
0x36: {  	p1 =	seq.s32 s10, $0x1;
	s10 =	sld [smem:$0x3FBA];
	_ =	sdelay $0x3  }
0x37: {  	[smem:$0x3FBA] =	sst s10  }
0x38: {  	s10 =	sld [smem:$0x3FBB]  }
0x39: {  	_ = 	snop;
	(pc) =	sbr.ind lr, $3  }
0x3a: {  	_ = 	snop  }
0x3b: {  	_ = 	snop  }
0x3c: {  	p2 =	seq.s32 s10, $0x1;
	s10 =	sld [smem:$0x3FBA]  }
0x3d: {  	_ =	shalt  }
0x3e: {  	_ =	shalt  }
0x3f: {  	_ =	shalt  }
0x40: {  	_ =	shalt  }
0x41: {  	_ =	shalt  }
0x42: {  	_ =	shalt  }
0x43: {  	_ =	shalt  }
0x44: {  	_ =	shalt  }
0x45: {  	_ =	shalt  }
0x46: {  	_ =	shalt  }
0x47: {  	_ =	shalt  }
0x48: {  	_ =	shalt  }
0x49: {  	_ =	shalt  }
0x4a: {  	_ =	shalt  }
0x4b: {  	_ =	shalt  }
0x4c: {  	_ =	shalt  }
0x4d: {  	_ =	shalt  }
0x4e: {  	_ =	shalt  }
0x4f: {  	_ =	shalt  }
0x50: {  	_ =	shalt  }
0x51: {  	_ =	shalt  }
0x52: {  	_ =	shalt  }
0x53: {  	_ =	shalt  }
0x54: {  	_ =	shalt  }
0x55: {  	_ =	shalt  }
0x56: {  	_ =	shalt  }
0x57: {  	_ =	shalt  }
0x58: {  	_ =	shalt  }
0x59: {  	_ =	shalt  }
0x5a: {  	_ =	shalt  }
0x5b: {  	_ =	shalt  }
0x5c: {  	_ =	shalt  }
0x5d: {  	_ =	shalt  }
0x5e: {  	_ =	shalt  }
0x5f: {  	_ =	shalt  }
0x60: {  	_ =	shalt  }
0x61: {  	_ =	shalt  }
0x62: {  	_ =	shalt  }
0x63: {  	_ =	shalt  }
0x64: {  	_ =	shalt  }
0x65: {  	_ =	shalt  }
0x66: {  	_ =	shalt  }
0x67: {  	_ =	shalt  }
0x68: {  	_ =	shalt  }
0x69: {  	_ =	shalt  }
0x6a: {  	_ =	shalt  }
0x6b: {  	_ =	shalt  }
0x6c: {  	_ =	shalt  }
0x6d: {  	_ =	shalt  }
0x6e: {  	_ =	shalt  }
0x6f: {  	_ =	shalt  }
0x70: {  	_ =	shalt  }
0x71: {  	_ =	shalt  }
0x72: {  	_ =	shalt  }
0x73: {  	_ =	shalt  }
0x74: {  	_ =	shalt  }
0x75: {  	_ =	shalt  }
0x76: {  	_ =	shalt  }
0x77: {  	_ =	shalt  }
0x78: {  	_ =	shalt  }
0x79: {  	_ =	shalt  }
0x7a: {  	_ =	shalt  }
0x7b: {  	_ =	shalt  }
0x7c: {  	_ =	shalt  }
0x7d: {  	_ =	shalt  }
0x7e: {  	_ =	shalt  }
0x7f: {  	_ =	shalt  }
0x80: {  	_ =	shalt  }
0x81: {  	_ =	shalt  }
0x82: {  	_ =	shalt  }
0x83: {  	_ =	shalt  }
0x84: {  	_ =	shalt  }
0x85: {  	_ =	shalt  }
0x86: {  	_ =	shalt  }
0x87: {  	_ =	shalt  }
.Lfunc_end0:
.L_simem_size_0:
called_computation_lowered:
.L_overlay_start_0:
0x88: {  	s2 =	sld [smem:$0x3FD9]  }
0x89: {  	s3 =	sld [smem:$0x3FFE];
	_ =	sdelay $0x1  }
0x8a: {  	s1 =	srdreg.scid  }
0x8b: {  	s0 =	sand.u32 $0x1, s1  }
0x8c: {  	s17 =	sshll.u32 s0, $0xA;
	s2 =	sadd.s32 s3, s2  }
0x8d: {  	s2 =	sadd.s32 s2, s17  }
0x8e: {  	[smem:$0x3FC6] =	sst s2  }
0x8f: {  	_ = 	snop  }
0x90: {  	s2 =	sld [smem:$0x3FC8]  }
0x91: {  	s18 =	sld [smem:$0x3FD0];
	(tm) =	ssettm $0x1  }
0x92: {  	s4 =	sld [smem:$0x3FFB];
	_ =	sdelay $0x3  }
0x93: {  	_ =	strace s4  }
0x94: {  	s4 =	sld [smem:$0x3FFC];
	_ =	sdelay $0x3  }
0x95: {  	_ =	strace s4  }
0x96: {  	s4 =	sld [smem:$0x3FFD];
	_ =	sdelay $0x3  }
0x97: {  	_ =	strace s4  }
0x98: {  	_ =	strace $0x8FFFFFFF  }
0x99: {  	s19 =	sld [smem:$0x3FDB];
	_ =	sdelay $0x1  }
0x9a: {  	s5 =	simm.s32 $_scs_section_size  }
0x9b: {  	s6 =	simm.s32 $_size__tile_overlayer_lowered;
	s7 =	simm.s32 $_tile_overlayer_lowered  }
0x9c: {  	s22 =	simm.s32 $0x1BFF;
	s21 =	sshll.u32 s7, $0x1;
	s4 =	sadd.s32 s5, s19  }
0x9d: {  	s8 =	simm.s32 $0x0;
	s20 =	sshll.u32 s6, $0x1;
	s6 =	sadd.s32 s21, s4  }
0x9e: {  	[timem:s8], [sflag:s22] =	dma.local [hbm:s6], s20  }
0x9f: {  	_ =	swait.ge [sflag:s22], s20  }
0xa0: {  	s5 =	ssub.s32 $0x0, s20;
	[sflag:s22] =	ssyncset.done $0x0  }
0xa1: {  	[sflag:s22] =	ssyncadd.s32 s5;
	_ =	sdelay $0x1  }
0xa2: {  	s23 =	simm.s32 $0x1B8B  }
0xa3: {  	_ =	swait.ge [sflag:s23], $0x1  }
0xa4: {  	[sflag:s23] =	ssyncset.done $0x0  }
0xa5: {  	s25 =	simm.s32 $0x1B8E;
	s24 =	sld [smem:$0x3FFE];
	[sflag:s23] =	ssyncadd.s32 $0xFFFFFFFF  }
0xa6: {  	s26 =	simm.s32 $execute0_lowered;
	[smem:$0x3FD2] =	sst s25  }
0xa7: {  	s6 =	sshll.u32 s26, $0x1;
	_ =	strace $0x80000046;
	[dreg:$0x1] =	wrdreg $0xFFFFFFFF  }
0xa8: {  	s28 =	simm.s32 $_size_execute0_lowered;
	s4 =	sadd.s32 s4, s6;
	[dreg:$0x0] =	wrdreg $0x0  }
0xa9: {  	s6 =	sshll.u32 s28, $0x1;
	[dreg:$0x2] =	wrdreg s4  }
0xaa: {  	[dreg:$0x3] =	wrdreg s6  }
0xab: {  	[dreg:$0x4] =	wrdreg $0xC0  }
0xac: {  	_ =	task [dreg:s8], $0x5FFFF  }
0xad: {  	[dreg:$0x1] =	wrdreg $0xFFFFFFFF  }
0xae: {  	[dreg:$0x0] =	wrdreg $0x60  }
0xaf: {  	[dreg:$0x2] =	wrdreg s18  }
0xb0: {  	[dreg:$0x3] =	wrdreg s2  }
0xb1: {  	[dreg:$0x4] =	wrdreg s24  }
0xb2: {  	[dreg:$0x5] =	wrdreg $0x9  }
0xb3: {  	_ =	task.clear_ibuf [dreg:s8], $0x6FFFF;
	_ =	strace $0x90000046  }
0xb4: {  	s29 =	simm.s32 $0x9;
	_ =	strace $0x80000048  }
0xb5: {  	_ =	swait.ge [sflag:s29], $0x1  }
0xb6: {  	[sflag:s29] =	ssyncadd.s32 $0xFFFFFFFF  }
0xb7: {  	_ =	strace $0x90000048  }
0xb8: {  	_ =	sfence  }
0xb9: {  	s30 =	sld [smem:$0x0];
	_ =	sdelay $0x2  }
0xba: {  	s31 =	sshll.u32 s1, $0xD;
	s1 =	sshrl.u32 s1, $0x2  }
0xbb: {  	s3 =	sand.u32 $0x4000, s31;
	s1 =	sadd.s32 s1, s30  }
0xbc: {  	s0 =	sor.u32 s3, s0;
	s1 =	sshll.u32 s1, $0x11  }
0xbd: {  	s0 =	sor.u32 s1, s0  }
0xbe: {  	s0 =	sadd.s32 $0x8F2B, s0  }
0xbf: {  	[sflag:s0] =	ssyncadd.remote.s32 $0x1  }
0xc0: {  	_ =	sfence.sel $0xFFFF  }
0xc1: {  	[dreg:$0x0] =	wrdreg $0xFFFFFFFF;
	(pc) =	sbr.abs _section_cstart, $3  }
0xc2: {  	[dreg:$0x1] =	wrdreg $0xFFFFFFFF  }
0xc3: {  	_ =	task.clear_ibuf [dreg:s8], $0x2FFFF;
	_ =	strace $0x9FFFFFFF  }
0xc4: {  	(tm) =	ssettm $0x7FFFFFFF  }
0xc5: {  	_ =	shalt  }
tec
execute0_lowered:
.L_overlay_start_1:
0x0: {  	(tag) =	ssettag $0x1  }
0x1: {  	s4 =	rddreg [dreg:$0x0]  }
0x2: {  	s2 =	rddreg [dreg:$0x1]  }
0x3: {  	s5 =	rddreg [dreg:$0x2]  }
0x4: {  	s0 =	rddreg [dreg:$0x3];
	s6 =	srdreg.scid  }
0x5: {  	s1 =	stileid.u32;
	s3 =	simm.s32 $0x0;
	s10 =	simm.s32 $0x100  }
0x6: {  	s11 =	simm.s32 $0x2;
	s12 =	simm.s32 $0x7A1400;
	s13 =	simm.s32 $0x400  }
0x7: {  	s14 =	simm.s32 $0x2400;
	s15 =	simm.s32 $0x4400;
	s16 =	simm.s32 $0x6400  }
0x8: {  	s17 =	simm.s32 $0x8400;
	s18 =	simm.s32 $0xA400;
	s19 =	simm.s32 $0xC400  }
0x9: {  	s20 =	simm.s32 $0xE400;
	s21 =	simm.s32 $0x1;
	s22 =	simm.s32 $0x10400  }
0xa: {  	s6 =	sand.u32 $0x1, s6;
	s7 =	sshll.u32 s1, $0x1;
	[smem:$0x7FF] =	sst s3  }
0xb: {  	s23 =	simm.s32 $0x0;
	s7 =	sor.u32 s6, s7;
	_ =	strace $0x80000047  }
0xc: {  	v0 =	vlaneseq.u32;
	s6 =	ssub.s32 $0x2, s6;
	s8 =	sshll.u32 s7, $0x7;
	s7 =	sshll.u32 s7, $0xD  }
0xd: {  	v1 =	vmul.u32 $0x80, v0;
	s9 =	sshrl.u32 s6, $0x1;
	s4 =	sadd.s32 s4, s8;
	s7 =	sadd.s32 s7, s5  }
0xe: {  	v3 =	vor.u32 $0x10, v0;
	v5 =	vor.u32 $0x20, v0;
	v7 =	vor.u32 $0x30, v0;
	s31 =	ssub.s32 s6, s9;
	s9 =	simm.s32 $0x80;
	s5 =	sadd.s32 $0x10, s4  }
0xf: {  	v2 =	vor.u32 $0x800, v1;
	v4 =	vor.u32 $0x1000, v1;
	v6 =	vor.u32 $0x1800, v1;
	s6 =	sadd.s32 $0x600, s7;
	s7 =	sadd.s32 $0x1600, s7;
	s8 =	smax.u32 s31, $0x1  }
.LBB2_1:
0x10: {  	[tilespmem:s3], [sflag:$0x2] =	stream.strided.gather [hbm4b:s4+s9], $0x200, s10, s9, $0x38;
	[tilespmem:$0x18400] =	vst v63  }
0x11: {  	_ =	swait.ge [sflag:s11], $0x200  }
0x12: {  	[sflag:s11] =	ssyncset.done $0x0  }
0x13: {  	s24 =	simm.s32 $0x200;
	[sflag:s11] =	ssyncadd.s32 $0xFFFFFE00  }
0x14: {  	[tilespmem:s24], [sflag:$0x2] =	stream.strided.gather [hbm4b:s5+s9], $0x200, s10, s9, $0x38;
	[tilespmem:$0x18400] =	vst v63  }
0x15: {  	_ =	swait.ge [sflag:s11], $0x200  }
0x16: {  	[sflag:s11] =	ssyncset.done $0x0  }
0x17: {  	s25 =	simm.s32 $0xF;
	s26 =	simm.s32 $0x0;
	[sflag:s11] =	ssyncadd.s32 $0xFFFFFE00  }
.LBB2_2:
0x18: {  	v9 =	vld [tilespmem:s26+$0x0];
	_ =	sdelay $0x4  }
0x19: {  	(v2sf) =	vpush v9, $0x0;
	_ =	sdelay $0x1  }
0x1a: {  	(v2sf) =	vpush v9, $0x1;
	_ =	sdelay $0x1  }
0x1b: {  	(v2sf) =	vpush v9, $0x2;
	_ =	sdelay $0x2  }
0x1c: {  	(v2sf) =	vpush v9, $0x3;
	_ =	sdelay $0x7  }
0x1d: {  	s28 =	spop (v2sf);
	(v2sf) =	vpush v9, $0x4;
	_ =	sdelay $0x1  }
0x1e: {  	s29 =	spop (v2sf);
	(v2sf) =	vpush v9, $0x5  }
0x1f: {  	s28 =	sand.u32 $0xFFFFF80, s28  }
0x20: {  	s28 =	sadd.s32 s2, s28;
	s30 =	spop (v2sf)  }
0x21: {  	v8 =	vld [tilespmem:s24+$0x0];
	(v2sf) =	vpush v9, $0x6;
	[tilespmem:s13], [sflag:$0x1] =	stream.strided.gather [hbm4b:s28+s13], $0x2000, s12, s13, $0x38  }
0x22: {  	s28 =	sand.u32 $0xFFFFF80, s29  }
0x23: {  	s31 =	spop (v2sf);
	s28 =	sadd.s32 s2, s28  }
0x24: {  	(v2sf) =	vpush v9, $0x7;
	[tilespmem:s14], [sflag:$0x1] =	stream.strided.gather [hbm4b:s28+s13], $0x2000, s12, s13, $0x38;
	[tilespmem:$0x18400] =	vst v63  }
0x25: {  	s28 =	sand.u32 $0xFFFFF80, s30  }
0x26: {  	s28 =	sadd.s32 s2, s28  }
0x27: {  	[tilespmem:s15], [sflag:$0x1] =	stream.strided.gather [hbm4b:s28+s13], $0x2000, s12, s13, $0x38;
	[tilespmem:$0x18400] =	vst v63  }
0x28: {  	s28 =	sand.u32 $0xFFFFF80, s31  }
0x29: {  	s28 =	sadd.s32 s2, s28  }
0x2a: {  	[tilespmem:s16], [sflag:$0x1] =	stream.strided.gather [hbm4b:s28+s13], $0x2000, s12, s13, $0x38;
	[tilespmem:$0x18400] =	vst v63  }
0x2b: {  	s29 =	spop (v2sf)  }
0x2c: {  	s28 =	sand.u32 $0xFFFFF80, s29  }
0x2d: {  	s30 =	spop (v2sf);
	s28 =	sadd.s32 s2, s28  }
0x2e: {  	[tilespmem:s17], [sflag:$0x1] =	stream.strided.gather [hbm4b:s28+s13], $0x2000, s12, s13, $0x38;
	[tilespmem:$0x18400] =	vst v63  }
0x2f: {  	s28 =	sand.u32 $0xFFFFF80, s30  }
0x30: {  	s31 =	spop (v2sf);
	s28 =	sadd.s32 s2, s28  }
0x31: {  	[tilespmem:s18], [sflag:$0x1] =	stream.strided.gather [hbm4b:s28+s13], $0x2000, s12, s13, $0x38;
	[tilespmem:$0x18400] =	vst v63  }
0x32: {  	s28 =	sand.u32 $0xFFFFF80, s31  }
0x33: {  	s29 =	spop (v2sf);
	s28 =	sadd.s32 s2, s28  }
0x34: {  	[tilespmem:s19], [sflag:$0x1] =	stream.strided.gather [hbm4b:s28+s13], $0x2000, s12, s13, $0x38;
	[tilespmem:$0x18400] =	vst v63  }
0x35: {  	s28 =	sand.u32 $0xFFFFF80, s29  }
0x36: {  	s28 =	sadd.s32 s2, s28  }
0x37: {  	[tilespmem:s20], [sflag:$0x1] =	stream.strided.gather [hbm4b:s28+s13], $0x2000, s12, s13, $0x38;
	[tilespmem:$0x18400] =	vst v63  }
0x38: {  	_ =	swait.ge [sflag:s21], $0x2000  }
0x39: {  	[sflag:s21] =	ssyncset.done $0x0  }
0x3a: {  	[sflag:s21] =	ssyncadd.s32 $0xFFFFE000  }
0x3b: {  	_ =	swait.ge [sflag:s21], $0x2000  }
0x3c: {  	[sflag:s21] =	ssyncset.done $0x0  }
0x3d: {  	v10 =	vbroadcast v8, $0x0;
	[sflag:s21] =	ssyncadd.s32 $0xFFFFE000  }
0x3e: {  	_ =	swait.ge [sflag:s21], $0x2000  }
0x3f: {  	v11 =	vadd.s32 v1, v10;
	[sflag:s21] =	ssyncset.done $0x0  }
0x40: {  	[sflag:s21] =	ssyncadd.s32 $0xFFFFE000  }
0x41: {  	_ =	swait.ge [sflag:s21], $0x2000  }
0x42: {  	s28 =	sshll.u32 s25, $0x7;
	[sflag:s21] =	ssyncset.done $0x0  }
0x43: {  	s29 =	sadd.s32 $0xFFFFF880, s28;
	[sflag:s21] =	ssyncadd.s32 $0xFFFFE000  }
0x44: {  	v12 =	vor.u32 s29, v0;
	v11 =	vld.idx.msk [tilespmem:v11+s13+$0x0], $0xffff  }
0x45: {  	v13 =	vadd.s32 v2, v10;
	_ =	sdelay $0x3  }
0x46: {  	[tilespmem:v12+s22+$0x0] =	vst.idx.msk $0xffff, v11  }
0x47: {  	v38 =	vor.u32 s29, v3;
	v11 =	vld.idx.msk [tilespmem:v13+s13+$0x0], $0xffff  }
0x48: {  	v39 =	vadd.s32 v4, v10;
	_ =	sdelay $0x3  }
0x49: {  	[tilespmem:v38+s22+$0x0] =	vst.idx.msk $0xffff, v11  }
0x4a: {  	v40 =	vor.u32 s29, v5;
	v11 =	vld.idx.msk [tilespmem:v39+s13+$0x0], $0xffff  }
0x4b: {  	v10 =	vadd.s32 v6, v10;
	_ =	sdelay $0x3  }
0x4c: {  	v41 =	vbroadcast v8, $0x1;
	[tilespmem:v40+s22+$0x0] =	vst.idx.msk $0xffff, v11  }
0x4d: {  	v42 =	vor.u32 s29, v7;
	v10 =	vld.idx.msk [tilespmem:v10+s13+$0x0], $0xffff  }
0x4e: {  	v43 =	vadd.s32 v1, v41;
	_ =	sdelay $0x3  }
0x4f: {  	s30 =	sadd.s32 $0xFFFFF900, s28;
	[tilespmem:v42+s22+$0x0] =	vst.idx.msk $0xffff, v10  }
0x50: {  	v44 =	vor.u32 s30, v0;
	v10 =	vld.idx.msk [tilespmem:v43+s14+$0x0], $0xffff  }
0x51: {  	v45 =	vadd.s32 v2, v41;
	_ =	sdelay $0x3  }
0x52: {  	[tilespmem:v44+s22+$0x0] =	vst.idx.msk $0xffff, v10  }
0x53: {  	v46 =	vor.u32 s30, v3;
	v10 =	vld.idx.msk [tilespmem:v45+s14+$0x0], $0xffff  }
0x54: {  	v47 =	vadd.s32 v4, v41;
	_ =	sdelay $0x3  }
0x55: {  	[tilespmem:v46+s22+$0x0] =	vst.idx.msk $0xffff, v10  }
0x56: {  	v48 =	vor.u32 s30, v5;
	v10 =	vld.idx.msk [tilespmem:v47+s14+$0x0], $0xffff  }
0x57: {  	v11 =	vadd.s32 v6, v41;
	_ =	sdelay $0x3  }
0x58: {  	v49 =	vbroadcast v8, $0x2;
	[tilespmem:v48+s22+$0x0] =	vst.idx.msk $0xffff, v10  }
0x59: {  	v50 =	vor.u32 s30, v7;
	v11 =	vld.idx.msk [tilespmem:v11+s14+$0x0], $0xffff  }
0x5a: {  	v51 =	vadd.s32 v1, v49;
	_ =	sdelay $0x3  }
0x5b: {  	s31 =	sadd.s32 $0xFFFFF980, s28;
	[tilespmem:v50+s22+$0x0] =	vst.idx.msk $0xffff, v11  }
0x5c: {  	v52 =	vor.u32 s31, v0;
	v11 =	vld.idx.msk [tilespmem:v51+s15+$0x0], $0xffff  }
0x5d: {  	v53 =	vadd.s32 v2, v49;
	_ =	sdelay $0x3  }
0x5e: {  	[tilespmem:v52+s22+$0x0] =	vst.idx.msk $0xffff, v11  }
0x5f: {  	v54 =	vor.u32 s31, v3;
	v11 =	vld.idx.msk [tilespmem:v53+s15+$0x0], $0xffff  }
0x60: {  	v55 =	vadd.s32 v4, v49;
	_ =	sdelay $0x3  }
0x61: {  	[tilespmem:v54+s22+$0x0] =	vst.idx.msk $0xffff, v11  }
0x62: {  	v56 =	vor.u32 s31, v5;
	v11 =	vld.idx.msk [tilespmem:v55+s15+$0x0], $0xffff  }
0x63: {  	v10 =	vadd.s32 v6, v49;
	_ =	sdelay $0x3  }
0x64: {  	v57 =	vbroadcast v8, $0x3;
	[tilespmem:v56+s22+$0x0] =	vst.idx.msk $0xffff, v11  }
0x65: {  	v58 =	vor.u32 s31, v7;
	v10 =	vld.idx.msk [tilespmem:v10+s15+$0x0], $0xffff  }
0x66: {  	v59 =	vadd.s32 v1, v57;
	_ =	sdelay $0x3  }
0x67: {  	s30 =	sadd.s32 $0xFFFFFA00, s28;
	[tilespmem:v58+s22+$0x0] =	vst.idx.msk $0xffff, v10  }
0x68: {  	v60 =	vor.u32 s30, v0;
	v10 =	vld.idx.msk [tilespmem:v59+s16+$0x0], $0xffff  }
0x69: {  	v61 =	vadd.s32 v2, v57;
	_ =	sdelay $0x3  }
0x6a: {  	[tilespmem:v60+s22+$0x0] =	vst.idx.msk $0xffff, v10  }
0x6b: {  	v62 =	vor.u32 s30, v3;
	(v2sf) =	vpush v9, $0x8;
	v10 =	vld.idx.msk [tilespmem:v61+s16+$0x0], $0xffff  }
0x6c: {  	v63 =	vadd.s32 v4, v57  }
0x6d: {  	(v2sf) =	vpush v9, $0x9;
	_ =	sdelay $0x2  }
0x6e: {  	(v2sf) =	vpush v9, $0xA;
	[tilespmem:v62+s22+$0x0] =	vst.idx.msk $0xffff, v10  }
0x6f: {  	v16 =	vor.u32 s30, v5;
	v10 =	vld.idx.msk [tilespmem:v63+s16+$0x0], $0xffff  }
0x70: {  	v11 =	vadd.s32 v6, v57  }
0x71: {  	(v2sf) =	vpush v9, $0xB;
	_ =	sdelay $0x2  }
0x72: {  	[tilespmem:v16+s22+$0x0] =	vst.idx.msk $0xffff, v10  }
0x73: {  	v17 =	vor.u32 s30, v7;
	v10 =	vld.idx.msk [tilespmem:v11+s16+$0x0], $0xffff;
	_ =	sdelay $0x2  }
0x74: {  	s31 =	spop (v2sf)  }
0x75: {  	s29 =	sand.u32 $0xFFFFF80, s31  }
0x76: {  	s30 =	spop (v2sf);
	s29 =	sadd.s32 s2, s29;
	[tilespmem:v17+s22+$0x0] =	vst.idx.msk $0xffff, v10  }
0x77: {  	[tilespmem:s13], [sflag:$0x1] =	stream.strided.gather [hbm4b:s29+s13], $0x2000, s12, s13, $0x38;
	[tilespmem:$0x18400] =	vst v63  }
0x78: {  	s29 =	sand.u32 $0xFFFFF80, s30  }
0x79: {  	s31 =	spop (v2sf);
	s29 =	sadd.s32 s2, s29  }
0x7a: {  	[tilespmem:s14], [sflag:$0x1] =	stream.strided.gather [hbm4b:s29+s13], $0x2000, s12, s13, $0x38;
	[tilespmem:$0x18400] =	vst v63  }
0x7b: {  	s29 =	sand.u32 $0xFFFFF80, s31  }
0x7c: {  	s30 =	spop (v2sf);
	s29 =	sadd.s32 s2, s29  }
0x7d: {  	[tilespmem:s15], [sflag:$0x1] =	stream.strided.gather [hbm4b:s29+s13], $0x2000, s12, s13, $0x38;
	[tilespmem:$0x18400] =	vst v63  }
0x7e: {  	s29 =	sand.u32 $0xFFFFF80, s30  }
0x7f: {  	s29 =	sadd.s32 s2, s29  }
0x80: {  	[tilespmem:s16], [sflag:$0x1] =	stream.strided.gather [hbm4b:s29+s13], $0x2000, s12, s13, $0x38;
	[tilespmem:$0x18400] =	vst v63  }
0x81: {  	_ =	swait.ge [sflag:s21], $0x2000  }
0x82: {  	[sflag:s21] =	ssyncset.done $0x0  }
0x83: {  	[sflag:s21] =	ssyncadd.s32 $0xFFFFE000  }
0x84: {  	_ =	swait.ge [sflag:s21], $0x2000  }
0x85: {  	[sflag:s21] =	ssyncset.done $0x0  }
0x86: {  	v18 =	vbroadcast v8, $0x4;
	[sflag:s21] =	ssyncadd.s32 $0xFFFFE000  }
0x87: {  	_ =	swait.ge [sflag:s21], $0x2000  }
0x88: {  	v19 =	vadd.s32 v1, v18;
	[sflag:s21] =	ssyncset.done $0x0  }
0x89: {  	[sflag:s21] =	ssyncadd.s32 $0xFFFFE000  }
0x8a: {  	_ =	swait.ge [sflag:s21], $0x2000  }
0x8b: {  	[sflag:s21] =	ssyncset.done $0x0  }
0x8c: {  	s31 =	sadd.s32 $0xFFFFFA80, s28;
	[sflag:s21] =	ssyncadd.s32 $0xFFFFE000  }
0x8d: {  	v20 =	vor.u32 s31, v0;
	v11 =	vld.idx.msk [tilespmem:v19+s17+$0x0], $0xffff  }
0x8e: {  	v21 =	vadd.s32 v2, v18;
	_ =	sdelay $0x3  }
0x8f: {  	[tilespmem:v20+s22+$0x0] =	vst.idx.msk $0xffff, v11  }
0x90: {  	v22 =	vor.u32 s31, v3;
	v11 =	vld.idx.msk [tilespmem:v21+s17+$0x0], $0xffff  }
0x91: {  	v23 =	vadd.s32 v4, v18;
	_ =	sdelay $0x3  }
0x92: {  	[tilespmem:v22+s22+$0x0] =	vst.idx.msk $0xffff, v11  }
0x93: {  	v24 =	vor.u32 s31, v5;
	v11 =	vld.idx.msk [tilespmem:v23+s17+$0x0], $0xffff  }
0x94: {  	v10 =	vadd.s32 v6, v18;
	_ =	sdelay $0x3  }
0x95: {  	v25 =	vbroadcast v8, $0x5;
	[tilespmem:v24+s22+$0x0] =	vst.idx.msk $0xffff, v11  }
0x96: {  	v26 =	vor.u32 s31, v7;
	v10 =	vld.idx.msk [tilespmem:v10+s17+$0x0], $0xffff  }
0x97: {  	v27 =	vadd.s32 v1, v25;
	_ =	sdelay $0x3  }
0x98: {  	s30 =	sadd.s32 $0xFFFFFB00, s28;
	[tilespmem:v26+s22+$0x0] =	vst.idx.msk $0xffff, v10  }
0x99: {  	v28 =	vor.u32 s30, v0;
	v10 =	vld.idx.msk [tilespmem:v27+s18+$0x0], $0xffff  }
0x9a: {  	v29 =	vadd.s32 v2, v25;
	_ =	sdelay $0x3  }
0x9b: {  	[tilespmem:v28+s22+$0x0] =	vst.idx.msk $0xffff, v10  }
0x9c: {  	v30 =	vor.u32 s30, v3;
	v10 =	vld.idx.msk [tilespmem:v29+s18+$0x0], $0xffff  }
0x9d: {  	v31 =	vadd.s32 v4, v25;
	_ =	sdelay $0x3  }
0x9e: {  	[tilespmem:v30+s22+$0x0] =	vst.idx.msk $0xffff, v10  }
0x9f: {  	v32 =	vor.u32 s30, v5;
	v10 =	vld.idx.msk [tilespmem:v31+s18+$0x0], $0xffff  }
0xa0: {  	v11 =	vadd.s32 v6, v25;
	_ =	sdelay $0x3  }
0xa1: {  	v33 =	vbroadcast v8, $0x6;
	[tilespmem:v32+s22+$0x0] =	vst.idx.msk $0xffff, v10  }
0xa2: {  	v34 =	vor.u32 s30, v7;
	v11 =	vld.idx.msk [tilespmem:v11+s18+$0x0], $0xffff  }
0xa3: {  	v35 =	vadd.s32 v1, v33;
	_ =	sdelay $0x3  }
0xa4: {  	s31 =	sadd.s32 $0xFFFFFB80, s28;
	[tilespmem:v34+s22+$0x0] =	vst.idx.msk $0xffff, v11  }
0xa5: {  	v36 =	vor.u32 s31, v0;
	v11 =	vld.idx.msk [tilespmem:v35+s19+$0x0], $0xffff  }
0xa6: {  	v37 =	vadd.s32 v2, v33;
	_ =	sdelay $0x3  }
0xa7: {  	[tilespmem:v36+s22+$0x0] =	vst.idx.msk $0xffff, v11  }
0xa8: {  	v38 =	vor.u32 s31, v3;
	v11 =	vld.idx.msk [tilespmem:v37+s19+$0x0], $0xffff  }
0xa9: {  	v39 =	vadd.s32 v4, v33;
	_ =	sdelay $0x3  }
0xaa: {  	[tilespmem:v38+s22+$0x0] =	vst.idx.msk $0xffff, v11  }
0xab: {  	v40 =	vor.u32 s31, v5;
	v11 =	vld.idx.msk [tilespmem:v39+s19+$0x0], $0xffff  }
0xac: {  	v10 =	vadd.s32 v6, v33;
	_ =	sdelay $0x3  }
0xad: {  	v41 =	vbroadcast v8, $0x7;
	[tilespmem:v40+s22+$0x0] =	vst.idx.msk $0xffff, v11  }
0xae: {  	v42 =	vor.u32 s31, v7;
	v10 =	vld.idx.msk [tilespmem:v10+s19+$0x0], $0xffff  }
0xaf: {  	v43 =	vadd.s32 v1, v41;
	_ =	sdelay $0x3  }
0xb0: {  	s30 =	sadd.s32 $0xFFFFFC00, s28;
	[tilespmem:v42+s22+$0x0] =	vst.idx.msk $0xffff, v10  }
0xb1: {  	v44 =	vor.u32 s30, v0;
	v10 =	vld.idx.msk [tilespmem:v43+s20+$0x0], $0xffff  }
0xb2: {  	v45 =	vadd.s32 v2, v41;
	_ =	sdelay $0x3  }
0xb3: {  	[tilespmem:v44+s22+$0x0] =	vst.idx.msk $0xffff, v10  }
0xb4: {  	v46 =	vor.u32 s30, v3;
	(v2sf) =	vpush v9, $0xC;
	v10 =	vld.idx.msk [tilespmem:v45+s20+$0x0], $0xffff  }
0xb5: {  	v47 =	vadd.s32 v4, v41  }
0xb6: {  	(v2sf) =	vpush v9, $0xD;
	_ =	sdelay $0x2  }
0xb7: {  	(v2sf) =	vpush v9, $0xE;
	[tilespmem:v46+s22+$0x0] =	vst.idx.msk $0xffff, v10  }
0xb8: {  	v48 =	vor.u32 s30, v5;
	v10 =	vld.idx.msk [tilespmem:v47+s20+$0x0], $0xffff  }
0xb9: {  	v11 =	vadd.s32 v6, v41  }
0xba: {  	(v2sf) =	vpush v9, $0xF;
	_ =	sdelay $0x2  }
0xbb: {  	[tilespmem:v48+s22+$0x0] =	vst.idx.msk $0xffff, v10  }
0xbc: {  	v49 =	vor.u32 s30, v7;
	v10 =	vld.idx.msk [tilespmem:v11+s20+$0x0], $0xffff;
	_ =	sdelay $0x2  }
0xbd: {  	s31 =	spop (v2sf)  }
0xbe: {  	s29 =	sand.u32 $0xFFFFF80, s31  }
0xbf: {  	s30 =	spop (v2sf);
	s29 =	sadd.s32 s2, s29;
	[tilespmem:v49+s22+$0x0] =	vst.idx.msk $0xffff, v10  }
0xc0: {  	[tilespmem:s17], [sflag:$0x1] =	stream.strided.gather [hbm4b:s29+s13], $0x2000, s12, s13, $0x38;
	[tilespmem:$0x18400] =	vst v63  }
0xc1: {  	s29 =	sand.u32 $0xFFFFF80, s30  }
0xc2: {  	s31 =	spop (v2sf);
	s29 =	sadd.s32 s2, s29  }
0xc3: {  	[tilespmem:s18], [sflag:$0x1] =	stream.strided.gather [hbm4b:s29+s13], $0x2000, s12, s13, $0x38;
	[tilespmem:$0x18400] =	vst v63  }
0xc4: {  	s29 =	sand.u32 $0xFFFFF80, s31  }
0xc5: {  	s30 =	spop (v2sf);
	s29 =	sadd.s32 s2, s29  }
0xc6: {  	[tilespmem:s19], [sflag:$0x1] =	stream.strided.gather [hbm4b:s29+s13], $0x2000, s12, s13, $0x38;
	[tilespmem:$0x18400] =	vst v63  }
0xc7: {  	s29 =	sand.u32 $0xFFFFF80, s30  }
0xc8: {  	s29 =	sadd.s32 s2, s29  }
0xc9: {  	[tilespmem:s20], [sflag:$0x1] =	stream.strided.gather [hbm4b:s29+s13], $0x2000, s12, s13, $0x38;
	[tilespmem:$0x18400] =	vst v63  }
0xca: {  	_ =	swait.ge [sflag:s21], $0x2000  }
0xcb: {  	[sflag:s21] =	ssyncset.done $0x0  }
0xcc: {  	[sflag:s21] =	ssyncadd.s32 $0xFFFFE000  }
0xcd: {  	_ =	swait.ge [sflag:s21], $0x2000  }
0xce: {  	[sflag:s21] =	ssyncset.done $0x0  }
0xcf: {  	v50 =	vbroadcast v8, $0x8;
	[sflag:s21] =	ssyncadd.s32 $0xFFFFE000  }
0xd0: {  	_ =	swait.ge [sflag:s21], $0x2000  }
0xd1: {  	v51 =	vadd.s32 v1, v50;
	[sflag:s21] =	ssyncset.done $0x0  }
0xd2: {  	[sflag:s21] =	ssyncadd.s32 $0xFFFFE000  }
0xd3: {  	_ =	swait.ge [sflag:s21], $0x2000  }
0xd4: {  	[sflag:s21] =	ssyncset.done $0x0  }
0xd5: {  	s31 =	sadd.s32 $0xFFFFFC80, s28;
	[sflag:s21] =	ssyncadd.s32 $0xFFFFE000  }
0xd6: {  	v52 =	vor.u32 s31, v0;
	v10 =	vld.idx.msk [tilespmem:v51+s13+$0x0], $0xffff  }
0xd7: {  	v53 =	vadd.s32 v2, v50;
	_ =	sdelay $0x3  }
0xd8: {  	[tilespmem:v52+s22+$0x0] =	vst.idx.msk $0xffff, v10  }
0xd9: {  	v54 =	vor.u32 s31, v3;
	v10 =	vld.idx.msk [tilespmem:v53+s13+$0x0], $0xffff  }
0xda: {  	v55 =	vadd.s32 v4, v50;
	_ =	sdelay $0x3  }
0xdb: {  	[tilespmem:v54+s22+$0x0] =	vst.idx.msk $0xffff, v10  }
0xdc: {  	v56 =	vor.u32 s31, v5;
	v10 =	vld.idx.msk [tilespmem:v55+s13+$0x0], $0xffff  }
0xdd: {  	v9 =	vadd.s32 v6, v50;
	_ =	sdelay $0x3  }
0xde: {  	v57 =	vbroadcast v8, $0x9;
	[tilespmem:v56+s22+$0x0] =	vst.idx.msk $0xffff, v10  }
0xdf: {  	v58 =	vor.u32 s31, v7;
	v9 =	vld.idx.msk [tilespmem:v9+s13+$0x0], $0xffff  }
0xe0: {  	v59 =	vadd.s32 v1, v57;
	_ =	sdelay $0x3  }
0xe1: {  	s30 =	sadd.s32 $0xFFFFFD00, s28;
	[tilespmem:v58+s22+$0x0] =	vst.idx.msk $0xffff, v9  }
0xe2: {  	v60 =	vor.u32 s30, v0;
	v9 =	vld.idx.msk [tilespmem:v59+s14+$0x0], $0xffff  }
0xe3: {  	v61 =	vadd.s32 v2, v57;
	_ =	sdelay $0x3  }
0xe4: {  	[tilespmem:v60+s22+$0x0] =	vst.idx.msk $0xffff, v9  }
0xe5: {  	v62 =	vor.u32 s30, v3;
	v9 =	vld.idx.msk [tilespmem:v61+s14+$0x0], $0xffff  }
0xe6: {  	v63 =	vadd.s32 v4, v57;
	_ =	sdelay $0x3  }
0xe7: {  	[tilespmem:v62+s22+$0x0] =	vst.idx.msk $0xffff, v9  }
0xe8: {  	v15 =	vor.u32 s30, v5;
	v9 =	vld.idx.msk [tilespmem:v63+s14+$0x0], $0xffff  }
0xe9: {  	v10 =	vadd.s32 v6, v57;
	_ =	sdelay $0x3  }
0xea: {  	v16 =	vbroadcast v8, $0xA;
	[tilespmem:v15+s22+$0x0] =	vst.idx.msk $0xffff, v9  }
0xeb: {  	v17 =	vor.u32 s30, v7;
	v10 =	vld.idx.msk [tilespmem:v10+s14+$0x0], $0xffff  }
0xec: {  	v18 =	vadd.s32 v1, v16;
	_ =	sdelay $0x3  }
0xed: {  	s31 =	sadd.s32 $0xFFFFFD80, s28;
	[tilespmem:v17+s22+$0x0] =	vst.idx.msk $0xffff, v10  }
0xee: {  	v19 =	vor.u32 s31, v0;
	v10 =	vld.idx.msk [tilespmem:v18+s15+$0x0], $0xffff  }
0xef: {  	v20 =	vadd.s32 v2, v16;
	_ =	sdelay $0x3  }
0xf0: {  	[tilespmem:v19+s22+$0x0] =	vst.idx.msk $0xffff, v10  }
0xf1: {  	v21 =	vor.u32 s31, v3;
	v10 =	vld.idx.msk [tilespmem:v20+s15+$0x0], $0xffff  }
0xf2: {  	v22 =	vadd.s32 v4, v16;
	_ =	sdelay $0x3  }
0xf3: {  	[tilespmem:v21+s22+$0x0] =	vst.idx.msk $0xffff, v10  }
0xf4: {  	v23 =	vor.u32 s31, v5;
	v10 =	vld.idx.msk [tilespmem:v22+s15+$0x0], $0xffff  }
0xf5: {  	v9 =	vadd.s32 v6, v16;
	_ =	sdelay $0x3  }
0xf6: {  	v24 =	vbroadcast v8, $0xB;
	[tilespmem:v23+s22+$0x0] =	vst.idx.msk $0xffff, v10  }
0xf7: {  	v25 =	vor.u32 s31, v7;
	v9 =	vld.idx.msk [tilespmem:v9+s15+$0x0], $0xffff  }
0xf8: {  	v26 =	vadd.s32 v1, v24;
	_ =	sdelay $0x3  }
0xf9: {  	s30 =	sadd.s32 $0xFFFFFE00, s28;
	[tilespmem:v25+s22+$0x0] =	vst.idx.msk $0xffff, v9  }
0xfa: {  	v27 =	vor.u32 s30, v0;
	v9 =	vld.idx.msk [tilespmem:v26+s16+$0x0], $0xffff  }
0xfb: {  	v28 =	vadd.s32 v2, v24;
	_ =	sdelay $0x3  }
0xfc: {  	[tilespmem:v27+s22+$0x0] =	vst.idx.msk $0xffff, v9  }
0xfd: {  	v29 =	vor.u32 s30, v3;
	v9 =	vld.idx.msk [tilespmem:v28+s16+$0x0], $0xffff  }
0xfe: {  	v30 =	vadd.s32 v4, v24;
	_ =	sdelay $0x3  }
0xff: {  	[tilespmem:v29+s22+$0x0] =	vst.idx.msk $0xffff, v9  }
0x100: {  	v31 =	vor.u32 s30, v5;
	v9 =	vld.idx.msk [tilespmem:v30+s16+$0x0], $0xffff  }
0x101: {  	v10 =	vadd.s32 v6, v24;
	_ =	sdelay $0x3  }
0x102: {  	[tilespmem:v31+s22+$0x0] =	vst.idx.msk $0xffff, v9  }
0x103: {  	v32 =	vor.u32 s30, v7;
	v9 =	vld.idx.msk [tilespmem:v10+s16+$0x0], $0xffff;
	_ =	sdelay $0x4  }
0x104: {  	[tilespmem:v32+s22+$0x0] =	vst.idx.msk $0xffff, v9  }
0x105: {  	_ =	swait.ge [sflag:s21], $0x2000  }
0x106: {  	[sflag:s21] =	ssyncset.done $0x0  }
0x107: {  	[sflag:s21] =	ssyncadd.s32 $0xFFFFE000  }
0x108: {  	_ =	swait.ge [sflag:s21], $0x2000  }
0x109: {  	[sflag:s21] =	ssyncset.done $0x0  }
0x10a: {  	v33 =	vbroadcast v8, $0xC;
	[sflag:s21] =	ssyncadd.s32 $0xFFFFE000  }
0x10b: {  	_ =	swait.ge [sflag:s21], $0x2000  }
0x10c: {  	v34 =	vadd.s32 v1, v33;
	[sflag:s21] =	ssyncset.done $0x0  }
0x10d: {  	[sflag:s21] =	ssyncadd.s32 $0xFFFFE000  }
0x10e: {  	_ =	swait.ge [sflag:s21], $0x2000  }
0x10f: {  	[sflag:s21] =	ssyncset.done $0x0  }
0x110: {  	s31 =	sadd.s32 $0xFFFFFE80, s28;
	[sflag:s21] =	ssyncadd.s32 $0xFFFFE000  }
0x111: {  	v35 =	vor.u32 s31, v0;
	v10 =	vld.idx.msk [tilespmem:v34+s17+$0x0], $0xffff  }
0x112: {  	v36 =	vadd.s32 v2, v33;
	_ =	sdelay $0x3  }
0x113: {  	[tilespmem:v35+s22+$0x0] =	vst.idx.msk $0xffff, v10  }
0x114: {  	v37 =	vor.u32 s31, v3;
	v10 =	vld.idx.msk [tilespmem:v36+s17+$0x0], $0xffff  }
0x115: {  	v38 =	vadd.s32 v4, v33;
	_ =	sdelay $0x3  }
0x116: {  	[tilespmem:v37+s22+$0x0] =	vst.idx.msk $0xffff, v10  }
0x117: {  	v39 =	vor.u32 s31, v5;
	v10 =	vld.idx.msk [tilespmem:v38+s17+$0x0], $0xffff  }
0x118: {  	v9 =	vadd.s32 v6, v33;
	_ =	sdelay $0x3  }
0x119: {  	v40 =	vbroadcast v8, $0xD;
	[tilespmem:v39+s22+$0x0] =	vst.idx.msk $0xffff, v10  }
0x11a: {  	v41 =	vor.u32 s31, v7;
	v9 =	vld.idx.msk [tilespmem:v9+s17+$0x0], $0xffff  }
0x11b: {  	v42 =	vadd.s32 v1, v40;
	_ =	sdelay $0x3  }
0x11c: {  	s30 =	sadd.s32 $0xFFFFFF00, s28;
	[tilespmem:v41+s22+$0x0] =	vst.idx.msk $0xffff, v9  }
0x11d: {  	v43 =	vor.u32 s30, v0;
	v9 =	vld.idx.msk [tilespmem:v42+s18+$0x0], $0xffff  }
0x11e: {  	v44 =	vadd.s32 v2, v40;
	_ =	sdelay $0x3  }
0x11f: {  	[tilespmem:v43+s22+$0x0] =	vst.idx.msk $0xffff, v9  }
0x120: {  	v45 =	vor.u32 s30, v3;
	v9 =	vld.idx.msk [tilespmem:v44+s18+$0x0], $0xffff  }
0x121: {  	v46 =	vadd.s32 v4, v40;
	_ =	sdelay $0x3  }
0x122: {  	[tilespmem:v45+s22+$0x0] =	vst.idx.msk $0xffff, v9  }
0x123: {  	v47 =	vor.u32 s30, v5;
	v9 =	vld.idx.msk [tilespmem:v46+s18+$0x0], $0xffff  }
0x124: {  	v10 =	vadd.s32 v6, v40;
	_ =	sdelay $0x3  }
0x125: {  	v48 =	vbroadcast v8, $0xE;
	[tilespmem:v47+s22+$0x0] =	vst.idx.msk $0xffff, v9  }
0x126: {  	v49 =	vor.u32 s30, v7;
	v10 =	vld.idx.msk [tilespmem:v10+s18+$0x0], $0xffff  }
0x127: {  	v50 =	vadd.s32 v1, v48;
	_ =	sdelay $0x3  }
0x128: {  	s31 =	sadd.s32 $0xFFFFFF80, s28;
	[tilespmem:v49+s22+$0x0] =	vst.idx.msk $0xffff, v10  }
0x129: {  	v51 =	vor.u32 s31, v0;
	v10 =	vld.idx.msk [tilespmem:v50+s19+$0x0], $0xffff  }
0x12a: {  	v52 =	vadd.s32 v2, v48;
	_ =	sdelay $0x3  }
0x12b: {  	[tilespmem:v51+s22+$0x0] =	vst.idx.msk $0xffff, v10  }
0x12c: {  	v53 =	vor.u32 s31, v3;
	v10 =	vld.idx.msk [tilespmem:v52+s19+$0x0], $0xffff  }
0x12d: {  	v54 =	vadd.s32 v4, v48;
	_ =	sdelay $0x3  }
0x12e: {  	[tilespmem:v53+s22+$0x0] =	vst.idx.msk $0xffff, v10  }
0x12f: {  	v55 =	vor.u32 s31, v5;
	v10 =	vld.idx.msk [tilespmem:v54+s19+$0x0], $0xffff  }
0x130: {  	v9 =	vadd.s32 v6, v48;
	_ =	sdelay $0x3  }
0x131: {  	v8 =	vbroadcast v8, $0xF;
	[tilespmem:v55+s22+$0x0] =	vst.idx.msk $0xffff, v10  }
0x132: {  	v56 =	vor.u32 s31, v7;
	v9 =	vld.idx.msk [tilespmem:v9+s19+$0x0], $0xffff  }
0x133: {  	v57 =	vadd.s32 v1, v8;
	_ =	sdelay $0x3  }
0x134: {  	[tilespmem:v56+s22+$0x0] =	vst.idx.msk $0xffff, v9  }
0x135: {  	v58 =	vor.u32 s28, v0;
	v9 =	vld.idx.msk [tilespmem:v57+s20+$0x0], $0xffff  }
0x136: {  	v59 =	vadd.s32 v2, v8;
	_ =	sdelay $0x3  }
0x137: {  	[tilespmem:v58+s22+$0x0] =	vst.idx.msk $0xffff, v9  }
0x138: {  	v60 =	vor.u32 s28, v3;
	v9 =	vld.idx.msk [tilespmem:v59+s20+$0x0], $0xffff  }
0x139: {  	v61 =	vadd.s32 v4, v8;
	_ =	sdelay $0x3  }
0x13a: {  	[tilespmem:v60+s22+$0x0] =	vst.idx.msk $0xffff, v9  }
0x13b: {  	v62 =	vor.u32 s28, v5;
	v9 =	vld.idx.msk [tilespmem:v61+s20+$0x0], $0xffff  }
0x13c: {  	v8 =	vadd.s32 v6, v8;
	_ =	sdelay $0x3  }
0x13d: {  	[tilespmem:v62+s22+$0x0] =	vst.idx.msk $0xffff, v9  }
0x13e: {  	p0 =	sne.s32 s25, $0xFF;
	v63 =	vor.u32 s28, v7;
	v8 =	vld.idx.msk [tilespmem:v8+s20+$0x0], $0xffff  }
.Ltmp0:
0x13f: {  	_ = 	snop;
	(pc) =	sbr.rel @p0 .LBB2_2-.Ltmp0, $2  }
0x140: {  	_ =	sdelay $0x2  }
0x141: {  	s26 =	sadd.s32 $0x10, s26;
	s24 =	sadd.s32 $0x10, s24;
	s25 =	sadd.s32 $0x10, s25;
	[tilespmem:v63+s22+$0x0] =	vst.idx.msk $0xffff, v8  }
0x142: {  	s24 =	simm.s32 $0x0  }
0x143: {  	[hbm4b:s6+s24] =	stream.linear.scatter [tilespmem:s22], [sflag:$0x2], $0x8000, $0x38;
	[tilespmem:$0x18400] =	vst v63  }
0x144: {  	_ =	swait.ge [sflag:s11], $0x8000  }
0x145: {  	[sflag:s11] =	ssyncset.done $0x0  }
0x146: {  	s25 =	simm.s32 $0x100;
	s26 =	simm.s32 $0x300;
	[sflag:s11] =	ssyncadd.s32 $0xFFFF8000  }
.LBB2_4:
0x147: {  	v9 =	vld [tilespmem:s25+$0x0];
	_ =	sdelay $0x4  }
0x148: {  	(v2sf) =	vpush v9, $0x0;
	_ =	sdelay $0x1  }
0x149: {  	(v2sf) =	vpush v9, $0x1;
	_ =	sdelay $0x1  }
0x14a: {  	(v2sf) =	vpush v9, $0x2;
	_ =	sdelay $0x2  }
0x14b: {  	(v2sf) =	vpush v9, $0x3;
	_ =	sdelay $0x7  }
0x14c: {  	s28 =	spop (v2sf);
	(v2sf) =	vpush v9, $0x4;
	_ =	sdelay $0x1  }
0x14d: {  	s30 =	spop (v2sf);
	(v2sf) =	vpush v9, $0x5  }
0x14e: {  	s28 =	sand.u32 $0xFFFFF80, s28  }
0x14f: {  	s28 =	sadd.s32 s2, s28;
	s31 =	spop (v2sf)  }
0x150: {  	v8 =	vld [tilespmem:s26+$0x0];
	(v2sf) =	vpush v9, $0x6;
	[tilespmem:s13], [sflag:$0x1] =	stream.strided.gather [hbm4b:s28+s13], $0x2000, s12, s13, $0x38  }
0x151: {  	s28 =	sand.u32 $0xFFFFF80, s30  }
0x152: {  	s29 =	spop (v2sf);
	s28 =	sadd.s32 s2, s28  }
0x153: {  	(v2sf) =	vpush v9, $0x7;
	[tilespmem:s14], [sflag:$0x1] =	stream.strided.gather [hbm4b:s28+s13], $0x2000, s12, s13, $0x38;
	[tilespmem:$0x18400] =	vst v63  }
0x154: {  	s28 =	sand.u32 $0xFFFFF80, s31  }
0x155: {  	s28 =	sadd.s32 s2, s28  }
0x156: {  	[tilespmem:s15], [sflag:$0x1] =	stream.strided.gather [hbm4b:s28+s13], $0x2000, s12, s13, $0x38;
	[tilespmem:$0x18400] =	vst v63  }
0x157: {  	s28 =	sand.u32 $0xFFFFF80, s29  }
0x158: {  	s28 =	sadd.s32 s2, s28  }
0x159: {  	[tilespmem:s16], [sflag:$0x1] =	stream.strided.gather [hbm4b:s28+s13], $0x2000, s12, s13, $0x38;
	[tilespmem:$0x18400] =	vst v63  }
0x15a: {  	s30 =	spop (v2sf)  }
0x15b: {  	s28 =	sand.u32 $0xFFFFF80, s30  }
0x15c: {  	s31 =	spop (v2sf);
	s28 =	sadd.s32 s2, s28  }
0x15d: {  	[tilespmem:s17], [sflag:$0x1] =	stream.strided.gather [hbm4b:s28+s13], $0x2000, s12, s13, $0x38;
	[tilespmem:$0x18400] =	vst v63  }
0x15e: {  	s28 =	sand.u32 $0xFFFFF80, s31  }
0x15f: {  	s29 =	spop (v2sf);
	s28 =	sadd.s32 s2, s28  }
0x160: {  	[tilespmem:s18], [sflag:$0x1] =	stream.strided.gather [hbm4b:s28+s13], $0x2000, s12, s13, $0x38;
	[tilespmem:$0x18400] =	vst v63  }
0x161: {  	s28 =	sand.u32 $0xFFFFF80, s29  }
0x162: {  	s30 =	spop (v2sf);
	s28 =	sadd.s32 s2, s28  }
0x163: {  	[tilespmem:s19], [sflag:$0x1] =	stream.strided.gather [hbm4b:s28+s13], $0x2000, s12, s13, $0x38;
	[tilespmem:$0x18400] =	vst v63  }
0x164: {  	s28 =	sand.u32 $0xFFFFF80, s30  }
0x165: {  	s28 =	sadd.s32 s2, s28  }
0x166: {  	[tilespmem:s20], [sflag:$0x1] =	stream.strided.gather [hbm4b:s28+s13], $0x2000, s12, s13, $0x38;
	[tilespmem:$0x18400] =	vst v63  }
0x167: {  	_ =	swait.ge [sflag:s21], $0x2000  }
0x168: {  	[sflag:s21] =	ssyncset.done $0x0  }
0x169: {  	[sflag:s21] =	ssyncadd.s32 $0xFFFFE000  }
0x16a: {  	_ =	swait.ge [sflag:s21], $0x2000  }
0x16b: {  	[sflag:s21] =	ssyncset.done $0x0  }
0x16c: {  	v10 =	vbroadcast v8, $0x0;
	[sflag:s21] =	ssyncadd.s32 $0xFFFFE000  }
0x16d: {  	_ =	swait.ge [sflag:s21], $0x2000  }
0x16e: {  	v11 =	vadd.s32 v1, v10;
	[sflag:s21] =	ssyncset.done $0x0  }
0x16f: {  	[sflag:s21] =	ssyncadd.s32 $0xFFFFE000  }
0x170: {  	_ =	swait.ge [sflag:s21], $0x2000  }
0x171: {  	[sflag:s21] =	ssyncset.done $0x0  }
0x172: {  	s28 =	sshll.u32 s24, $0x7;
	[sflag:s21] =	ssyncadd.s32 $0xFFFFE000  }
0x173: {  	v12 =	vor.u32 s28, v0;
	v11 =	vld.idx.msk [tilespmem:v11+s13+$0x0], $0xffff  }
0x174: {  	v13 =	vadd.s32 v2, v10;
	_ =	sdelay $0x3  }
0x175: {  	[tilespmem:v12+s22+$0x0] =	vst.idx.msk $0xffff, v11  }
0x176: {  	v38 =	vor.u32 s28, v3;
	v11 =	vld.idx.msk [tilespmem:v13+s13+$0x0], $0xffff  }
0x177: {  	v39 =	vadd.s32 v4, v10;
	_ =	sdelay $0x3  }
0x178: {  	[tilespmem:v38+s22+$0x0] =	vst.idx.msk $0xffff, v11  }
0x179: {  	v40 =	vor.u32 s28, v5;
	v11 =	vld.idx.msk [tilespmem:v39+s13+$0x0], $0xffff  }
0x17a: {  	v10 =	vadd.s32 v6, v10;
	_ =	sdelay $0x3  }
0x17b: {  	v41 =	vbroadcast v8, $0x1;
	[tilespmem:v40+s22+$0x0] =	vst.idx.msk $0xffff, v11  }
0x17c: {  	v42 =	vor.u32 s28, v7;
	v10 =	vld.idx.msk [tilespmem:v10+s13+$0x0], $0xffff  }
0x17d: {  	v43 =	vadd.s32 v1, v41;
	_ =	sdelay $0x3  }
0x17e: {  	s29 =	sadd.s32 $0x80, s28;
	[tilespmem:v42+s22+$0x0] =	vst.idx.msk $0xffff, v10  }
0x17f: {  	v44 =	vor.u32 s29, v0;
	v10 =	vld.idx.msk [tilespmem:v43+s14+$0x0], $0xffff  }
0x180: {  	v45 =	vadd.s32 v2, v41;
	_ =	sdelay $0x3  }
0x181: {  	[tilespmem:v44+s22+$0x0] =	vst.idx.msk $0xffff, v10  }
0x182: {  	v46 =	vor.u32 s29, v3;
	v10 =	vld.idx.msk [tilespmem:v45+s14+$0x0], $0xffff  }
0x183: {  	v47 =	vadd.s32 v4, v41;
	_ =	sdelay $0x3  }
0x184: {  	[tilespmem:v46+s22+$0x0] =	vst.idx.msk $0xffff, v10  }
0x185: {  	v48 =	vor.u32 s29, v5;
	v10 =	vld.idx.msk [tilespmem:v47+s14+$0x0], $0xffff  }
0x186: {  	v11 =	vadd.s32 v6, v41;
	_ =	sdelay $0x3  }
0x187: {  	v49 =	vbroadcast v8, $0x2;
	[tilespmem:v48+s22+$0x0] =	vst.idx.msk $0xffff, v10  }
0x188: {  	v50 =	vor.u32 s29, v7;
	v11 =	vld.idx.msk [tilespmem:v11+s14+$0x0], $0xffff  }
0x189: {  	v51 =	vadd.s32 v1, v49;
	_ =	sdelay $0x3  }
0x18a: {  	s31 =	sadd.s32 $0x100, s28;
	[tilespmem:v50+s22+$0x0] =	vst.idx.msk $0xffff, v11  }
0x18b: {  	v52 =	vor.u32 s31, v0;
	v11 =	vld.idx.msk [tilespmem:v51+s15+$0x0], $0xffff  }
0x18c: {  	v53 =	vadd.s32 v2, v49;
	_ =	sdelay $0x3  }
0x18d: {  	[tilespmem:v52+s22+$0x0] =	vst.idx.msk $0xffff, v11  }
0x18e: {  	v54 =	vor.u32 s31, v3;
	v11 =	vld.idx.msk [tilespmem:v53+s15+$0x0], $0xffff  }
0x18f: {  	v55 =	vadd.s32 v4, v49;
	_ =	sdelay $0x3  }
0x190: {  	[tilespmem:v54+s22+$0x0] =	vst.idx.msk $0xffff, v11  }
0x191: {  	v56 =	vor.u32 s31, v5;
	v11 =	vld.idx.msk [tilespmem:v55+s15+$0x0], $0xffff  }
0x192: {  	v10 =	vadd.s32 v6, v49;
	_ =	sdelay $0x3  }
0x193: {  	v57 =	vbroadcast v8, $0x3;
	[tilespmem:v56+s22+$0x0] =	vst.idx.msk $0xffff, v11  }
0x194: {  	v58 =	vor.u32 s31, v7;
	v10 =	vld.idx.msk [tilespmem:v10+s15+$0x0], $0xffff  }
0x195: {  	v59 =	vadd.s32 v1, v57;
	_ =	sdelay $0x3  }
0x196: {  	s30 =	sadd.s32 $0x180, s28;
	[tilespmem:v58+s22+$0x0] =	vst.idx.msk $0xffff, v10  }
0x197: {  	v60 =	vor.u32 s30, v0;
	v10 =	vld.idx.msk [tilespmem:v59+s16+$0x0], $0xffff  }
0x198: {  	v61 =	vadd.s32 v2, v57;
	_ =	sdelay $0x3  }
0x199: {  	[tilespmem:v60+s22+$0x0] =	vst.idx.msk $0xffff, v10  }
0x19a: {  	v62 =	vor.u32 s30, v3;
	(v2sf) =	vpush v9, $0x8;
	v10 =	vld.idx.msk [tilespmem:v61+s16+$0x0], $0xffff  }
0x19b: {  	v63 =	vadd.s32 v4, v57  }
0x19c: {  	(v2sf) =	vpush v9, $0x9;
	_ =	sdelay $0x2  }
0x19d: {  	(v2sf) =	vpush v9, $0xA;
	[tilespmem:v62+s22+$0x0] =	vst.idx.msk $0xffff, v10  }
0x19e: {  	v16 =	vor.u32 s30, v5;
	v10 =	vld.idx.msk [tilespmem:v63+s16+$0x0], $0xffff  }
0x19f: {  	v11 =	vadd.s32 v6, v57  }
0x1a0: {  	(v2sf) =	vpush v9, $0xB;
	_ =	sdelay $0x2  }
0x1a1: {  	[tilespmem:v16+s22+$0x0] =	vst.idx.msk $0xffff, v10  }
0x1a2: {  	v17 =	vor.u32 s30, v7;
	v10 =	vld.idx.msk [tilespmem:v11+s16+$0x0], $0xffff;
	_ =	sdelay $0x2  }
0x1a3: {  	s31 =	spop (v2sf)  }
0x1a4: {  	s29 =	sand.u32 $0xFFFFF80, s31  }
0x1a5: {  	s30 =	spop (v2sf);
	s29 =	sadd.s32 s2, s29;
	[tilespmem:v17+s22+$0x0] =	vst.idx.msk $0xffff, v10  }
0x1a6: {  	[tilespmem:s13], [sflag:$0x1] =	stream.strided.gather [hbm4b:s29+s13], $0x2000, s12, s13, $0x38;
	[tilespmem:$0x18400] =	vst v63  }
0x1a7: {  	s29 =	sand.u32 $0xFFFFF80, s30  }
0x1a8: {  	s31 =	spop (v2sf);
	s29 =	sadd.s32 s2, s29  }
0x1a9: {  	[tilespmem:s14], [sflag:$0x1] =	stream.strided.gather [hbm4b:s29+s13], $0x2000, s12, s13, $0x38;
	[tilespmem:$0x18400] =	vst v63  }
0x1aa: {  	s29 =	sand.u32 $0xFFFFF80, s31  }
0x1ab: {  	s30 =	spop (v2sf);
	s29 =	sadd.s32 s2, s29  }
0x1ac: {  	[tilespmem:s15], [sflag:$0x1] =	stream.strided.gather [hbm4b:s29+s13], $0x2000, s12, s13, $0x38;
	[tilespmem:$0x18400] =	vst v63  }
0x1ad: {  	s29 =	sand.u32 $0xFFFFF80, s30  }
0x1ae: {  	s29 =	sadd.s32 s2, s29  }
0x1af: {  	[tilespmem:s16], [sflag:$0x1] =	stream.strided.gather [hbm4b:s29+s13], $0x2000, s12, s13, $0x38;
	[tilespmem:$0x18400] =	vst v63  }
0x1b0: {  	_ =	swait.ge [sflag:s21], $0x2000  }
0x1b1: {  	[sflag:s21] =	ssyncset.done $0x0  }
0x1b2: {  	[sflag:s21] =	ssyncadd.s32 $0xFFFFE000  }
0x1b3: {  	_ =	swait.ge [sflag:s21], $0x2000  }
0x1b4: {  	[sflag:s21] =	ssyncset.done $0x0  }
0x1b5: {  	v18 =	vbroadcast v8, $0x4;
	[sflag:s21] =	ssyncadd.s32 $0xFFFFE000  }
0x1b6: {  	_ =	swait.ge [sflag:s21], $0x2000  }
0x1b7: {  	v19 =	vadd.s32 v1, v18;
	[sflag:s21] =	ssyncset.done $0x0  }
0x1b8: {  	[sflag:s21] =	ssyncadd.s32 $0xFFFFE000  }
0x1b9: {  	_ =	swait.ge [sflag:s21], $0x2000  }
0x1ba: {  	[sflag:s21] =	ssyncset.done $0x0  }
0x1bb: {  	s31 =	sadd.s32 $0x200, s28;
	[sflag:s21] =	ssyncadd.s32 $0xFFFFE000  }
0x1bc: {  	v20 =	vor.u32 s31, v0;
	v11 =	vld.idx.msk [tilespmem:v19+s17+$0x0], $0xffff  }
0x1bd: {  	v21 =	vadd.s32 v2, v18;
	_ =	sdelay $0x3  }
0x1be: {  	[tilespmem:v20+s22+$0x0] =	vst.idx.msk $0xffff, v11  }
0x1bf: {  	v22 =	vor.u32 s31, v3;
	v11 =	vld.idx.msk [tilespmem:v21+s17+$0x0], $0xffff  }
0x1c0: {  	v23 =	vadd.s32 v4, v18;
	_ =	sdelay $0x3  }
0x1c1: {  	[tilespmem:v22+s22+$0x0] =	vst.idx.msk $0xffff, v11  }
0x1c2: {  	v24 =	vor.u32 s31, v5;
	v11 =	vld.idx.msk [tilespmem:v23+s17+$0x0], $0xffff  }
0x1c3: {  	v10 =	vadd.s32 v6, v18;
	_ =	sdelay $0x3  }
0x1c4: {  	v25 =	vbroadcast v8, $0x5;
	[tilespmem:v24+s22+$0x0] =	vst.idx.msk $0xffff, v11  }
0x1c5: {  	v26 =	vor.u32 s31, v7;
	v10 =	vld.idx.msk [tilespmem:v10+s17+$0x0], $0xffff  }
0x1c6: {  	v27 =	vadd.s32 v1, v25;
	_ =	sdelay $0x3  }
0x1c7: {  	s30 =	sadd.s32 $0x280, s28;
	[tilespmem:v26+s22+$0x0] =	vst.idx.msk $0xffff, v10  }
0x1c8: {  	v28 =	vor.u32 s30, v0;
	v10 =	vld.idx.msk [tilespmem:v27+s18+$0x0], $0xffff  }
0x1c9: {  	v29 =	vadd.s32 v2, v25;
	_ =	sdelay $0x3  }
0x1ca: {  	[tilespmem:v28+s22+$0x0] =	vst.idx.msk $0xffff, v10  }
0x1cb: {  	v30 =	vor.u32 s30, v3;
	v10 =	vld.idx.msk [tilespmem:v29+s18+$0x0], $0xffff  }
0x1cc: {  	v31 =	vadd.s32 v4, v25;
	_ =	sdelay $0x3  }
0x1cd: {  	[tilespmem:v30+s22+$0x0] =	vst.idx.msk $0xffff, v10  }
0x1ce: {  	v32 =	vor.u32 s30, v5;
	v10 =	vld.idx.msk [tilespmem:v31+s18+$0x0], $0xffff  }
0x1cf: {  	v11 =	vadd.s32 v6, v25;
	_ =	sdelay $0x3  }
0x1d0: {  	v33 =	vbroadcast v8, $0x6;
	[tilespmem:v32+s22+$0x0] =	vst.idx.msk $0xffff, v10  }
0x1d1: {  	v34 =	vor.u32 s30, v7;
	v11 =	vld.idx.msk [tilespmem:v11+s18+$0x0], $0xffff  }
0x1d2: {  	v35 =	vadd.s32 v1, v33;
	_ =	sdelay $0x3  }
0x1d3: {  	s31 =	sadd.s32 $0x300, s28;
	[tilespmem:v34+s22+$0x0] =	vst.idx.msk $0xffff, v11  }
0x1d4: {  	v36 =	vor.u32 s31, v0;
	v11 =	vld.idx.msk [tilespmem:v35+s19+$0x0], $0xffff  }
0x1d5: {  	v37 =	vadd.s32 v2, v33;
	_ =	sdelay $0x3  }
0x1d6: {  	[tilespmem:v36+s22+$0x0] =	vst.idx.msk $0xffff, v11  }
0x1d7: {  	v38 =	vor.u32 s31, v3;
	v11 =	vld.idx.msk [tilespmem:v37+s19+$0x0], $0xffff  }
0x1d8: {  	v39 =	vadd.s32 v4, v33;
	_ =	sdelay $0x3  }
0x1d9: {  	[tilespmem:v38+s22+$0x0] =	vst.idx.msk $0xffff, v11  }
0x1da: {  	v40 =	vor.u32 s31, v5;
	v11 =	vld.idx.msk [tilespmem:v39+s19+$0x0], $0xffff  }
0x1db: {  	v10 =	vadd.s32 v6, v33;
	_ =	sdelay $0x3  }
0x1dc: {  	v41 =	vbroadcast v8, $0x7;
	[tilespmem:v40+s22+$0x0] =	vst.idx.msk $0xffff, v11  }
0x1dd: {  	v42 =	vor.u32 s31, v7;
	v10 =	vld.idx.msk [tilespmem:v10+s19+$0x0], $0xffff  }
0x1de: {  	v43 =	vadd.s32 v1, v41;
	_ =	sdelay $0x3  }
0x1df: {  	s30 =	sadd.s32 $0x380, s28;
	[tilespmem:v42+s22+$0x0] =	vst.idx.msk $0xffff, v10  }
0x1e0: {  	v44 =	vor.u32 s30, v0;
	v10 =	vld.idx.msk [tilespmem:v43+s20+$0x0], $0xffff  }
0x1e1: {  	v45 =	vadd.s32 v2, v41;
	_ =	sdelay $0x3  }
0x1e2: {  	[tilespmem:v44+s22+$0x0] =	vst.idx.msk $0xffff, v10  }
0x1e3: {  	v46 =	vor.u32 s30, v3;
	(v2sf) =	vpush v9, $0xC;
	v10 =	vld.idx.msk [tilespmem:v45+s20+$0x0], $0xffff  }
0x1e4: {  	v47 =	vadd.s32 v4, v41  }
0x1e5: {  	(v2sf) =	vpush v9, $0xD;
	_ =	sdelay $0x2  }
0x1e6: {  	(v2sf) =	vpush v9, $0xE;
	[tilespmem:v46+s22+$0x0] =	vst.idx.msk $0xffff, v10  }
0x1e7: {  	v48 =	vor.u32 s30, v5;
	v10 =	vld.idx.msk [tilespmem:v47+s20+$0x0], $0xffff  }
0x1e8: {  	v11 =	vadd.s32 v6, v41  }
0x1e9: {  	(v2sf) =	vpush v9, $0xF;
	_ =	sdelay $0x2  }
0x1ea: {  	[tilespmem:v48+s22+$0x0] =	vst.idx.msk $0xffff, v10  }
0x1eb: {  	v49 =	vor.u32 s30, v7;
	v10 =	vld.idx.msk [tilespmem:v11+s20+$0x0], $0xffff;
	_ =	sdelay $0x2  }
0x1ec: {  	s31 =	spop (v2sf)  }
0x1ed: {  	s29 =	sand.u32 $0xFFFFF80, s31  }
0x1ee: {  	s30 =	spop (v2sf);
	s29 =	sadd.s32 s2, s29;
	[tilespmem:v49+s22+$0x0] =	vst.idx.msk $0xffff, v10  }
0x1ef: {  	[tilespmem:s17], [sflag:$0x1] =	stream.strided.gather [hbm4b:s29+s13], $0x2000, s12, s13, $0x38;
	[tilespmem:$0x18400] =	vst v63  }
0x1f0: {  	s29 =	sand.u32 $0xFFFFF80, s30  }
0x1f1: {  	s31 =	spop (v2sf);
	s29 =	sadd.s32 s2, s29  }
0x1f2: {  	[tilespmem:s18], [sflag:$0x1] =	stream.strided.gather [hbm4b:s29+s13], $0x2000, s12, s13, $0x38;
	[tilespmem:$0x18400] =	vst v63  }
0x1f3: {  	s29 =	sand.u32 $0xFFFFF80, s31  }
0x1f4: {  	s30 =	spop (v2sf);
	s29 =	sadd.s32 s2, s29  }
0x1f5: {  	[tilespmem:s19], [sflag:$0x1] =	stream.strided.gather [hbm4b:s29+s13], $0x2000, s12, s13, $0x38;
	[tilespmem:$0x18400] =	vst v63  }
0x1f6: {  	s29 =	sand.u32 $0xFFFFF80, s30  }
0x1f7: {  	s29 =	sadd.s32 s2, s29  }
0x1f8: {  	[tilespmem:s20], [sflag:$0x1] =	stream.strided.gather [hbm4b:s29+s13], $0x2000, s12, s13, $0x38;
	[tilespmem:$0x18400] =	vst v63  }
0x1f9: {  	_ =	swait.ge [sflag:s21], $0x2000  }
0x1fa: {  	[sflag:s21] =	ssyncset.done $0x0  }
0x1fb: {  	[sflag:s21] =	ssyncadd.s32 $0xFFFFE000  }
0x1fc: {  	_ =	swait.ge [sflag:s21], $0x2000  }
0x1fd: {  	[sflag:s21] =	ssyncset.done $0x0  }
0x1fe: {  	v50 =	vbroadcast v8, $0x8;
	[sflag:s21] =	ssyncadd.s32 $0xFFFFE000  }
0x1ff: {  	_ =	swait.ge [sflag:s21], $0x2000  }
0x200: {  	v51 =	vadd.s32 v1, v50;
	[sflag:s21] =	ssyncset.done $0x0  }
0x201: {  	[sflag:s21] =	ssyncadd.s32 $0xFFFFE000  }
0x202: {  	_ =	swait.ge [sflag:s21], $0x2000  }
0x203: {  	[sflag:s21] =	ssyncset.done $0x0  }
0x204: {  	s31 =	sadd.s32 $0x400, s28;
	[sflag:s21] =	ssyncadd.s32 $0xFFFFE000  }
0x205: {  	v52 =	vor.u32 s31, v0;
	v10 =	vld.idx.msk [tilespmem:v51+s13+$0x0], $0xffff  }
0x206: {  	v53 =	vadd.s32 v2, v50;
	_ =	sdelay $0x3  }
0x207: {  	[tilespmem:v52+s22+$0x0] =	vst.idx.msk $0xffff, v10  }
0x208: {  	v54 =	vor.u32 s31, v3;
	v10 =	vld.idx.msk [tilespmem:v53+s13+$0x0], $0xffff  }
0x209: {  	v55 =	vadd.s32 v4, v50;
	_ =	sdelay $0x3  }
0x20a: {  	[tilespmem:v54+s22+$0x0] =	vst.idx.msk $0xffff, v10  }
0x20b: {  	v56 =	vor.u32 s31, v5;
	v10 =	vld.idx.msk [tilespmem:v55+s13+$0x0], $0xffff  }
0x20c: {  	v9 =	vadd.s32 v6, v50;
	_ =	sdelay $0x3  }
0x20d: {  	v57 =	vbroadcast v8, $0x9;
	[tilespmem:v56+s22+$0x0] =	vst.idx.msk $0xffff, v10  }
0x20e: {  	v58 =	vor.u32 s31, v7;
	v9 =	vld.idx.msk [tilespmem:v9+s13+$0x0], $0xffff  }
0x20f: {  	v59 =	vadd.s32 v1, v57;
	_ =	sdelay $0x3  }
0x210: {  	s30 =	sadd.s32 $0x480, s28;
	[tilespmem:v58+s22+$0x0] =	vst.idx.msk $0xffff, v9  }
0x211: {  	v60 =	vor.u32 s30, v0;
	v9 =	vld.idx.msk [tilespmem:v59+s14+$0x0], $0xffff  }
0x212: {  	v61 =	vadd.s32 v2, v57;
	_ =	sdelay $0x3  }
0x213: {  	[tilespmem:v60+s22+$0x0] =	vst.idx.msk $0xffff, v9  }
0x214: {  	v62 =	vor.u32 s30, v3;
	v9 =	vld.idx.msk [tilespmem:v61+s14+$0x0], $0xffff  }
0x215: {  	v63 =	vadd.s32 v4, v57;
	_ =	sdelay $0x3  }
0x216: {  	[tilespmem:v62+s22+$0x0] =	vst.idx.msk $0xffff, v9  }
0x217: {  	v15 =	vor.u32 s30, v5;
	v9 =	vld.idx.msk [tilespmem:v63+s14+$0x0], $0xffff  }
0x218: {  	v10 =	vadd.s32 v6, v57;
	_ =	sdelay $0x3  }
0x219: {  	v16 =	vbroadcast v8, $0xA;
	[tilespmem:v15+s22+$0x0] =	vst.idx.msk $0xffff, v9  }
0x21a: {  	v17 =	vor.u32 s30, v7;
	v10 =	vld.idx.msk [tilespmem:v10+s14+$0x0], $0xffff  }
0x21b: {  	v18 =	vadd.s32 v1, v16;
	_ =	sdelay $0x3  }
0x21c: {  	s31 =	sadd.s32 $0x500, s28;
	[tilespmem:v17+s22+$0x0] =	vst.idx.msk $0xffff, v10  }
0x21d: {  	v19 =	vor.u32 s31, v0;
	v10 =	vld.idx.msk [tilespmem:v18+s15+$0x0], $0xffff  }
0x21e: {  	v20 =	vadd.s32 v2, v16;
	_ =	sdelay $0x3  }
0x21f: {  	[tilespmem:v19+s22+$0x0] =	vst.idx.msk $0xffff, v10  }
0x220: {  	v21 =	vor.u32 s31, v3;
	v10 =	vld.idx.msk [tilespmem:v20+s15+$0x0], $0xffff  }
0x221: {  	v22 =	vadd.s32 v4, v16;
	_ =	sdelay $0x3  }
0x222: {  	[tilespmem:v21+s22+$0x0] =	vst.idx.msk $0xffff, v10  }
0x223: {  	v23 =	vor.u32 s31, v5;
	v10 =	vld.idx.msk [tilespmem:v22+s15+$0x0], $0xffff  }
0x224: {  	v9 =	vadd.s32 v6, v16;
	_ =	sdelay $0x3  }
0x225: {  	v24 =	vbroadcast v8, $0xB;
	[tilespmem:v23+s22+$0x0] =	vst.idx.msk $0xffff, v10  }
0x226: {  	v25 =	vor.u32 s31, v7;
	v9 =	vld.idx.msk [tilespmem:v9+s15+$0x0], $0xffff  }
0x227: {  	v26 =	vadd.s32 v1, v24;
	_ =	sdelay $0x3  }
0x228: {  	s30 =	sadd.s32 $0x580, s28;
	[tilespmem:v25+s22+$0x0] =	vst.idx.msk $0xffff, v9  }
0x229: {  	v27 =	vor.u32 s30, v0;
	v9 =	vld.idx.msk [tilespmem:v26+s16+$0x0], $0xffff  }
0x22a: {  	v28 =	vadd.s32 v2, v24;
	_ =	sdelay $0x3  }
0x22b: {  	[tilespmem:v27+s22+$0x0] =	vst.idx.msk $0xffff, v9  }
0x22c: {  	v29 =	vor.u32 s30, v3;
	v9 =	vld.idx.msk [tilespmem:v28+s16+$0x0], $0xffff  }
0x22d: {  	v30 =	vadd.s32 v4, v24;
	_ =	sdelay $0x3  }
0x22e: {  	[tilespmem:v29+s22+$0x0] =	vst.idx.msk $0xffff, v9  }
0x22f: {  	v31 =	vor.u32 s30, v5;
	v9 =	vld.idx.msk [tilespmem:v30+s16+$0x0], $0xffff  }
0x230: {  	v10 =	vadd.s32 v6, v24;
	_ =	sdelay $0x3  }
0x231: {  	[tilespmem:v31+s22+$0x0] =	vst.idx.msk $0xffff, v9  }
0x232: {  	v32 =	vor.u32 s30, v7;
	v9 =	vld.idx.msk [tilespmem:v10+s16+$0x0], $0xffff;
	_ =	sdelay $0x4  }
0x233: {  	[tilespmem:v32+s22+$0x0] =	vst.idx.msk $0xffff, v9  }
0x234: {  	_ =	swait.ge [sflag:s21], $0x2000  }
0x235: {  	[sflag:s21] =	ssyncset.done $0x0  }
0x236: {  	[sflag:s21] =	ssyncadd.s32 $0xFFFFE000  }
0x237: {  	_ =	swait.ge [sflag:s21], $0x2000  }
0x238: {  	[sflag:s21] =	ssyncset.done $0x0  }
0x239: {  	v33 =	vbroadcast v8, $0xC;
	[sflag:s21] =	ssyncadd.s32 $0xFFFFE000  }
0x23a: {  	_ =	swait.ge [sflag:s21], $0x2000  }
0x23b: {  	v34 =	vadd.s32 v1, v33;
	[sflag:s21] =	ssyncset.done $0x0  }
0x23c: {  	[sflag:s21] =	ssyncadd.s32 $0xFFFFE000  }
0x23d: {  	_ =	swait.ge [sflag:s21], $0x2000  }
0x23e: {  	[sflag:s21] =	ssyncset.done $0x0  }
0x23f: {  	s31 =	sadd.s32 $0x600, s28;
	[sflag:s21] =	ssyncadd.s32 $0xFFFFE000  }
0x240: {  	v35 =	vor.u32 s31, v0;
	v10 =	vld.idx.msk [tilespmem:v34+s17+$0x0], $0xffff  }
0x241: {  	v36 =	vadd.s32 v2, v33;
	_ =	sdelay $0x3  }
0x242: {  	[tilespmem:v35+s22+$0x0] =	vst.idx.msk $0xffff, v10  }
0x243: {  	v37 =	vor.u32 s31, v3;
	v10 =	vld.idx.msk [tilespmem:v36+s17+$0x0], $0xffff  }
0x244: {  	v38 =	vadd.s32 v4, v33;
	_ =	sdelay $0x3  }
0x245: {  	[tilespmem:v37+s22+$0x0] =	vst.idx.msk $0xffff, v10  }
0x246: {  	v39 =	vor.u32 s31, v5;
	v10 =	vld.idx.msk [tilespmem:v38+s17+$0x0], $0xffff  }
0x247: {  	v9 =	vadd.s32 v6, v33;
	_ =	sdelay $0x3  }
0x248: {  	v40 =	vbroadcast v8, $0xD;
	[tilespmem:v39+s22+$0x0] =	vst.idx.msk $0xffff, v10  }
0x249: {  	v41 =	vor.u32 s31, v7;
	v9 =	vld.idx.msk [tilespmem:v9+s17+$0x0], $0xffff  }
0x24a: {  	v42 =	vadd.s32 v1, v40;
	_ =	sdelay $0x3  }
0x24b: {  	s30 =	sadd.s32 $0x680, s28;
	[tilespmem:v41+s22+$0x0] =	vst.idx.msk $0xffff, v9  }
0x24c: {  	v43 =	vor.u32 s30, v0;
	v9 =	vld.idx.msk [tilespmem:v42+s18+$0x0], $0xffff  }
0x24d: {  	v44 =	vadd.s32 v2, v40;
	_ =	sdelay $0x3  }
0x24e: {  	[tilespmem:v43+s22+$0x0] =	vst.idx.msk $0xffff, v9  }
0x24f: {  	v45 =	vor.u32 s30, v3;
	v9 =	vld.idx.msk [tilespmem:v44+s18+$0x0], $0xffff  }
0x250: {  	v46 =	vadd.s32 v4, v40;
	_ =	sdelay $0x3  }
0x251: {  	[tilespmem:v45+s22+$0x0] =	vst.idx.msk $0xffff, v9  }
0x252: {  	v47 =	vor.u32 s30, v5;
	v9 =	vld.idx.msk [tilespmem:v46+s18+$0x0], $0xffff  }
0x253: {  	v10 =	vadd.s32 v6, v40;
	_ =	sdelay $0x3  }
0x254: {  	v48 =	vbroadcast v8, $0xE;
	[tilespmem:v47+s22+$0x0] =	vst.idx.msk $0xffff, v9  }
0x255: {  	v49 =	vor.u32 s30, v7;
	v10 =	vld.idx.msk [tilespmem:v10+s18+$0x0], $0xffff  }
0x256: {  	v50 =	vadd.s32 v1, v48;
	_ =	sdelay $0x3  }
0x257: {  	s31 =	sadd.s32 $0x700, s28;
	[tilespmem:v49+s22+$0x0] =	vst.idx.msk $0xffff, v10  }
0x258: {  	v51 =	vor.u32 s31, v0;
	v10 =	vld.idx.msk [tilespmem:v50+s19+$0x0], $0xffff  }
0x259: {  	v52 =	vadd.s32 v2, v48;
	_ =	sdelay $0x3  }
0x25a: {  	[tilespmem:v51+s22+$0x0] =	vst.idx.msk $0xffff, v10  }
0x25b: {  	v53 =	vor.u32 s31, v3;
	v10 =	vld.idx.msk [tilespmem:v52+s19+$0x0], $0xffff  }
0x25c: {  	v54 =	vadd.s32 v4, v48;
	_ =	sdelay $0x3  }
0x25d: {  	[tilespmem:v53+s22+$0x0] =	vst.idx.msk $0xffff, v10  }
0x25e: {  	v55 =	vor.u32 s31, v5;
	v10 =	vld.idx.msk [tilespmem:v54+s19+$0x0], $0xffff  }
0x25f: {  	v9 =	vadd.s32 v6, v48;
	_ =	sdelay $0x3  }
0x260: {  	v8 =	vbroadcast v8, $0xF;
	[tilespmem:v55+s22+$0x0] =	vst.idx.msk $0xffff, v10  }
0x261: {  	v56 =	vor.u32 s31, v7;
	v9 =	vld.idx.msk [tilespmem:v9+s19+$0x0], $0xffff  }
0x262: {  	v57 =	vadd.s32 v1, v8;
	_ =	sdelay $0x3  }
0x263: {  	s28 =	sadd.s32 $0x780, s28;
	[tilespmem:v56+s22+$0x0] =	vst.idx.msk $0xffff, v9  }
0x264: {  	v58 =	vor.u32 s28, v0;
	v9 =	vld.idx.msk [tilespmem:v57+s20+$0x0], $0xffff  }
0x265: {  	v59 =	vadd.s32 v2, v8;
	_ =	sdelay $0x3  }
0x266: {  	[tilespmem:v58+s22+$0x0] =	vst.idx.msk $0xffff, v9  }
0x267: {  	v60 =	vor.u32 s28, v3;
	v9 =	vld.idx.msk [tilespmem:v59+s20+$0x0], $0xffff  }
0x268: {  	v61 =	vadd.s32 v4, v8;
	_ =	sdelay $0x3  }
0x269: {  	[tilespmem:v60+s22+$0x0] =	vst.idx.msk $0xffff, v9  }
0x26a: {  	v62 =	vor.u32 s28, v5;
	v9 =	vld.idx.msk [tilespmem:v61+s20+$0x0], $0xffff  }
0x26b: {  	v8 =	vadd.s32 v6, v8;
	_ =	sdelay $0x3  }
0x26c: {  	[tilespmem:v62+s22+$0x0] =	vst.idx.msk $0xffff, v9  }
0x26d: {  	p0 =	sne.s32 s24, $0xF0;
	v63 =	vor.u32 s28, v7;
	v8 =	vld.idx.msk [tilespmem:v8+s20+$0x0], $0xffff  }
.Ltmp1:
0x26e: {  	_ = 	snop;
	(pc) =	sbr.rel @p0 .LBB2_4-.Ltmp1, $2  }
0x26f: {  	_ =	sdelay $0x2  }
0x270: {  	s25 =	sadd.s32 $0x10, s25;
	s26 =	sadd.s32 $0x10, s26;
	s24 =	sadd.s32 $0x10, s24;
	[tilespmem:v63+s22+$0x0] =	vst.idx.msk $0xffff, v8  }
0x271: {  	s23 =	sadd.s32 $0x1, s23  }
0x272: {  	p0 =	sne.s32 s23, s8  }
.Ltmp2:
0x273: {  	_ = 	snop;
	(pc) =	sbr.rel @p0 .LBB2_1-.Ltmp2, $4  }
0x274: {  	[hbm4b:s7+s3] =	stream.linear.scatter [tilespmem:s22], [sflag:$0x2], $0x8000, $0x38;
	[tilespmem:$0x18400] =	vst v63  }
0x275: {  	_ =	swait.ge [sflag:s11], $0x8000  }
0x276: {  	[sflag:s11] =	ssyncset.done $0x0  }
0x277: {  	[sflag:s11] =	ssyncadd.s32 $0xFFFF8000  }
0x278: {  	_ =	sfence.sel $0x180000  }
0x279: {  	[bflag:$0x0] =	sbarrier.arrive $0xFFFF  }
0x27a: {  	p0 =	sne.s32 s1, $0x0;
	_ =	strace $0x90000047  }
0x27b: {  	s0 =	sadd.s32 @!p0 $0x100000, s0;
	[bflag:$0x2] =	sbarrier.arrive $0xFFFF  }
0x27c: {  	[sflag:s0] =	ssyncadd.tile.s32 @!p0 $0x1;
	_ =	shalt  }
.Lfunc_end2:
_tile_overlayer_lowered:
.L_overlay_start_2:
0x27d: {  	(tag) =	ssettag $0x2  }
0x27e: {  	s0 =	rddreg [dreg:$0x0];
	s2 =	stileid.u32  }
0x27f: {  	s1 =	rddreg [dreg:$0x1];
	p0 =	sne.s32 s2, $0x0  }
0x280: {  	s3 =	rddreg [dreg:$0x2];
	[bflag:$0x3] =	sbarrier.arrive $0xFFFF;
	s2 =	simm.s32 @!p0 $0x1C02  }
0x281: {  	[timem:s3], [sflag:s2] =	dma.local @!p0 [hbm:s0], s1  }
0x282: {  	s0 =	simm.s32 @!p0 $0x2  }
0x283: {  	_ =	swait.ge @!p0 [sflag:s0], s1  }
0x284: {  	s1 =	ssub.s32 @!p0 $0x0, s1;
	[sflag:s0] =	ssyncset.done @!p0 $0x0  }
0x285: {  	[sflag:s0] =	ssyncadd.s32 @!p0 s1  }
0x286: {  	[bflag:$0x3] =	sbarrier.arrive $0xFFFF  }
0x287: {  	_ =	shalt  }

</sc_bundles>
